<compile_context>
chip_gen: v7x
topology: tpu7x:2x2x1
jax: 0.10.2.dev20260603
libtpu: 0.0.44.dev20260713+nightly
codegen_flags: <defaults>
</compile_context>

<pallas_src>
import jax
import jax.numpy as jnp
from jax import lax
from jax.experimental import pallas as pl
from jax.experimental.pallas import tpu as pltpu
from jax.experimental.pallas import tpu_sc as plsc

RCR = 5.2
NEG_ETA = -16.0
NUM_SPECIES = 4
P = 16
L = 16
B, A = 16, 256
ROWS = B * A
NC, NS = 2, 16
NW = NC * NS
RPW = ROWS // NW
SUB = 64
NSUB = RPW // SUB
CHUNKS = A // L
JAM = 8
OUTW = NUM_SPECIES * P
SLAB = SUB * A

_FC4 = (0.9999795, -0.091211826, 0.0027640709,
        -3.2557324e-05, 1.6667427e-07)


def _sc_body(d_hbm, s_hbm, out_hbm, dr0, dr1, dbuf, fbuf, sbuf, srow16,
             obuf, sem0, sem1):
    cid = lax.axis_index("c")
    sid = lax.axis_index("s")
    w = sid * NC + cid
    row0 = w * RPW
    bt = row0 // A

    cp0 = pltpu.async_copy(d_hbm.at[pl.ds(row0 * A, SLAB)], dr0, sem0)
    cp1 = pltpu.async_copy(d_hbm.at[pl.ds((row0 + SUB) * A, SLAB)], dr1,
                           sem1)
    pltpu.sync_copy(s_hbm.at[pl.ds(bt * A, A)], srow16)

    iota = lax.iota(jnp.int32, L)
    zf = jnp.zeros((L,), jnp.float32)
    zi = jnp.zeros((L,), jnp.int32)

    perms = [(iota + k) & (P - 1) for k in range(P)]
    shrots = [0.9 + 0.26875 * pm.astype(jnp.float32) for pm in perms]

    for c in range(CHUNKS):
        sv = srow16[pl.ds(c * L, L)]
        srow16[pl.ds(c * L, L)] = (sv - 1) * P

    def zero_body(i, zc):
        ivec = zi + i * (8 * L)
        for k in range(8):
            plsc.store_scatter(obuf, [ivec + (iota + k * L)], zf)
        return zc

    lax.fori_loop(0, RPW * OUTW // (8 * L), zero_body, 0)

    for sub, drows, cp in ((0, dr0, cp0), (1, dr1, cp1)):
        cp.wait()

        def row_body(r, cnt):
            roff = pl.multiple_of(r * A, A)
            obase = (sub * SUB + r) * OUTW

            for j in range(0, CHUNKS, JAM):
                ks = range(JAM)
                dvs = [drows[pl.ds(roff + (j + k) * L, L)] for k in ks]
                valids = [(dv > 0.0) & (dv < RCR) for dv in dvs]
                pops = [plsc.all_reduce_population_count(v)
                        for v in valids]
                us = [dv * dv for dv in dvs]
                accs = [u * _FC4[4] + _FC4[3] for u in us]
                for coef in (_FC4[2], _FC4[1], _FC4[0]):
                    accs = [a * u for a, u in zip(accs, us)]
                    accs = [a + coef for a in accs]
                svs = [srow16[pl.ds((j + k) * L, L)] + obase for k in ks]
                css = [plsc.cumsum(v.astype(jnp.int32)) for v in valids]
                for k in ks:
                    pos = cnt + css[k] - 1
                    plsc.store_scatter(dbuf, [pos], dvs[k],
                                       mask=valids[k])
                    plsc.store_scatter(fbuf, [pos], accs[k],
                                       mask=valids[k])
                    plsc.store_scatter(sbuf, [pos], svs[k],
                                       mask=valids[k])
                    cnt = cnt + pops[k]
            return cnt

        cnt = lax.fori_loop(0, SUB, row_body, zi)

        for pq in range(2):
            pad = (cnt + pq * L) + iota
            plsc.store_scatter(dbuf, [pad], zf)
            plsc.store_scatter(fbuf, [pad], zf)
            plsc.store_scatter(sbuf, [pad], zi)

        n = cnt[0]
        niter = (n + (2 * L - 1)) // (2 * L)

        def group_body(g, gc):
            base = pl.multiple_of(g * (2 * L), 2 * L)
            for h in (0, L):
                dv16 = dbuf[pl.ds(base + h, L)]
                fv16 = fbuf[pl.ds(base + h, L)]
                sv16 = sbuf[pl.ds(base + h, L)]
                for k in range(P):
                    t = dv16 - shrots[k]
                    gv = jnp.exp((t * t) * NEG_ETA) * fv16
                    plsc.addupdate_scatter(obuf, [sv16 + perms[k]], gv)
            return gc

        lax.fori_loop(0, niter, group_body, 0)

    pltpu.sync_copy(obuf, out_hbm.at[pl.ds(row0 * OUTW, RPW * OUTW)])


def _make_sc_call():
    mesh = plsc.VectorSubcoreMesh(
        core_axis_name="c", subcore_axis_name="s", num_cores=NC, num_subcores=NS
    )
    return pl.kernel(
        _sc_body,
        out_type=jax.ShapeDtypeStruct((ROWS * OUTW,), jnp.float32),
        mesh=mesh,
        compiler_params=pltpu.CompilerParams(needs_layout_passes=False),
        scratch_types=[
            pltpu.VMEM((SLAB,), jnp.float32),
            pltpu.VMEM((SLAB,), jnp.float32),
            pltpu.VMEM((SLAB + 2 * L,), jnp.float32),
            pltpu.VMEM((SLAB + 2 * L,), jnp.float32),
            pltpu.VMEM((SLAB + 2 * L,), jnp.int32),
            pltpu.VMEM((A,), jnp.int32),
            pltpu.VMEM((RPW * OUTW,), jnp.float32),
            pltpu.SemaphoreType.DMA,
            pltpu.SemaphoreType.DMA,
        ],
    )


def kernel(distance_matrices_batch, num_species_batch):
    d = distance_matrices_batch.reshape(ROWS * A)
    s = num_species_batch.astype(jnp.int32).reshape(B * A)
    out = _make_sc_call()(d, s)
    return out.reshape(B, A, OUTW)

# --- scband reference (transcript-rebuilt; emitter-appended) ---
"""Pipeline reference for scband-radial-aevcomputer-44092134260986 (READ-ONLY COPY).

The authoritative reference and input builder live on the scoring server;
editing this copy changes nothing except your own understanding.
"""

import jax, jax.numpy as jnp
import numpy as np
import math

RCR = 5.2
NUM_SPECIES = 4
_ETAR = np.array([16.0], dtype=np.float32)
_SHFR = (0.9 + 0.26875 * np.arange(16)).astype(np.float32)
PAIRS_PARAMS_R = np.stack(np.meshgrid(_ETAR, _SHFR, indexing='ij'), axis=-1).reshape(-1, 2).astype(np.float32)


def f_C(distance, Rc):
    return 0.5 * jnp.cos(math.pi * distance / Rc) + 0.5


def setup_inputs(seed: int = 0):
    key = jax.random.key(seed)
    k1, k2 = jax.random.split(key)
    B, A = 16, 256
    d = jax.random.uniform(k1, (B, A, A), dtype=jnp.float32, minval=0.0, maxval=20.0)
    d = 0.5 * (d + jnp.swapaxes(d, 1, 2))
    d = d * (1.0 - jnp.eye(A, dtype=jnp.float32))
    species = jax.random.randint(k2, (B, A), 1, NUM_SPECIES + 1).astype(jnp.int32)
    return {"distance_matrices_batch": d, "num_species_batch": species}


def reference(distance_matrices_batch, num_species_batch):
    d = distance_matrices_batch
    B, A = d.shape[0], d.shape[1]
    V = NUM_SPECIES
    pairs = jnp.asarray(PAIRS_PARAMS_R)
    P = pairs.shape[0]
    cutoff_mask = (d < RCR) & (d != 0.0)
    mask_i32 = cutoff_mask.astype(jnp.int32)
    # boolean_mask -> flat gather of masked entries (row-major order, matches tf.boolean_mask)
    valid_flat = cutoff_mask.reshape(-1)
    interesting_distances = d.reshape(-1)
    species_tiled = jnp.broadcast_to(num_species_batch[:, None, :], (B, A, A)).reshape(-1)
    interesting_species = species_tiled
    # GR terms: [P, M]
    R_ij = interesting_distances[None, :]
    EtaR = pairs[:, 0:1]
    ShfR = pairs[:, 1:2]
    GR = jnp.exp(-EtaR * (R_ij - ShfR) ** 2) * f_C(R_ij, RCR)
    GR = jnp.transpose(GR)  # [M, P]
    GR = GR * valid_flat[:, None].astype(GR.dtype)
    onehot = jax.nn.one_hot(interesting_species - 1, V, dtype=GR.dtype)[:, :, None]  # [M, V, 1]
    GR_tiled = jnp.tile(GR[:, None, :], (1, V, 1))  # [M, V, P]
    GR_addends = GR_tiled * onehot  # [M, V, P]
    # fake ragged tensor via scatter-add: equivalent to sorted-mask index construction
    counts = jnp.sum(mask_i32, axis=-1)
    L = A
    pos_flat = (jnp.cumsum(mask_i32, axis=-1) - 1).reshape(-1)
    idx_flat = jnp.arange(B * A * A)
    b_idx = idx_flat // (A * A)
    i_idx = (idx_flat // A) % A
    out = jnp.zeros((B, A, L, V, P), dtype=GR_addends.dtype)
    out = out.at[b_idx, i_idx, pos_flat].add(GR_addends, mode='drop')
    GR_batch = jnp.sum(out, axis=2)  # [B, A, V, P]
    return GR_batch.reshape(B, A, V * P)

if __name__ == "__main__":
    import jax
    _d = setup_inputs()
    print(jax.jit(kernel)(*tuple(_d.values())))

</pallas_src>

<mosaic_0001>
#map = affine_map<(d0, d1) -> (0)>
module attributes {stable_mosaic.version = 14 : i64} {
  func.func @_sc_body(%arg0: i32, %arg1: i32, %arg2: memref<1048576xf32, #tpu.memory_space<hbm>>, %arg3: memref<4096xi32, #tpu.memory_space<hbm>>, %arg4: memref<262144xf32, #tpu.memory_space<hbm>>, %arg5: memref<16384xf32, #tpu.memory_space<vmem>>, %arg6: memref<16384xf32, #tpu.memory_space<vmem>>, %arg7: memref<16416xf32, #tpu.memory_space<vmem>>, %arg8: memref<16416xf32, #tpu.memory_space<vmem>>, %arg9: memref<16416xi32, #tpu.memory_space<vmem>>, %arg10: memref<256xi32, #tpu.memory_space<vmem>>, %arg11: memref<8192xf32, #tpu.memory_space<vmem>>, %arg12: memref<!tpu.dma_semaphore, #tpu.memory_space<semaphore_mem>>, %arg13: memref<!tpu.dma_semaphore, #tpu.memory_space<semaphore_mem>>) attributes {dimension_semantics = [#tpu.dimension_semantics<core_parallel>, #tpu.dimension_semantics<subcore_parallel>], iteration_bounds = array<i64: 2, 16>, scalar_prefetch = 0 : i64, scratch_operands = 9 : i64, tpu.core_type = #tpu.core_type<sc_vector_subcore>, window_params = [{transform_indices = #map}, {transform_indices = #map}, {transform_indices = #map}]} {
    %mul3A = arith.constant 2 : i32
    %mul3A_0 = arith.muli %arg1, %mul3A : i32
    %add3A = arith.addi %mul3A_0, %arg0 : i32
    %mul3A_1 = arith.constant 128 : i32
    %mul3A_2 = arith.muli %add3A, %mul3A_1 : i32
    %jit3A = arith.constant 256 : i32
    %div3A = arith.divsi %mul3A_2, %jit3A : i32
    %sign3A = arith.constant 0 : i32
    %sign3A_3 = arith.cmpi sgt, %mul3A_2, %sign3A : i32
    %sign3A_4 = arith.extui %sign3A_3 : i1 to i32
    %sign3A_5 = arith.constant 0 : i32
    %sign3A_6 = arith.cmpi slt, %mul3A_2, %sign3A_5 : i32
    %sign3A_7 = arith.extui %sign3A_6 : i1 to i32
    %sign3A_8 = arith.subi %sign3A_4, %sign3A_7 : i32
    %sign3A_9 = arith.constant 0 : i32
    %sign3A_10 = arith.cmpi sgt, %jit3A, %sign3A_9 : i32
    %sign3A_11 = arith.extui %sign3A_10 : i1 to i32
    %sign3A_12 = arith.constant 0 : i32
    %sign3A_13 = arith.cmpi slt, %jit3A, %sign3A_12 : i32
    %sign3A_14 = arith.extui %sign3A_13 : i1 to i32
    %sign3A_15 = arith.subi %sign3A_11, %sign3A_14 : i32
    %ne3A = arith.cmpi ne, %sign3A_8, %sign3A_15 : i32
    %rem3A = arith.remsi %mul3A_2, %jit3A : i32
    %ne3A_16 = arith.constant 0 : i32
    %ne3A_17 = arith.cmpi ne, %rem3A, %ne3A_16 : i32
    %and3A = arith.andi %ne3A, %ne3A_17 : i1
    %sub3A = arith.constant 1 : i32
    %sub3A_18 = arith.subi %div3A, %sub3A : i32
    %select_n3A = arith.select %and3A, %sub3A_18, %div3A : i32
    %mul3A_19 = arith.constant 256 : i32
    %mul3A_20 = arith.muli %mul3A_2, %mul3A_19 : i32
    %dma_start3A = tpu.memref_slice %arg2[%mul3A_20] : memref<1048576xf32, #tpu.memory_space<hbm>> -> memref<16384xf32, #tpu.memory_space<hbm>>
    %dma_start3A_21 = tpu.memref_slice %arg2[%mul3A_20] : memref<1048576xf32, #tpu.memory_space<hbm>> -> memref<16384xf32, #tpu.memory_space<hbm>>
    tpu.enqueue_dma source(%dma_start3A_21 : memref<16384xf32, #tpu.memory_space<hbm>>) target(%arg5 : memref<16384xf32, #tpu.memory_space<vmem>>) target_semaphore(%arg12 : memref<!tpu.dma_semaphore, #tpu.memory_space<semaphore_mem>>)
    %add3A_22 = arith.constant 64 : i32
    %add3A_23 = arith.addi %mul3A_2, %add3A_22 : i32
    %mul3A_24 = arith.constant 256 : i32
    %mul3A_25 = arith.muli %add3A_23, %mul3A_24 : i32
    %dma_start3A_26 = tpu.memref_slice %arg2[%mul3A_25] : memref<1048576xf32, #tpu.memory_space<hbm>> -> memref<16384xf32, #tpu.memory_space<hbm>>
    %dma_start3A_27 = tpu.memref_slice %arg2[%mul3A_25] : memref<1048576xf32, #tpu.memory_space<hbm>> -> memref<16384xf32, #tpu.memory_space<hbm>>
    tpu.enqueue_dma source(%dma_start3A_27 : memref<16384xf32, #tpu.memory_space<hbm>>) target(%arg6 : memref<16384xf32, #tpu.memory_space<vmem>>) target_semaphore(%arg13 : memref<!tpu.dma_semaphore, #tpu.memory_space<semaphore_mem>>)
    %mul3A_28 = arith.constant 256 : i32
    %mul3A_29 = arith.muli %select_n3A, %mul3A_28 : i32
    "tpu.region"() ({
      %run_scoped3A = tpu.sem_alloc : memref<!tpu.dma_semaphore, #tpu.memory_space<semaphore_mem>>
      %dma_start3A_509 = tpu.memref_slice %arg3[%mul3A_29] : memref<4096xi32, #tpu.memory_space<hbm>> -> memref<256xi32, #tpu.memory_space<hbm>>
      %dma_start3A_510 = tpu.memref_slice %arg3[%mul3A_29] : memref<4096xi32, #tpu.memory_space<hbm>> -> memref<256xi32, #tpu.memory_space<hbm>>
      tpu.enqueue_dma source(%dma_start3A_510 : memref<256xi32, #tpu.memory_space<hbm>>) target(%arg10 : memref<256xi32, #tpu.memory_space<vmem>>) target_semaphore(%run_scoped3A : memref<!tpu.dma_semaphore, #tpu.memory_space<semaphore_mem>>)
      %dma_wait3A_511 = tpu.memref_slice %arg3[%mul3A_29] : memref<4096xi32, #tpu.memory_space<hbm>> -> memref<256xi32, #tpu.memory_space<hbm>>
      %dma_wait3A_512 = tpu.memref_slice %arg3[%mul3A_29] : memref<4096xi32, #tpu.memory_space<hbm>> -> memref<256xi32, #tpu.memory_space<hbm>>
      tpu.wait_dma2 semaphore(%run_scoped3A : memref<!tpu.dma_semaphore, #tpu.memory_space<semaphore_mem>>) src(%dma_wait3A_512 : memref<256xi32, #tpu.memory_space<hbm>>) dst(%arg10 : memref<256xi32, #tpu.memory_space<vmem>>)
      tpu.yield
    }) : () -> ()
    %iota3A = tpu.iota {dimensions = array<i32: 0>} : vector<16xi32>
    %broadcast_in_dim3A = arith.constant 0.000000e+00 : f32
    %broadcast_in_dim3A_30 = vector.broadcast %broadcast_in_dim3A : f32 to vector<16xf32>
    %broadcast_in_dim3A_31 = arith.constant 0 : i32
    %broadcast_in_dim3A_32 = vector.broadcast %broadcast_in_dim3A_31 : i32 to vector<16xi32>
    %add3A_33 = arith.constant 0 : i32
    %add3A_34 = vector.broadcast %add3A_33 : i32 to vector<16xi32>
    %add3A_35 = arith.addi %iota3A, %add3A_34 : vector<16xi32>
    %and3A_36 = arith.constant 15 : i32
    %and3A_37 = vector.broadcast %and3A_36 : i32 to vector<16xi32>
    %and3A_38 = arith.andi %add3A_35, %and3A_37 : vector<16xi32>
    %add3A_39 = arith.constant 1 : i32
    %add3A_40 = vector.broadcast %add3A_39 : i32 to vector<16xi32>
    %add3A_41 = arith.addi %iota3A, %add3A_40 : vector<16xi32>
    %and3A_42 = arith.constant 15 : i32
    %and3A_43 = vector.broadcast %and3A_42 : i32 to vector<16xi32>
    %and3A_44 = arith.andi %add3A_41, %and3A_43 : vector<16xi32>
    %add3A_45 = arith.constant 2 : i32
    %add3A_46 = vector.broadcast %add3A_45 : i32 to vector<16xi32>
    %add3A_47 = arith.addi %iota3A, %add3A_46 : vector<16xi32>
    %and3A_48 = arith.constant 15 : i32
    %and3A_49 = vector.broadcast %and3A_48 : i32 to vector<16xi32>
    %and3A_50 = arith.andi %add3A_47, %and3A_49 : vector<16xi32>
    %add3A_51 = arith.constant 3 : i32
    %add3A_52 = vector.broadcast %add3A_51 : i32 to vector<16xi32>
    %add3A_53 = arith.addi %iota3A, %add3A_52 : vector<16xi32>
    %and3A_54 = arith.constant 15 : i32
    %and3A_55 = vector.broadcast %and3A_54 : i32 to vector<16xi32>
    %and3A_56 = arith.andi %add3A_53, %and3A_55 : vector<16xi32>
    %add3A_57 = arith.constant 4 : i32
    %add3A_58 = vector.broadcast %add3A_57 : i32 to vector<16xi32>
    %add3A_59 = arith.addi %iota3A, %add3A_58 : vector<16xi32>
    %and3A_60 = arith.constant 15 : i32
    %and3A_61 = vector.broadcast %and3A_60 : i32 to vector<16xi32>
    %and3A_62 = arith.andi %add3A_59, %and3A_61 : vector<16xi32>
    %add3A_63 = arith.constant 5 : i32
    %add3A_64 = vector.broadcast %add3A_63 : i32 to vector<16xi32>
    %add3A_65 = arith.addi %iota3A, %add3A_64 : vector<16xi32>
    %and3A_66 = arith.constant 15 : i32
    %and3A_67 = vector.broadcast %and3A_66 : i32 to vector<16xi32>
    %and3A_68 = arith.andi %add3A_65, %and3A_67 : vector<16xi32>
    %add3A_69 = arith.constant 6 : i32
    %add3A_70 = vector.broadcast %add3A_69 : i32 to vector<16xi32>
    %add3A_71 = arith.addi %iota3A, %add3A_70 : vector<16xi32>
    %and3A_72 = arith.constant 15 : i32
    %and3A_73 = vector.broadcast %and3A_72 : i32 to vector<16xi32>
    %and3A_74 = arith.andi %add3A_71, %and3A_73 : vector<16xi32>
    %add3A_75 = arith.constant 7 : i32
    %add3A_76 = vector.broadcast %add3A_75 : i32 to vector<16xi32>
    %add3A_77 = arith.addi %iota3A, %add3A_76 : vector<16xi32>
    %and3A_78 = arith.constant 15 : i32
    %and3A_79 = vector.broadcast %and3A_78 : i32 to vector<16xi32>
    %and3A_80 = arith.andi %add3A_77, %and3A_79 : vector<16xi32>
    %add3A_81 = arith.constant 8 : i32
    %add3A_82 = vector.broadcast %add3A_81 : i32 to vector<16xi32>
    %add3A_83 = arith.addi %iota3A, %add3A_82 : vector<16xi32>
    %and3A_84 = arith.constant 15 : i32
    %and3A_85 = vector.broadcast %and3A_84 : i32 to vector<16xi32>
    %and3A_86 = arith.andi %add3A_83, %and3A_85 : vector<16xi32>
    %add3A_87 = arith.constant 9 : i32
    %add3A_88 = vector.broadcast %add3A_87 : i32 to vector<16xi32>
    %add3A_89 = arith.addi %iota3A, %add3A_88 : vector<16xi32>
    %and3A_90 = arith.constant 15 : i32
    %and3A_91 = vector.broadcast %and3A_90 : i32 to vector<16xi32>
    %and3A_92 = arith.andi %add3A_89, %and3A_91 : vector<16xi32>
    %add3A_93 = arith.constant 10 : i32
    %add3A_94 = vector.broadcast %add3A_93 : i32 to vector<16xi32>
    %add3A_95 = arith.addi %iota3A, %add3A_94 : vector<16xi32>
    %and3A_96 = arith.constant 15 : i32
    %and3A_97 = vector.broadcast %and3A_96 : i32 to vector<16xi32>
    %and3A_98 = arith.andi %add3A_95, %and3A_97 : vector<16xi32>
    %add3A_99 = arith.constant 11 : i32
    %add3A_100 = vector.broadcast %add3A_99 : i32 to vector<16xi32>
    %add3A_101 = arith.addi %iota3A, %add3A_100 : vector<16xi32>
    %and3A_102 = arith.constant 15 : i32
    %and3A_103 = vector.broadcast %and3A_102 : i32 to vector<16xi32>
    %and3A_104 = arith.andi %add3A_101, %and3A_103 : vector<16xi32>
    %add3A_105 = arith.constant 12 : i32
    %add3A_106 = vector.broadcast %add3A_105 : i32 to vector<16xi32>
    %add3A_107 = arith.addi %iota3A, %add3A_106 : vector<16xi32>
    %and3A_108 = arith.constant 15 : i32
    %and3A_109 = vector.broadcast %and3A_108 : i32 to vector<16xi32>
    %and3A_110 = arith.andi %add3A_107, %and3A_109 : vector<16xi32>
    %add3A_111 = arith.constant 13 : i32
    %add3A_112 = vector.broadcast %add3A_111 : i32 to vector<16xi32>
    %add3A_113 = arith.addi %iota3A, %add3A_112 : vector<16xi32>
    %and3A_114 = arith.constant 15 : i32
    %and3A_115 = vector.broadcast %and3A_114 : i32 to vector<16xi32>
    %and3A_116 = arith.andi %add3A_113, %and3A_115 : vector<16xi32>
    %add3A_117 = arith.constant 14 : i32
    %add3A_118 = vector.broadcast %add3A_117 : i32 to vector<16xi32>
    %add3A_119 = arith.addi %iota3A, %add3A_118 : vector<16xi32>
    %and3A_120 = arith.constant 15 : i32
    %and3A_121 = vector.broadcast %and3A_120 : i32 to vector<16xi32>
    %and3A_122 = arith.andi %add3A_119, %and3A_121 : vector<16xi32>
    %add3A_123 = arith.constant 15 : i32
    %add3A_124 = vector.broadcast %add3A_123 : i32 to vector<16xi32>
    %add3A_125 = arith.addi %iota3A, %add3A_124 : vector<16xi32>
    %and3A_126 = arith.constant 15 : i32
    %and3A_127 = vector.broadcast %and3A_126 : i32 to vector<16xi32>
    %and3A_128 = arith.andi %add3A_125, %and3A_127 : vector<16xi32>
    %convert_element_type3A = arith.sitofp %and3A_38 : vector<16xi32> to vector<16xf32>
    %mul3A_129 = arith.constant 2.687500e-01 : f32
    %mul3A_130 = vector.broadcast %mul3A_129 : f32 to vector<16xf32>
    %mul3A_131 = arith.mulf %mul3A_130, %convert_element_type3A : vector<16xf32>
    %add3A_132 = arith.constant 0.899999976 : f32
    %add3A_133 = vector.broadcast %add3A_132 : f32 to vector<16xf32>
    %add3A_134 = arith.addf %add3A_133, %mul3A_131 : vector<16xf32>
    %convert_element_type3A_135 = arith.sitofp %and3A_44 : vector<16xi32> to vector<16xf32>
    %mul3A_136 = arith.constant 2.687500e-01 : f32
    %mul3A_137 = vector.broadcast %mul3A_136 : f32 to vector<16xf32>
    %mul3A_138 = arith.mulf %mul3A_137, %convert_element_type3A_135 : vector<16xf32>
    %add3A_139 = arith.constant 0.899999976 : f32
    %add3A_140 = vector.broadcast %add3A_139 : f32 to vector<16xf32>
    %add3A_141 = arith.addf %add3A_140, %mul3A_138 : vector<16xf32>
    %convert_element_type3A_142 = arith.sitofp %and3A_50 : vector<16xi32> to vector<16xf32>
    %mul3A_143 = arith.constant 2.687500e-01 : f32
    %mul3A_144 = vector.broadcast %mul3A_143 : f32 to vector<16xf32>
    %mul3A_145 = arith.mulf %mul3A_144, %convert_element_type3A_142 : vector<16xf32>
    %add3A_146 = arith.constant 0.899999976 : f32
    %add3A_147 = vector.broadcast %add3A_146 : f32 to vector<16xf32>
    %add3A_148 = arith.addf %add3A_147, %mul3A_145 : vector<16xf32>
    %convert_element_type3A_149 = arith.sitofp %and3A_56 : vector<16xi32> to vector<16xf32>
    %mul3A_150 = arith.constant 2.687500e-01 : f32
    %mul3A_151 = vector.broadcast %mul3A_150 : f32 to vector<16xf32>
    %mul3A_152 = arith.mulf %mul3A_151, %convert_element_type3A_149 : vector<16xf32>
    %add3A_153 = arith.constant 0.899999976 : f32
    %add3A_154 = vector.broadcast %add3A_153 : f32 to vector<16xf32>
    %add3A_155 = arith.addf %add3A_154, %mul3A_152 : vector<16xf32>
    %convert_element_type3A_156 = arith.sitofp %and3A_62 : vector<16xi32> to vector<16xf32>
    %mul3A_157 = arith.constant 2.687500e-01 : f32
    %mul3A_158 = vector.broadcast %mul3A_157 : f32 to vector<16xf32>
    %mul3A_159 = arith.mulf %mul3A_158, %convert_element_type3A_156 : vector<16xf32>
    %add3A_160 = arith.constant 0.899999976 : f32
    %add3A_161 = vector.broadcast %add3A_160 : f32 to vector<16xf32>
    %add3A_162 = arith.addf %add3A_161, %mul3A_159 : vector<16xf32>
    %convert_element_type3A_163 = arith.sitofp %and3A_68 : vector<16xi32> to vector<16xf32>
    %mul3A_164 = arith.constant 2.687500e-01 : f32
    %mul3A_165 = vector.broadcast %mul3A_164 : f32 to vector<16xf32>
    %mul3A_166 = arith.mulf %mul3A_165, %convert_element_type3A_163 : vector<16xf32>
    %add3A_167 = arith.constant 0.899999976 : f32
    %add3A_168 = vector.broadcast %add3A_167 : f32 to vector<16xf32>
    %add3A_169 = arith.addf %add3A_168, %mul3A_166 : vector<16xf32>
    %convert_element_type3A_170 = arith.sitofp %and3A_74 : vector<16xi32> to vector<16xf32>
    %mul3A_171 = arith.constant 2.687500e-01 : f32
    %mul3A_172 = vector.broadcast %mul3A_171 : f32 to vector<16xf32>
    %mul3A_173 = arith.mulf %mul3A_172, %convert_element_type3A_170 : vector<16xf32>
    %add3A_174 = arith.constant 0.899999976 : f32
    %add3A_175 = vector.broadcast %add3A_174 : f32 to vector<16xf32>
    %add3A_176 = arith.addf %add3A_175, %mul3A_173 : vector<16xf32>
    %convert_element_type3A_177 = arith.sitofp %and3A_80 : vector<16xi32> to vector<16xf32>
    %mul3A_178 = arith.constant 2.687500e-01 : f32
    %mul3A_179 = vector.broadcast %mul3A_178 : f32 to vector<16xf32>
    %mul3A_180 = arith.mulf %mul3A_179, %convert_element_type3A_177 : vector<16xf32>
    %add3A_181 = arith.constant 0.899999976 : f32
    %add3A_182 = vector.broadcast %add3A_181 : f32 to vector<16xf32>
    %add3A_183 = arith.addf %add3A_182, %mul3A_180 : vector<16xf32>
    %convert_element_type3A_184 = arith.sitofp %and3A_86 : vector<16xi32> to vector<16xf32>
    %mul3A_185 = arith.constant 2.687500e-01 : f32
    %mul3A_186 = vector.broadcast %mul3A_185 : f32 to vector<16xf32>
    %mul3A_187 = arith.mulf %mul3A_186, %convert_element_type3A_184 : vector<16xf32>
    %add3A_188 = arith.constant 0.899999976 : f32
    %add3A_189 = vector.broadcast %add3A_188 : f32 to vector<16xf32>
    %add3A_190 = arith.addf %add3A_189, %mul3A_187 : vector<16xf32>
    %convert_element_type3A_191 = arith.sitofp %and3A_92 : vector<16xi32> to vector<16xf32>
    %mul3A_192 = arith.constant 2.687500e-01 : f32
    %mul3A_193 = vector.broadcast %mul3A_192 : f32 to vector<16xf32>
    %mul3A_194 = arith.mulf %mul3A_193, %convert_element_type3A_191 : vector<16xf32>
    %add3A_195 = arith.constant 0.899999976 : f32
    %add3A_196 = vector.broadcast %add3A_195 : f32 to vector<16xf32>
    %add3A_197 = arith.addf %add3A_196, %mul3A_194 : vector<16xf32>
    %convert_element_type3A_198 = arith.sitofp %and3A_98 : vector<16xi32> to vector<16xf32>
    %mul3A_199 = arith.constant 2.687500e-01 : f32
    %mul3A_200 = vector.broadcast %mul3A_199 : f32 to vector<16xf32>
    %mul3A_201 = arith.mulf %mul3A_200, %convert_element_type3A_198 : vector<16xf32>
    %add3A_202 = arith.constant 0.899999976 : f32
    %add3A_203 = vector.broadcast %add3A_202 : f32 to vector<16xf32>
    %add3A_204 = arith.addf %add3A_203, %mul3A_201 : vector<16xf32>
    %convert_element_type3A_205 = arith.sitofp %and3A_104 : vector<16xi32> to vector<16xf32>
    %mul3A_206 = arith.constant 2.687500e-01 : f32
    %mul3A_207 = vector.broadcast %mul3A_206 : f32 to vector<16xf32>
    %mul3A_208 = arith.mulf %mul3A_207, %convert_element_type3A_205 : vector<16xf32>
    %add3A_209 = arith.constant 0.899999976 : f32
    %add3A_210 = vector.broadcast %add3A_209 : f32 to vector<16xf32>
    %add3A_211 = arith.addf %add3A_210, %mul3A_208 : vector<16xf32>
    %convert_element_type3A_212 = arith.sitofp %and3A_110 : vector<16xi32> to vector<16xf32>
    %mul3A_213 = arith.constant 2.687500e-01 : f32
    %mul3A_214 = vector.broadcast %mul3A_213 : f32 to vector<16xf32>
    %mul3A_215 = arith.mulf %mul3A_214, %convert_element_type3A_212 : vector<16xf32>
    %add3A_216 = arith.constant 0.899999976 : f32
    %add3A_217 = vector.broadcast %add3A_216 : f32 to vector<16xf32>
    %add3A_218 = arith.addf %add3A_217, %mul3A_215 : vector<16xf32>
    %convert_element_type3A_219 = arith.sitofp %and3A_116 : vector<16xi32> to vector<16xf32>
    %mul3A_220 = arith.constant 2.687500e-01 : f32
    %mul3A_221 = vector.broadcast %mul3A_220 : f32 to vector<16xf32>
    %mul3A_222 = arith.mulf %mul3A_221, %convert_element_type3A_219 : vector<16xf32>
    %add3A_223 = arith.constant 0.899999976 : f32
    %add3A_224 = vector.broadcast %add3A_223 : f32 to vector<16xf32>
    %add3A_225 = arith.addf %add3A_224, %mul3A_222 : vector<16xf32>
    %convert_element_type3A_226 = arith.sitofp %and3A_122 : vector<16xi32> to vector<16xf32>
    %mul3A_227 = arith.constant 2.687500e-01 : f32
    %mul3A_228 = vector.broadcast %mul3A_227 : f32 to vector<16xf32>
    %mul3A_229 = arith.mulf %mul3A_228, %convert_element_type3A_226 : vector<16xf32>
    %add3A_230 = arith.constant 0.899999976 : f32
    %add3A_231 = vector.broadcast %add3A_230 : f32 to vector<16xf32>
    %add3A_232 = arith.addf %add3A_231, %mul3A_229 : vector<16xf32>
    %convert_element_type3A_233 = arith.sitofp %and3A_128 : vector<16xi32> to vector<16xf32>
    %mul3A_234 = arith.constant 2.687500e-01 : f32
    %mul3A_235 = vector.broadcast %mul3A_234 : f32 to vector<16xf32>
    %mul3A_236 = arith.mulf %mul3A_235, %convert_element_type3A_233 : vector<16xf32>
    %add3A_237 = arith.constant 0.899999976 : f32
    %add3A_238 = vector.broadcast %add3A_237 : f32 to vector<16xf32>
    %add3A_239 = arith.addf %add3A_238, %mul3A_236 : vector<16xf32>
    %get3A = arith.constant 0 : index
    %get3A_240 = tpu.vector_load %arg10[%get3A] {strides = array<i32>} : memref<256xi32, #tpu.memory_space<vmem>>, vector<16xi32>,
    %sub3A_241 = arith.constant 1 : i32
    %sub3A_242 = vector.broadcast %sub3A_241 : i32 to vector<16xi32>
    %sub3A_243 = arith.subi %get3A_240, %sub3A_242 : vector<16xi32>
    %mul3A_244 = arith.constant 16 : i32
    %mul3A_245 = vector.broadcast %mul3A_244 : i32 to vector<16xi32>
    %mul3A_246 = arith.muli %sub3A_243, %mul3A_245 : vector<16xi32>
    %swap3A = arith.constant 0 : index
    %swap3A_247 = tpu.vector_load %arg10[%swap3A] {strides = array<i32>} : memref<256xi32, #tpu.memory_space<vmem>>, vector<16xi32>,
    tpu.vector_store %arg10[%swap3A], %mul3A_246 {strides = array<i32>} : memref<256xi32, #tpu.memory_space<vmem>>, vector<16xi32>,
    %get3A_248 = arith.constant 16 : index
    %get3A_249 = tpu.vector_load %arg10[%get3A_248] {strides = array<i32>} : memref<256xi32, #tpu.memory_space<vmem>>, vector<16xi32>,
    %sub3A_250 = arith.constant 1 : i32
    %sub3A_251 = vector.broadcast %sub3A_250 : i32 to vector<16xi32>
    %sub3A_252 = arith.subi %get3A_249, %sub3A_251 : vector<16xi32>
    %mul3A_253 = arith.constant 16 : i32
    %mul3A_254 = vector.broadcast %mul3A_253 : i32 to vector<16xi32>
    %mul3A_255 = arith.muli %sub3A_252, %mul3A_254 : vector<16xi32>
    %swap3A_256 = arith.constant 16 : index
    %swap3A_257 = tpu.vector_load %arg10[%swap3A_256] {strides = array<i32>} : memref<256xi32, #tpu.memory_space<vmem>>, vector<16xi32>,
    tpu.vector_store %arg10[%swap3A_256], %mul3A_255 {strides = array<i32>} : memref<256xi32, #tpu.memory_space<vmem>>, vector<16xi32>,
    %get3A_258 = arith.constant 32 : index
    %get3A_259 = tpu.vector_load %arg10[%get3A_258] {strides = array<i32>} : memref<256xi32, #tpu.memory_space<vmem>>, vector<16xi32>,
    %sub3A_260 = arith.constant 1 : i32
    %sub3A_261 = vector.broadcast %sub3A_260 : i32 to vector<16xi32>
    %sub3A_262 = arith.subi %get3A_259, %sub3A_261 : vector<16xi32>
    %mul3A_263 = arith.constant 16 : i32
    %mul3A_264 = vector.broadcast %mul3A_263 : i32 to vector<16xi32>
    %mul3A_265 = arith.muli %sub3A_262, %mul3A_264 : vector<16xi32>
    %swap3A_266 = arith.constant 32 : index
    %swap3A_267 = tpu.vector_load %arg10[%swap3A_266] {strides = array<i32>} : memref<256xi32, #tpu.memory_space<vmem>>, vector<16xi32>,
    tpu.vector_store %arg10[%swap3A_266], %mul3A_265 {strides = array<i32>} : memref<256xi32, #tpu.memory_space<vmem>>, vector<16xi32>,
    %get3A_268 = arith.constant 48 : index
    %get3A_269 = tpu.vector_load %arg10[%get3A_268] {strides = array<i32>} : memref<256xi32, #tpu.memory_space<vmem>>, vector<16xi32>,
    %sub3A_270 = arith.constant 1 : i32
    %sub3A_271 = vector.broadcast %sub3A_270 : i32 to vector<16xi32>
    %sub3A_272 = arith.subi %get3A_269, %sub3A_271 : vector<16xi32>
    %mul3A_273 = arith.constant 16 : i32
    %mul3A_274 = vector.broadcast %mul3A_273 : i32 to vector<16xi32>
    %mul3A_275 = arith.muli %sub3A_272, %mul3A_274 : vector<16xi32>
    %swap3A_276 = arith.constant 48 : index
    %swap3A_277 = tpu.vector_load %arg10[%swap3A_276] {strides = array<i32>} : memref<256xi32, #tpu.memory_space<vmem>>, vector<16xi32>,
    tpu.vector_store %arg10[%swap3A_276], %mul3A_275 {strides = array<i32>} : memref<256xi32, #tpu.memory_space<vmem>>, vector<16xi32>,
    %get3A_278 = arith.constant 64 : index
    %get3A_279 = tpu.vector_load %arg10[%get3A_278] {strides = array<i32>} : memref<256xi32, #tpu.memory_space<vmem>>, vector<16xi32>,
    %sub3A_280 = arith.constant 1 : i32
    %sub3A_281 = vector.broadcast %sub3A_280 : i32 to vector<16xi32>
    %sub3A_282 = arith.subi %get3A_279, %sub3A_281 : vector<16xi32>
    %mul3A_283 = arith.constant 16 : i32
    %mul3A_284 = vector.broadcast %mul3A_283 : i32 to vector<16xi32>
    %mul3A_285 = arith.muli %sub3A_282, %mul3A_284 : vector<16xi32>
    %swap3A_286 = arith.constant 64 : index
    %swap3A_287 = tpu.vector_load %arg10[%swap3A_286] {strides = array<i32>} : memref<256xi32, #tpu.memory_space<vmem>>, vector<16xi32>,
    tpu.vector_store %arg10[%swap3A_286], %mul3A_285 {strides = array<i32>} : memref<256xi32, #tpu.memory_space<vmem>>, vector<16xi32>,
    %get3A_288 = arith.constant 80 : index
    %get3A_289 = tpu.vector_load %arg10[%get3A_288] {strides = array<i32>} : memref<256xi32, #tpu.memory_space<vmem>>, vector<16xi32>,
    %sub3A_290 = arith.constant 1 : i32
    %sub3A_291 = vector.broadcast %sub3A_290 : i32 to vector<16xi32>
    %sub3A_292 = arith.subi %get3A_289, %sub3A_291 : vector<16xi32>
    %mul3A_293 = arith.constant 16 : i32
    %mul3A_294 = vector.broadcast %mul3A_293 : i32 to vector<16xi32>
    %mul3A_295 = arith.muli %sub3A_292, %mul3A_294 : vector<16xi32>
    %swap3A_296 = arith.constant 80 : index
    %swap3A_297 = tpu.vector_load %arg10[%swap3A_296] {strides = array<i32>} : memref<256xi32, #tpu.memory_space<vmem>>, vector<16xi32>,
    tpu.vector_store %arg10[%swap3A_296], %mul3A_295 {strides = array<i32>} : memref<256xi32, #tpu.memory_space<vmem>>, vector<16xi32>,
    %get3A_298 = arith.constant 96 : index
    %get3A_299 = tpu.vector_load %arg10[%get3A_298] {strides = array<i32>} : memref<256xi32, #tpu.memory_space<vmem>>, vector<16xi32>,
    %sub3A_300 = arith.constant 1 : i32
    %sub3A_301 = vector.broadcast %sub3A_300 : i32 to vector<16xi32>
    %sub3A_302 = arith.subi %get3A_299, %sub3A_301 : vector<16xi32>
    %mul3A_303 = arith.constant 16 : i32
    %mul3A_304 = vector.broadcast %mul3A_303 : i32 to vector<16xi32>
    %mul3A_305 = arith.muli %sub3A_302, %mul3A_304 : vector<16xi32>
    %swap3A_306 = arith.constant 96 : index
    %swap3A_307 = tpu.vector_load %arg10[%swap3A_306] {strides = array<i32>} : memref<256xi32, #tpu.memory_space<vmem>>, vector<16xi32>,
    tpu.vector_store %arg10[%swap3A_306], %mul3A_305 {strides = array<i32>} : memref<256xi32, #tpu.memory_space<vmem>>, vector<16xi32>,
    %get3A_308 = arith.constant 112 : index
    %get3A_309 = tpu.vector_load %arg10[%get3A_308] {strides = array<i32>} : memref<256xi32, #tpu.memory_space<vmem>>, vector<16xi32>,
    %sub3A_310 = arith.constant 1 : i32
    %sub3A_311 = vector.broadcast %sub3A_310 : i32 to vector<16xi32>
    %sub3A_312 = arith.subi %get3A_309, %sub3A_311 : vector<16xi32>
    %mul3A_313 = arith.constant 16 : i32
    %mul3A_314 = vector.broadcast %mul3A_313 : i32 to vector<16xi32>
    %mul3A_315 = arith.muli %sub3A_312, %mul3A_314 : vector<16xi32>
    %swap3A_316 = arith.constant 112 : index
    %swap3A_317 = tpu.vector_load %arg10[%swap3A_316] {strides = array<i32>} : memref<256xi32, #tpu.memory_space<vmem>>, vector<16xi32>,
    tpu.vector_store %arg10[%swap3A_316], %mul3A_315 {strides = array<i32>} : memref<256xi32, #tpu.memory_space<vmem>>, vector<16xi32>,
    %get3A_318 = arith.constant 128 : index
    %get3A_319 = tpu.vector_load %arg10[%get3A_318] {strides = array<i32>} : memref<256xi32, #tpu.memory_space<vmem>>, vector<16xi32>,
    %sub3A_320 = arith.constant 1 : i32
    %sub3A_321 = vector.broadcast %sub3A_320 : i32 to vector<16xi32>
    %sub3A_322 = arith.subi %get3A_319, %sub3A_321 : vector<16xi32>
    %mul3A_323 = arith.constant 16 : i32
    %mul3A_324 = vector.broadcast %mul3A_323 : i32 to vector<16xi32>
    %mul3A_325 = arith.muli %sub3A_322, %mul3A_324 : vector<16xi32>
    %swap3A_326 = arith.constant 128 : index
    %swap3A_327 = tpu.vector_load %arg10[%swap3A_326] {strides = array<i32>} : memref<256xi32, #tpu.memory_space<vmem>>, vector<16xi32>,
    tpu.vector_store %arg10[%swap3A_326], %mul3A_325 {strides = array<i32>} : memref<256xi32, #tpu.memory_space<vmem>>, vector<16xi32>,
    %get3A_328 = arith.constant 144 : index
    %get3A_329 = tpu.vector_load %arg10[%get3A_328] {strides = array<i32>} : memref<256xi32, #tpu.memory_space<vmem>>, vector<16xi32>,
    %sub3A_330 = arith.constant 1 : i32
    %sub3A_331 = vector.broadcast %sub3A_330 : i32 to vector<16xi32>
    %sub3A_332 = arith.subi %get3A_329, %sub3A_331 : vector<16xi32>
    %mul3A_333 = arith.constant 16 : i32
    %mul3A_334 = vector.broadcast %mul3A_333 : i32 to vector<16xi32>
    %mul3A_335 = arith.muli %sub3A_332, %mul3A_334 : vector<16xi32>
    %swap3A_336 = arith.constant 144 : index
    %swap3A_337 = tpu.vector_load %arg10[%swap3A_336] {strides = array<i32>} : memref<256xi32, #tpu.memory_space<vmem>>, vector<16xi32>,
    tpu.vector_store %arg10[%swap3A_336], %mul3A_335 {strides = array<i32>} : memref<256xi32, #tpu.memory_space<vmem>>, vector<16xi32>,
    %get3A_338 = arith.constant 160 : index
    %get3A_339 = tpu.vector_load %arg10[%get3A_338] {strides = array<i32>} : memref<256xi32, #tpu.memory_space<vmem>>, vector<16xi32>,
    %sub3A_340 = arith.constant 1 : i32
    %sub3A_341 = vector.broadcast %sub3A_340 : i32 to vector<16xi32>
    %sub3A_342 = arith.subi %get3A_339, %sub3A_341 : vector<16xi32>
    %mul3A_343 = arith.constant 16 : i32
    %mul3A_344 = vector.broadcast %mul3A_343 : i32 to vector<16xi32>
    %mul3A_345 = arith.muli %sub3A_342, %mul3A_344 : vector<16xi32>
    %swap3A_346 = arith.constant 160 : index
    %swap3A_347 = tpu.vector_load %arg10[%swap3A_346] {strides = array<i32>} : memref<256xi32, #tpu.memory_space<vmem>>, vector<16xi32>,
    tpu.vector_store %arg10[%swap3A_346], %mul3A_345 {strides = array<i32>} : memref<256xi32, #tpu.memory_space<vmem>>, vector<16xi32>,
    %get3A_348 = arith.constant 176 : index
    %get3A_349 = tpu.vector_load %arg10[%get3A_348] {strides = array<i32>} : memref<256xi32, #tpu.memory_space<vmem>>, vector<16xi32>,
    %sub3A_350 = arith.constant 1 : i32
    %sub3A_351 = vector.broadcast %sub3A_350 : i32 to vector<16xi32>
    %sub3A_352 = arith.subi %get3A_349, %sub3A_351 : vector<16xi32>
    %mul3A_353 = arith.constant 16 : i32
    %mul3A_354 = vector.broadcast %mul3A_353 : i32 to vector<16xi32>
    %mul3A_355 = arith.muli %sub3A_352, %mul3A_354 : vector<16xi32>
    %swap3A_356 = arith.constant 176 : index
    %swap3A_357 = tpu.vector_load %arg10[%swap3A_356] {strides = array<i32>} : memref<256xi32, #tpu.memory_space<vmem>>, vector<16xi32>,
    tpu.vector_store %arg10[%swap3A_356], %mul3A_355 {strides = array<i32>} : memref<256xi32, #tpu.memory_space<vmem>>, vector<16xi32>,
    %get3A_358 = arith.constant 192 : index
    %get3A_359 = tpu.vector_load %arg10[%get3A_358] {strides = array<i32>} : memref<256xi32, #tpu.memory_space<vmem>>, vector<16xi32>,
    %sub3A_360 = arith.constant 1 : i32
    %sub3A_361 = vector.broadcast %sub3A_360 : i32 to vector<16xi32>
    %sub3A_362 = arith.subi %get3A_359, %sub3A_361 : vector<16xi32>
    %mul3A_363 = arith.constant 16 : i32
    %mul3A_364 = vector.broadcast %mul3A_363 : i32 to vector<16xi32>
    %mul3A_365 = arith.muli %sub3A_362, %mul3A_364 : vector<16xi32>
    %swap3A_366 = arith.constant 192 : index
    %swap3A_367 = tpu.vector_load %arg10[%swap3A_366] {strides = array<i32>} : memref<256xi32, #tpu.memory_space<vmem>>, vector<16xi32>,
    tpu.vector_store %arg10[%swap3A_366], %mul3A_365 {strides = array<i32>} : memref<256xi32, #tpu.memory_space<vmem>>, vector<16xi32>,
    %get3A_368 = arith.constant 208 : index
    %get3A_369 = tpu.vector_load %arg10[%get3A_368] {strides = array<i32>} : memref<256xi32, #tpu.memory_space<vmem>>, vector<16xi32>,
    %sub3A_370 = arith.constant 1 : i32
    %sub3A_371 = vector.broadcast %sub3A_370 : i32 to vector<16xi32>
    %sub3A_372 = arith.subi %get3A_369, %sub3A_371 : vector<16xi32>
    %mul3A_373 = arith.constant 16 : i32
    %mul3A_374 = vector.broadcast %mul3A_373 : i32 to vector<16xi32>
    %mul3A_375 = arith.muli %sub3A_372, %mul3A_374 : vector<16xi32>
    %swap3A_376 = arith.constant 208 : index
    %swap3A_377 = tpu.vector_load %arg10[%swap3A_376] {strides = array<i32>} : memref<256xi32, #tpu.memory_space<vmem>>, vector<16xi32>,
    tpu.vector_store %arg10[%swap3A_376], %mul3A_375 {strides = array<i32>} : memref<256xi32, #tpu.memory_space<vmem>>, vector<16xi32>,
    %get3A_378 = arith.constant 224 : index
    %get3A_379 = tpu.vector_load %arg10[%get3A_378] {strides = array<i32>} : memref<256xi32, #tpu.memory_space<vmem>>, vector<16xi32>,
    %sub3A_380 = arith.constant 1 : i32
    %sub3A_381 = vector.broadcast %sub3A_380 : i32 to vector<16xi32>
    %sub3A_382 = arith.subi %get3A_379, %sub3A_381 : vector<16xi32>
    %mul3A_383 = arith.constant 16 : i32
    %mul3A_384 = vector.broadcast %mul3A_383 : i32 to vector<16xi32>
    %mul3A_385 = arith.muli %sub3A_382, %mul3A_384 : vector<16xi32>
    %swap3A_386 = arith.constant 224 : index
    %swap3A_387 = tpu.vector_load %arg10[%swap3A_386] {strides = array<i32>} : memref<256xi32, #tpu.memory_space<vmem>>, vector<16xi32>,
    tpu.vector_store %arg10[%swap3A_386], %mul3A_385 {strides = array<i32>} : memref<256xi32, #tpu.memory_space<vmem>>, vector<16xi32>,
    %get3A_388 = arith.constant 240 : index
    %get3A_389 = tpu.vector_load %arg10[%get3A_388] {strides = array<i32>} : memref<256xi32, #tpu.memory_space<vmem>>, vector<16xi32>,
    %sub3A_390 = arith.constant 1 : i32
    %sub3A_391 = vector.broadcast %sub3A_390 : i32 to vector<16xi32>
    %sub3A_392 = arith.subi %get3A_389, %sub3A_391 : vector<16xi32>
    %mul3A_393 = arith.constant 16 : i32
    %mul3A_394 = vector.broadcast %mul3A_393 : i32 to vector<16xi32>
    %mul3A_395 = arith.muli %sub3A_392, %mul3A_394 : vector<16xi32>
    %swap3A_396 = arith.constant 240 : index
    %swap3A_397 = tpu.vector_load %arg10[%swap3A_396] {strides = array<i32>} : memref<256xi32, #tpu.memory_space<vmem>>, vector<16xi32>,
    tpu.vector_store %arg10[%swap3A_396], %mul3A_395 {strides = array<i32>} : memref<256xi32, #tpu.memory_space<vmem>>, vector<16xi32>,
    %scan3A = arith.constant 0 : i32
    %scan3A_398 = arith.constant 0 : i32
    %scan3A_399 = arith.constant 64 : i32
    %scan3A_400 = arith.addi %scan3A_398, %scan3A_399 : i32
    %scan3A_401 = arith.constant 1 : i32
    scf.for %scan3A_509 = %scan3A_398 to %scan3A_400 step %scan3A_401  : i32 {
      %mul3A_510 = arith.constant 128 : i32
      %mul3A_511 = arith.muli %scan3A_509, %mul3A_510 : i32
      %add3A_512 = vector.broadcast %mul3A_511 : i32 to vector<16xi32>
      %add3A_513 = arith.addi %broadcast_in_dim3A_32, %add3A_512 : vector<16xi32>
      %add3A_514 = arith.constant 0 : i32
      %add3A_515 = vector.broadcast %add3A_514 : i32 to vector<16xi32>
      %add3A_516 = arith.addi %iota3A, %add3A_515 : vector<16xi32>
      %add3A_517 = arith.addi %add3A_513, %add3A_516 : vector<16xi32>
      tpu.vector_store_idx %arg11[%add3A_517], %broadcast_in_dim3A_30 : memref<8192xf32, #tpu.memory_space<vmem>>[vector<16xi32>], vector<16xf32>,
      %add3A_518 = arith.constant 16 : i32
      %add3A_519 = vector.broadcast %add3A_518 : i32 to vector<16xi32>
      %add3A_520 = arith.addi %iota3A, %add3A_519 : vector<16xi32>
      %add3A_521 = arith.addi %add3A_513, %add3A_520 : vector<16xi32>
      tpu.vector_store_idx %arg11[%add3A_521], %broadcast_in_dim3A_30 : memref<8192xf32, #tpu.memory_space<vmem>>[vector<16xi32>], vector<16xf32>,
      %add3A_522 = arith.constant 32 : i32
      %add3A_523 = vector.broadcast %add3A_522 : i32 to vector<16xi32>
      %add3A_524 = arith.addi %iota3A, %add3A_523 : vector<16xi32>
      %add3A_525 = arith.addi %add3A_513, %add3A_524 : vector<16xi32>
      tpu.vector_store_idx %arg11[%add3A_525], %broadcast_in_dim3A_30 : memref<8192xf32, #tpu.memory_space<vmem>>[vector<16xi32>], vector<16xf32>,
      %add3A_526 = arith.constant 48 : i32
      %add3A_527 = vector.broadcast %add3A_526 : i32 to vector<16xi32>
      %add3A_528 = arith.addi %iota3A, %add3A_527 : vector<16xi32>
      %add3A_529 = arith.addi %add3A_513, %add3A_528 : vector<16xi32>
      tpu.vector_store_idx %arg11[%add3A_529], %broadcast_in_dim3A_30 : memref<8192xf32, #tpu.memory_space<vmem>>[vector<16xi32>], vector<16xf32>,
      %add3A_530 = arith.constant 64 : i32
      %add3A_531 = vector.broadcast %add3A_530 : i32 to vector<16xi32>
      %add3A_532 = arith.addi %iota3A, %add3A_531 : vector<16xi32>
      %add3A_533 = arith.addi %add3A_513, %add3A_532 : vector<16xi32>
      tpu.vector_store_idx %arg11[%add3A_533], %broadcast_in_dim3A_30 : memref<8192xf32, #tpu.memory_space<vmem>>[vector<16xi32>], vector<16xf32>,
      %add3A_534 = arith.constant 80 : i32
      %add3A_535 = vector.broadcast %add3A_534 : i32 to vector<16xi32>
      %add3A_536 = arith.addi %iota3A, %add3A_535 : vector<16xi32>
      %add3A_537 = arith.addi %add3A_513, %add3A_536 : vector<16xi32>
      tpu.vector_store_idx %arg11[%add3A_537], %broadcast_in_dim3A_30 : memref<8192xf32, #tpu.memory_space<vmem>>[vector<16xi32>], vector<16xf32>,
      %add3A_538 = arith.constant 96 : i32
      %add3A_539 = vector.broadcast %add3A_538 : i32 to vector<16xi32>
      %add3A_540 = arith.addi %iota3A, %add3A_539 : vector<16xi32>
      %add3A_541 = arith.addi %add3A_513, %add3A_540 : vector<16xi32>
      tpu.vector_store_idx %arg11[%add3A_541], %broadcast_in_dim3A_30 : memref<8192xf32, #tpu.memory_space<vmem>>[vector<16xi32>], vector<16xf32>,
      %add3A_542 = arith.constant 112 : i32
      %add3A_543 = vector.broadcast %add3A_542 : i32 to vector<16xi32>
      %add3A_544 = arith.addi %iota3A, %add3A_543 : vector<16xi32>
      %add3A_545 = arith.addi %add3A_513, %add3A_544 : vector<16xi32>
      tpu.vector_store_idx %arg11[%add3A_545], %broadcast_in_dim3A_30 : memref<8192xf32, #tpu.memory_space<vmem>>[vector<16xi32>], vector<16xf32>,
    }
    %scan3A_402 = arith.constant 64 : i32
    %dma_wait3A = tpu.memref_slice %arg2[%mul3A_20] : memref<1048576xf32, #tpu.memory_space<hbm>> -> memref<16384xf32, #tpu.memory_space<hbm>>
    %dma_wait3A_403 = tpu.memref_slice %arg2[%mul3A_20] : memref<1048576xf32, #tpu.memory_space<hbm>> -> memref<16384xf32, #tpu.memory_space<hbm>>
    tpu.wait_dma2 semaphore(%arg12 : memref<!tpu.dma_semaphore, #tpu.memory_space<semaphore_mem>>) src(%dma_wait3A_403 : memref<16384xf32, #tpu.memory_space<hbm>>) dst(%arg5 : memref<16384xf32, #tpu.memory_space<vmem>>)
    %scan3A_404 = arith.constant 0 : i32
    %scan3A_405 = arith.constant 64 : i32
    %scan3A_406 = arith.addi %scan3A_404, %scan3A_405 : i32
    %scan3A_407 = arith.constant 1 : i32
    %scan3A_408 = scf.for %scan3A_509 = %scan3A_404 to %scan3A_406 step %scan3A_407 iter_args(%scan3A_510 = %broadcast_in_dim3A_32) -> (vector<16xi32>)  : i32 {
      %mul3A_511 = arith.constant 256 : i32
      %mul3A_512 = arith.muli %scan3A_509, %mul3A_511 : i32
      %multiple_of3A = tpu.assume_multiple %mul3A_512, 256 : i32
      %add3A_513 = arith.constant 0 : i32
      %add3A_514 = arith.addi %add3A_513, %scan3A_509 : i32
      %mul3A_515 = arith.constant 64 : i32
      %mul3A_516 = arith.muli %add3A_514, %mul3A_515 : i32
      %add3A_517 = arith.constant 0 : i32
      %add3A_518 = arith.addi %multiple_of3A, %add3A_517 : i32
      %get3A_519 = arith.index_cast %add3A_518 : i32 to index
      %get3A_520 = tpu.vector_load %arg5[%get3A_519] {strides = array<i32>} : memref<16384xf32, #tpu.memory_space<vmem>>, vector<16xf32>,
      %add3A_521 = arith.constant 16 : i32
      %add3A_522 = arith.addi %multiple_of3A, %add3A_521 : i32
      %get3A_523 = arith.index_cast %add3A_522 : i32 to index
      %get3A_524 = tpu.vector_load %arg5[%get3A_523] {strides = array<i32>} : memref<16384xf32, #tpu.memory_space<vmem>>, vector<16xf32>,
      %add3A_525 = arith.constant 32 : i32
      %add3A_526 = arith.addi %multiple_of3A, %add3A_525 : i32
      %get3A_527 = arith.index_cast %add3A_526 : i32 to index
      %get3A_528 = tpu.vector_load %arg5[%get3A_527] {strides = array<i32>} : memref<16384xf32, #tpu.memory_space<vmem>>, vector<16xf32>,
      %add3A_529 = arith.constant 48 : i32
      %add3A_530 = arith.addi %multiple_of3A, %add3A_529 : i32
      %get3A_531 = arith.index_cast %add3A_530 : i32 to index
      %get3A_532 = tpu.vector_load %arg5[%get3A_531] {strides = array<i32>} : memref<16384xf32, #tpu.memory_space<vmem>>, vector<16xf32>,
      %add3A_533 = arith.constant 64 : i32
      %add3A_534 = arith.addi %multiple_of3A, %add3A_533 : i32
      %get3A_535 = arith.index_cast %add3A_534 : i32 to index
      %get3A_536 = tpu.vector_load %arg5[%get3A_535] {strides = array<i32>} : memref<16384xf32, #tpu.memory_space<vmem>>, vector<16xf32>,
      %add3A_537 = arith.constant 80 : i32
      %add3A_538 = arith.addi %multiple_of3A, %add3A_537 : i32
      %get3A_539 = arith.index_cast %add3A_538 : i32 to index
      %get3A_540 = tpu.vector_load %arg5[%get3A_539] {strides = array<i32>} : memref<16384xf32, #tpu.memory_space<vmem>>, vector<16xf32>,
      %add3A_541 = arith.constant 96 : i32
      %add3A_542 = arith.addi %multiple_of3A, %add3A_541 : i32
      %get3A_543 = arith.index_cast %add3A_542 : i32 to index
      %get3A_544 = tpu.vector_load %arg5[%get3A_543] {strides = array<i32>} : memref<16384xf32, #tpu.memory_space<vmem>>, vector<16xf32>,
      %add3A_545 = arith.constant 112 : i32
      %add3A_546 = arith.addi %multiple_of3A, %add3A_545 : i32
      %get3A_547 = arith.index_cast %add3A_546 : i32 to index
      %get3A_548 = tpu.vector_load %arg5[%get3A_547] {strides = array<i32>} : memref<16384xf32, #tpu.memory_space<vmem>>, vector<16xf32>,
      %gt3A = arith.constant 0.000000e+00 : f32
      %gt3A_549 = vector.broadcast %gt3A : f32 to vector<16xf32>
      %gt3A_550 = arith.cmpf ogt, %get3A_520, %gt3A_549 : vector<16xf32>
      %lt3A = arith.constant 5.200000e+00 : f32
      %lt3A_551 = vector.broadcast %lt3A : f32 to vector<16xf32>
      %lt3A_552 = arith.cmpf olt, %get3A_520, %lt3A_551 : vector<16xf32>
      %and3A_553 = arith.andi %gt3A_550, %lt3A_552 : vector<16xi1>
      %gt3A_554 = arith.constant 0.000000e+00 : f32
      %gt3A_555 = vector.broadcast %gt3A_554 : f32 to vector<16xf32>
      %gt3A_556 = arith.cmpf ogt, %get3A_524, %gt3A_555 : vector<16xf32>
      %lt3A_557 = arith.constant 5.200000e+00 : f32
      %lt3A_558 = vector.broadcast %lt3A_557 : f32 to vector<16xf32>
      %lt3A_559 = arith.cmpf olt, %get3A_524, %lt3A_558 : vector<16xf32>
      %and3A_560 = arith.andi %gt3A_556, %lt3A_559 : vector<16xi1>
      %gt3A_561 = arith.constant 0.000000e+00 : f32
      %gt3A_562 = vector.broadcast %gt3A_561 : f32 to vector<16xf32>
      %gt3A_563 = arith.cmpf ogt, %get3A_528, %gt3A_562 : vector<16xf32>
      %lt3A_564 = arith.constant 5.200000e+00 : f32
      %lt3A_565 = vector.broadcast %lt3A_564 : f32 to vector<16xf32>
      %lt3A_566 = arith.cmpf olt, %get3A_528, %lt3A_565 : vector<16xf32>
      %and3A_567 = arith.andi %gt3A_563, %lt3A_566 : vector<16xi1>
      %gt3A_568 = arith.constant 0.000000e+00 : f32
      %gt3A_569 = vector.broadcast %gt3A_568 : f32 to vector<16xf32>
      %gt3A_570 = arith.cmpf ogt, %get3A_532, %gt3A_569 : vector<16xf32>
      %lt3A_571 = arith.constant 5.200000e+00 : f32
      %lt3A_572 = vector.broadcast %lt3A_571 : f32 to vector<16xf32>
      %lt3A_573 = arith.cmpf olt, %get3A_532, %lt3A_572 : vector<16xf32>
      %and3A_574 = arith.andi %gt3A_570, %lt3A_573 : vector<16xi1>
      %gt3A_575 = arith.constant 0.000000e+00 : f32
      %gt3A_576 = vector.broadcast %gt3A_575 : f32 to vector<16xf32>
      %gt3A_577 = arith.cmpf ogt, %get3A_536, %gt3A_576 : vector<16xf32>
      %lt3A_578 = arith.constant 5.200000e+00 : f32
      %lt3A_579 = vector.broadcast %lt3A_578 : f32 to vector<16xf32>
      %lt3A_580 = arith.cmpf olt, %get3A_536, %lt3A_579 : vector<16xf32>
      %and3A_581 = arith.andi %gt3A_577, %lt3A_580 : vector<16xi1>
      %gt3A_582 = arith.constant 0.000000e+00 : f32
      %gt3A_583 = vector.broadcast %gt3A_582 : f32 to vector<16xf32>
      %gt3A_584 = arith.cmpf ogt, %get3A_540, %gt3A_583 : vector<16xf32>
      %lt3A_585 = arith.constant 5.200000e+00 : f32
      %lt3A_586 = vector.broadcast %lt3A_585 : f32 to vector<16xf32>
      %lt3A_587 = arith.cmpf olt, %get3A_540, %lt3A_586 : vector<16xf32>
      %and3A_588 = arith.andi %gt3A_584, %lt3A_587 : vector<16xi1>
      %gt3A_589 = arith.constant 0.000000e+00 : f32
      %gt3A_590 = vector.broadcast %gt3A_589 : f32 to vector<16xf32>
      %gt3A_591 = arith.cmpf ogt, %get3A_544, %gt3A_590 : vector<16xf32>
      %lt3A_592 = arith.constant 5.200000e+00 : f32
      %lt3A_593 = vector.broadcast %lt3A_592 : f32 to vector<16xf32>
      %lt3A_594 = arith.cmpf olt, %get3A_544, %lt3A_593 : vector<16xf32>
      %and3A_595 = arith.andi %gt3A_591, %lt3A_594 : vector<16xi1>
      %gt3A_596 = arith.constant 0.000000e+00 : f32
      %gt3A_597 = vector.broadcast %gt3A_596 : f32 to vector<16xf32>
      %gt3A_598 = arith.cmpf ogt, %get3A_548, %gt3A_597 : vector<16xf32>
      %lt3A_599 = arith.constant 5.200000e+00 : f32
      %lt3A_600 = vector.broadcast %lt3A_599 : f32 to vector<16xf32>
      %lt3A_601 = arith.cmpf olt, %get3A_548, %lt3A_600 : vector<16xf32>
      %and3A_602 = arith.andi %gt3A_598, %lt3A_601 : vector<16xi1>
      %all_reduce_population_count3A = tpu.all_reduce %and3A_553 {dim = 0 : i64, kind = #tpu.reduction_kind<sum>} : vector<16xi1> -> vector<16xi32>
      %all_reduce_population_count3A_603 = tpu.all_reduce %and3A_560 {dim = 0 : i64, kind = #tpu.reduction_kind<sum>} : vector<16xi1> -> vector<16xi32>
      %all_reduce_population_count3A_604 = tpu.all_reduce %and3A_567 {dim = 0 : i64, kind = #tpu.reduction_kind<sum>} : vector<16xi1> -> vector<16xi32>
      %all_reduce_population_count3A_605 = tpu.all_reduce %and3A_574 {dim = 0 : i64, kind = #tpu.reduction_kind<sum>} : vector<16xi1> -> vector<16xi32>
      %all_reduce_population_count3A_606 = tpu.all_reduce %and3A_581 {dim = 0 : i64, kind = #tpu.reduction_kind<sum>} : vector<16xi1> -> vector<16xi32>
      %all_reduce_population_count3A_607 = tpu.all_reduce %and3A_588 {dim = 0 : i64, kind = #tpu.reduction_kind<sum>} : vector<16xi1> -> vector<16xi32>
      %all_reduce_population_count3A_608 = tpu.all_reduce %and3A_595 {dim = 0 : i64, kind = #tpu.reduction_kind<sum>} : vector<16xi1> -> vector<16xi32>
      %all_reduce_population_count3A_609 = tpu.all_reduce %and3A_602 {dim = 0 : i64, kind = #tpu.reduction_kind<sum>} : vector<16xi1> -> vector<16xi32>
      %mul3A_610 = arith.mulf %get3A_520, %get3A_520 : vector<16xf32>
      %mul3A_611 = arith.mulf %get3A_524, %get3A_524 : vector<16xf32>
      %mul3A_612 = arith.mulf %get3A_528, %get3A_528 : vector<16xf32>
      %mul3A_613 = arith.mulf %get3A_532, %get3A_532 : vector<16xf32>
      %mul3A_614 = arith.mulf %get3A_536, %get3A_536 : vector<16xf32>
      %mul3A_615 = arith.mulf %get3A_540, %get3A_540 : vector<16xf32>
      %mul3A_616 = arith.mulf %get3A_544, %get3A_544 : vector<16xf32>
      %mul3A_617 = arith.mulf %get3A_548, %get3A_548 : vector<16xf32>
      %mul3A_618 = arith.constant 1.66674269E-7 : f32
      %mul3A_619 = vector.broadcast %mul3A_618 : f32 to vector<16xf32>
      %mul3A_620 = arith.mulf %mul3A_610, %mul3A_619 : vector<16xf32>
      %add3A_621 = arith.constant -3.25573237E-5 : f32
      %add3A_622 = vector.broadcast %add3A_621 : f32 to vector<16xf32>
      %add3A_623 = arith.addf %mul3A_620, %add3A_622 : vector<16xf32>
      %mul3A_624 = arith.constant 1.66674269E-7 : f32
      %mul3A_625 = vector.broadcast %mul3A_624 : f32 to vector<16xf32>
      %mul3A_626 = arith.mulf %mul3A_611, %mul3A_625 : vector<16xf32>
      %add3A_627 = arith.constant -3.25573237E-5 : f32
      %add3A_628 = vector.broadcast %add3A_627 : f32 to vector<16xf32>
      %add3A_629 = arith.addf %mul3A_626, %add3A_628 : vector<16xf32>
      %mul3A_630 = arith.constant 1.66674269E-7 : f32
      %mul3A_631 = vector.broadcast %mul3A_630 : f32 to vector<16xf32>
      %mul3A_632 = arith.mulf %mul3A_612, %mul3A_631 : vector<16xf32>
      %add3A_633 = arith.constant -3.25573237E-5 : f32
      %add3A_634 = vector.broadcast %add3A_633 : f32 to vector<16xf32>
      %add3A_635 = arith.addf %mul3A_632, %add3A_634 : vector<16xf32>
      %mul3A_636 = arith.constant 1.66674269E-7 : f32
      %mul3A_637 = vector.broadcast %mul3A_636 : f32 to vector<16xf32>
      %mul3A_638 = arith.mulf %mul3A_613, %mul3A_637 : vector<16xf32>
      %add3A_639 = arith.constant -3.25573237E-5 : f32
      %add3A_640 = vector.broadcast %add3A_639 : f32 to vector<16xf32>
      %add3A_641 = arith.addf %mul3A_638, %add3A_640 : vector<16xf32>
      %mul3A_642 = arith.constant 1.66674269E-7 : f32
      %mul3A_643 = vector.broadcast %mul3A_642 : f32 to vector<16xf32>
      %mul3A_644 = arith.mulf %mul3A_614, %mul3A_643 : vector<16xf32>
      %add3A_645 = arith.constant -3.25573237E-5 : f32
      %add3A_646 = vector.broadcast %add3A_645 : f32 to vector<16xf32>
      %add3A_647 = arith.addf %mul3A_644, %add3A_646 : vector<16xf32>
      %mul3A_648 = arith.constant 1.66674269E-7 : f32
      %mul3A_649 = vector.broadcast %mul3A_648 : f32 to vector<16xf32>
      %mul3A_650 = arith.mulf %mul3A_615, %mul3A_649 : vector<16xf32>
      %add3A_651 = arith.constant -3.25573237E-5 : f32
      %add3A_652 = vector.broadcast %add3A_651 : f32 to vector<16xf32>
      %add3A_653 = arith.addf %mul3A_650, %add3A_652 : vector<16xf32>
      %mul3A_654 = arith.constant 1.66674269E-7 : f32
      %mul3A_655 = vector.broadcast %mul3A_654 : f32 to vector<16xf32>
      %mul3A_656 = arith.mulf %mul3A_616, %mul3A_655 : vector<16xf32>
      %add3A_657 = arith.constant -3.25573237E-5 : f32
      %add3A_658 = vector.broadcast %add3A_657 : f32 to vector<16xf32>
      %add3A_659 = arith.addf %mul3A_656, %add3A_658 : vector<16xf32>
      %mul3A_660 = arith.constant 1.66674269E-7 : f32
      %mul3A_661 = vector.broadcast %mul3A_660 : f32 to vector<16xf32>
      %mul3A_662 = arith.mulf %mul3A_617, %mul3A_661 : vector<16xf32>
      %add3A_663 = arith.constant -3.25573237E-5 : f32
      %add3A_664 = vector.broadcast %add3A_663 : f32 to vector<16xf32>
      %add3A_665 = arith.addf %mul3A_662, %add3A_664 : vector<16xf32>
      %mul3A_666 = arith.mulf %add3A_623, %mul3A_610 : vector<16xf32>
      %mul3A_667 = arith.mulf %add3A_629, %mul3A_611 : vector<16xf32>
      %mul3A_668 = arith.mulf %add3A_635, %mul3A_612 : vector<16xf32>
      %mul3A_669 = arith.mulf %add3A_641, %mul3A_613 : vector<16xf32>
      %mul3A_670 = arith.mulf %add3A_647, %mul3A_614 : vector<16xf32>
      %mul3A_671 = arith.mulf %add3A_653, %mul3A_615 : vector<16xf32>
      %mul3A_672 = arith.mulf %add3A_659, %mul3A_616 : vector<16xf32>
      %mul3A_673 = arith.mulf %add3A_665, %mul3A_617 : vector<16xf32>
      %add3A_674 = arith.constant 0.00276407087 : f32
      %add3A_675 = vector.broadcast %add3A_674 : f32 to vector<16xf32>
      %add3A_676 = arith.addf %mul3A_666, %add3A_675 : vector<16xf32>
      %add3A_677 = arith.constant 0.00276407087 : f32
      %add3A_678 = vector.broadcast %add3A_677 : f32 to vector<16xf32>
      %add3A_679 = arith.addf %mul3A_667, %add3A_678 : vector<16xf32>
      %add3A_680 = arith.constant 0.00276407087 : f32
      %add3A_681 = vector.broadcast %add3A_680 : f32 to vector<16xf32>
      %add3A_682 = arith.addf %mul3A_668, %add3A_681 : vector<16xf32>
      %add3A_683 = arith.constant 0.00276407087 : f32
      %add3A_684 = vector.broadcast %add3A_683 : f32 to vector<16xf32>
      %add3A_685 = arith.addf %mul3A_669, %add3A_684 : vector<16xf32>
      %add3A_686 = arith.constant 0.00276407087 : f32
      %add3A_687 = vector.broadcast %add3A_686 : f32 to vector<16xf32>
      %add3A_688 = arith.addf %mul3A_670, %add3A_687 : vector<16xf32>
      %add3A_689 = arith.constant 0.00276407087 : f32
      %add3A_690 = vector.broadcast %add3A_689 : f32 to vector<16xf32>
      %add3A_691 = arith.addf %mul3A_671, %add3A_690 : vector<16xf32>
      %add3A_692 = arith.constant 0.00276407087 : f32
      %add3A_693 = vector.broadcast %add3A_692 : f32 to vector<16xf32>
      %add3A_694 = arith.addf %mul3A_672, %add3A_693 : vector<16xf32>
      %add3A_695 = arith.constant 0.00276407087 : f32
      %add3A_696 = vector.broadcast %add3A_695 : f32 to vector<16xf32>
      %add3A_697 = arith.addf %mul3A_673, %add3A_696 : vector<16xf32>
      %mul3A_698 = arith.mulf %add3A_676, %mul3A_610 : vector<16xf32>
      %mul3A_699 = arith.mulf %add3A_679, %mul3A_611 : vector<16xf32>
      %mul3A_700 = arith.mulf %add3A_682, %mul3A_612 : vector<16xf32>
      %mul3A_701 = arith.mulf %add3A_685, %mul3A_613 : vector<16xf32>
      %mul3A_702 = arith.mulf %add3A_688, %mul3A_614 : vector<16xf32>
      %mul3A_703 = arith.mulf %add3A_691, %mul3A_615 : vector<16xf32>
      %mul3A_704 = arith.mulf %add3A_694, %mul3A_616 : vector<16xf32>
      %mul3A_705 = arith.mulf %add3A_697, %mul3A_617 : vector<16xf32>
      %add3A_706 = arith.constant -0.0912118256 : f32
      %add3A_707 = vector.broadcast %add3A_706 : f32 to vector<16xf32>
      %add3A_708 = arith.addf %mul3A_698, %add3A_707 : vector<16xf32>
      %add3A_709 = arith.constant -0.0912118256 : f32
      %add3A_710 = vector.broadcast %add3A_709 : f32 to vector<16xf32>
      %add3A_711 = arith.addf %mul3A_699, %add3A_710 : vector<16xf32>
      %add3A_712 = arith.constant -0.0912118256 : f32
      %add3A_713 = vector.broadcast %add3A_712 : f32 to vector<16xf32>
      %add3A_714 = arith.addf %mul3A_700, %add3A_713 : vector<16xf32>
      %add3A_715 = arith.constant -0.0912118256 : f32
      %add3A_716 = vector.broadcast %add3A_715 : f32 to vector<16xf32>
      %add3A_717 = arith.addf %mul3A_701, %add3A_716 : vector<16xf32>
      %add3A_718 = arith.constant -0.0912118256 : f32
      %add3A_719 = vector.broadcast %add3A_718 : f32 to vector<16xf32>
      %add3A_720 = arith.addf %mul3A_702, %add3A_719 : vector<16xf32>
      %add3A_721 = arith.constant -0.0912118256 : f32
      %add3A_722 = vector.broadcast %add3A_721 : f32 to vector<16xf32>
      %add3A_723 = arith.addf %mul3A_703, %add3A_722 : vector<16xf32>
      %add3A_724 = arith.constant -0.0912118256 : f32
      %add3A_725 = vector.broadcast %add3A_724 : f32 to vector<16xf32>
      %add3A_726 = arith.addf %mul3A_704, %add3A_725 : vector<16xf32>
      %add3A_727 = arith.constant -0.0912118256 : f32
      %add3A_728 = vector.broadcast %add3A_727 : f32 to vector<16xf32>
      %add3A_729 = arith.addf %mul3A_705, %add3A_728 : vector<16xf32>
      %mul3A_730 = arith.mulf %add3A_708, %mul3A_610 : vector<16xf32>
      %mul3A_731 = arith.mulf %add3A_711, %mul3A_611 : vector<16xf32>
      %mul3A_732 = arith.mulf %add3A_714, %mul3A_612 : vector<16xf32>
      %mul3A_733 = arith.mulf %add3A_717, %mul3A_613 : vector<16xf32>
      %mul3A_734 = arith.mulf %add3A_720, %mul3A_614 : vector<16xf32>
      %mul3A_735 = arith.mulf %add3A_723, %mul3A_615 : vector<16xf32>
      %mul3A_736 = arith.mulf %add3A_726, %mul3A_616 : vector<16xf32>
      %mul3A_737 = arith.mulf %add3A_729, %mul3A_617 : vector<16xf32>
      %add3A_738 = arith.constant 0.999979496 : f32
      %add3A_739 = vector.broadcast %add3A_738 : f32 to vector<16xf32>
      %add3A_740 = arith.addf %mul3A_730, %add3A_739 : vector<16xf32>
      %add3A_741 = arith.constant 0.999979496 : f32
      %add3A_742 = vector.broadcast %add3A_741 : f32 to vector<16xf32>
      %add3A_743 = arith.addf %mul3A_731, %add3A_742 : vector<16xf32>
      %add3A_744 = arith.constant 0.999979496 : f32
      %add3A_745 = vector.broadcast %add3A_744 : f32 to vector<16xf32>
      %add3A_746 = arith.addf %mul3A_732, %add3A_745 : vector<16xf32>
      %add3A_747 = arith.constant 0.999979496 : f32
      %add3A_748 = vector.broadcast %add3A_747 : f32 to vector<16xf32>
      %add3A_749 = arith.addf %mul3A_733, %add3A_748 : vector<16xf32>
      %add3A_750 = arith.constant 0.999979496 : f32
      %add3A_751 = vector.broadcast %add3A_750 : f32 to vector<16xf32>
      %add3A_752 = arith.addf %mul3A_734, %add3A_751 : vector<16xf32>
      %add3A_753 = arith.constant 0.999979496 : f32
      %add3A_754 = vector.broadcast %add3A_753 : f32 to vector<16xf32>
      %add3A_755 = arith.addf %mul3A_735, %add3A_754 : vector<16xf32>
      %add3A_756 = arith.constant 0.999979496 : f32
      %add3A_757 = vector.broadcast %add3A_756 : f32 to vector<16xf32>
      %add3A_758 = arith.addf %mul3A_736, %add3A_757 : vector<16xf32>
      %add3A_759 = arith.constant 0.999979496 : f32
      %add3A_760 = vector.broadcast %add3A_759 : f32 to vector<16xf32>
      %add3A_761 = arith.addf %mul3A_737, %add3A_760 : vector<16xf32>
      %get3A_762 = arith.constant 0 : index
      %get3A_763 = tpu.vector_load %arg10[%get3A_762] {strides = array<i32>} : memref<256xi32, #tpu.memory_space<vmem>>, vector<16xi32>,
      %add3A_764 = vector.broadcast %mul3A_516 : i32 to vector<16xi32>
      %add3A_765 = arith.addi %get3A_763, %add3A_764 : vector<16xi32>
      %get3A_766 = arith.constant 16 : index
      %get3A_767 = tpu.vector_load %arg10[%get3A_766] {strides = array<i32>} : memref<256xi32, #tpu.memory_space<vmem>>, vector<16xi32>,
      %add3A_768 = vector.broadcast %mul3A_516 : i32 to vector<16xi32>
      %add3A_769 = arith.addi %get3A_767, %add3A_768 : vector<16xi32>
      %get3A_770 = arith.constant 32 : index
      %get3A_771 = tpu.vector_load %arg10[%get3A_770] {strides = array<i32>} : memref<256xi32, #tpu.memory_space<vmem>>, vector<16xi32>,
      %add3A_772 = vector.broadcast %mul3A_516 : i32 to vector<16xi32>
      %add3A_773 = arith.addi %get3A_771, %add3A_772 : vector<16xi32>
      %get3A_774 = arith.constant 48 : index
      %get3A_775 = tpu.vector_load %arg10[%get3A_774] {strides = array<i32>} : memref<256xi32, #tpu.memory_space<vmem>>, vector<16xi32>,
      %add3A_776 = vector.broadcast %mul3A_516 : i32 to vector<16xi32>
      %add3A_777 = arith.addi %get3A_775, %add3A_776 : vector<16xi32>
      %get3A_778 = arith.constant 64 : index
      %get3A_779 = tpu.vector_load %arg10[%get3A_778] {strides = array<i32>} : memref<256xi32, #tpu.memory_space<vmem>>, vector<16xi32>,
      %add3A_780 = vector.broadcast %mul3A_516 : i32 to vector<16xi32>
      %add3A_781 = arith.addi %get3A_779, %add3A_780 : vector<16xi32>
      %get3A_782 = arith.constant 80 : index
      %get3A_783 = tpu.vector_load %arg10[%get3A_782] {strides = array<i32>} : memref<256xi32, #tpu.memory_space<vmem>>, vector<16xi32>,
      %add3A_784 = vector.broadcast %mul3A_516 : i32 to vector<16xi32>
      %add3A_785 = arith.addi %get3A_783, %add3A_784 : vector<16xi32>
      %get3A_786 = arith.constant 96 : index
      %get3A_787 = tpu.vector_load %arg10[%get3A_786] {strides = array<i32>} : memref<256xi32, #tpu.memory_space<vmem>>, vector<16xi32>,
      %add3A_788 = vector.broadcast %mul3A_516 : i32 to vector<16xi32>
      %add3A_789 = arith.addi %get3A_787, %add3A_788 : vector<16xi32>
      %get3A_790 = arith.constant 112 : index
      %get3A_791 = tpu.vector_load %arg10[%get3A_790] {strides = array<i32>} : memref<256xi32, #tpu.memory_space<vmem>>, vector<16xi32>,
      %add3A_792 = vector.broadcast %mul3A_516 : i32 to vector<16xi32>
      %add3A_793 = arith.addi %get3A_791, %add3A_792 : vector<16xi32>
      %convert_element_type3A_794 = arith.extui %and3A_553 : vector<16xi1> to vector<16xi32>
      %broadcast_in_dim3A_795 = arith.constant true
      %broadcast_in_dim3A_796 = vector.broadcast %broadcast_in_dim3A_795 : i1 to vector<16xi1>
      %masked_cumsum3A = tpu.scan <sum>, %convert_element_type3A_794 masked %broadcast_in_dim3A_796 : vector<16xi32>, vector<16xi1> -> vector<16xi32>
      %convert_element_type3A_797 = arith.extui %and3A_560 : vector<16xi1> to vector<16xi32>
      %broadcast_in_dim3A_798 = arith.constant true
      %broadcast_in_dim3A_799 = vector.broadcast %broadcast_in_dim3A_798 : i1 to vector<16xi1>
      %masked_cumsum3A_800 = tpu.scan <sum>, %convert_element_type3A_797 masked %broadcast_in_dim3A_799 : vector<16xi32>, vector<16xi1> -> vector<16xi32>
      %convert_element_type3A_801 = arith.extui %and3A_567 : vector<16xi1> to vector<16xi32>
      %broadcast_in_dim3A_802 = arith.constant true
      %broadcast_in_dim3A_803 = vector.broadcast %broadcast_in_dim3A_802 : i1 to vector<16xi1>
      %masked_cumsum3A_804 = tpu.scan <sum>, %convert_element_type3A_801 masked %broadcast_in_dim3A_803 : vector<16xi32>, vector<16xi1> -> vector<16xi32>
      %convert_element_type3A_805 = arith.extui %and3A_574 : vector<16xi1> to vector<16xi32>
      %broadcast_in_dim3A_806 = arith.constant true
      %broadcast_in_dim3A_807 = vector.broadcast %broadcast_in_dim3A_806 : i1 to vector<16xi1>
      %masked_cumsum3A_808 = tpu.scan <sum>, %convert_element_type3A_805 masked %broadcast_in_dim3A_807 : vector<16xi32>, vector<16xi1> -> vector<16xi32>
      %convert_element_type3A_809 = arith.extui %and3A_581 : vector<16xi1> to vector<16xi32>
      %broadcast_in_dim3A_810 = arith.constant true
      %broadcast_in_dim3A_811 = vector.broadcast %broadcast_in_dim3A_810 : i1 to vector<16xi1>
      %masked_cumsum3A_812 = tpu.scan <sum>, %convert_element_type3A_809 masked %broadcast_in_dim3A_811 : vector<16xi32>, vector<16xi1> -> vector<16xi32>
      %convert_element_type3A_813 = arith.extui %and3A_588 : vector<16xi1> to vector<16xi32>
      %broadcast_in_dim3A_814 = arith.constant true
      %broadcast_in_dim3A_815 = vector.broadcast %broadcast_in_dim3A_814 : i1 to vector<16xi1>
      %masked_cumsum3A_816 = tpu.scan <sum>, %convert_element_type3A_813 masked %broadcast_in_dim3A_815 : vector<16xi32>, vector<16xi1> -> vector<16xi32>
      %convert_element_type3A_817 = arith.extui %and3A_595 : vector<16xi1> to vector<16xi32>
      %broadcast_in_dim3A_818 = arith.constant true
      %broadcast_in_dim3A_819 = vector.broadcast %broadcast_in_dim3A_818 : i1 to vector<16xi1>
      %masked_cumsum3A_820 = tpu.scan <sum>, %convert_element_type3A_817 masked %broadcast_in_dim3A_819 : vector<16xi32>, vector<16xi1> -> vector<16xi32>
      %convert_element_type3A_821 = arith.extui %and3A_602 : vector<16xi1> to vector<16xi32>
      %broadcast_in_dim3A_822 = arith.constant true
      %broadcast_in_dim3A_823 = vector.broadcast %broadcast_in_dim3A_822 : i1 to vector<16xi1>
      %masked_cumsum3A_824 = tpu.scan <sum>, %convert_element_type3A_821 masked %broadcast_in_dim3A_823 : vector<16xi32>, vector<16xi1> -> vector<16xi32>
      %add3A_825 = arith.addi %scan3A_510, %masked_cumsum3A : vector<16xi32>
      %sub3A_826 = arith.constant 1 : i32
      %sub3A_827 = vector.broadcast %sub3A_826 : i32 to vector<16xi32>
      %sub3A_828 = arith.subi %add3A_825, %sub3A_827 : vector<16xi32>
      tpu.vector_store_idx %arg7[%sub3A_828], %get3A_520 masked %and3A_553 : memref<16416xf32, #tpu.memory_space<vmem>>[vector<16xi32>], vector<16xf32>, vector<16xi1>
      tpu.vector_store_idx %arg8[%sub3A_828], %add3A_740 masked %and3A_553 : memref<16416xf32, #tpu.memory_space<vmem>>[vector<16xi32>], vector<16xf32>, vector<16xi1>
      tpu.vector_store_idx %arg9[%sub3A_828], %add3A_765 masked %and3A_553 : memref<16416xi32, #tpu.memory_space<vmem>>[vector<16xi32>], vector<16xi32>, vector<16xi1>
      %add3A_829 = arith.addi %scan3A_510, %all_reduce_population_count3A : vector<16xi32>
      %add3A_830 = arith.addi %add3A_829, %masked_cumsum3A_800 : vector<16xi32>
      %sub3A_831 = arith.constant 1 : i32
      %sub3A_832 = vector.broadcast %sub3A_831 : i32 to vector<16xi32>
      %sub3A_833 = arith.subi %add3A_830, %sub3A_832 : vector<16xi32>
      tpu.vector_store_idx %arg7[%sub3A_833], %get3A_524 masked %and3A_560 : memref<16416xf32, #tpu.memory_space<vmem>>[vector<16xi32>], vector<16xf32>, vector<16xi1>
      tpu.vector_store_idx %arg8[%sub3A_833], %add3A_743 masked %and3A_560 : memref<16416xf32, #tpu.memory_space<vmem>>[vector<16xi32>], vector<16xf32>, vector<16xi1>
      tpu.vector_store_idx %arg9[%sub3A_833], %add3A_769 masked %and3A_560 : memref<16416xi32, #tpu.memory_space<vmem>>[vector<16xi32>], vector<16xi32>, vector<16xi1>
      %add3A_834 = arith.addi %add3A_829, %all_reduce_population_count3A_603 : vector<16xi32>
      %add3A_835 = arith.addi %add3A_834, %masked_cumsum3A_804 : vector<16xi32>
      %sub3A_836 = arith.constant 1 : i32
      %sub3A_837 = vector.broadcast %sub3A_836 : i32 to vector<16xi32>
      %sub3A_838 = arith.subi %add3A_835, %sub3A_837 : vector<16xi32>
      tpu.vector_store_idx %arg7[%sub3A_838], %get3A_528 masked %and3A_567 : memref<16416xf32, #tpu.memory_space<vmem>>[vector<16xi32>], vector<16xf32>, vector<16xi1>
      tpu.vector_store_idx %arg8[%sub3A_838], %add3A_746 masked %and3A_567 : memref<16416xf32, #tpu.memory_space<vmem>>[vector<16xi32>], vector<16xf32>, vector<16xi1>
      tpu.vector_store_idx %arg9[%sub3A_838], %add3A_773 masked %and3A_567 : memref<16416xi32, #tpu.memory_space<vmem>>[vector<16xi32>], vector<16xi32>, vector<16xi1>
      %add3A_839 = arith.addi %add3A_834, %all_reduce_population_count3A_604 : vector<16xi32>
      %add3A_840 = arith.addi %add3A_839, %masked_cumsum3A_808 : vector<16xi32>
      %sub3A_841 = arith.constant 1 : i32
      %sub3A_842 = vector.broadcast %sub3A_841 : i32 to vector<16xi32>
      %sub3A_843 = arith.subi %add3A_840, %sub3A_842 : vector<16xi32>
      tpu.vector_store_idx %arg7[%sub3A_843], %get3A_532 masked %and3A_574 : memref<16416xf32, #tpu.memory_space<vmem>>[vector<16xi32>], vector<16xf32>, vector<16xi1>
      tpu.vector_store_idx %arg8[%sub3A_843], %add3A_749 masked %and3A_574 : memref<16416xf32, #tpu.memory_space<vmem>>[vector<16xi32>], vector<16xf32>, vector<16xi1>
      tpu.vector_store_idx %arg9[%sub3A_843], %add3A_777 masked %and3A_574 : memref<16416xi32, #tpu.memory_space<vmem>>[vector<16xi32>], vector<16xi32>, vector<16xi1>
      %add3A_844 = arith.addi %add3A_839, %all_reduce_population_count3A_605 : vector<16xi32>
      %add3A_845 = arith.addi %add3A_844, %masked_cumsum3A_812 : vector<16xi32>
      %sub3A_846 = arith.constant 1 : i32
      %sub3A_847 = vector.broadcast %sub3A_846 : i32 to vector<16xi32>
      %sub3A_848 = arith.subi %add3A_845, %sub3A_847 : vector<16xi32>
      tpu.vector_store_idx %arg7[%sub3A_848], %get3A_536 masked %and3A_581 : memref<16416xf32, #tpu.memory_space<vmem>>[vector<16xi32>], vector<16xf32>, vector<16xi1>
      tpu.vector_store_idx %arg8[%sub3A_848], %add3A_752 masked %and3A_581 : memref<16416xf32, #tpu.memory_space<vmem>>[vector<16xi32>], vector<16xf32>, vector<16xi1>
      tpu.vector_store_idx %arg9[%sub3A_848], %add3A_781 masked %and3A_581 : memref<16416xi32, #tpu.memory_space<vmem>>[vector<16xi32>], vector<16xi32>, vector<16xi1>
      %add3A_849 = arith.addi %add3A_844, %all_reduce_population_count3A_606 : vector<16xi32>
      %add3A_850 = arith.addi %add3A_849, %masked_cumsum3A_816 : vector<16xi32>
      %sub3A_851 = arith.constant 1 : i32
      %sub3A_852 = vector.broadcast %sub3A_851 : i32 to vector<16xi32>
      %sub3A_853 = arith.subi %add3A_850, %sub3A_852 : vector<16xi32>
      tpu.vector_store_idx %arg7[%sub3A_853], %get3A_540 masked %and3A_588 : memref<16416xf32, #tpu.memory_space<vmem>>[vector<16xi32>], vector<16xf32>, vector<16xi1>
      tpu.vector_store_idx %arg8[%sub3A_853], %add3A_755 masked %and3A_588 : memref<16416xf32, #tpu.memory_space<vmem>>[vector<16xi32>], vector<16xf32>, vector<16xi1>
      tpu.vector_store_idx %arg9[%sub3A_853], %add3A_785 masked %and3A_588 : memref<16416xi32, #tpu.memory_space<vmem>>[vector<16xi32>], vector<16xi32>, vector<16xi1>
      %add3A_854 = arith.addi %add3A_849, %all_reduce_population_count3A_607 : vector<16xi32>
      %add3A_855 = arith.addi %add3A_854, %masked_cumsum3A_820 : vector<16xi32>
      %sub3A_856 = arith.constant 1 : i32
      %sub3A_857 = vector.broadcast %sub3A_856 : i32 to vector<16xi32>
      %sub3A_858 = arith.subi %add3A_855, %sub3A_857 : vector<16xi32>
      tpu.vector_store_idx %arg7[%sub3A_858], %get3A_544 masked %and3A_595 : memref<16416xf32, #tpu.memory_space<vmem>>[vector<16xi32>], vector<16xf32>, vector<16xi1>
      tpu.vector_store_idx %arg8[%sub3A_858], %add3A_758 masked %and3A_595 : memref<16416xf32, #tpu.memory_space<vmem>>[vector<16xi32>], vector<16xf32>, vector<16xi1>
      tpu.vector_store_idx %arg9[%sub3A_858], %add3A_789 masked %and3A_595 : memref<16416xi32, #tpu.memory_space<vmem>>[vector<16xi32>], vector<16xi32>, vector<16xi1>
      %add3A_859 = arith.addi %add3A_854, %all_reduce_population_count3A_608 : vector<16xi32>
      %add3A_860 = arith.addi %add3A_859, %masked_cumsum3A_824 : vector<16xi32>
      %sub3A_861 = arith.constant 1 : i32
      %sub3A_862 = vector.broadcast %sub3A_861 : i32 to vector<16xi32>
      %sub3A_863 = arith.subi %add3A_860, %sub3A_862 : vector<16xi32>
      tpu.vector_store_idx %arg7[%sub3A_863], %get3A_548 masked %and3A_602 : memref<16416xf32, #tpu.memory_space<vmem>>[vector<16xi32>], vector<16xf32>, vector<16xi1>
      tpu.vector_store_idx %arg8[%sub3A_863], %add3A_761 masked %and3A_602 : memref<16416xf32, #tpu.memory_space<vmem>>[vector<16xi32>], vector<16xf32>, vector<16xi1>
      tpu.vector_store_idx %arg9[%sub3A_863], %add3A_793 masked %and3A_602 : memref<16416xi32, #tpu.memory_space<vmem>>[vector<16xi32>], vector<16xi32>, vector<16xi1>
      %add3A_864 = arith.addi %add3A_859, %all_reduce_population_count3A_609 : vector<16xi32>
      %add3A_865 = arith.constant 128 : i32
      %add3A_866 = arith.addi %multiple_of3A, %add3A_865 : i32
      %get3A_867 = arith.index_cast %add3A_866 : i32 to index
      %get3A_868 = tpu.vector_load %arg5[%get3A_867] {strides = array<i32>} : memref<16384xf32, #tpu.memory_space<vmem>>, vector<16xf32>,
      %add3A_869 = arith.constant 144 : i32
      %add3A_870 = arith.addi %multiple_of3A, %add3A_869 : i32
      %get3A_871 = arith.index_cast %add3A_870 : i32 to index
      %get3A_872 = tpu.vector_load %arg5[%get3A_871] {strides = array<i32>} : memref<16384xf32, #tpu.memory_space<vmem>>, vector<16xf32>,
      %add3A_873 = arith.constant 160 : i32
      %add3A_874 = arith.addi %multiple_of3A, %add3A_873 : i32
      %get3A_875 = arith.index_cast %add3A_874 : i32 to index
      %get3A_876 = tpu.vector_load %arg5[%get3A_875] {strides = array<i32>} : memref<16384xf32, #tpu.memory_space<vmem>>, vector<16xf32>,
      %add3A_877 = arith.constant 176 : i32
      %add3A_878 = arith.addi %multiple_of3A, %add3A_877 : i32
      %get3A_879 = arith.index_cast %add3A_878 : i32 to index
      %get3A_880 = tpu.vector_load %arg5[%get3A_879] {strides = array<i32>} : memref<16384xf32, #tpu.memory_space<vmem>>, vector<16xf32>,
      %add3A_881 = arith.constant 192 : i32
      %add3A_882 = arith.addi %multiple_of3A, %add3A_881 : i32
      %get3A_883 = arith.index_cast %add3A_882 : i32 to index
      %get3A_884 = tpu.vector_load %arg5[%get3A_883] {strides = array<i32>} : memref<16384xf32, #tpu.memory_space<vmem>>, vector<16xf32>,
      %add3A_885 = arith.constant 208 : i32
      %add3A_886 = arith.addi %multiple_of3A, %add3A_885 : i32
      %get3A_887 = arith.index_cast %add3A_886 : i32 to index
      %get3A_888 = tpu.vector_load %arg5[%get3A_887] {strides = array<i32>} : memref<16384xf32, #tpu.memory_space<vmem>>, vector<16xf32>,
      %add3A_889 = arith.constant 224 : i32
      %add3A_890 = arith.addi %multiple_of3A, %add3A_889 : i32
      %get3A_891 = arith.index_cast %add3A_890 : i32 to index
      %get3A_892 = tpu.vector_load %arg5[%get3A_891] {strides = array<i32>} : memref<16384xf32, #tpu.memory_space<vmem>>, vector<16xf32>,
      %add3A_893 = arith.constant 240 : i32
      %add3A_894 = arith.addi %multiple_of3A, %add3A_893 : i32
      %get3A_895 = arith.index_cast %add3A_894 : i32 to index
      %get3A_896 = tpu.vector_load %arg5[%get3A_895] {strides = array<i32>} : memref<16384xf32, #tpu.memory_space<vmem>>, vector<16xf32>,
      %gt3A_897 = arith.constant 0.000000e+00 : f32
      %gt3A_898 = vector.broadcast %gt3A_897 : f32 to vector<16xf32>
      %gt3A_899 = arith.cmpf ogt, %get3A_868, %gt3A_898 : vector<16xf32>
      %lt3A_900 = arith.constant 5.200000e+00 : f32
      %lt3A_901 = vector.broadcast %lt3A_900 : f32 to vector<16xf32>
      %lt3A_902 = arith.cmpf olt, %get3A_868, %lt3A_901 : vector<16xf32>
      %and3A_903 = arith.andi %gt3A_899, %lt3A_902 : vector<16xi1>
      %gt3A_904 = arith.constant 0.000000e+00 : f32
      %gt3A_905 = vector.broadcast %gt3A_904 : f32 to vector<16xf32>
      %gt3A_906 = arith.cmpf ogt, %get3A_872, %gt3A_905 : vector<16xf32>
      %lt3A_907 = arith.constant 5.200000e+00 : f32
      %lt3A_908 = vector.broadcast %lt3A_907 : f32 to vector<16xf32>
      %lt3A_909 = arith.cmpf olt, %get3A_872, %lt3A_908 : vector<16xf32>
      %and3A_910 = arith.andi %gt3A_906, %lt3A_909 : vector<16xi1>
      %gt3A_911 = arith.constant 0.000000e+00 : f32
      %gt3A_912 = vector.broadcast %gt3A_911 : f32 to vector<16xf32>
      %gt3A_913 = arith.cmpf ogt, %get3A_876, %gt3A_912 : vector<16xf32>
      %lt3A_914 = arith.constant 5.200000e+00 : f32
      %lt3A_915 = vector.broadcast %lt3A_914 : f32 to vector<16xf32>
      %lt3A_916 = arith.cmpf olt, %get3A_876, %lt3A_915 : vector<16xf32>
      %and3A_917 = arith.andi %gt3A_913, %lt3A_916 : vector<16xi1>
      %gt3A_918 = arith.constant 0.000000e+00 : f32
      %gt3A_919 = vector.broadcast %gt3A_918 : f32 to vector<16xf32>
      %gt3A_920 = arith.cmpf ogt, %get3A_880, %gt3A_919 : vector<16xf32>
      %lt3A_921 = arith.constant 5.200000e+00 : f32
      %lt3A_922 = vector.broadcast %lt3A_921 : f32 to vector<16xf32>
      %lt3A_923 = arith.cmpf olt, %get3A_880, %lt3A_922 : vector<16xf32>
      %and3A_924 = arith.andi %gt3A_920, %lt3A_923 : vector<16xi1>
      %gt3A_925 = arith.constant 0.000000e+00 : f32
      %gt3A_926 = vector.broadcast %gt3A_925 : f32 to vector<16xf32>
      %gt3A_927 = arith.cmpf ogt, %get3A_884, %gt3A_926 : vector<16xf32>
      %lt3A_928 = arith.constant 5.200000e+00 : f32
      %lt3A_929 = vector.broadcast %lt3A_928 : f32 to vector<16xf32>
      %lt3A_930 = arith.cmpf olt, %get3A_884, %lt3A_929 : vector<16xf32>
      %and3A_931 = arith.andi %gt3A_927, %lt3A_930 : vector<16xi1>
      %gt3A_932 = arith.constant 0.000000e+00 : f32
      %gt3A_933 = vector.broadcast %gt3A_932 : f32 to vector<16xf32>
      %gt3A_934 = arith.cmpf ogt, %get3A_888, %gt3A_933 : vector<16xf32>
      %lt3A_935 = arith.constant 5.200000e+00 : f32
      %lt3A_936 = vector.broadcast %lt3A_935 : f32 to vector<16xf32>
      %lt3A_937 = arith.cmpf olt, %get3A_888, %lt3A_936 : vector<16xf32>
      %and3A_938 = arith.andi %gt3A_934, %lt3A_937 : vector<16xi1>
      %gt3A_939 = arith.constant 0.000000e+00 : f32
      %gt3A_940 = vector.broadcast %gt3A_939 : f32 to vector<16xf32>
      %gt3A_941 = arith.cmpf ogt, %get3A_892, %gt3A_940 : vector<16xf32>
      %lt3A_942 = arith.constant 5.200000e+00 : f32
      %lt3A_943 = vector.broadcast %lt3A_942 : f32 to vector<16xf32>
      %lt3A_944 = arith.cmpf olt, %get3A_892, %lt3A_943 : vector<16xf32>
      %and3A_945 = arith.andi %gt3A_941, %lt3A_944 : vector<16xi1>
      %gt3A_946 = arith.constant 0.000000e+00 : f32
      %gt3A_947 = vector.broadcast %gt3A_946 : f32 to vector<16xf32>
      %gt3A_948 = arith.cmpf ogt, %get3A_896, %gt3A_947 : vector<16xf32>
      %lt3A_949 = arith.constant 5.200000e+00 : f32
      %lt3A_950 = vector.broadcast %lt3A_949 : f32 to vector<16xf32>
      %lt3A_951 = arith.cmpf olt, %get3A_896, %lt3A_950 : vector<16xf32>
      %and3A_952 = arith.andi %gt3A_948, %lt3A_951 : vector<16xi1>
      %all_reduce_population_count3A_953 = tpu.all_reduce %and3A_903 {dim = 0 : i64, kind = #tpu.reduction_kind<sum>} : vector<16xi1> -> vector<16xi32>
      %all_reduce_population_count3A_954 = tpu.all_reduce %and3A_910 {dim = 0 : i64, kind = #tpu.reduction_kind<sum>} : vector<16xi1> -> vector<16xi32>
      %all_reduce_population_count3A_955 = tpu.all_reduce %and3A_917 {dim = 0 : i64, kind = #tpu.reduction_kind<sum>} : vector<16xi1> -> vector<16xi32>
      %all_reduce_population_count3A_956 = tpu.all_reduce %and3A_924 {dim = 0 : i64, kind = #tpu.reduction_kind<sum>} : vector<16xi1> -> vector<16xi32>
      %all_reduce_population_count3A_957 = tpu.all_reduce %and3A_931 {dim = 0 : i64, kind = #tpu.reduction_kind<sum>} : vector<16xi1> -> vector<16xi32>
      %all_reduce_population_count3A_958 = tpu.all_reduce %and3A_938 {dim = 0 : i64, kind = #tpu.reduction_kind<sum>} : vector<16xi1> -> vector<16xi32>
      %all_reduce_population_count3A_959 = tpu.all_reduce %and3A_945 {dim = 0 : i64, kind = #tpu.reduction_kind<sum>} : vector<16xi1> -> vector<16xi32>
      %all_reduce_population_count3A_960 = tpu.all_reduce %and3A_952 {dim = 0 : i64, kind = #tpu.reduction_kind<sum>} : vector<16xi1> -> vector<16xi32>
      %mul3A_961 = arith.mulf %get3A_868, %get3A_868 : vector<16xf32>
      %mul3A_962 = arith.mulf %get3A_872, %get3A_872 : vector<16xf32>
      %mul3A_963 = arith.mulf %get3A_876, %get3A_876 : vector<16xf32>
      %mul3A_964 = arith.mulf %get3A_880, %get3A_880 : vector<16xf32>
      %mul3A_965 = arith.mulf %get3A_884, %get3A_884 : vector<16xf32>
      %mul3A_966 = arith.mulf %get3A_888, %get3A_888 : vector<16xf32>
      %mul3A_967 = arith.mulf %get3A_892, %get3A_892 : vector<16xf32>
      %mul3A_968 = arith.mulf %get3A_896, %get3A_896 : vector<16xf32>
      %mul3A_969 = arith.constant 1.66674269E-7 : f32
      %mul3A_970 = vector.broadcast %mul3A_969 : f32 to vector<16xf32>
      %mul3A_971 = arith.mulf %mul3A_961, %mul3A_970 : vector<16xf32>
      %add3A_972 = arith.constant -3.25573237E-5 : f32
      %add3A_973 = vector.broadcast %add3A_972 : f32 to vector<16xf32>
      %add3A_974 = arith.addf %mul3A_971, %add3A_973 : vector<16xf32>
      %mul3A_975 = arith.constant 1.66674269E-7 : f32
      %mul3A_976 = vector.broadcast %mul3A_975 : f32 to vector<16xf32>
      %mul3A_977 = arith.mulf %mul3A_962, %mul3A_976 : vector<16xf32>
      %add3A_978 = arith.constant -3.25573237E-5 : f32
      %add3A_979 = vector.broadcast %add3A_978 : f32 to vector<16xf32>
      %add3A_980 = arith.addf %mul3A_977, %add3A_979 : vector<16xf32>
      %mul3A_981 = arith.constant 1.66674269E-7 : f32
      %mul3A_982 = vector.broadcast %mul3A_981 : f32 to vector<16xf32>
      %mul3A_983 = arith.mulf %mul3A_963, %mul3A_982 : vector<16xf32>
      %add3A_984 = arith.constant -3.25573237E-5 : f32
      %add3A_985 = vector.broadcast %add3A_984 : f32 to vector<16xf32>
      %add3A_986 = arith.addf %mul3A_983, %add3A_985 : vector<16xf32>
      %mul3A_987 = arith.constant 1.66674269E-7 : f32
      %mul3A_988 = vector.broadcast %mul3A_987 : f32 to vector<16xf32>
      %mul3A_989 = arith.mulf %mul3A_964, %mul3A_988 : vector<16xf32>
      %add3A_990 = arith.constant -3.25573237E-5 : f32
      %add3A_991 = vector.broadcast %add3A_990 : f32 to vector<16xf32>
      %add3A_992 = arith.addf %mul3A_989, %add3A_991 : vector<16xf32>
      %mul3A_993 = arith.constant 1.66674269E-7 : f32
      %mul3A_994 = vector.broadcast %mul3A_993 : f32 to vector<16xf32>
      %mul3A_995 = arith.mulf %mul3A_965, %mul3A_994 : vector<16xf32>
      %add3A_996 = arith.constant -3.25573237E-5 : f32
      %add3A_997 = vector.broadcast %add3A_996 : f32 to vector<16xf32>
      %add3A_998 = arith.addf %mul3A_995, %add3A_997 : vector<16xf32>
      %mul3A_999 = arith.constant 1.66674269E-7 : f32
      %mul3A_1000 = vector.broadcast %mul3A_999 : f32 to vector<16xf32>
      %mul3A_1001 = arith.mulf %mul3A_966, %mul3A_1000 : vector<16xf32>
      %add3A_1002 = arith.constant -3.25573237E-5 : f32
      %add3A_1003 = vector.broadcast %add3A_1002 : f32 to vector<16xf32>
      %add3A_1004 = arith.addf %mul3A_1001, %add3A_1003 : vector<16xf32>
      %mul3A_1005 = arith.constant 1.66674269E-7 : f32
      %mul3A_1006 = vector.broadcast %mul3A_1005 : f32 to vector<16xf32>
      %mul3A_1007 = arith.mulf %mul3A_967, %mul3A_1006 : vector<16xf32>
      %add3A_1008 = arith.constant -3.25573237E-5 : f32
      %add3A_1009 = vector.broadcast %add3A_1008 : f32 to vector<16xf32>
      %add3A_1010 = arith.addf %mul3A_1007, %add3A_1009 : vector<16xf32>
      %mul3A_1011 = arith.constant 1.66674269E-7 : f32
      %mul3A_1012 = vector.broadcast %mul3A_1011 : f32 to vector<16xf32>
      %mul3A_1013 = arith.mulf %mul3A_968, %mul3A_1012 : vector<16xf32>
      %add3A_1014 = arith.constant -3.25573237E-5 : f32
      %add3A_1015 = vector.broadcast %add3A_1014 : f32 to vector<16xf32>
      %add3A_1016 = arith.addf %mul3A_1013, %add3A_1015 : vector<16xf32>
      %mul3A_1017 = arith.mulf %add3A_974, %mul3A_961 : vector<16xf32>
      %mul3A_1018 = arith.mulf %add3A_980, %mul3A_962 : vector<16xf32>
      %mul3A_1019 = arith.mulf %add3A_986, %mul3A_963 : vector<16xf32>
      %mul3A_1020 = arith.mulf %add3A_992, %mul3A_964 : vector<16xf32>
      %mul3A_1021 = arith.mulf %add3A_998, %mul3A_965 : vector<16xf32>
      %mul3A_1022 = arith.mulf %add3A_1004, %mul3A_966 : vector<16xf32>
      %mul3A_1023 = arith.mulf %add3A_1010, %mul3A_967 : vector<16xf32>
      %mul3A_1024 = arith.mulf %add3A_1016, %mul3A_968 : vector<16xf32>
      %add3A_1025 = arith.constant 0.00276407087 : f32
      %add3A_1026 = vector.broadcast %add3A_1025 : f32 to vector<16xf32>
      %add3A_1027 = arith.addf %mul3A_1017, %add3A_1026 : vector<16xf32>
      %add3A_1028 = arith.constant 0.00276407087 : f32
      %add3A_1029 = vector.broadcast %add3A_1028 : f32 to vector<16xf32>
      %add3A_1030 = arith.addf %mul3A_1018, %add3A_1029 : vector<16xf32>
      %add3A_1031 = arith.constant 0.00276407087 : f32
      %add3A_1032 = vector.broadcast %add3A_1031 : f32 to vector<16xf32>
      %add3A_1033 = arith.addf %mul3A_1019, %add3A_1032 : vector<16xf32>
      %add3A_1034 = arith.constant 0.00276407087 : f32
      %add3A_1035 = vector.broadcast %add3A_1034 : f32 to vector<16xf32>
      %add3A_1036 = arith.addf %mul3A_1020, %add3A_1035 : vector<16xf32>
      %add3A_1037 = arith.constant 0.00276407087 : f32
      %add3A_1038 = vector.broadcast %add3A_1037 : f32 to vector<16xf32>
      %add3A_1039 = arith.addf %mul3A_1021, %add3A_1038 : vector<16xf32>
      %add3A_1040 = arith.constant 0.00276407087 : f32
      %add3A_1041 = vector.broadcast %add3A_1040 : f32 to vector<16xf32>
      %add3A_1042 = arith.addf %mul3A_1022, %add3A_1041 : vector<16xf32>
      %add3A_1043 = arith.constant 0.00276407087 : f32
      %add3A_1044 = vector.broadcast %add3A_1043 : f32 to vector<16xf32>
      %add3A_1045 = arith.addf %mul3A_1023, %add3A_1044 : vector<16xf32>
      %add3A_1046 = arith.constant 0.00276407087 : f32
      %add3A_1047 = vector.broadcast %add3A_1046 : f32 to vector<16xf32>
      %add3A_1048 = arith.addf %mul3A_1024, %add3A_1047 : vector<16xf32>
      %mul3A_1049 = arith.mulf %add3A_1027, %mul3A_961 : vector<16xf32>
      %mul3A_1050 = arith.mulf %add3A_1030, %mul3A_962 : vector<16xf32>
      %mul3A_1051 = arith.mulf %add3A_1033, %mul3A_963 : vector<16xf32>
      %mul3A_1052 = arith.mulf %add3A_1036, %mul3A_964 : vector<16xf32>
      %mul3A_1053 = arith.mulf %add3A_1039, %mul3A_965 : vector<16xf32>
      %mul3A_1054 = arith.mulf %add3A_1042, %mul3A_966 : vector<16xf32>
      %mul3A_1055 = arith.mulf %add3A_1045, %mul3A_967 : vector<16xf32>
      %mul3A_1056 = arith.mulf %add3A_1048, %mul3A_968 : vector<16xf32>
      %add3A_1057 = arith.constant -0.0912118256 : f32
      %add3A_1058 = vector.broadcast %add3A_1057 : f32 to vector<16xf32>
      %add3A_1059 = arith.addf %mul3A_1049, %add3A_1058 : vector<16xf32>
      %add3A_1060 = arith.constant -0.0912118256 : f32
      %add3A_1061 = vector.broadcast %add3A_1060 : f32 to vector<16xf32>
      %add3A_1062 = arith.addf %mul3A_1050, %add3A_1061 : vector<16xf32>
      %add3A_1063 = arith.constant -0.0912118256 : f32
      %add3A_1064 = vector.broadcast %add3A_1063 : f32 to vector<16xf32>
      %add3A_1065 = arith.addf %mul3A_1051, %add3A_1064 : vector<16xf32>
      %add3A_1066 = arith.constant -0.0912118256 : f32
      %add3A_1067 = vector.broadcast %add3A_1066 : f32 to vector<16xf32>
      %add3A_1068 = arith.addf %mul3A_1052, %add3A_1067 : vector<16xf32>
      %add3A_1069 = arith.constant -0.0912118256 : f32
      %add3A_1070 = vector.broadcast %add3A_1069 : f32 to vector<16xf32>
      %add3A_1071 = arith.addf %mul3A_1053, %add3A_1070 : vector<16xf32>
      %add3A_1072 = arith.constant -0.0912118256 : f32
      %add3A_1073 = vector.broadcast %add3A_1072 : f32 to vector<16xf32>
      %add3A_1074 = arith.addf %mul3A_1054, %add3A_1073 : vector<16xf32>
      %add3A_1075 = arith.constant -0.0912118256 : f32
      %add3A_1076 = vector.broadcast %add3A_1075 : f32 to vector<16xf32>
      %add3A_1077 = arith.addf %mul3A_1055, %add3A_1076 : vector<16xf32>
      %add3A_1078 = arith.constant -0.0912118256 : f32
      %add3A_1079 = vector.broadcast %add3A_1078 : f32 to vector<16xf32>
      %add3A_1080 = arith.addf %mul3A_1056, %add3A_1079 : vector<16xf32>
      %mul3A_1081 = arith.mulf %add3A_1059, %mul3A_961 : vector<16xf32>
      %mul3A_1082 = arith.mulf %add3A_1062, %mul3A_962 : vector<16xf32>
      %mul3A_1083 = arith.mulf %add3A_1065, %mul3A_963 : vector<16xf32>
      %mul3A_1084 = arith.mulf %add3A_1068, %mul3A_964 : vector<16xf32>
      %mul3A_1085 = arith.mulf %add3A_1071, %mul3A_965 : vector<16xf32>
      %mul3A_1086 = arith.mulf %add3A_1074, %mul3A_966 : vector<16xf32>
      %mul3A_1087 = arith.mulf %add3A_1077, %mul3A_967 : vector<16xf32>
      %mul3A_1088 = arith.mulf %add3A_1080, %mul3A_968 : vector<16xf32>
      %add3A_1089 = arith.constant 0.999979496 : f32
      %add3A_1090 = vector.broadcast %add3A_1089 : f32 to vector<16xf32>
      %add3A_1091 = arith.addf %mul3A_1081, %add3A_1090 : vector<16xf32>
      %add3A_1092 = arith.constant 0.999979496 : f32
      %add3A_1093 = vector.broadcast %add3A_1092 : f32 to vector<16xf32>
      %add3A_1094 = arith.addf %mul3A_1082, %add3A_1093 : vector<16xf32>
      %add3A_1095 = arith.constant 0.999979496 : f32
      %add3A_1096 = vector.broadcast %add3A_1095 : f32 to vector<16xf32>
      %add3A_1097 = arith.addf %mul3A_1083, %add3A_1096 : vector<16xf32>
      %add3A_1098 = arith.constant 0.999979496 : f32
      %add3A_1099 = vector.broadcast %add3A_1098 : f32 to vector<16xf32>
      %add3A_1100 = arith.addf %mul3A_1084, %add3A_1099 : vector<16xf32>
      %add3A_1101 = arith.constant 0.999979496 : f32
      %add3A_1102 = vector.broadcast %add3A_1101 : f32 to vector<16xf32>
      %add3A_1103 = arith.addf %mul3A_1085, %add3A_1102 : vector<16xf32>
      %add3A_1104 = arith.constant 0.999979496 : f32
      %add3A_1105 = vector.broadcast %add3A_1104 : f32 to vector<16xf32>
      %add3A_1106 = arith.addf %mul3A_1086, %add3A_1105 : vector<16xf32>
      %add3A_1107 = arith.constant 0.999979496 : f32
      %add3A_1108 = vector.broadcast %add3A_1107 : f32 to vector<16xf32>
      %add3A_1109 = arith.addf %mul3A_1087, %add3A_1108 : vector<16xf32>
      %add3A_1110 = arith.constant 0.999979496 : f32
      %add3A_1111 = vector.broadcast %add3A_1110 : f32 to vector<16xf32>
      %add3A_1112 = arith.addf %mul3A_1088, %add3A_1111 : vector<16xf32>
      %get3A_1113 = arith.constant 128 : index
      %get3A_1114 = tpu.vector_load %arg10[%get3A_1113] {strides = array<i32>} : memref<256xi32, #tpu.memory_space<vmem>>, vector<16xi32>,
      %add3A_1115 = vector.broadcast %mul3A_516 : i32 to vector<16xi32>
      %add3A_1116 = arith.addi %get3A_1114, %add3A_1115 : vector<16xi32>
      %get3A_1117 = arith.constant 144 : index
      %get3A_1118 = tpu.vector_load %arg10[%get3A_1117] {strides = array<i32>} : memref<256xi32, #tpu.memory_space<vmem>>, vector<16xi32>,
      %add3A_1119 = vector.broadcast %mul3A_516 : i32 to vector<16xi32>
      %add3A_1120 = arith.addi %get3A_1118, %add3A_1119 : vector<16xi32>
      %get3A_1121 = arith.constant 160 : index
      %get3A_1122 = tpu.vector_load %arg10[%get3A_1121] {strides = array<i32>} : memref<256xi32, #tpu.memory_space<vmem>>, vector<16xi32>,
      %add3A_1123 = vector.broadcast %mul3A_516 : i32 to vector<16xi32>
      %add3A_1124 = arith.addi %get3A_1122, %add3A_1123 : vector<16xi32>
      %get3A_1125 = arith.constant 176 : index
      %get3A_1126 = tpu.vector_load %arg10[%get3A_1125] {strides = array<i32>} : memref<256xi32, #tpu.memory_space<vmem>>, vector<16xi32>,
      %add3A_1127 = vector.broadcast %mul3A_516 : i32 to vector<16xi32>
      %add3A_1128 = arith.addi %get3A_1126, %add3A_1127 : vector<16xi32>
      %get3A_1129 = arith.constant 192 : index
      %get3A_1130 = tpu.vector_load %arg10[%get3A_1129] {strides = array<i32>} : memref<256xi32, #tpu.memory_space<vmem>>, vector<16xi32>,
      %add3A_1131 = vector.broadcast %mul3A_516 : i32 to vector<16xi32>
      %add3A_1132 = arith.addi %get3A_1130, %add3A_1131 : vector<16xi32>
      %get3A_1133 = arith.constant 208 : index
      %get3A_1134 = tpu.vector_load %arg10[%get3A_1133] {strides = array<i32>} : memref<256xi32, #tpu.memory_space<vmem>>, vector<16xi32>,
      %add3A_1135 = vector.broadcast %mul3A_516 : i32 to vector<16xi32>
      %add3A_1136 = arith.addi %get3A_1134, %add3A_1135 : vector<16xi32>
      %get3A_1137 = arith.constant 224 : index
      %get3A_1138 = tpu.vector_load %arg10[%get3A_1137] {strides = array<i32>} : memref<256xi32, #tpu.memory_space<vmem>>, vector<16xi32>,
      %add3A_1139 = vector.broadcast %mul3A_516 : i32 to vector<16xi32>
      %add3A_1140 = arith.addi %get3A_1138, %add3A_1139 : vector<16xi32>
      %get3A_1141 = arith.constant 240 : index
      %get3A_1142 = tpu.vector_load %arg10[%get3A_1141] {strides = array<i32>} : memref<256xi32, #tpu.memory_space<vmem>>, vector<16xi32>,
      %add3A_1143 = vector.broadcast %mul3A_516 : i32 to vector<16xi32>
      %add3A_1144 = arith.addi %get3A_1142, %add3A_1143 : vector<16xi32>
      %convert_element_type3A_1145 = arith.extui %and3A_903 : vector<16xi1> to vector<16xi32>
      %broadcast_in_dim3A_1146 = arith.constant true
      %broadcast_in_dim3A_1147 = vector.broadcast %broadcast_in_dim3A_1146 : i1 to vector<16xi1>
      %masked_cumsum3A_1148 = tpu.scan <sum>, %convert_element_type3A_1145 masked %broadcast_in_dim3A_1147 : vector<16xi32>, vector<16xi1> -> vector<16xi32>
      %convert_element_type3A_1149 = arith.extui %and3A_910 : vector<16xi1> to vector<16xi32>
      %broadcast_in_dim3A_1150 = arith.constant true
      %broadcast_in_dim3A_1151 = vector.broadcast %broadcast_in_dim3A_1150 : i1 to vector<16xi1>
      %masked_cumsum3A_1152 = tpu.scan <sum>, %convert_element_type3A_1149 masked %broadcast_in_dim3A_1151 : vector<16xi32>, vector<16xi1> -> vector<16xi32>
      %convert_element_type3A_1153 = arith.extui %and3A_917 : vector<16xi1> to vector<16xi32>
      %broadcast_in_dim3A_1154 = arith.constant true
      %broadcast_in_dim3A_1155 = vector.broadcast %broadcast_in_dim3A_1154 : i1 to vector<16xi1>
      %masked_cumsum3A_1156 = tpu.scan <sum>, %convert_element_type3A_1153 masked %broadcast_in_dim3A_1155 : vector<16xi32>, vector<16xi1> -> vector<16xi32>
      %convert_element_type3A_1157 = arith.extui %and3A_924 : vector<16xi1> to vector<16xi32>
      %broadcast_in_dim3A_1158 = arith.constant true
      %broadcast_in_dim3A_1159 = vector.broadcast %broadcast_in_dim3A_1158 : i1 to vector<16xi1>
      %masked_cumsum3A_1160 = tpu.scan <sum>, %convert_element_type3A_1157 masked %broadcast_in_dim3A_1159 : vector<16xi32>, vector<16xi1> -> vector<16xi32>
      %convert_element_type3A_1161 = arith.extui %and3A_931 : vector<16xi1> to vector<16xi32>
      %broadcast_in_dim3A_1162 = arith.constant true
      %broadcast_in_dim3A_1163 = vector.broadcast %broadcast_in_dim3A_1162 : i1 to vector<16xi1>
      %masked_cumsum3A_1164 = tpu.scan <sum>, %convert_element_type3A_1161 masked %broadcast_in_dim3A_1163 : vector<16xi32>, vector<16xi1> -> vector<16xi32>
      %convert_element_type3A_1165 = arith.extui %and3A_938 : vector<16xi1> to vector<16xi32>
      %broadcast_in_dim3A_1166 = arith.constant true
      %broadcast_in_dim3A_1167 = vector.broadcast %broadcast_in_dim3A_1166 : i1 to vector<16xi1>
      %masked_cumsum3A_1168 = tpu.scan <sum>, %convert_element_type3A_1165 masked %broadcast_in_dim3A_1167 : vector<16xi32>, vector<16xi1> -> vector<16xi32>
      %convert_element_type3A_1169 = arith.extui %and3A_945 : vector<16xi1> to vector<16xi32>
      %broadcast_in_dim3A_1170 = arith.constant true
      %broadcast_in_dim3A_1171 = vector.broadcast %broadcast_in_dim3A_1170 : i1 to vector<16xi1>
      %masked_cumsum3A_1172 = tpu.scan <sum>, %convert_element_type3A_1169 masked %broadcast_in_dim3A_1171 : vector<16xi32>, vector<16xi1> -> vector<16xi32>
      %convert_element_type3A_1173 = arith.extui %and3A_952 : vector<16xi1> to vector<16xi32>
      %broadcast_in_dim3A_1174 = arith.constant true
      %broadcast_in_dim3A_1175 = vector.broadcast %broadcast_in_dim3A_1174 : i1 to vector<16xi1>
      %masked_cumsum3A_1176 = tpu.scan <sum>, %convert_element_type3A_1173 masked %broadcast_in_dim3A_1175 : vector<16xi32>, vector<16xi1> -> vector<16xi32>
      %add3A_1177 = arith.addi %add3A_864, %masked_cumsum3A_1148 : vector<16xi32>
      %sub3A_1178 = arith.constant 1 : i32
      %sub3A_1179 = vector.broadcast %sub3A_1178 : i32 to vector<16xi32>
      %sub3A_1180 = arith.subi %add3A_1177, %sub3A_1179 : vector<16xi32>
      tpu.vector_store_idx %arg7[%sub3A_1180], %get3A_868 masked %and3A_903 : memref<16416xf32, #tpu.memory_space<vmem>>[vector<16xi32>], vector<16xf32>, vector<16xi1>
      tpu.vector_store_idx %arg8[%sub3A_1180], %add3A_1091 masked %and3A_903 : memref<16416xf32, #tpu.memory_space<vmem>>[vector<16xi32>], vector<16xf32>, vector<16xi1>
      tpu.vector_store_idx %arg9[%sub3A_1180], %add3A_1116 masked %and3A_903 : memref<16416xi32, #tpu.memory_space<vmem>>[vector<16xi32>], vector<16xi32>, vector<16xi1>
      %add3A_1181 = arith.addi %add3A_864, %all_reduce_population_count3A_953 : vector<16xi32>
      %add3A_1182 = arith.addi %add3A_1181, %masked_cumsum3A_1152 : vector<16xi32>
      %sub3A_1183 = arith.constant 1 : i32
      %sub3A_1184 = vector.broadcast %sub3A_1183 : i32 to vector<16xi32>
      %sub3A_1185 = arith.subi %add3A_1182, %sub3A_1184 : vector<16xi32>
      tpu.vector_store_idx %arg7[%sub3A_1185], %get3A_872 masked %and3A_910 : memref<16416xf32, #tpu.memory_space<vmem>>[vector<16xi32>], vector<16xf32>, vector<16xi1>
      tpu.vector_store_idx %arg8[%sub3A_1185], %add3A_1094 masked %and3A_910 : memref<16416xf32, #tpu.memory_space<vmem>>[vector<16xi32>], vector<16xf32>, vector<16xi1>
      tpu.vector_store_idx %arg9[%sub3A_1185], %add3A_1120 masked %and3A_910 : memref<16416xi32, #tpu.memory_space<vmem>>[vector<16xi32>], vector<16xi32>, vector<16xi1>
      %add3A_1186 = arith.addi %add3A_1181, %all_reduce_population_count3A_954 : vector<16xi32>
      %add3A_1187 = arith.addi %add3A_1186, %masked_cumsum3A_1156 : vector<16xi32>
      %sub3A_1188 = arith.constant 1 : i32
      %sub3A_1189 = vector.broadcast %sub3A_1188 : i32 to vector<16xi32>
      %sub3A_1190 = arith.subi %add3A_1187, %sub3A_1189 : vector<16xi32>
      tpu.vector_store_idx %arg7[%sub3A_1190], %get3A_876 masked %and3A_917 : memref<16416xf32, #tpu.memory_space<vmem>>[vector<16xi32>], vector<16xf32>, vector<16xi1>
      tpu.vector_store_idx %arg8[%sub3A_1190], %add3A_1097 masked %and3A_917 : memref<16416xf32, #tpu.memory_space<vmem>>[vector<16xi32>], vector<16xf32>, vector<16xi1>
      tpu.vector_store_idx %arg9[%sub3A_1190], %add3A_1124 masked %and3A_917 : memref<16416xi32, #tpu.memory_space<vmem>>[vector<16xi32>], vector<16xi32>, vector<16xi1>
      %add3A_1191 = arith.addi %add3A_1186, %all_reduce_population_count3A_955 : vector<16xi32>
      %add3A_1192 = arith.addi %add3A_1191, %masked_cumsum3A_1160 : vector<16xi32>
      %sub3A_1193 = arith.constant 1 : i32
      %sub3A_1194 = vector.broadcast %sub3A_1193 : i32 to vector<16xi32>
      %sub3A_1195 = arith.subi %add3A_1192, %sub3A_1194 : vector<16xi32>
      tpu.vector_store_idx %arg7[%sub3A_1195], %get3A_880 masked %and3A_924 : memref<16416xf32, #tpu.memory_space<vmem>>[vector<16xi32>], vector<16xf32>, vector<16xi1>
      tpu.vector_store_idx %arg8[%sub3A_1195], %add3A_1100 masked %and3A_924 : memref<16416xf32, #tpu.memory_space<vmem>>[vector<16xi32>], vector<16xf32>, vector<16xi1>
      tpu.vector_store_idx %arg9[%sub3A_1195], %add3A_1128 masked %and3A_924 : memref<16416xi32, #tpu.memory_space<vmem>>[vector<16xi32>], vector<16xi32>, vector<16xi1>
      %add3A_1196 = arith.addi %add3A_1191, %all_reduce_population_count3A_956 : vector<16xi32>
      %add3A_1197 = arith.addi %add3A_1196, %masked_cumsum3A_1164 : vector<16xi32>
      %sub3A_1198 = arith.constant 1 : i32
      %sub3A_1199 = vector.broadcast %sub3A_1198 : i32 to vector<16xi32>
      %sub3A_1200 = arith.subi %add3A_1197, %sub3A_1199 : vector<16xi32>
      tpu.vector_store_idx %arg7[%sub3A_1200], %get3A_884 masked %and3A_931 : memref<16416xf32, #tpu.memory_space<vmem>>[vector<16xi32>], vector<16xf32>, vector<16xi1>
      tpu.vector_store_idx %arg8[%sub3A_1200], %add3A_1103 masked %and3A_931 : memref<16416xf32, #tpu.memory_space<vmem>>[vector<16xi32>], vector<16xf32>, vector<16xi1>
      tpu.vector_store_idx %arg9[%sub3A_1200], %add3A_1132 masked %and3A_931 : memref<16416xi32, #tpu.memory_space<vmem>>[vector<16xi32>], vector<16xi32>, vector<16xi1>
      %add3A_1201 = arith.addi %add3A_1196, %all_reduce_population_count3A_957 : vector<16xi32>
      %add3A_1202 = arith.addi %add3A_1201, %masked_cumsum3A_1168 : vector<16xi32>
      %sub3A_1203 = arith.constant 1 : i32
      %sub3A_1204 = vector.broadcast %sub3A_1203 : i32 to vector<16xi32>
      %sub3A_1205 = arith.subi %add3A_1202, %sub3A_1204 : vector<16xi32>
      tpu.vector_store_idx %arg7[%sub3A_1205], %get3A_888 masked %and3A_938 : memref<16416xf32, #tpu.memory_space<vmem>>[vector<16xi32>], vector<16xf32>, vector<16xi1>
      tpu.vector_store_idx %arg8[%sub3A_1205], %add3A_1106 masked %and3A_938 : memref<16416xf32, #tpu.memory_space<vmem>>[vector<16xi32>], vector<16xf32>, vector<16xi1>
      tpu.vector_store_idx %arg9[%sub3A_1205], %add3A_1136 masked %and3A_938 : memref<16416xi32, #tpu.memory_space<vmem>>[vector<16xi32>], vector<16xi32>, vector<16xi1>
      %add3A_1206 = arith.addi %add3A_1201, %all_reduce_population_count3A_958 : vector<16xi32>
      %add3A_1207 = arith.addi %add3A_1206, %masked_cumsum3A_1172 : vector<16xi32>
      %sub3A_1208 = arith.constant 1 : i32
      %sub3A_1209 = vector.broadcast %sub3A_1208 : i32 to vector<16xi32>
      %sub3A_1210 = arith.subi %add3A_1207, %sub3A_1209 : vector<16xi32>
      tpu.vector_store_idx %arg7[%sub3A_1210], %get3A_892 masked %and3A_945 : memref<16416xf32, #tpu.memory_space<vmem>>[vector<16xi32>], vector<16xf32>, vector<16xi1>
      tpu.vector_store_idx %arg8[%sub3A_1210], %add3A_1109 masked %and3A_945 : memref<16416xf32, #tpu.memory_space<vmem>>[vector<16xi32>], vector<16xf32>, vector<16xi1>
      tpu.vector_store_idx %arg9[%sub3A_1210], %add3A_1140 masked %and3A_945 : memref<16416xi32, #tpu.memory_space<vmem>>[vector<16xi32>], vector<16xi32>, vector<16xi1>
      %add3A_1211 = arith.addi %add3A_1206, %all_reduce_population_count3A_959 : vector<16xi32>
      %add3A_1212 = arith.addi %add3A_1211, %masked_cumsum3A_1176 : vector<16xi32>
      %sub3A_1213 = arith.constant 1 : i32
      %sub3A_1214 = vector.broadcast %sub3A_1213 : i32 to vector<16xi32>
      %sub3A_1215 = arith.subi %add3A_1212, %sub3A_1214 : vector<16xi32>
      tpu.vector_store_idx %arg7[%sub3A_1215], %get3A_896 masked %and3A_952 : memref<16416xf32, #tpu.memory_space<vmem>>[vector<16xi32>], vector<16xf32>, vector<16xi1>
      tpu.vector_store_idx %arg8[%sub3A_1215], %add3A_1112 masked %and3A_952 : memref<16416xf32, #tpu.memory_space<vmem>>[vector<16xi32>], vector<16xf32>, vector<16xi1>
      tpu.vector_store_idx %arg9[%sub3A_1215], %add3A_1144 masked %and3A_952 : memref<16416xi32, #tpu.memory_space<vmem>>[vector<16xi32>], vector<16xi32>, vector<16xi1>
      %add3A_1216 = arith.addi %add3A_1211, %all_reduce_population_count3A_960 : vector<16xi32>
      scf.yield %add3A_1216 : vector<16xi32>
    }
    %scan3A_409 = arith.constant 64 : i32
    %add3A_410 = arith.constant 0 : i32
    %add3A_411 = vector.broadcast %add3A_410 : i32 to vector<16xi32>
    %add3A_412 = arith.addi %scan3A_408, %add3A_411 : vector<16xi32>
    %add3A_413 = arith.addi %add3A_412, %iota3A : vector<16xi32>
    tpu.vector_store_idx %arg7[%add3A_413], %broadcast_in_dim3A_30 : memref<16416xf32, #tpu.memory_space<vmem>>[vector<16xi32>], vector<16xf32>,
    tpu.vector_store_idx %arg8[%add3A_413], %broadcast_in_dim3A_30 : memref<16416xf32, #tpu.memory_space<vmem>>[vector<16xi32>], vector<16xf32>,
    tpu.vector_store_idx %arg9[%add3A_413], %broadcast_in_dim3A_32 : memref<16416xi32, #tpu.memory_space<vmem>>[vector<16xi32>], vector<16xi32>,
    %add3A_414 = arith.constant 16 : i32
    %add3A_415 = vector.broadcast %add3A_414 : i32 to vector<16xi32>
    %add3A_416 = arith.addi %scan3A_408, %add3A_415 : vector<16xi32>
    %add3A_417 = arith.addi %add3A_416, %iota3A : vector<16xi32>
    tpu.vector_store_idx %arg7[%add3A_417], %broadcast_in_dim3A_30 : memref<16416xf32, #tpu.memory_space<vmem>>[vector<16xi32>], vector<16xf32>,
    tpu.vector_store_idx %arg8[%add3A_417], %broadcast_in_dim3A_30 : memref<16416xf32, #tpu.memory_space<vmem>>[vector<16xi32>], vector<16xf32>,
    tpu.vector_store_idx %arg9[%add3A_417], %broadcast_in_dim3A_32 : memref<16416xi32, #tpu.memory_space<vmem>>[vector<16xi32>], vector<16xi32>,
    %slice3A = vector.extract_strided_slice %scan3A_408 {offsets = [0], sizes = [1], strides = [1]} : vector<16xi32> to vector<1xi32>
    %squeeze3A = vector.extract %slice3A[0] : i32 from vector<1xi32>
    %add3A_418 = arith.constant 31 : i32
    %add3A_419 = arith.addi %squeeze3A, %add3A_418 : i32
    %jit3A_420 = arith.constant 32 : i32
    %div3A_421 = arith.divsi %add3A_419, %jit3A_420 : i32
    %sign3A_422 = arith.constant 0 : i32
    %sign3A_423 = arith.cmpi sgt, %add3A_419, %sign3A_422 : i32
    %sign3A_424 = arith.extui %sign3A_423 : i1 to i32
    %sign3A_425 = arith.constant 0 : i32
    %sign3A_426 = arith.cmpi slt, %add3A_419, %sign3A_425 : i32
    %sign3A_427 = arith.extui %sign3A_426 : i1 to i32
    %sign3A_428 = arith.subi %sign3A_424, %sign3A_427 : i32
    %sign3A_429 = arith.constant 0 : i32
    %sign3A_430 = arith.cmpi sgt, %jit3A_420, %sign3A_429 : i32
    %sign3A_431 = arith.extui %sign3A_430 : i1 to i32
    %sign3A_432 = arith.constant 0 : i32
    %sign3A_433 = arith.cmpi slt, %jit3A_420, %sign3A_432 : i32
    %sign3A_434 = arith.extui %sign3A_433 : i1 to i32
    %sign3A_435 = arith.subi %sign3A_431, %sign3A_434 : i32
    %ne3A_436 = arith.cmpi ne, %sign3A_428, %sign3A_435 : i32
    %rem3A_437 = arith.remsi %add3A_419, %jit3A_420 : i32
    %ne3A_438 = arith.constant 0 : i32
    %ne3A_439 = arith.cmpi ne, %rem3A_437, %ne3A_438 : i32
    %and3A_440 = arith.andi %ne3A_436, %ne3A_439 : i1
    %sub3A_441 = arith.constant 1 : i32
    %sub3A_442 = arith.subi %div3A_421, %sub3A_441 : i32
    %select_n3A_443 = arith.select %and3A_440, %sub3A_442, %div3A_421 : i32
    %while3A = arith.constant 0 : i32
    %while3A_444 = arith.constant 0 : i32
    %while3A_445 = arith.subi %select_n3A_443, %while3A_444 : i32
    %while3A_446 = arith.addi %while3A_444, %while3A_445 : i32
    %while3A_447 = arith.constant 1 : i32
    %while3A_448 = arith.divsi %while3A_445, %while3A_447 : i32
    %while3A_449 = arith.muli %while3A_448, %while3A_447 : i32
    %while3A_450 = arith.addi %while3A_444, %while3A_449 : i32
    %while3A_451 = arith.constant 1 : i32
    scf.for %while3A_509 = %while3A_444 to %while3A_450 step %while3A_451  : i32 {
      %mul3A_510 = arith.constant 32 : i32
      %mul3A_511 = arith.muli %while3A_509, %mul3A_510 : i32
      %multiple_of3A = tpu.assume_multiple %mul3A_511, 32 : i32
      %add3A_512 = arith.constant 0 : i32
      %add3A_513 = arith.addi %multiple_of3A, %add3A_512 : i32
      %get3A_514 = arith.index_cast %add3A_513 : i32 to index
      %get3A_515 = tpu.vector_load %arg7[%get3A_514] {strides = array<i32>} : memref<16416xf32, #tpu.memory_space<vmem>>, vector<16xf32>,
      %add3A_516 = arith.constant 0 : i32
      %add3A_517 = arith.addi %multiple_of3A, %add3A_516 : i32
      %get3A_518 = arith.index_cast %add3A_517 : i32 to index
      %get3A_519 = tpu.vector_load %arg8[%get3A_518] {strides = array<i32>} : memref<16416xf32, #tpu.memory_space<vmem>>, vector<16xf32>,
      %add3A_520 = arith.constant 0 : i32
      %add3A_521 = arith.addi %multiple_of3A, %add3A_520 : i32
      %get3A_522 = arith.index_cast %add3A_521 : i32 to index
      %get3A_523 = tpu.vector_load %arg9[%get3A_522] {strides = array<i32>} : memref<16416xi32, #tpu.memory_space<vmem>>, vector<16xi32>,
      %sub3A_524 = arith.subf %get3A_515, %add3A_134 : vector<16xf32>
      %mul3A_525 = arith.mulf %sub3A_524, %sub3A_524 : vector<16xf32>
      %mul3A_526 = arith.constant -1.600000e+01 : f32
      %mul3A_527 = vector.broadcast %mul3A_526 : f32 to vector<16xf32>
      %mul3A_528 = arith.mulf %mul3A_525, %mul3A_527 : vector<16xf32>
      %exp3A = math.exp %mul3A_528 : vector<16xf32>
      %mul3A_529 = arith.mulf %exp3A, %get3A_519 : vector<16xf32>
      %add3A_530 = arith.addi %get3A_523, %and3A_38 : vector<16xi32>
      tpu.vector_store_idx %arg11[%add3A_530], %mul3A_529 {add = true} : memref<8192xf32, #tpu.memory_space<vmem>>[vector<16xi32>], vector<16xf32>,
      %sub3A_531 = arith.subf %get3A_515, %add3A_141 : vector<16xf32>
      %mul3A_532 = arith.mulf %sub3A_531, %sub3A_531 : vector<16xf32>
      %mul3A_533 = arith.constant -1.600000e+01 : f32
      %mul3A_534 = vector.broadcast %mul3A_533 : f32 to vector<16xf32>
      %mul3A_535 = arith.mulf %mul3A_532, %mul3A_534 : vector<16xf32>
      %exp3A_536 = math.exp %mul3A_535 : vector<16xf32>
      %mul3A_537 = arith.mulf %exp3A_536, %get3A_519 : vector<16xf32>
      %add3A_538 = arith.addi %get3A_523, %and3A_44 : vector<16xi32>
      tpu.vector_store_idx %arg11[%add3A_538], %mul3A_537 {add = true} : memref<8192xf32, #tpu.memory_space<vmem>>[vector<16xi32>], vector<16xf32>,
      %sub3A_539 = arith.subf %get3A_515, %add3A_148 : vector<16xf32>
      %mul3A_540 = arith.mulf %sub3A_539, %sub3A_539 : vector<16xf32>
      %mul3A_541 = arith.constant -1.600000e+01 : f32
      %mul3A_542 = vector.broadcast %mul3A_541 : f32 to vector<16xf32>
      %mul3A_543 = arith.mulf %mul3A_540, %mul3A_542 : vector<16xf32>
      %exp3A_544 = math.exp %mul3A_543 : vector<16xf32>
      %mul3A_545 = arith.mulf %exp3A_544, %get3A_519 : vector<16xf32>
      %add3A_546 = arith.addi %get3A_523, %and3A_50 : vector<16xi32>
      tpu.vector_store_idx %arg11[%add3A_546], %mul3A_545 {add = true} : memref<8192xf32, #tpu.memory_space<vmem>>[vector<16xi32>], vector<16xf32>,
      %sub3A_547 = arith.subf %get3A_515, %add3A_155 : vector<16xf32>
      %mul3A_548 = arith.mulf %sub3A_547, %sub3A_547 : vector<16xf32>
      %mul3A_549 = arith.constant -1.600000e+01 : f32
      %mul3A_550 = vector.broadcast %mul3A_549 : f32 to vector<16xf32>
      %mul3A_551 = arith.mulf %mul3A_548, %mul3A_550 : vector<16xf32>
      %exp3A_552 = math.exp %mul3A_551 : vector<16xf32>
      %mul3A_553 = arith.mulf %exp3A_552, %get3A_519 : vector<16xf32>
      %add3A_554 = arith.addi %get3A_523, %and3A_56 : vector<16xi32>
      tpu.vector_store_idx %arg11[%add3A_554], %mul3A_553 {add = true} : memref<8192xf32, #tpu.memory_space<vmem>>[vector<16xi32>], vector<16xf32>,
      %sub3A_555 = arith.subf %get3A_515, %add3A_162 : vector<16xf32>
      %mul3A_556 = arith.mulf %sub3A_555, %sub3A_555 : vector<16xf32>
      %mul3A_557 = arith.constant -1.600000e+01 : f32
      %mul3A_558 = vector.broadcast %mul3A_557 : f32 to vector<16xf32>
      %mul3A_559 = arith.mulf %mul3A_556, %mul3A_558 : vector<16xf32>
      %exp3A_560 = math.exp %mul3A_559 : vector<16xf32>
      %mul3A_561 = arith.mulf %exp3A_560, %get3A_519 : vector<16xf32>
      %add3A_562 = arith.addi %get3A_523, %and3A_62 : vector<16xi32>
      tpu.vector_store_idx %arg11[%add3A_562], %mul3A_561 {add = true} : memref<8192xf32, #tpu.memory_space<vmem>>[vector<16xi32>], vector<16xf32>,
      %sub3A_563 = arith.subf %get3A_515, %add3A_169 : vector<16xf32>
      %mul3A_564 = arith.mulf %sub3A_563, %sub3A_563 : vector<16xf32>
      %mul3A_565 = arith.constant -1.600000e+01 : f32
      %mul3A_566 = vector.broadcast %mul3A_565 : f32 to vector<16xf32>
      %mul3A_567 = arith.mulf %mul3A_564, %mul3A_566 : vector<16xf32>
      %exp3A_568 = math.exp %mul3A_567 : vector<16xf32>
      %mul3A_569 = arith.mulf %exp3A_568, %get3A_519 : vector<16xf32>
      %add3A_570 = arith.addi %get3A_523, %and3A_68 : vector<16xi32>
      tpu.vector_store_idx %arg11[%add3A_570], %mul3A_569 {add = true} : memref<8192xf32, #tpu.memory_space<vmem>>[vector<16xi32>], vector<16xf32>,
      %sub3A_571 = arith.subf %get3A_515, %add3A_176 : vector<16xf32>
      %mul3A_572 = arith.mulf %sub3A_571, %sub3A_571 : vector<16xf32>
      %mul3A_573 = arith.constant -1.600000e+01 : f32
      %mul3A_574 = vector.broadcast %mul3A_573 : f32 to vector<16xf32>
      %mul3A_575 = arith.mulf %mul3A_572, %mul3A_574 : vector<16xf32>
      %exp3A_576 = math.exp %mul3A_575 : vector<16xf32>
      %mul3A_577 = arith.mulf %exp3A_576, %get3A_519 : vector<16xf32>
      %add3A_578 = arith.addi %get3A_523, %and3A_74 : vector<16xi32>
      tpu.vector_store_idx %arg11[%add3A_578], %mul3A_577 {add = true} : memref<8192xf32, #tpu.memory_space<vmem>>[vector<16xi32>], vector<16xf32>,
      %sub3A_579 = arith.subf %get3A_515, %add3A_183 : vector<16xf32>
      %mul3A_580 = arith.mulf %sub3A_579, %sub3A_579 : vector<16xf32>
      %mul3A_581 = arith.constant -1.600000e+01 : f32
      %mul3A_582 = vector.broadcast %mul3A_581 : f32 to vector<16xf32>
      %mul3A_583 = arith.mulf %mul3A_580, %mul3A_582 : vector<16xf32>
      %exp3A_584 = math.exp %mul3A_583 : vector<16xf32>
      %mul3A_585 = arith.mulf %exp3A_584, %get3A_519 : vector<16xf32>
      %add3A_586 = arith.addi %get3A_523, %and3A_80 : vector<16xi32>
      tpu.vector_store_idx %arg11[%add3A_586], %mul3A_585 {add = true} : memref<8192xf32, #tpu.memory_space<vmem>>[vector<16xi32>], vector<16xf32>,
      %sub3A_587 = arith.subf %get3A_515, %add3A_190 : vector<16xf32>
      %mul3A_588 = arith.mulf %sub3A_587, %sub3A_587 : vector<16xf32>
      %mul3A_589 = arith.constant -1.600000e+01 : f32
      %mul3A_590 = vector.broadcast %mul3A_589 : f32 to vector<16xf32>
      %mul3A_591 = arith.mulf %mul3A_588, %mul3A_590 : vector<16xf32>
      %exp3A_592 = math.exp %mul3A_591 : vector<16xf32>
      %mul3A_593 = arith.mulf %exp3A_592, %get3A_519 : vector<16xf32>
      %add3A_594 = arith.addi %get3A_523, %and3A_86 : vector<16xi32>
      tpu.vector_store_idx %arg11[%add3A_594], %mul3A_593 {add = true} : memref<8192xf32, #tpu.memory_space<vmem>>[vector<16xi32>], vector<16xf32>,
      %sub3A_595 = arith.subf %get3A_515, %add3A_197 : vector<16xf32>
      %mul3A_596 = arith.mulf %sub3A_595, %sub3A_595 : vector<16xf32>
      %mul3A_597 = arith.constant -1.600000e+01 : f32
      %mul3A_598 = vector.broadcast %mul3A_597 : f32 to vector<16xf32>
      %mul3A_599 = arith.mulf %mul3A_596, %mul3A_598 : vector<16xf32>
      %exp3A_600 = math.exp %mul3A_599 : vector<16xf32>
      %mul3A_601 = arith.mulf %exp3A_600, %get3A_519 : vector<16xf32>
      %add3A_602 = arith.addi %get3A_523, %and3A_92 : vector<16xi32>
      tpu.vector_store_idx %arg11[%add3A_602], %mul3A_601 {add = true} : memref<8192xf32, #tpu.memory_space<vmem>>[vector<16xi32>], vector<16xf32>,
      %sub3A_603 = arith.subf %get3A_515, %add3A_204 : vector<16xf32>
      %mul3A_604 = arith.mulf %sub3A_603, %sub3A_603 : vector<16xf32>
      %mul3A_605 = arith.constant -1.600000e+01 : f32
      %mul3A_606 = vector.broadcast %mul3A_605 : f32 to vector<16xf32>
      %mul3A_607 = arith.mulf %mul3A_604, %mul3A_606 : vector<16xf32>
      %exp3A_608 = math.exp %mul3A_607 : vector<16xf32>
      %mul3A_609 = arith.mulf %exp3A_608, %get3A_519 : vector<16xf32>
      %add3A_610 = arith.addi %get3A_523, %and3A_98 : vector<16xi32>
      tpu.vector_store_idx %arg11[%add3A_610], %mul3A_609 {add = true} : memref<8192xf32, #tpu.memory_space<vmem>>[vector<16xi32>], vector<16xf32>,
      %sub3A_611 = arith.subf %get3A_515, %add3A_211 : vector<16xf32>
      %mul3A_612 = arith.mulf %sub3A_611, %sub3A_611 : vector<16xf32>
      %mul3A_613 = arith.constant -1.600000e+01 : f32
      %mul3A_614 = vector.broadcast %mul3A_613 : f32 to vector<16xf32>
      %mul3A_615 = arith.mulf %mul3A_612, %mul3A_614 : vector<16xf32>
      %exp3A_616 = math.exp %mul3A_615 : vector<16xf32>
      %mul3A_617 = arith.mulf %exp3A_616, %get3A_519 : vector<16xf32>
      %add3A_618 = arith.addi %get3A_523, %and3A_104 : vector<16xi32>
      tpu.vector_store_idx %arg11[%add3A_618], %mul3A_617 {add = true} : memref<8192xf32, #tpu.memory_space<vmem>>[vector<16xi32>], vector<16xf32>,
      %sub3A_619 = arith.subf %get3A_515, %add3A_218 : vector<16xf32>
      %mul3A_620 = arith.mulf %sub3A_619, %sub3A_619 : vector<16xf32>
      %mul3A_621 = arith.constant -1.600000e+01 : f32
      %mul3A_622 = vector.broadcast %mul3A_621 : f32 to vector<16xf32>
      %mul3A_623 = arith.mulf %mul3A_620, %mul3A_622 : vector<16xf32>
      %exp3A_624 = math.exp %mul3A_623 : vector<16xf32>
      %mul3A_625 = arith.mulf %exp3A_624, %get3A_519 : vector<16xf32>
      %add3A_626 = arith.addi %get3A_523, %and3A_110 : vector<16xi32>
      tpu.vector_store_idx %arg11[%add3A_626], %mul3A_625 {add = true} : memref<8192xf32, #tpu.memory_space<vmem>>[vector<16xi32>], vector<16xf32>,
      %sub3A_627 = arith.subf %get3A_515, %add3A_225 : vector<16xf32>
      %mul3A_628 = arith.mulf %sub3A_627, %sub3A_627 : vector<16xf32>
      %mul3A_629 = arith.constant -1.600000e+01 : f32
      %mul3A_630 = vector.broadcast %mul3A_629 : f32 to vector<16xf32>
      %mul3A_631 = arith.mulf %mul3A_628, %mul3A_630 : vector<16xf32>
      %exp3A_632 = math.exp %mul3A_631 : vector<16xf32>
      %mul3A_633 = arith.mulf %exp3A_632, %get3A_519 : vector<16xf32>
      %add3A_634 = arith.addi %get3A_523, %and3A_116 : vector<16xi32>
      tpu.vector_store_idx %arg11[%add3A_634], %mul3A_633 {add = true} : memref<8192xf32, #tpu.memory_space<vmem>>[vector<16xi32>], vector<16xf32>,
      %sub3A_635 = arith.subf %get3A_515, %add3A_232 : vector<16xf32>
      %mul3A_636 = arith.mulf %sub3A_635, %sub3A_635 : vector<16xf32>
      %mul3A_637 = arith.constant -1.600000e+01 : f32
      %mul3A_638 = vector.broadcast %mul3A_637 : f32 to vector<16xf32>
      %mul3A_639 = arith.mulf %mul3A_636, %mul3A_638 : vector<16xf32>
      %exp3A_640 = math.exp %mul3A_639 : vector<16xf32>
      %mul3A_641 = arith.mulf %exp3A_640, %get3A_519 : vector<16xf32>
      %add3A_642 = arith.addi %get3A_523, %and3A_122 : vector<16xi32>
      tpu.vector_store_idx %arg11[%add3A_642], %mul3A_641 {add = true} : memref<8192xf32, #tpu.memory_space<vmem>>[vector<16xi32>], vector<16xf32>,
      %sub3A_643 = arith.subf %get3A_515, %add3A_239 : vector<16xf32>
      %mul3A_644 = arith.mulf %sub3A_643, %sub3A_643 : vector<16xf32>
      %mul3A_645 = arith.constant -1.600000e+01 : f32
      %mul3A_646 = vector.broadcast %mul3A_645 : f32 to vector<16xf32>
      %mul3A_647 = arith.mulf %mul3A_644, %mul3A_646 : vector<16xf32>
      %exp3A_648 = math.exp %mul3A_647 : vector<16xf32>
      %mul3A_649 = arith.mulf %exp3A_648, %get3A_519 : vector<16xf32>
      %add3A_650 = arith.addi %get3A_523, %and3A_128 : vector<16xi32>
      tpu.vector_store_idx %arg11[%add3A_650], %mul3A_649 {add = true} : memref<8192xf32, #tpu.memory_space<vmem>>[vector<16xi32>], vector<16xf32>,
      %add3A_651 = arith.constant 16 : i32
      %add3A_652 = arith.addi %multiple_of3A, %add3A_651 : i32
      %get3A_653 = arith.index_cast %add3A_652 : i32 to index
      %get3A_654 = tpu.vector_load %arg7[%get3A_653] {strides = array<i32>} : memref<16416xf32, #tpu.memory_space<vmem>>, vector<16xf32>,
      %add3A_655 = arith.constant 16 : i32
      %add3A_656 = arith.addi %multiple_of3A, %add3A_655 : i32
      %get3A_657 = arith.index_cast %add3A_656 : i32 to index
      %get3A_658 = tpu.vector_load %arg8[%get3A_657] {strides = array<i32>} : memref<16416xf32, #tpu.memory_space<vmem>>, vector<16xf32>,
      %add3A_659 = arith.constant 16 : i32
      %add3A_660 = arith.addi %multiple_of3A, %add3A_659 : i32
      %get3A_661 = arith.index_cast %add3A_660 : i32 to index
      %get3A_662 = tpu.vector_load %arg9[%get3A_661] {strides = array<i32>} : memref<16416xi32, #tpu.memory_space<vmem>>, vector<16xi32>,
      %sub3A_663 = arith.subf %get3A_654, %add3A_134 : vector<16xf32>
      %mul3A_664 = arith.mulf %sub3A_663, %sub3A_663 : vector<16xf32>
      %mul3A_665 = arith.constant -1.600000e+01 : f32
      %mul3A_666 = vector.broadcast %mul3A_665 : f32 to vector<16xf32>
      %mul3A_667 = arith.mulf %mul3A_664, %mul3A_666 : vector<16xf32>
      %exp3A_668 = math.exp %mul3A_667 : vector<16xf32>
      %mul3A_669 = arith.mulf %exp3A_668, %get3A_658 : vector<16xf32>
      %add3A_670 = arith.addi %get3A_662, %and3A_38 : vector<16xi32>
      tpu.vector_store_idx %arg11[%add3A_670], %mul3A_669 {add = true} : memref<8192xf32, #tpu.memory_space<vmem>>[vector<16xi32>], vector<16xf32>,
      %sub3A_671 = arith.subf %get3A_654, %add3A_141 : vector<16xf32>
      %mul3A_672 = arith.mulf %sub3A_671, %sub3A_671 : vector<16xf32>
      %mul3A_673 = arith.constant -1.600000e+01 : f32
      %mul3A_674 = vector.broadcast %mul3A_673 : f32 to vector<16xf32>
      %mul3A_675 = arith.mulf %mul3A_672, %mul3A_674 : vector<16xf32>
      %exp3A_676 = math.exp %mul3A_675 : vector<16xf32>
      %mul3A_677 = arith.mulf %exp3A_676, %get3A_658 : vector<16xf32>
      %add3A_678 = arith.addi %get3A_662, %and3A_44 : vector<16xi32>
      tpu.vector_store_idx %arg11[%add3A_678], %mul3A_677 {add = true} : memref<8192xf32, #tpu.memory_space<vmem>>[vector<16xi32>], vector<16xf32>,
      %sub3A_679 = arith.subf %get3A_654, %add3A_148 : vector<16xf32>
      %mul3A_680 = arith.mulf %sub3A_679, %sub3A_679 : vector<16xf32>
      %mul3A_681 = arith.constant -1.600000e+01 : f32
      %mul3A_682 = vector.broadcast %mul3A_681 : f32 to vector<16xf32>
      %mul3A_683 = arith.mulf %mul3A_680, %mul3A_682 : vector<16xf32>
      %exp3A_684 = math.exp %mul3A_683 : vector<16xf32>
      %mul3A_685 = arith.mulf %exp3A_684, %get3A_658 : vector<16xf32>
      %add3A_686 = arith.addi %get3A_662, %and3A_50 : vector<16xi32>
      tpu.vector_store_idx %arg11[%add3A_686], %mul3A_685 {add = true} : memref<8192xf32, #tpu.memory_space<vmem>>[vector<16xi32>], vector<16xf32>,
      %sub3A_687 = arith.subf %get3A_654, %add3A_155 : vector<16xf32>
      %mul3A_688 = arith.mulf %sub3A_687, %sub3A_687 : vector<16xf32>
      %mul3A_689 = arith.constant -1.600000e+01 : f32
      %mul3A_690 = vector.broadcast %mul3A_689 : f32 to vector<16xf32>
      %mul3A_691 = arith.mulf %mul3A_688, %mul3A_690 : vector<16xf32>
      %exp3A_692 = math.exp %mul3A_691 : vector<16xf32>
      %mul3A_693 = arith.mulf %exp3A_692, %get3A_658 : vector<16xf32>
      %add3A_694 = arith.addi %get3A_662, %and3A_56 : vector<16xi32>
      tpu.vector_store_idx %arg11[%add3A_694], %mul3A_693 {add = true} : memref<8192xf32, #tpu.memory_space<vmem>>[vector<16xi32>], vector<16xf32>,
      %sub3A_695 = arith.subf %get3A_654, %add3A_162 : vector<16xf32>
      %mul3A_696 = arith.mulf %sub3A_695, %sub3A_695 : vector<16xf32>
      %mul3A_697 = arith.constant -1.600000e+01 : f32
      %mul3A_698 = vector.broadcast %mul3A_697 : f32 to vector<16xf32>
      %mul3A_699 = arith.mulf %mul3A_696, %mul3A_698 : vector<16xf32>
      %exp3A_700 = math.exp %mul3A_699 : vector<16xf32>
      %mul3A_701 = arith.mulf %exp3A_700, %get3A_658 : vector<16xf32>
      %add3A_702 = arith.addi %get3A_662, %and3A_62 : vector<16xi32>
      tpu.vector_store_idx %arg11[%add3A_702], %mul3A_701 {add = true} : memref<8192xf32, #tpu.memory_space<vmem>>[vector<16xi32>], vector<16xf32>,
      %sub3A_703 = arith.subf %get3A_654, %add3A_169 : vector<16xf32>
      %mul3A_704 = arith.mulf %sub3A_703, %sub3A_703 : vector<16xf32>
      %mul3A_705 = arith.constant -1.600000e+01 : f32
      %mul3A_706 = vector.broadcast %mul3A_705 : f32 to vector<16xf32>
      %mul3A_707 = arith.mulf %mul3A_704, %mul3A_706 : vector<16xf32>
      %exp3A_708 = math.exp %mul3A_707 : vector<16xf32>
      %mul3A_709 = arith.mulf %exp3A_708, %get3A_658 : vector<16xf32>
      %add3A_710 = arith.addi %get3A_662, %and3A_68 : vector<16xi32>
      tpu.vector_store_idx %arg11[%add3A_710], %mul3A_709 {add = true} : memref<8192xf32, #tpu.memory_space<vmem>>[vector<16xi32>], vector<16xf32>,
      %sub3A_711 = arith.subf %get3A_654, %add3A_176 : vector<16xf32>
      %mul3A_712 = arith.mulf %sub3A_711, %sub3A_711 : vector<16xf32>
      %mul3A_713 = arith.constant -1.600000e+01 : f32
      %mul3A_714 = vector.broadcast %mul3A_713 : f32 to vector<16xf32>
      %mul3A_715 = arith.mulf %mul3A_712, %mul3A_714 : vector<16xf32>
      %exp3A_716 = math.exp %mul3A_715 : vector<16xf32>
      %mul3A_717 = arith.mulf %exp3A_716, %get3A_658 : vector<16xf32>
      %add3A_718 = arith.addi %get3A_662, %and3A_74 : vector<16xi32>
      tpu.vector_store_idx %arg11[%add3A_718], %mul3A_717 {add = true} : memref<8192xf32, #tpu.memory_space<vmem>>[vector<16xi32>], vector<16xf32>,
      %sub3A_719 = arith.subf %get3A_654, %add3A_183 : vector<16xf32>
      %mul3A_720 = arith.mulf %sub3A_719, %sub3A_719 : vector<16xf32>
      %mul3A_721 = arith.constant -1.600000e+01 : f32
      %mul3A_722 = vector.broadcast %mul3A_721 : f32 to vector<16xf32>
      %mul3A_723 = arith.mulf %mul3A_720, %mul3A_722 : vector<16xf32>
      %exp3A_724 = math.exp %mul3A_723 : vector<16xf32>
      %mul3A_725 = arith.mulf %exp3A_724, %get3A_658 : vector<16xf32>
      %add3A_726 = arith.addi %get3A_662, %and3A_80 : vector<16xi32>
      tpu.vector_store_idx %arg11[%add3A_726], %mul3A_725 {add = true} : memref<8192xf32, #tpu.memory_space<vmem>>[vector<16xi32>], vector<16xf32>,
      %sub3A_727 = arith.subf %get3A_654, %add3A_190 : vector<16xf32>
      %mul3A_728 = arith.mulf %sub3A_727, %sub3A_727 : vector<16xf32>
      %mul3A_729 = arith.constant -1.600000e+01 : f32
      %mul3A_730 = vector.broadcast %mul3A_729 : f32 to vector<16xf32>
      %mul3A_731 = arith.mulf %mul3A_728, %mul3A_730 : vector<16xf32>
      %exp3A_732 = math.exp %mul3A_731 : vector<16xf32>
      %mul3A_733 = arith.mulf %exp3A_732, %get3A_658 : vector<16xf32>
      %add3A_734 = arith.addi %get3A_662, %and3A_86 : vector<16xi32>
      tpu.vector_store_idx %arg11[%add3A_734], %mul3A_733 {add = true} : memref<8192xf32, #tpu.memory_space<vmem>>[vector<16xi32>], vector<16xf32>,
      %sub3A_735 = arith.subf %get3A_654, %add3A_197 : vector<16xf32>
      %mul3A_736 = arith.mulf %sub3A_735, %sub3A_735 : vector<16xf32>
      %mul3A_737 = arith.constant -1.600000e+01 : f32
      %mul3A_738 = vector.broadcast %mul3A_737 : f32 to vector<16xf32>
      %mul3A_739 = arith.mulf %mul3A_736, %mul3A_738 : vector<16xf32>
      %exp3A_740 = math.exp %mul3A_739 : vector<16xf32>
      %mul3A_741 = arith.mulf %exp3A_740, %get3A_658 : vector<16xf32>
      %add3A_742 = arith.addi %get3A_662, %and3A_92 : vector<16xi32>
      tpu.vector_store_idx %arg11[%add3A_742], %mul3A_741 {add = true} : memref<8192xf32, #tpu.memory_space<vmem>>[vector<16xi32>], vector<16xf32>,
      %sub3A_743 = arith.subf %get3A_654, %add3A_204 : vector<16xf32>
      %mul3A_744 = arith.mulf %sub3A_743, %sub3A_743 : vector<16xf32>
      %mul3A_745 = arith.constant -1.600000e+01 : f32
      %mul3A_746 = vector.broadcast %mul3A_745 : f32 to vector<16xf32>
      %mul3A_747 = arith.mulf %mul3A_744, %mul3A_746 : vector<16xf32>
      %exp3A_748 = math.exp %mul3A_747 : vector<16xf32>
      %mul3A_749 = arith.mulf %exp3A_748, %get3A_658 : vector<16xf32>
      %add3A_750 = arith.addi %get3A_662, %and3A_98 : vector<16xi32>
      tpu.vector_store_idx %arg11[%add3A_750], %mul3A_749 {add = true} : memref<8192xf32, #tpu.memory_space<vmem>>[vector<16xi32>], vector<16xf32>,
      %sub3A_751 = arith.subf %get3A_654, %add3A_211 : vector<16xf32>
      %mul3A_752 = arith.mulf %sub3A_751, %sub3A_751 : vector<16xf32>
      %mul3A_753 = arith.constant -1.600000e+01 : f32
      %mul3A_754 = vector.broadcast %mul3A_753 : f32 to vector<16xf32>
      %mul3A_755 = arith.mulf %mul3A_752, %mul3A_754 : vector<16xf32>
      %exp3A_756 = math.exp %mul3A_755 : vector<16xf32>
      %mul3A_757 = arith.mulf %exp3A_756, %get3A_658 : vector<16xf32>
      %add3A_758 = arith.addi %get3A_662, %and3A_104 : vector<16xi32>
      tpu.vector_store_idx %arg11[%add3A_758], %mul3A_757 {add = true} : memref<8192xf32, #tpu.memory_space<vmem>>[vector<16xi32>], vector<16xf32>,
      %sub3A_759 = arith.subf %get3A_654, %add3A_218 : vector<16xf32>
      %mul3A_760 = arith.mulf %sub3A_759, %sub3A_759 : vector<16xf32>
      %mul3A_761 = arith.constant -1.600000e+01 : f32
      %mul3A_762 = vector.broadcast %mul3A_761 : f32 to vector<16xf32>
      %mul3A_763 = arith.mulf %mul3A_760, %mul3A_762 : vector<16xf32>
      %exp3A_764 = math.exp %mul3A_763 : vector<16xf32>
      %mul3A_765 = arith.mulf %exp3A_764, %get3A_658 : vector<16xf32>
      %add3A_766 = arith.addi %get3A_662, %and3A_110 : vector<16xi32>
      tpu.vector_store_idx %arg11[%add3A_766], %mul3A_765 {add = true} : memref<8192xf32, #tpu.memory_space<vmem>>[vector<16xi32>], vector<16xf32>,
      %sub3A_767 = arith.subf %get3A_654, %add3A_225 : vector<16xf32>
      %mul3A_768 = arith.mulf %sub3A_767, %sub3A_767 : vector<16xf32>
      %mul3A_769 = arith.constant -1.600000e+01 : f32
      %mul3A_770 = vector.broadcast %mul3A_769 : f32 to vector<16xf32>
      %mul3A_771 = arith.mulf %mul3A_768, %mul3A_770 : vector<16xf32>
      %exp3A_772 = math.exp %mul3A_771 : vector<16xf32>
      %mul3A_773 = arith.mulf %exp3A_772, %get3A_658 : vector<16xf32>
      %add3A_774 = arith.addi %get3A_662, %and3A_116 : vector<16xi32>
      tpu.vector_store_idx %arg11[%add3A_774], %mul3A_773 {add = true} : memref<8192xf32, #tpu.memory_space<vmem>>[vector<16xi32>], vector<16xf32>,
      %sub3A_775 = arith.subf %get3A_654, %add3A_232 : vector<16xf32>
      %mul3A_776 = arith.mulf %sub3A_775, %sub3A_775 : vector<16xf32>
      %mul3A_777 = arith.constant -1.600000e+01 : f32
      %mul3A_778 = vector.broadcast %mul3A_777 : f32 to vector<16xf32>
      %mul3A_779 = arith.mulf %mul3A_776, %mul3A_778 : vector<16xf32>
      %exp3A_780 = math.exp %mul3A_779 : vector<16xf32>
      %mul3A_781 = arith.mulf %exp3A_780, %get3A_658 : vector<16xf32>
      %add3A_782 = arith.addi %get3A_662, %and3A_122 : vector<16xi32>
      tpu.vector_store_idx %arg11[%add3A_782], %mul3A_781 {add = true} : memref<8192xf32, #tpu.memory_space<vmem>>[vector<16xi32>], vector<16xf32>,
      %sub3A_783 = arith.subf %get3A_654, %add3A_239 : vector<16xf32>
      %mul3A_784 = arith.mulf %sub3A_783, %sub3A_783 : vector<16xf32>
      %mul3A_785 = arith.constant -1.600000e+01 : f32
      %mul3A_786 = vector.broadcast %mul3A_785 : f32 to vector<16xf32>
      %mul3A_787 = arith.mulf %mul3A_784, %mul3A_786 : vector<16xf32>
      %exp3A_788 = math.exp %mul3A_787 : vector<16xf32>
      %mul3A_789 = arith.mulf %exp3A_788, %get3A_658 : vector<16xf32>
      %add3A_790 = arith.addi %get3A_662, %and3A_128 : vector<16xi32>
      tpu.vector_store_idx %arg11[%add3A_790], %mul3A_789 {add = true} : memref<8192xf32, #tpu.memory_space<vmem>>[vector<16xi32>], vector<16xf32>,
    }
    %while3A_452 = arith.constant 1 : i32
    scf.for %while3A_509 = %while3A_450 to %while3A_446 step %while3A_452  : i32 {
      %mul3A_510 = arith.constant 32 : i32
      %mul3A_511 = arith.muli %while3A_509, %mul3A_510 : i32
      %multiple_of3A = tpu.assume_multiple %mul3A_511, 32 : i32
      %add3A_512 = arith.constant 0 : i32
      %add3A_513 = arith.addi %multiple_of3A, %add3A_512 : i32
      %get3A_514 = arith.index_cast %add3A_513 : i32 to index
      %get3A_515 = tpu.vector_load %arg7[%get3A_514] {strides = array<i32>} : memref<16416xf32, #tpu.memory_space<vmem>>, vector<16xf32>,
      %add3A_516 = arith.constant 0 : i32
      %add3A_517 = arith.addi %multiple_of3A, %add3A_516 : i32
      %get3A_518 = arith.index_cast %add3A_517 : i32 to index
      %get3A_519 = tpu.vector_load %arg8[%get3A_518] {strides = array<i32>} : memref<16416xf32, #tpu.memory_space<vmem>>, vector<16xf32>,
      %add3A_520 = arith.constant 0 : i32
      %add3A_521 = arith.addi %multiple_of3A, %add3A_520 : i32
      %get3A_522 = arith.index_cast %add3A_521 : i32 to index
      %get3A_523 = tpu.vector_load %arg9[%get3A_522] {strides = array<i32>} : memref<16416xi32, #tpu.memory_space<vmem>>, vector<16xi32>,
      %sub3A_524 = arith.subf %get3A_515, %add3A_134 : vector<16xf32>
      %mul3A_525 = arith.mulf %sub3A_524, %sub3A_524 : vector<16xf32>
      %mul3A_526 = arith.constant -1.600000e+01 : f32
      %mul3A_527 = vector.broadcast %mul3A_526 : f32 to vector<16xf32>
      %mul3A_528 = arith.mulf %mul3A_525, %mul3A_527 : vector<16xf32>
      %exp3A = math.exp %mul3A_528 : vector<16xf32>
      %mul3A_529 = arith.mulf %exp3A, %get3A_519 : vector<16xf32>
      %add3A_530 = arith.addi %get3A_523, %and3A_38 : vector<16xi32>
      tpu.vector_store_idx %arg11[%add3A_530], %mul3A_529 {add = true} : memref<8192xf32, #tpu.memory_space<vmem>>[vector<16xi32>], vector<16xf32>,
      %sub3A_531 = arith.subf %get3A_515, %add3A_141 : vector<16xf32>
      %mul3A_532 = arith.mulf %sub3A_531, %sub3A_531 : vector<16xf32>
      %mul3A_533 = arith.constant -1.600000e+01 : f32
      %mul3A_534 = vector.broadcast %mul3A_533 : f32 to vector<16xf32>
      %mul3A_535 = arith.mulf %mul3A_532, %mul3A_534 : vector<16xf32>
      %exp3A_536 = math.exp %mul3A_535 : vector<16xf32>
      %mul3A_537 = arith.mulf %exp3A_536, %get3A_519 : vector<16xf32>
      %add3A_538 = arith.addi %get3A_523, %and3A_44 : vector<16xi32>
      tpu.vector_store_idx %arg11[%add3A_538], %mul3A_537 {add = true} : memref<8192xf32, #tpu.memory_space<vmem>>[vector<16xi32>], vector<16xf32>,
      %sub3A_539 = arith.subf %get3A_515, %add3A_148 : vector<16xf32>
      %mul3A_540 = arith.mulf %sub3A_539, %sub3A_539 : vector<16xf32>
      %mul3A_541 = arith.constant -1.600000e+01 : f32
      %mul3A_542 = vector.broadcast %mul3A_541 : f32 to vector<16xf32>
      %mul3A_543 = arith.mulf %mul3A_540, %mul3A_542 : vector<16xf32>
      %exp3A_544 = math.exp %mul3A_543 : vector<16xf32>
      %mul3A_545 = arith.mulf %exp3A_544, %get3A_519 : vector<16xf32>
      %add3A_546 = arith.addi %get3A_523, %and3A_50 : vector<16xi32>
      tpu.vector_store_idx %arg11[%add3A_546], %mul3A_545 {add = true} : memref<8192xf32, #tpu.memory_space<vmem>>[vector<16xi32>], vector<16xf32>,
      %sub3A_547 = arith.subf %get3A_515, %add3A_155 : vector<16xf32>
      %mul3A_548 = arith.mulf %sub3A_547, %sub3A_547 : vector<16xf32>
      %mul3A_549 = arith.constant -1.600000e+01 : f32
      %mul3A_550 = vector.broadcast %mul3A_549 : f32 to vector<16xf32>
      %mul3A_551 = arith.mulf %mul3A_548, %mul3A_550 : vector<16xf32>
      %exp3A_552 = math.exp %mul3A_551 : vector<16xf32>
      %mul3A_553 = arith.mulf %exp3A_552, %get3A_519 : vector<16xf32>
      %add3A_554 = arith.addi %get3A_523, %and3A_56 : vector<16xi32>
      tpu.vector_store_idx %arg11[%add3A_554], %mul3A_553 {add = true} : memref<8192xf32, #tpu.memory_space<vmem>>[vector<16xi32>], vector<16xf32>,
      %sub3A_555 = arith.subf %get3A_515, %add3A_162 : vector<16xf32>
      %mul3A_556 = arith.mulf %sub3A_555, %sub3A_555 : vector<16xf32>
      %mul3A_557 = arith.constant -1.600000e+01 : f32
      %mul3A_558 = vector.broadcast %mul3A_557 : f32 to vector<16xf32>
      %mul3A_559 = arith.mulf %mul3A_556, %mul3A_558 : vector<16xf32>
      %exp3A_560 = math.exp %mul3A_559 : vector<16xf32>
      %mul3A_561 = arith.mulf %exp3A_560, %get3A_519 : vector<16xf32>
      %add3A_562 = arith.addi %get3A_523, %and3A_62 : vector<16xi32>
      tpu.vector_store_idx %arg11[%add3A_562], %mul3A_561 {add = true} : memref<8192xf32, #tpu.memory_space<vmem>>[vector<16xi32>], vector<16xf32>,
      %sub3A_563 = arith.subf %get3A_515, %add3A_169 : vector<16xf32>
      %mul3A_564 = arith.mulf %sub3A_563, %sub3A_563 : vector<16xf32>
      %mul3A_565 = arith.constant -1.600000e+01 : f32
      %mul3A_566 = vector.broadcast %mul3A_565 : f32 to vector<16xf32>
      %mul3A_567 = arith.mulf %mul3A_564, %mul3A_566 : vector<16xf32>
      %exp3A_568 = math.exp %mul3A_567 : vector<16xf32>
      %mul3A_569 = arith.mulf %exp3A_568, %get3A_519 : vector<16xf32>
      %add3A_570 = arith.addi %get3A_523, %and3A_68 : vector<16xi32>
      tpu.vector_store_idx %arg11[%add3A_570], %mul3A_569 {add = true} : memref<8192xf32, #tpu.memory_space<vmem>>[vector<16xi32>], vector<16xf32>,
      %sub3A_571 = arith.subf %get3A_515, %add3A_176 : vector<16xf32>
      %mul3A_572 = arith.mulf %sub3A_571, %sub3A_571 : vector<16xf32>
      %mul3A_573 = arith.constant -1.600000e+01 : f32
      %mul3A_574 = vector.broadcast %mul3A_573 : f32 to vector<16xf32>
      %mul3A_575 = arith.mulf %mul3A_572, %mul3A_574 : vector<16xf32>
      %exp3A_576 = math.exp %mul3A_575 : vector<16xf32>
      %mul3A_577 = arith.mulf %exp3A_576, %get3A_519 : vector<16xf32>
      %add3A_578 = arith.addi %get3A_523, %and3A_74 : vector<16xi32>
      tpu.vector_store_idx %arg11[%add3A_578], %mul3A_577 {add = true} : memref<8192xf32, #tpu.memory_space<vmem>>[vector<16xi32>], vector<16xf32>,
      %sub3A_579 = arith.subf %get3A_515, %add3A_183 : vector<16xf32>
      %mul3A_580 = arith.mulf %sub3A_579, %sub3A_579 : vector<16xf32>
      %mul3A_581 = arith.constant -1.600000e+01 : f32
      %mul3A_582 = vector.broadcast %mul3A_581 : f32 to vector<16xf32>
      %mul3A_583 = arith.mulf %mul3A_580, %mul3A_582 : vector<16xf32>
      %exp3A_584 = math.exp %mul3A_583 : vector<16xf32>
      %mul3A_585 = arith.mulf %exp3A_584, %get3A_519 : vector<16xf32>
      %add3A_586 = arith.addi %get3A_523, %and3A_80 : vector<16xi32>
      tpu.vector_store_idx %arg11[%add3A_586], %mul3A_585 {add = true} : memref<8192xf32, #tpu.memory_space<vmem>>[vector<16xi32>], vector<16xf32>,
      %sub3A_587 = arith.subf %get3A_515, %add3A_190 : vector<16xf32>
      %mul3A_588 = arith.mulf %sub3A_587, %sub3A_587 : vector<16xf32>
      %mul3A_589 = arith.constant -1.600000e+01 : f32
      %mul3A_590 = vector.broadcast %mul3A_589 : f32 to vector<16xf32>
      %mul3A_591 = arith.mulf %mul3A_588, %mul3A_590 : vector<16xf32>
      %exp3A_592 = math.exp %mul3A_591 : vector<16xf32>
      %mul3A_593 = arith.mulf %exp3A_592, %get3A_519 : vector<16xf32>
      %add3A_594 = arith.addi %get3A_523, %and3A_86 : vector<16xi32>
      tpu.vector_store_idx %arg11[%add3A_594], %mul3A_593 {add = true} : memref<8192xf32, #tpu.memory_space<vmem>>[vector<16xi32>], vector<16xf32>,
      %sub3A_595 = arith.subf %get3A_515, %add3A_197 : vector<16xf32>
      %mul3A_596 = arith.mulf %sub3A_595, %sub3A_595 : vector<16xf32>
      %mul3A_597 = arith.constant -1.600000e+01 : f32
      %mul3A_598 = vector.broadcast %mul3A_597 : f32 to vector<16xf32>
      %mul3A_599 = arith.mulf %mul3A_596, %mul3A_598 : vector<16xf32>
      %exp3A_600 = math.exp %mul3A_599 : vector<16xf32>
      %mul3A_601 = arith.mulf %exp3A_600, %get3A_519 : vector<16xf32>
      %add3A_602 = arith.addi %get3A_523, %and3A_92 : vector<16xi32>
      tpu.vector_store_idx %arg11[%add3A_602], %mul3A_601 {add = true} : memref<8192xf32, #tpu.memory_space<vmem>>[vector<16xi32>], vector<16xf32>,
      %sub3A_603 = arith.subf %get3A_515, %add3A_204 : vector<16xf32>
      %mul3A_604 = arith.mulf %sub3A_603, %sub3A_603 : vector<16xf32>
      %mul3A_605 = arith.constant -1.600000e+01 : f32
      %mul3A_606 = vector.broadcast %mul3A_605 : f32 to vector<16xf32>
      %mul3A_607 = arith.mulf %mul3A_604, %mul3A_606 : vector<16xf32>
      %exp3A_608 = math.exp %mul3A_607 : vector<16xf32>
      %mul3A_609 = arith.mulf %exp3A_608, %get3A_519 : vector<16xf32>
      %add3A_610 = arith.addi %get3A_523, %and3A_98 : vector<16xi32>
      tpu.vector_store_idx %arg11[%add3A_610], %mul3A_609 {add = true} : memref<8192xf32, #tpu.memory_space<vmem>>[vector<16xi32>], vector<16xf32>,
      %sub3A_611 = arith.subf %get3A_515, %add3A_211 : vector<16xf32>
      %mul3A_612 = arith.mulf %sub3A_611, %sub3A_611 : vector<16xf32>
      %mul3A_613 = arith.constant -1.600000e+01 : f32
      %mul3A_614 = vector.broadcast %mul3A_613 : f32 to vector<16xf32>
      %mul3A_615 = arith.mulf %mul3A_612, %mul3A_614 : vector<16xf32>
      %exp3A_616 = math.exp %mul3A_615 : vector<16xf32>
      %mul3A_617 = arith.mulf %exp3A_616, %get3A_519 : vector<16xf32>
      %add3A_618 = arith.addi %get3A_523, %and3A_104 : vector<16xi32>
      tpu.vector_store_idx %arg11[%add3A_618], %mul3A_617 {add = true} : memref<8192xf32, #tpu.memory_space<vmem>>[vector<16xi32>], vector<16xf32>,
      %sub3A_619 = arith.subf %get3A_515, %add3A_218 : vector<16xf32>
      %mul3A_620 = arith.mulf %sub3A_619, %sub3A_619 : vector<16xf32>
      %mul3A_621 = arith.constant -1.600000e+01 : f32
      %mul3A_622 = vector.broadcast %mul3A_621 : f32 to vector<16xf32>
      %mul3A_623 = arith.mulf %mul3A_620, %mul3A_622 : vector<16xf32>
      %exp3A_624 = math.exp %mul3A_623 : vector<16xf32>
      %mul3A_625 = arith.mulf %exp3A_624, %get3A_519 : vector<16xf32>
      %add3A_626 = arith.addi %get3A_523, %and3A_110 : vector<16xi32>
      tpu.vector_store_idx %arg11[%add3A_626], %mul3A_625 {add = true} : memref<8192xf32, #tpu.memory_space<vmem>>[vector<16xi32>], vector<16xf32>,
      %sub3A_627 = arith.subf %get3A_515, %add3A_225 : vector<16xf32>
      %mul3A_628 = arith.mulf %sub3A_627, %sub3A_627 : vector<16xf32>
      %mul3A_629 = arith.constant -1.600000e+01 : f32
      %mul3A_630 = vector.broadcast %mul3A_629 : f32 to vector<16xf32>
      %mul3A_631 = arith.mulf %mul3A_628, %mul3A_630 : vector<16xf32>
      %exp3A_632 = math.exp %mul3A_631 : vector<16xf32>
      %mul3A_633 = arith.mulf %exp3A_632, %get3A_519 : vector<16xf32>
      %add3A_634 = arith.addi %get3A_523, %and3A_116 : vector<16xi32>
      tpu.vector_store_idx %arg11[%add3A_634], %mul3A_633 {add = true} : memref<8192xf32, #tpu.memory_space<vmem>>[vector<16xi32>], vector<16xf32>,
      %sub3A_635 = arith.subf %get3A_515, %add3A_232 : vector<16xf32>
      %mul3A_636 = arith.mulf %sub3A_635, %sub3A_635 : vector<16xf32>
      %mul3A_637 = arith.constant -1.600000e+01 : f32
      %mul3A_638 = vector.broadcast %mul3A_637 : f32 to vector<16xf32>
      %mul3A_639 = arith.mulf %mul3A_636, %mul3A_638 : vector<16xf32>
      %exp3A_640 = math.exp %mul3A_639 : vector<16xf32>
      %mul3A_641 = arith.mulf %exp3A_640, %get3A_519 : vector<16xf32>
      %add3A_642 = arith.addi %get3A_523, %and3A_122 : vector<16xi32>
      tpu.vector_store_idx %arg11[%add3A_642], %mul3A_641 {add = true} : memref<8192xf32, #tpu.memory_space<vmem>>[vector<16xi32>], vector<16xf32>,
      %sub3A_643 = arith.subf %get3A_515, %add3A_239 : vector<16xf32>
      %mul3A_644 = arith.mulf %sub3A_643, %sub3A_643 : vector<16xf32>
      %mul3A_645 = arith.constant -1.600000e+01 : f32
      %mul3A_646 = vector.broadcast %mul3A_645 : f32 to vector<16xf32>
      %mul3A_647 = arith.mulf %mul3A_644, %mul3A_646 : vector<16xf32>
      %exp3A_648 = math.exp %mul3A_647 : vector<16xf32>
      %mul3A_649 = arith.mulf %exp3A_648, %get3A_519 : vector<16xf32>
      %add3A_650 = arith.addi %get3A_523, %and3A_128 : vector<16xi32>
      tpu.vector_store_idx %arg11[%add3A_650], %mul3A_649 {add = true} : memref<8192xf32, #tpu.memory_space<vmem>>[vector<16xi32>], vector<16xf32>,
      %add3A_651 = arith.constant 16 : i32
      %add3A_652 = arith.addi %multiple_of3A, %add3A_651 : i32
      %get3A_653 = arith.index_cast %add3A_652 : i32 to index
      %get3A_654 = tpu.vector_load %arg7[%get3A_653] {strides = array<i32>} : memref<16416xf32, #tpu.memory_space<vmem>>, vector<16xf32>,
      %add3A_655 = arith.constant 16 : i32
      %add3A_656 = arith.addi %multiple_of3A, %add3A_655 : i32
      %get3A_657 = arith.index_cast %add3A_656 : i32 to index
      %get3A_658 = tpu.vector_load %arg8[%get3A_657] {strides = array<i32>} : memref<16416xf32, #tpu.memory_space<vmem>>, vector<16xf32>,
      %add3A_659 = arith.constant 16 : i32
      %add3A_660 = arith.addi %multiple_of3A, %add3A_659 : i32
      %get3A_661 = arith.index_cast %add3A_660 : i32 to index
      %get3A_662 = tpu.vector_load %arg9[%get3A_661] {strides = array<i32>} : memref<16416xi32, #tpu.memory_space<vmem>>, vector<16xi32>,
      %sub3A_663 = arith.subf %get3A_654, %add3A_134 : vector<16xf32>
      %mul3A_664 = arith.mulf %sub3A_663, %sub3A_663 : vector<16xf32>
      %mul3A_665 = arith.constant -1.600000e+01 : f32
      %mul3A_666 = vector.broadcast %mul3A_665 : f32 to vector<16xf32>
      %mul3A_667 = arith.mulf %mul3A_664, %mul3A_666 : vector<16xf32>
      %exp3A_668 = math.exp %mul3A_667 : vector<16xf32>
      %mul3A_669 = arith.mulf %exp3A_668, %get3A_658 : vector<16xf32>
      %add3A_670 = arith.addi %get3A_662, %and3A_38 : vector<16xi32>
      tpu.vector_store_idx %arg11[%add3A_670], %mul3A_669 {add = true} : memref<8192xf32, #tpu.memory_space<vmem>>[vector<16xi32>], vector<16xf32>,
      %sub3A_671 = arith.subf %get3A_654, %add3A_141 : vector<16xf32>
      %mul3A_672 = arith.mulf %sub3A_671, %sub3A_671 : vector<16xf32>
      %mul3A_673 = arith.constant -1.600000e+01 : f32
      %mul3A_674 = vector.broadcast %mul3A_673 : f32 to vector<16xf32>
      %mul3A_675 = arith.mulf %mul3A_672, %mul3A_674 : vector<16xf32>
      %exp3A_676 = math.exp %mul3A_675 : vector<16xf32>
      %mul3A_677 = arith.mulf %exp3A_676, %get3A_658 : vector<16xf32>
      %add3A_678 = arith.addi %get3A_662, %and3A_44 : vector<16xi32>
      tpu.vector_store_idx %arg11[%add3A_678], %mul3A_677 {add = true} : memref<8192xf32, #tpu.memory_space<vmem>>[vector<16xi32>], vector<16xf32>,
      %sub3A_679 = arith.subf %get3A_654, %add3A_148 : vector<16xf32>
      %mul3A_680 = arith.mulf %sub3A_679, %sub3A_679 : vector<16xf32>
      %mul3A_681 = arith.constant -1.600000e+01 : f32
      %mul3A_682 = vector.broadcast %mul3A_681 : f32 to vector<16xf32>
      %mul3A_683 = arith.mulf %mul3A_680, %mul3A_682 : vector<16xf32>
      %exp3A_684 = math.exp %mul3A_683 : vector<16xf32>
      %mul3A_685 = arith.mulf %exp3A_684, %get3A_658 : vector<16xf32>
      %add3A_686 = arith.addi %get3A_662, %and3A_50 : vector<16xi32>
      tpu.vector_store_idx %arg11[%add3A_686], %mul3A_685 {add = true} : memref<8192xf32, #tpu.memory_space<vmem>>[vector<16xi32>], vector<16xf32>,
      %sub3A_687 = arith.subf %get3A_654, %add3A_155 : vector<16xf32>
      %mul3A_688 = arith.mulf %sub3A_687, %sub3A_687 : vector<16xf32>
      %mul3A_689 = arith.constant -1.600000e+01 : f32
      %mul3A_690 = vector.broadcast %mul3A_689 : f32 to vector<16xf32>
      %mul3A_691 = arith.mulf %mul3A_688, %mul3A_690 : vector<16xf32>
      %exp3A_692 = math.exp %mul3A_691 : vector<16xf32>
      %mul3A_693 = arith.mulf %exp3A_692, %get3A_658 : vector<16xf32>
      %add3A_694 = arith.addi %get3A_662, %and3A_56 : vector<16xi32>
      tpu.vector_store_idx %arg11[%add3A_694], %mul3A_693 {add = true} : memref<8192xf32, #tpu.memory_space<vmem>>[vector<16xi32>], vector<16xf32>,
      %sub3A_695 = arith.subf %get3A_654, %add3A_162 : vector<16xf32>
      %mul3A_696 = arith.mulf %sub3A_695, %sub3A_695 : vector<16xf32>
      %mul3A_697 = arith.constant -1.600000e+01 : f32
      %mul3A_698 = vector.broadcast %mul3A_697 : f32 to vector<16xf32>
      %mul3A_699 = arith.mulf %mul3A_696, %mul3A_698 : vector<16xf32>
      %exp3A_700 = math.exp %mul3A_699 : vector<16xf32>
      %mul3A_701 = arith.mulf %exp3A_700, %get3A_658 : vector<16xf32>
      %add3A_702 = arith.addi %get3A_662, %and3A_62 : vector<16xi32>
      tpu.vector_store_idx %arg11[%add3A_702], %mul3A_701 {add = true} : memref<8192xf32, #tpu.memory_space<vmem>>[vector<16xi32>], vector<16xf32>,
      %sub3A_703 = arith.subf %get3A_654, %add3A_169 : vector<16xf32>
      %mul3A_704 = arith.mulf %sub3A_703, %sub3A_703 : vector<16xf32>
      %mul3A_705 = arith.constant -1.600000e+01 : f32
      %mul3A_706 = vector.broadcast %mul3A_705 : f32 to vector<16xf32>
      %mul3A_707 = arith.mulf %mul3A_704, %mul3A_706 : vector<16xf32>
      %exp3A_708 = math.exp %mul3A_707 : vector<16xf32>
      %mul3A_709 = arith.mulf %exp3A_708, %get3A_658 : vector<16xf32>
      %add3A_710 = arith.addi %get3A_662, %and3A_68 : vector<16xi32>
      tpu.vector_store_idx %arg11[%add3A_710], %mul3A_709 {add = true} : memref<8192xf32, #tpu.memory_space<vmem>>[vector<16xi32>], vector<16xf32>,
      %sub3A_711 = arith.subf %get3A_654, %add3A_176 : vector<16xf32>
      %mul3A_712 = arith.mulf %sub3A_711, %sub3A_711 : vector<16xf32>
      %mul3A_713 = arith.constant -1.600000e+01 : f32
      %mul3A_714 = vector.broadcast %mul3A_713 : f32 to vector<16xf32>
      %mul3A_715 = arith.mulf %mul3A_712, %mul3A_714 : vector<16xf32>
      %exp3A_716 = math.exp %mul3A_715 : vector<16xf32>
      %mul3A_717 = arith.mulf %exp3A_716, %get3A_658 : vector<16xf32>
      %add3A_718 = arith.addi %get3A_662, %and3A_74 : vector<16xi32>
      tpu.vector_store_idx %arg11[%add3A_718], %mul3A_717 {add = true} : memref<8192xf32, #tpu.memory_space<vmem>>[vector<16xi32>], vector<16xf32>,
      %sub3A_719 = arith.subf %get3A_654, %add3A_183 : vector<16xf32>
      %mul3A_720 = arith.mulf %sub3A_719, %sub3A_719 : vector<16xf32>
      %mul3A_721 = arith.constant -1.600000e+01 : f32
      %mul3A_722 = vector.broadcast %mul3A_721 : f32 to vector<16xf32>
      %mul3A_723 = arith.mulf %mul3A_720, %mul3A_722 : vector<16xf32>
      %exp3A_724 = math.exp %mul3A_723 : vector<16xf32>
      %mul3A_725 = arith.mulf %exp3A_724, %get3A_658 : vector<16xf32>
      %add3A_726 = arith.addi %get3A_662, %and3A_80 : vector<16xi32>
      tpu.vector_store_idx %arg11[%add3A_726], %mul3A_725 {add = true} : memref<8192xf32, #tpu.memory_space<vmem>>[vector<16xi32>], vector<16xf32>,
      %sub3A_727 = arith.subf %get3A_654, %add3A_190 : vector<16xf32>
      %mul3A_728 = arith.mulf %sub3A_727, %sub3A_727 : vector<16xf32>
      %mul3A_729 = arith.constant -1.600000e+01 : f32
      %mul3A_730 = vector.broadcast %mul3A_729 : f32 to vector<16xf32>
      %mul3A_731 = arith.mulf %mul3A_728, %mul3A_730 : vector<16xf32>
      %exp3A_732 = math.exp %mul3A_731 : vector<16xf32>
      %mul3A_733 = arith.mulf %exp3A_732, %get3A_658 : vector<16xf32>
      %add3A_734 = arith.addi %get3A_662, %and3A_86 : vector<16xi32>
      tpu.vector_store_idx %arg11[%add3A_734], %mul3A_733 {add = true} : memref<8192xf32, #tpu.memory_space<vmem>>[vector<16xi32>], vector<16xf32>,
      %sub3A_735 = arith.subf %get3A_654, %add3A_197 : vector<16xf32>
      %mul3A_736 = arith.mulf %sub3A_735, %sub3A_735 : vector<16xf32>
      %mul3A_737 = arith.constant -1.600000e+01 : f32
      %mul3A_738 = vector.broadcast %mul3A_737 : f32 to vector<16xf32>
      %mul3A_739 = arith.mulf %mul3A_736, %mul3A_738 : vector<16xf32>
      %exp3A_740 = math.exp %mul3A_739 : vector<16xf32>
      %mul3A_741 = arith.mulf %exp3A_740, %get3A_658 : vector<16xf32>
      %add3A_742 = arith.addi %get3A_662, %and3A_92 : vector<16xi32>
      tpu.vector_store_idx %arg11[%add3A_742], %mul3A_741 {add = true} : memref<8192xf32, #tpu.memory_space<vmem>>[vector<16xi32>], vector<16xf32>,
      %sub3A_743 = arith.subf %get3A_654, %add3A_204 : vector<16xf32>
      %mul3A_744 = arith.mulf %sub3A_743, %sub3A_743 : vector<16xf32>
      %mul3A_745 = arith.constant -1.600000e+01 : f32
      %mul3A_746 = vector.broadcast %mul3A_745 : f32 to vector<16xf32>
      %mul3A_747 = arith.mulf %mul3A_744, %mul3A_746 : vector<16xf32>
      %exp3A_748 = math.exp %mul3A_747 : vector<16xf32>
      %mul3A_749 = arith.mulf %exp3A_748, %get3A_658 : vector<16xf32>
      %add3A_750 = arith.addi %get3A_662, %and3A_98 : vector<16xi32>
      tpu.vector_store_idx %arg11[%add3A_750], %mul3A_749 {add = true} : memref<8192xf32, #tpu.memory_space<vmem>>[vector<16xi32>], vector<16xf32>,
      %sub3A_751 = arith.subf %get3A_654, %add3A_211 : vector<16xf32>
      %mul3A_752 = arith.mulf %sub3A_751, %sub3A_751 : vector<16xf32>
      %mul3A_753 = arith.constant -1.600000e+01 : f32
      %mul3A_754 = vector.broadcast %mul3A_753 : f32 to vector<16xf32>
      %mul3A_755 = arith.mulf %mul3A_752, %mul3A_754 : vector<16xf32>
      %exp3A_756 = math.exp %mul3A_755 : vector<16xf32>
      %mul3A_757 = arith.mulf %exp3A_756, %get3A_658 : vector<16xf32>
      %add3A_758 = arith.addi %get3A_662, %and3A_104 : vector<16xi32>
      tpu.vector_store_idx %arg11[%add3A_758], %mul3A_757 {add = true} : memref<8192xf32, #tpu.memory_space<vmem>>[vector<16xi32>], vector<16xf32>,
      %sub3A_759 = arith.subf %get3A_654, %add3A_218 : vector<16xf32>
      %mul3A_760 = arith.mulf %sub3A_759, %sub3A_759 : vector<16xf32>
      %mul3A_761 = arith.constant -1.600000e+01 : f32
      %mul3A_762 = vector.broadcast %mul3A_761 : f32 to vector<16xf32>
      %mul3A_763 = arith.mulf %mul3A_760, %mul3A_762 : vector<16xf32>
      %exp3A_764 = math.exp %mul3A_763 : vector<16xf32>
      %mul3A_765 = arith.mulf %exp3A_764, %get3A_658 : vector<16xf32>
      %add3A_766 = arith.addi %get3A_662, %and3A_110 : vector<16xi32>
      tpu.vector_store_idx %arg11[%add3A_766], %mul3A_765 {add = true} : memref<8192xf32, #tpu.memory_space<vmem>>[vector<16xi32>], vector<16xf32>,
      %sub3A_767 = arith.subf %get3A_654, %add3A_225 : vector<16xf32>
      %mul3A_768 = arith.mulf %sub3A_767, %sub3A_767 : vector<16xf32>
      %mul3A_769 = arith.constant -1.600000e+01 : f32
      %mul3A_770 = vector.broadcast %mul3A_769 : f32 to vector<16xf32>
      %mul3A_771 = arith.mulf %mul3A_768, %mul3A_770 : vector<16xf32>
      %exp3A_772 = math.exp %mul3A_771 : vector<16xf32>
      %mul3A_773 = arith.mulf %exp3A_772, %get3A_658 : vector<16xf32>
      %add3A_774 = arith.addi %get3A_662, %and3A_116 : vector<16xi32>
      tpu.vector_store_idx %arg11[%add3A_774], %mul3A_773 {add = true} : memref<8192xf32, #tpu.memory_space<vmem>>[vector<16xi32>], vector<16xf32>,
      %sub3A_775 = arith.subf %get3A_654, %add3A_232 : vector<16xf32>
      %mul3A_776 = arith.mulf %sub3A_775, %sub3A_775 : vector<16xf32>
      %mul3A_777 = arith.constant -1.600000e+01 : f32
      %mul3A_778 = vector.broadcast %mul3A_777 : f32 to vector<16xf32>
      %mul3A_779 = arith.mulf %mul3A_776, %mul3A_778 : vector<16xf32>
      %exp3A_780 = math.exp %mul3A_779 : vector<16xf32>
      %mul3A_781 = arith.mulf %exp3A_780, %get3A_658 : vector<16xf32>
      %add3A_782 = arith.addi %get3A_662, %and3A_122 : vector<16xi32>
      tpu.vector_store_idx %arg11[%add3A_782], %mul3A_781 {add = true} : memref<8192xf32, #tpu.memory_space<vmem>>[vector<16xi32>], vector<16xf32>,
      %sub3A_783 = arith.subf %get3A_654, %add3A_239 : vector<16xf32>
      %mul3A_784 = arith.mulf %sub3A_783, %sub3A_783 : vector<16xf32>
      %mul3A_785 = arith.constant -1.600000e+01 : f32
      %mul3A_786 = vector.broadcast %mul3A_785 : f32 to vector<16xf32>
      %mul3A_787 = arith.mulf %mul3A_784, %mul3A_786 : vector<16xf32>
      %exp3A_788 = math.exp %mul3A_787 : vector<16xf32>
      %mul3A_789 = arith.mulf %exp3A_788, %get3A_658 : vector<16xf32>
      %add3A_790 = arith.addi %get3A_662, %and3A_128 : vector<16xi32>
      tpu.vector_store_idx %arg11[%add3A_790], %mul3A_789 {add = true} : memref<8192xf32, #tpu.memory_space<vmem>>[vector<16xi32>], vector<16xf32>,
    }
    %dma_wait3A_453 = tpu.memref_slice %arg2[%mul3A_25] : memref<1048576xf32, #tpu.memory_space<hbm>> -> memref<16384xf32, #tpu.memory_space<hbm>>
    %dma_wait3A_454 = tpu.memref_slice %arg2[%mul3A_25] : memref<1048576xf32, #tpu.memory_space<hbm>> -> memref<16384xf32, #tpu.memory_space<hbm>>
    tpu.wait_dma2 semaphore(%arg13 : memref<!tpu.dma_semaphore, #tpu.memory_space<semaphore_mem>>) src(%dma_wait3A_454 : memref<16384xf32, #tpu.memory_space<hbm>>) dst(%arg6 : memref<16384xf32, #tpu.memory_space<vmem>>)
    %scan3A_455 = arith.constant 0 : i32
    %scan3A_456 = arith.constant 64 : i32
    %scan3A_457 = arith.addi %scan3A_455, %scan3A_456 : i32
    %scan3A_458 = arith.constant 1 : i32
    %scan3A_459 = scf.for %scan3A_509 = %scan3A_455 to %scan3A_457 step %scan3A_458 iter_args(%scan3A_510 = %broadcast_in_dim3A_32) -> (vector<16xi32>)  : i32 {
      %mul3A_511 = arith.constant 256 : i32
      %mul3A_512 = arith.muli %scan3A_509, %mul3A_511 : i32
      %multiple_of3A = tpu.assume_multiple %mul3A_512, 256 : i32
      %add3A_513 = arith.constant 64 : i32
      %add3A_514 = arith.addi %add3A_513, %scan3A_509 : i32
      %mul3A_515 = arith.constant 64 : i32
      %mul3A_516 = arith.muli %add3A_514, %mul3A_515 : i32
      %add3A_517 = arith.constant 0 : i32
      %add3A_518 = arith.addi %multiple_of3A, %add3A_517 : i32
      %get3A_519 = arith.index_cast %add3A_518 : i32 to index
      %get3A_520 = tpu.vector_load %arg6[%get3A_519] {strides = array<i32>} : memref<16384xf32, #tpu.memory_space<vmem>>, vector<16xf32>,
      %add3A_521 = arith.constant 16 : i32
      %add3A_522 = arith.addi %multiple_of3A, %add3A_521 : i32
      %get3A_523 = arith.index_cast %add3A_522 : i32 to index
      %get3A_524 = tpu.vector_load %arg6[%get3A_523] {strides = array<i32>} : memref<16384xf32, #tpu.memory_space<vmem>>, vector<16xf32>,
      %add3A_525 = arith.constant 32 : i32
      %add3A_526 = arith.addi %multiple_of3A, %add3A_525 : i32
      %get3A_527 = arith.index_cast %add3A_526 : i32 to index
      %get3A_528 = tpu.vector_load %arg6[%get3A_527] {strides = array<i32>} : memref<16384xf32, #tpu.memory_space<vmem>>, vector<16xf32>,
      %add3A_529 = arith.constant 48 : i32
      %add3A_530 = arith.addi %multiple_of3A, %add3A_529 : i32
      %get3A_531 = arith.index_cast %add3A_530 : i32 to index
      %get3A_532 = tpu.vector_load %arg6[%get3A_531] {strides = array<i32>} : memref<16384xf32, #tpu.memory_space<vmem>>, vector<16xf32>,
      %add3A_533 = arith.constant 64 : i32
      %add3A_534 = arith.addi %multiple_of3A, %add3A_533 : i32
      %get3A_535 = arith.index_cast %add3A_534 : i32 to index
      %get3A_536 = tpu.vector_load %arg6[%get3A_535] {strides = array<i32>} : memref<16384xf32, #tpu.memory_space<vmem>>, vector<16xf32>,
      %add3A_537 = arith.constant 80 : i32
      %add3A_538 = arith.addi %multiple_of3A, %add3A_537 : i32
      %get3A_539 = arith.index_cast %add3A_538 : i32 to index
      %get3A_540 = tpu.vector_load %arg6[%get3A_539] {strides = array<i32>} : memref<16384xf32, #tpu.memory_space<vmem>>, vector<16xf32>,
      %add3A_541 = arith.constant 96 : i32
      %add3A_542 = arith.addi %multiple_of3A, %add3A_541 : i32
      %get3A_543 = arith.index_cast %add3A_542 : i32 to index
      %get3A_544 = tpu.vector_load %arg6[%get3A_543] {strides = array<i32>} : memref<16384xf32, #tpu.memory_space<vmem>>, vector<16xf32>,
      %add3A_545 = arith.constant 112 : i32
      %add3A_546 = arith.addi %multiple_of3A, %add3A_545 : i32
      %get3A_547 = arith.index_cast %add3A_546 : i32 to index
      %get3A_548 = tpu.vector_load %arg6[%get3A_547] {strides = array<i32>} : memref<16384xf32, #tpu.memory_space<vmem>>, vector<16xf32>,
      %gt3A = arith.constant 0.000000e+00 : f32
      %gt3A_549 = vector.broadcast %gt3A : f32 to vector<16xf32>
      %gt3A_550 = arith.cmpf ogt, %get3A_520, %gt3A_549 : vector<16xf32>
      %lt3A = arith.constant 5.200000e+00 : f32
      %lt3A_551 = vector.broadcast %lt3A : f32 to vector<16xf32>
      %lt3A_552 = arith.cmpf olt, %get3A_520, %lt3A_551 : vector<16xf32>
      %and3A_553 = arith.andi %gt3A_550, %lt3A_552 : vector<16xi1>
      %gt3A_554 = arith.constant 0.000000e+00 : f32
      %gt3A_555 = vector.broadcast %gt3A_554 : f32 to vector<16xf32>
      %gt3A_556 = arith.cmpf ogt, %get3A_524, %gt3A_555 : vector<16xf32>
      %lt3A_557 = arith.constant 5.200000e+00 : f32
      %lt3A_558 = vector.broadcast %lt3A_557 : f32 to vector<16xf32>
      %lt3A_559 = arith.cmpf olt, %get3A_524, %lt3A_558 : vector<16xf32>
      %and3A_560 = arith.andi %gt3A_556, %lt3A_559 : vector<16xi1>
      %gt3A_561 = arith.constant 0.000000e+00 : f32
      %gt3A_562 = vector.broadcast %gt3A_561 : f32 to vector<16xf32>
      %gt3A_563 = arith.cmpf ogt, %get3A_528, %gt3A_562 : vector<16xf32>
      %lt3A_564 = arith.constant 5.200000e+00 : f32
      %lt3A_565 = vector.broadcast %lt3A_564 : f32 to vector<16xf32>
      %lt3A_566 = arith.cmpf olt, %get3A_528, %lt3A_565 : vector<16xf32>
      %and3A_567 = arith.andi %gt3A_563, %lt3A_566 : vector<16xi1>
      %gt3A_568 = arith.constant 0.000000e+00 : f32
      %gt3A_569 = vector.broadcast %gt3A_568 : f32 to vector<16xf32>
      %gt3A_570 = arith.cmpf ogt, %get3A_532, %gt3A_569 : vector<16xf32>
      %lt3A_571 = arith.constant 5.200000e+00 : f32
      %lt3A_572 = vector.broadcast %lt3A_571 : f32 to vector<16xf32>
      %lt3A_573 = arith.cmpf olt, %get3A_532, %lt3A_572 : vector<16xf32>
      %and3A_574 = arith.andi %gt3A_570, %lt3A_573 : vector<16xi1>
      %gt3A_575 = arith.constant 0.000000e+00 : f32
      %gt3A_576 = vector.broadcast %gt3A_575 : f32 to vector<16xf32>
      %gt3A_577 = arith.cmpf ogt, %get3A_536, %gt3A_576 : vector<16xf32>
      %lt3A_578 = arith.constant 5.200000e+00 : f32
      %lt3A_579 = vector.broadcast %lt3A_578 : f32 to vector<16xf32>
      %lt3A_580 = arith.cmpf olt, %get3A_536, %lt3A_579 : vector<16xf32>
      %and3A_581 = arith.andi %gt3A_577, %lt3A_580 : vector<16xi1>
      %gt3A_582 = arith.constant 0.000000e+00 : f32
      %gt3A_583 = vector.broadcast %gt3A_582 : f32 to vector<16xf32>
      %gt3A_584 = arith.cmpf ogt, %get3A_540, %gt3A_583 : vector<16xf32>
      %lt3A_585 = arith.constant 5.200000e+00 : f32
      %lt3A_586 = vector.broadcast %lt3A_585 : f32 to vector<16xf32>
      %lt3A_587 = arith.cmpf olt, %get3A_540, %lt3A_586 : vector<16xf32>
      %and3A_588 = arith.andi %gt3A_584, %lt3A_587 : vector<16xi1>
      %gt3A_589 = arith.constant 0.000000e+00 : f32
      %gt3A_590 = vector.broadcast %gt3A_589 : f32 to vector<16xf32>
      %gt3A_591 = arith.cmpf ogt, %get3A_544, %gt3A_590 : vector<16xf32>
      %lt3A_592 = arith.constant 5.200000e+00 : f32
      %lt3A_593 = vector.broadcast %lt3A_592 : f32 to vector<16xf32>
      %lt3A_594 = arith.cmpf olt, %get3A_544, %lt3A_593 : vector<16xf32>
      %and3A_595 = arith.andi %gt3A_591, %lt3A_594 : vector<16xi1>
      %gt3A_596 = arith.constant 0.000000e+00 : f32
      %gt3A_597 = vector.broadcast %gt3A_596 : f32 to vector<16xf32>
      %gt3A_598 = arith.cmpf ogt, %get3A_548, %gt3A_597 : vector<16xf32>
      %lt3A_599 = arith.constant 5.200000e+00 : f32
      %lt3A_600 = vector.broadcast %lt3A_599 : f32 to vector<16xf32>
      %lt3A_601 = arith.cmpf olt, %get3A_548, %lt3A_600 : vector<16xf32>
      %and3A_602 = arith.andi %gt3A_598, %lt3A_601 : vector<16xi1>
      %all_reduce_population_count3A = tpu.all_reduce %and3A_553 {dim = 0 : i64, kind = #tpu.reduction_kind<sum>} : vector<16xi1> -> vector<16xi32>
      %all_reduce_population_count3A_603 = tpu.all_reduce %and3A_560 {dim = 0 : i64, kind = #tpu.reduction_kind<sum>} : vector<16xi1> -> vector<16xi32>
      %all_reduce_population_count3A_604 = tpu.all_reduce %and3A_567 {dim = 0 : i64, kind = #tpu.reduction_kind<sum>} : vector<16xi1> -> vector<16xi32>
      %all_reduce_population_count3A_605 = tpu.all_reduce %and3A_574 {dim = 0 : i64, kind = #tpu.reduction_kind<sum>} : vector<16xi1> -> vector<16xi32>
      %all_reduce_population_count3A_606 = tpu.all_reduce %and3A_581 {dim = 0 : i64, kind = #tpu.reduction_kind<sum>} : vector<16xi1> -> vector<16xi32>
      %all_reduce_population_count3A_607 = tpu.all_reduce %and3A_588 {dim = 0 : i64, kind = #tpu.reduction_kind<sum>} : vector<16xi1> -> vector<16xi32>
      %all_reduce_population_count3A_608 = tpu.all_reduce %and3A_595 {dim = 0 : i64, kind = #tpu.reduction_kind<sum>} : vector<16xi1> -> vector<16xi32>
      %all_reduce_population_count3A_609 = tpu.all_reduce %and3A_602 {dim = 0 : i64, kind = #tpu.reduction_kind<sum>} : vector<16xi1> -> vector<16xi32>
      %mul3A_610 = arith.mulf %get3A_520, %get3A_520 : vector<16xf32>
      %mul3A_611 = arith.mulf %get3A_524, %get3A_524 : vector<16xf32>
      %mul3A_612 = arith.mulf %get3A_528, %get3A_528 : vector<16xf32>
      %mul3A_613 = arith.mulf %get3A_532, %get3A_532 : vector<16xf32>
      %mul3A_614 = arith.mulf %get3A_536, %get3A_536 : vector<16xf32>
      %mul3A_615 = arith.mulf %get3A_540, %get3A_540 : vector<16xf32>
      %mul3A_616 = arith.mulf %get3A_544, %get3A_544 : vector<16xf32>
      %mul3A_617 = arith.mulf %get3A_548, %get3A_548 : vector<16xf32>
      %mul3A_618 = arith.constant 1.66674269E-7 : f32
      %mul3A_619 = vector.broadcast %mul3A_618 : f32 to vector<16xf32>
      %mul3A_620 = arith.mulf %mul3A_610, %mul3A_619 : vector<16xf32>
      %add3A_621 = arith.constant -3.25573237E-5 : f32
      %add3A_622 = vector.broadcast %add3A_621 : f32 to vector<16xf32>
      %add3A_623 = arith.addf %mul3A_620, %add3A_622 : vector<16xf32>
      %mul3A_624 = arith.constant 1.66674269E-7 : f32
      %mul3A_625 = vector.broadcast %mul3A_624 : f32 to vector<16xf32>
      %mul3A_626 = arith.mulf %mul3A_611, %mul3A_625 : vector<16xf32>
      %add3A_627 = arith.constant -3.25573237E-5 : f32
      %add3A_628 = vector.broadcast %add3A_627 : f32 to vector<16xf32>
      %add3A_629 = arith.addf %mul3A_626, %add3A_628 : vector<16xf32>
      %mul3A_630 = arith.constant 1.66674269E-7 : f32
      %mul3A_631 = vector.broadcast %mul3A_630 : f32 to vector<16xf32>
      %mul3A_632 = arith.mulf %mul3A_612, %mul3A_631 : vector<16xf32>
      %add3A_633 = arith.constant -3.25573237E-5 : f32
      %add3A_634 = vector.broadcast %add3A_633 : f32 to vector<16xf32>
      %add3A_635 = arith.addf %mul3A_632, %add3A_634 : vector<16xf32>
      %mul3A_636 = arith.constant 1.66674269E-7 : f32
      %mul3A_637 = vector.broadcast %mul3A_636 : f32 to vector<16xf32>
      %mul3A_638 = arith.mulf %mul3A_613, %mul3A_637 : vector<16xf32>
      %add3A_639 = arith.constant -3.25573237E-5 : f32
      %add3A_640 = vector.broadcast %add3A_639 : f32 to vector<16xf32>
      %add3A_641 = arith.addf %mul3A_638, %add3A_640 : vector<16xf32>
      %mul3A_642 = arith.constant 1.66674269E-7 : f32
      %mul3A_643 = vector.broadcast %mul3A_642 : f32 to vector<16xf32>
      %mul3A_644 = arith.mulf %mul3A_614, %mul3A_643 : vector<16xf32>
      %add3A_645 = arith.constant -3.25573237E-5 : f32
      %add3A_646 = vector.broadcast %add3A_645 : f32 to vector<16xf32>
      %add3A_647 = arith.addf %mul3A_644, %add3A_646 : vector<16xf32>
      %mul3A_648 = arith.constant 1.66674269E-7 : f32
      %mul3A_649 = vector.broadcast %mul3A_648 : f32 to vector<16xf32>
      %mul3A_650 = arith.mulf %mul3A_615, %mul3A_649 : vector<16xf32>
      %add3A_651 = arith.constant -3.25573237E-5 : f32
      %add3A_652 = vector.broadcast %add3A_651 : f32 to vector<16xf32>
      %add3A_653 = arith.addf %mul3A_650, %add3A_652 : vector<16xf32>
      %mul3A_654 = arith.constant 1.66674269E-7 : f32
      %mul3A_655 = vector.broadcast %mul3A_654 : f32 to vector<16xf32>
      %mul3A_656 = arith.mulf %mul3A_616, %mul3A_655 : vector<16xf32>
      %add3A_657 = arith.constant -3.25573237E-5 : f32
      %add3A_658 = vector.broadcast %add3A_657 : f32 to vector<16xf32>
      %add3A_659 = arith.addf %mul3A_656, %add3A_658 : vector<16xf32>
      %mul3A_660 = arith.constant 1.66674269E-7 : f32
      %mul3A_661 = vector.broadcast %mul3A_660 : f32 to vector<16xf32>
      %mul3A_662 = arith.mulf %mul3A_617, %mul3A_661 : vector<16xf32>
      %add3A_663 = arith.constant -3.25573237E-5 : f32
      %add3A_664 = vector.broadcast %add3A_663 : f32 to vector<16xf32>
      %add3A_665 = arith.addf %mul3A_662, %add3A_664 : vector<16xf32>
      %mul3A_666 = arith.mulf %add3A_623, %mul3A_610 : vector<16xf32>
      %mul3A_667 = arith.mulf %add3A_629, %mul3A_611 : vector<16xf32>
      %mul3A_668 = arith.mulf %add3A_635, %mul3A_612 : vector<16xf32>
      %mul3A_669 = arith.mulf %add3A_641, %mul3A_613 : vector<16xf32>
      %mul3A_670 = arith.mulf %add3A_647, %mul3A_614 : vector<16xf32>
      %mul3A_671 = arith.mulf %add3A_653, %mul3A_615 : vector<16xf32>
      %mul3A_672 = arith.mulf %add3A_659, %mul3A_616 : vector<16xf32>
      %mul3A_673 = arith.mulf %add3A_665, %mul3A_617 : vector<16xf32>
      %add3A_674 = arith.constant 0.00276407087 : f32
      %add3A_675 = vector.broadcast %add3A_674 : f32 to vector<16xf32>
      %add3A_676 = arith.addf %mul3A_666, %add3A_675 : vector<16xf32>
      %add3A_677 = arith.constant 0.00276407087 : f32
      %add3A_678 = vector.broadcast %add3A_677 : f32 to vector<16xf32>
      %add3A_679 = arith.addf %mul3A_667, %add3A_678 : vector<16xf32>
      %add3A_680 = arith.constant 0.00276407087 : f32
      %add3A_681 = vector.broadcast %add3A_680 : f32 to vector<16xf32>
      %add3A_682 = arith.addf %mul3A_668, %add3A_681 : vector<16xf32>
      %add3A_683 = arith.constant 0.00276407087 : f32
      %add3A_684 = vector.broadcast %add3A_683 : f32 to vector<16xf32>
      %add3A_685 = arith.addf %mul3A_669, %add3A_684 : vector<16xf32>
      %add3A_686 = arith.constant 0.00276407087 : f32
      %add3A_687 = vector.broadcast %add3A_686 : f32 to vector<16xf32>
      %add3A_688 = arith.addf %mul3A_670, %add3A_687 : vector<16xf32>
      %add3A_689 = arith.constant 0.00276407087 : f32
      %add3A_690 = vector.broadcast %add3A_689 : f32 to vector<16xf32>
      %add3A_691 = arith.addf %mul3A_671, %add3A_690 : vector<16xf32>
      %add3A_692 = arith.constant 0.00276407087 : f32
      %add3A_693 = vector.broadcast %add3A_692 : f32 to vector<16xf32>
      %add3A_694 = arith.addf %mul3A_672, %add3A_693 : vector<16xf32>
      %add3A_695 = arith.constant 0.00276407087 : f32
      %add3A_696 = vector.broadcast %add3A_695 : f32 to vector<16xf32>
      %add3A_697 = arith.addf %mul3A_673, %add3A_696 : vector<16xf32>
      %mul3A_698 = arith.mulf %add3A_676, %mul3A_610 : vector<16xf32>
      %mul3A_699 = arith.mulf %add3A_679, %mul3A_611 : vector<16xf32>
      %mul3A_700 = arith.mulf %add3A_682, %mul3A_612 : vector<16xf32>
      %mul3A_701 = arith.mulf %add3A_685, %mul3A_613 : vector<16xf32>
      %mul3A_702 = arith.mulf %add3A_688, %mul3A_614 : vector<16xf32>
      %mul3A_703 = arith.mulf %add3A_691, %mul3A_615 : vector<16xf32>
      %mul3A_704 = arith.mulf %add3A_694, %mul3A_616 : vector<16xf32>
      %mul3A_705 = arith.mulf %add3A_697, %mul3A_617 : vector<16xf32>
      %add3A_706 = arith.constant -0.0912118256 : f32
      %add3A_707 = vector.broadcast %add3A_706 : f32 to vector<16xf32>
      %add3A_708 = arith.addf %mul3A_698, %add3A_707 : vector<16xf32>
      %add3A_709 = arith.constant -0.0912118256 : f32
      %add3A_710 = vector.broadcast %add3A_709 : f32 to vector<16xf32>
      %add3A_711 = arith.addf %mul3A_699, %add3A_710 : vector<16xf32>
      %add3A_712 = arith.constant -0.0912118256 : f32
      %add3A_713 = vector.broadcast %add3A_712 : f32 to vector<16xf32>
      %add3A_714 = arith.addf %mul3A_700, %add3A_713 : vector<16xf32>
      %add3A_715 = arith.constant -0.0912118256 : f32
      %add3A_716 = vector.broadcast %add3A_715 : f32 to vector<16xf32>
      %add3A_717 = arith.addf %mul3A_701, %add3A_716 : vector<16xf32>
      %add3A_718 = arith.constant -0.0912118256 : f32
      %add3A_719 = vector.broadcast %add3A_718 : f32 to vector<16xf32>
      %add3A_720 = arith.addf %mul3A_702, %add3A_719 : vector<16xf32>
      %add3A_721 = arith.constant -0.0912118256 : f32
      %add3A_722 = vector.broadcast %add3A_721 : f32 to vector<16xf32>
      %add3A_723 = arith.addf %mul3A_703, %add3A_722 : vector<16xf32>
      %add3A_724 = arith.constant -0.0912118256 : f32
      %add3A_725 = vector.broadcast %add3A_724 : f32 to vector<16xf32>
      %add3A_726 = arith.addf %mul3A_704, %add3A_725 : vector<16xf32>
      %add3A_727 = arith.constant -0.0912118256 : f32
      %add3A_728 = vector.broadcast %add3A_727 : f32 to vector<16xf32>
      %add3A_729 = arith.addf %mul3A_705, %add3A_728 : vector<16xf32>
      %mul3A_730 = arith.mulf %add3A_708, %mul3A_610 : vector<16xf32>
      %mul3A_731 = arith.mulf %add3A_711, %mul3A_611 : vector<16xf32>
      %mul3A_732 = arith.mulf %add3A_714, %mul3A_612 : vector<16xf32>
      %mul3A_733 = arith.mulf %add3A_717, %mul3A_613 : vector<16xf32>
      %mul3A_734 = arith.mulf %add3A_720, %mul3A_614 : vector<16xf32>
      %mul3A_735 = arith.mulf %add3A_723, %mul3A_615 : vector<16xf32>
      %mul3A_736 = arith.mulf %add3A_726, %mul3A_616 : vector<16xf32>
      %mul3A_737 = arith.mulf %add3A_729, %mul3A_617 : vector<16xf32>
      %add3A_738 = arith.constant 0.999979496 : f32
      %add3A_739 = vector.broadcast %add3A_738 : f32 to vector<16xf32>
      %add3A_740 = arith.addf %mul3A_730, %add3A_739 : vector<16xf32>
      %add3A_741 = arith.constant 0.999979496 : f32
      %add3A_742 = vector.broadcast %add3A_741 : f32 to vector<16xf32>
      %add3A_743 = arith.addf %mul3A_731, %add3A_742 : vector<16xf32>
      %add3A_744 = arith.constant 0.999979496 : f32
      %add3A_745 = vector.broadcast %add3A_744 : f32 to vector<16xf32>
      %add3A_746 = arith.addf %mul3A_732, %add3A_745 : vector<16xf32>
      %add3A_747 = arith.constant 0.999979496 : f32
      %add3A_748 = vector.broadcast %add3A_747 : f32 to vector<16xf32>
      %add3A_749 = arith.addf %mul3A_733, %add3A_748 : vector<16xf32>
      %add3A_750 = arith.constant 0.999979496 : f32
      %add3A_751 = vector.broadcast %add3A_750 : f32 to vector<16xf32>
      %add3A_752 = arith.addf %mul3A_734, %add3A_751 : vector<16xf32>
      %add3A_753 = arith.constant 0.999979496 : f32
      %add3A_754 = vector.broadcast %add3A_753 : f32 to vector<16xf32>
      %add3A_755 = arith.addf %mul3A_735, %add3A_754 : vector<16xf32>
      %add3A_756 = arith.constant 0.999979496 : f32
      %add3A_757 = vector.broadcast %add3A_756 : f32 to vector<16xf32>
      %add3A_758 = arith.addf %mul3A_736, %add3A_757 : vector<16xf32>
      %add3A_759 = arith.constant 0.999979496 : f32
      %add3A_760 = vector.broadcast %add3A_759 : f32 to vector<16xf32>
      %add3A_761 = arith.addf %mul3A_737, %add3A_760 : vector<16xf32>
      %get3A_762 = arith.constant 0 : index
      %get3A_763 = tpu.vector_load %arg10[%get3A_762] {strides = array<i32>} : memref<256xi32, #tpu.memory_space<vmem>>, vector<16xi32>,
      %add3A_764 = vector.broadcast %mul3A_516 : i32 to vector<16xi32>
      %add3A_765 = arith.addi %get3A_763, %add3A_764 : vector<16xi32>
      %get3A_766 = arith.constant 16 : index
      %get3A_767 = tpu.vector_load %arg10[%get3A_766] {strides = array<i32>} : memref<256xi32, #tpu.memory_space<vmem>>, vector<16xi32>,
      %add3A_768 = vector.broadcast %mul3A_516 : i32 to vector<16xi32>
      %add3A_769 = arith.addi %get3A_767, %add3A_768 : vector<16xi32>
      %get3A_770 = arith.constant 32 : index
      %get3A_771 = tpu.vector_load %arg10[%get3A_770] {strides = array<i32>} : memref<256xi32, #tpu.memory_space<vmem>>, vector<16xi32>,
      %add3A_772 = vector.broadcast %mul3A_516 : i32 to vector<16xi32>
      %add3A_773 = arith.addi %get3A_771, %add3A_772 : vector<16xi32>
      %get3A_774 = arith.constant 48 : index
      %get3A_775 = tpu.vector_load %arg10[%get3A_774] {strides = array<i32>} : memref<256xi32, #tpu.memory_space<vmem>>, vector<16xi32>,
      %add3A_776 = vector.broadcast %mul3A_516 : i32 to vector<16xi32>
      %add3A_777 = arith.addi %get3A_775, %add3A_776 : vector<16xi32>
      %get3A_778 = arith.constant 64 : index
      %get3A_779 = tpu.vector_load %arg10[%get3A_778] {strides = array<i32>} : memref<256xi32, #tpu.memory_space<vmem>>, vector<16xi32>,
      %add3A_780 = vector.broadcast %mul3A_516 : i32 to vector<16xi32>
      %add3A_781 = arith.addi %get3A_779, %add3A_780 : vector<16xi32>
      %get3A_782 = arith.constant 80 : index
      %get3A_783 = tpu.vector_load %arg10[%get3A_782] {strides = array<i32>} : memref<256xi32, #tpu.memory_space<vmem>>, vector<16xi32>,
      %add3A_784 = vector.broadcast %mul3A_516 : i32 to vector<16xi32>
      %add3A_785 = arith.addi %get3A_783, %add3A_784 : vector<16xi32>
      %get3A_786 = arith.constant 96 : index
      %get3A_787 = tpu.vector_load %arg10[%get3A_786] {strides = array<i32>} : memref<256xi32, #tpu.memory_space<vmem>>, vector<16xi32>,
      %add3A_788 = vector.broadcast %mul3A_516 : i32 to vector<16xi32>
      %add3A_789 = arith.addi %get3A_787, %add3A_788 : vector<16xi32>
      %get3A_790 = arith.constant 112 : index
      %get3A_791 = tpu.vector_load %arg10[%get3A_790] {strides = array<i32>} : memref<256xi32, #tpu.memory_space<vmem>>, vector<16xi32>,
      %add3A_792 = vector.broadcast %mul3A_516 : i32 to vector<16xi32>
      %add3A_793 = arith.addi %get3A_791, %add3A_792 : vector<16xi32>
      %convert_element_type3A_794 = arith.extui %and3A_553 : vector<16xi1> to vector<16xi32>
      %broadcast_in_dim3A_795 = arith.constant true
      %broadcast_in_dim3A_796 = vector.broadcast %broadcast_in_dim3A_795 : i1 to vector<16xi1>
      %masked_cumsum3A = tpu.scan <sum>, %convert_element_type3A_794 masked %broadcast_in_dim3A_796 : vector<16xi32>, vector<16xi1> -> vector<16xi32>
      %convert_element_type3A_797 = arith.extui %and3A_560 : vector<16xi1> to vector<16xi32>
      %broadcast_in_dim3A_798 = arith.constant true
      %broadcast_in_dim3A_799 = vector.broadcast %broadcast_in_dim3A_798 : i1 to vector<16xi1>
      %masked_cumsum3A_800 = tpu.scan <sum>, %convert_element_type3A_797 masked %broadcast_in_dim3A_799 : vector<16xi32>, vector<16xi1> -> vector<16xi32>
      %convert_element_type3A_801 = arith.extui %and3A_567 : vector<16xi1> to vector<16xi32>
      %broadcast_in_dim3A_802 = arith.constant true
      %broadcast_in_dim3A_803 = vector.broadcast %broadcast_in_dim3A_802 : i1 to vector<16xi1>
      %masked_cumsum3A_804 = tpu.scan <sum>, %convert_element_type3A_801 masked %broadcast_in_dim3A_803 : vector<16xi32>, vector<16xi1> -> vector<16xi32>
      %convert_element_type3A_805 = arith.extui %and3A_574 : vector<16xi1> to vector<16xi32>
      %broadcast_in_dim3A_806 = arith.constant true
      %broadcast_in_dim3A_807 = vector.broadcast %broadcast_in_dim3A_806 : i1 to vector<16xi1>
      %masked_cumsum3A_808 = tpu.scan <sum>, %convert_element_type3A_805 masked %broadcast_in_dim3A_807 : vector<16xi32>, vector<16xi1> -> vector<16xi32>
      %convert_element_type3A_809 = arith.extui %and3A_581 : vector<16xi1> to vector<16xi32>
      %broadcast_in_dim3A_810 = arith.constant true
      %broadcast_in_dim3A_811 = vector.broadcast %broadcast_in_dim3A_810 : i1 to vector<16xi1>
      %masked_cumsum3A_812 = tpu.scan <sum>, %convert_element_type3A_809 masked %broadcast_in_dim3A_811 : vector<16xi32>, vector<16xi1> -> vector<16xi32>
      %convert_element_type3A_813 = arith.extui %and3A_588 : vector<16xi1> to vector<16xi32>
      %broadcast_in_dim3A_814 = arith.constant true
      %broadcast_in_dim3A_815 = vector.broadcast %broadcast_in_dim3A_814 : i1 to vector<16xi1>
      %masked_cumsum3A_816 = tpu.scan <sum>, %convert_element_type3A_813 masked %broadcast_in_dim3A_815 : vector<16xi32>, vector<16xi1> -> vector<16xi32>
      %convert_element_type3A_817 = arith.extui %and3A_595 : vector<16xi1> to vector<16xi32>
      %broadcast_in_dim3A_818 = arith.constant true
      %broadcast_in_dim3A_819 = vector.broadcast %broadcast_in_dim3A_818 : i1 to vector<16xi1>
      %masked_cumsum3A_820 = tpu.scan <sum>, %convert_element_type3A_817 masked %broadcast_in_dim3A_819 : vector<16xi32>, vector<16xi1> -> vector<16xi32>
      %convert_element_type3A_821 = arith.extui %and3A_602 : vector<16xi1> to vector<16xi32>
      %broadcast_in_dim3A_822 = arith.constant true
      %broadcast_in_dim3A_823 = vector.broadcast %broadcast_in_dim3A_822 : i1 to vector<16xi1>
      %masked_cumsum3A_824 = tpu.scan <sum>, %convert_element_type3A_821 masked %broadcast_in_dim3A_823 : vector<16xi32>, vector<16xi1> -> vector<16xi32>
      %add3A_825 = arith.addi %scan3A_510, %masked_cumsum3A : vector<16xi32>
      %sub3A_826 = arith.constant 1 : i32
      %sub3A_827 = vector.broadcast %sub3A_826 : i32 to vector<16xi32>
      %sub3A_828 = arith.subi %add3A_825, %sub3A_827 : vector<16xi32>
      tpu.vector_store_idx %arg7[%sub3A_828], %get3A_520 masked %and3A_553 : memref<16416xf32, #tpu.memory_space<vmem>>[vector<16xi32>], vector<16xf32>, vector<16xi1>
      tpu.vector_store_idx %arg8[%sub3A_828], %add3A_740 masked %and3A_553 : memref<16416xf32, #tpu.memory_space<vmem>>[vector<16xi32>], vector<16xf32>, vector<16xi1>
      tpu.vector_store_idx %arg9[%sub3A_828], %add3A_765 masked %and3A_553 : memref<16416xi32, #tpu.memory_space<vmem>>[vector<16xi32>], vector<16xi32>, vector<16xi1>
      %add3A_829 = arith.addi %scan3A_510, %all_reduce_population_count3A : vector<16xi32>
      %add3A_830 = arith.addi %add3A_829, %masked_cumsum3A_800 : vector<16xi32>
      %sub3A_831 = arith.constant 1 : i32
      %sub3A_832 = vector.broadcast %sub3A_831 : i32 to vector<16xi32>
      %sub3A_833 = arith.subi %add3A_830, %sub3A_832 : vector<16xi32>
      tpu.vector_store_idx %arg7[%sub3A_833], %get3A_524 masked %and3A_560 : memref<16416xf32, #tpu.memory_space<vmem>>[vector<16xi32>], vector<16xf32>, vector<16xi1>
      tpu.vector_store_idx %arg8[%sub3A_833], %add3A_743 masked %and3A_560 : memref<16416xf32, #tpu.memory_space<vmem>>[vector<16xi32>], vector<16xf32>, vector<16xi1>
      tpu.vector_store_idx %arg9[%sub3A_833], %add3A_769 masked %and3A_560 : memref<16416xi32, #tpu.memory_space<vmem>>[vector<16xi32>], vector<16xi32>, vector<16xi1>
      %add3A_834 = arith.addi %add3A_829, %all_reduce_population_count3A_603 : vector<16xi32>
      %add3A_835 = arith.addi %add3A_834, %masked_cumsum3A_804 : vector<16xi32>
      %sub3A_836 = arith.constant 1 : i32
      %sub3A_837 = vector.broadcast %sub3A_836 : i32 to vector<16xi32>
      %sub3A_838 = arith.subi %add3A_835, %sub3A_837 : vector<16xi32>
      tpu.vector_store_idx %arg7[%sub3A_838], %get3A_528 masked %and3A_567 : memref<16416xf32, #tpu.memory_space<vmem>>[vector<16xi32>], vector<16xf32>, vector<16xi1>
      tpu.vector_store_idx %arg8[%sub3A_838], %add3A_746 masked %and3A_567 : memref<16416xf32, #tpu.memory_space<vmem>>[vector<16xi32>], vector<16xf32>, vector<16xi1>
      tpu.vector_store_idx %arg9[%sub3A_838], %add3A_773 masked %and3A_567 : memref<16416xi32, #tpu.memory_space<vmem>>[vector<16xi32>], vector<16xi32>, vector<16xi1>
      %add3A_839 = arith.addi %add3A_834, %all_reduce_population_count3A_604 : vector<16xi32>
      %add3A_840 = arith.addi %add3A_839, %masked_cumsum3A_808 : vector<16xi32>
      %sub3A_841 = arith.constant 1 : i32
      %sub3A_842 = vector.broadcast %sub3A_841 : i32 to vector<16xi32>
      %sub3A_843 = arith.subi %add3A_840, %sub3A_842 : vector<16xi32>
      tpu.vector_store_idx %arg7[%sub3A_843], %get3A_532 masked %and3A_574 : memref<16416xf32, #tpu.memory_space<vmem>>[vector<16xi32>], vector<16xf32>, vector<16xi1>
      tpu.vector_store_idx %arg8[%sub3A_843], %add3A_749 masked %and3A_574 : memref<16416xf32, #tpu.memory_space<vmem>>[vector<16xi32>], vector<16xf32>, vector<16xi1>
      tpu.vector_store_idx %arg9[%sub3A_843], %add3A_777 masked %and3A_574 : memref<16416xi32, #tpu.memory_space<vmem>>[vector<16xi32>], vector<16xi32>, vector<16xi1>
      %add3A_844 = arith.addi %add3A_839, %all_reduce_population_count3A_605 : vector<16xi32>
      %add3A_845 = arith.addi %add3A_844, %masked_cumsum3A_812 : vector<16xi32>
      %sub3A_846 = arith.constant 1 : i32
      %sub3A_847 = vector.broadcast %sub3A_846 : i32 to vector<16xi32>
      %sub3A_848 = arith.subi %add3A_845, %sub3A_847 : vector<16xi32>
      tpu.vector_store_idx %arg7[%sub3A_848], %get3A_536 masked %and3A_581 : memref<16416xf32, #tpu.memory_space<vmem>>[vector<16xi32>], vector<16xf32>, vector<16xi1>
      tpu.vector_store_idx %arg8[%sub3A_848], %add3A_752 masked %and3A_581 : memref<16416xf32, #tpu.memory_space<vmem>>[vector<16xi32>], vector<16xf32>, vector<16xi1>
      tpu.vector_store_idx %arg9[%sub3A_848], %add3A_781 masked %and3A_581 : memref<16416xi32, #tpu.memory_space<vmem>>[vector<16xi32>], vector<16xi32>, vector<16xi1>
      %add3A_849 = arith.addi %add3A_844, %all_reduce_population_count3A_606 : vector<16xi32>
      %add3A_850 = arith.addi %add3A_849, %masked_cumsum3A_816 : vector<16xi32>
      %sub3A_851 = arith.constant 1 : i32
      %sub3A_852 = vector.broadcast %sub3A_851 : i32 to vector<16xi32>
      %sub3A_853 = arith.subi %add3A_850, %sub3A_852 : vector<16xi32>
      tpu.vector_store_idx %arg7[%sub3A_853], %get3A_540 masked %and3A_588 : memref<16416xf32, #tpu.memory_space<vmem>>[vector<16xi32>], vector<16xf32>, vector<16xi1>
      tpu.vector_store_idx %arg8[%sub3A_853], %add3A_755 masked %and3A_588 : memref<16416xf32, #tpu.memory_space<vmem>>[vector<16xi32>], vector<16xf32>, vector<16xi1>
      tpu.vector_store_idx %arg9[%sub3A_853], %add3A_785 masked %and3A_588 : memref<16416xi32, #tpu.memory_space<vmem>>[vector<16xi32>], vector<16xi32>, vector<16xi1>
      %add3A_854 = arith.addi %add3A_849, %all_reduce_population_count3A_607 : vector<16xi32>
      %add3A_855 = arith.addi %add3A_854, %masked_cumsum3A_820 : vector<16xi32>
      %sub3A_856 = arith.constant 1 : i32
      %sub3A_857 = vector.broadcast %sub3A_856 : i32 to vector<16xi32>
      %sub3A_858 = arith.subi %add3A_855, %sub3A_857 : vector<16xi32>
      tpu.vector_store_idx %arg7[%sub3A_858], %get3A_544 masked %and3A_595 : memref<16416xf32, #tpu.memory_space<vmem>>[vector<16xi32>], vector<16xf32>, vector<16xi1>
      tpu.vector_store_idx %arg8[%sub3A_858], %add3A_758 masked %and3A_595 : memref<16416xf32, #tpu.memory_space<vmem>>[vector<16xi32>], vector<16xf32>, vector<16xi1>
      tpu.vector_store_idx %arg9[%sub3A_858], %add3A_789 masked %and3A_595 : memref<16416xi32, #tpu.memory_space<vmem>>[vector<16xi32>], vector<16xi32>, vector<16xi1>
      %add3A_859 = arith.addi %add3A_854, %all_reduce_population_count3A_608 : vector<16xi32>
      %add3A_860 = arith.addi %add3A_859, %masked_cumsum3A_824 : vector<16xi32>
      %sub3A_861 = arith.constant 1 : i32
      %sub3A_862 = vector.broadcast %sub3A_861 : i32 to vector<16xi32>
      %sub3A_863 = arith.subi %add3A_860, %sub3A_862 : vector<16xi32>
      tpu.vector_store_idx %arg7[%sub3A_863], %get3A_548 masked %and3A_602 : memref<16416xf32, #tpu.memory_space<vmem>>[vector<16xi32>], vector<16xf32>, vector<16xi1>
      tpu.vector_store_idx %arg8[%sub3A_863], %add3A_761 masked %and3A_602 : memref<16416xf32, #tpu.memory_space<vmem>>[vector<16xi32>], vector<16xf32>, vector<16xi1>
      tpu.vector_store_idx %arg9[%sub3A_863], %add3A_793 masked %and3A_602 : memref<16416xi32, #tpu.memory_space<vmem>>[vector<16xi32>], vector<16xi32>, vector<16xi1>
      %add3A_864 = arith.addi %add3A_859, %all_reduce_population_count3A_609 : vector<16xi32>
      %add3A_865 = arith.constant 128 : i32
      %add3A_866 = arith.addi %multiple_of3A, %add3A_865 : i32
      %get3A_867 = arith.index_cast %add3A_866 : i32 to index
      %get3A_868 = tpu.vector_load %arg6[%get3A_867] {strides = array<i32>} : memref<16384xf32, #tpu.memory_space<vmem>>, vector<16xf32>,
      %add3A_869 = arith.constant 144 : i32
      %add3A_870 = arith.addi %multiple_of3A, %add3A_869 : i32
      %get3A_871 = arith.index_cast %add3A_870 : i32 to index
      %get3A_872 = tpu.vector_load %arg6[%get3A_871] {strides = array<i32>} : memref<16384xf32, #tpu.memory_space<vmem>>, vector<16xf32>,
      %add3A_873 = arith.constant 160 : i32
      %add3A_874 = arith.addi %multiple_of3A, %add3A_873 : i32
      %get3A_875 = arith.index_cast %add3A_874 : i32 to index
      %get3A_876 = tpu.vector_load %arg6[%get3A_875] {strides = array<i32>} : memref<16384xf32, #tpu.memory_space<vmem>>, vector<16xf32>,
      %add3A_877 = arith.constant 176 : i32
      %add3A_878 = arith.addi %multiple_of3A, %add3A_877 : i32
      %get3A_879 = arith.index_cast %add3A_878 : i32 to index
      %get3A_880 = tpu.vector_load %arg6[%get3A_879] {strides = array<i32>} : memref<16384xf32, #tpu.memory_space<vmem>>, vector<16xf32>,
      %add3A_881 = arith.constant 192 : i32
      %add3A_882 = arith.addi %multiple_of3A, %add3A_881 : i32
      %get3A_883 = arith.index_cast %add3A_882 : i32 to index
      %get3A_884 = tpu.vector_load %arg6[%get3A_883] {strides = array<i32>} : memref<16384xf32, #tpu.memory_space<vmem>>, vector<16xf32>,
      %add3A_885 = arith.constant 208 : i32
      %add3A_886 = arith.addi %multiple_of3A, %add3A_885 : i32
      %get3A_887 = arith.index_cast %add3A_886 : i32 to index
      %get3A_888 = tpu.vector_load %arg6[%get3A_887] {strides = array<i32>} : memref<16384xf32, #tpu.memory_space<vmem>>, vector<16xf32>,
      %add3A_889 = arith.constant 224 : i32
      %add3A_890 = arith.addi %multiple_of3A, %add3A_889 : i32
      %get3A_891 = arith.index_cast %add3A_890 : i32 to index
      %get3A_892 = tpu.vector_load %arg6[%get3A_891] {strides = array<i32>} : memref<16384xf32, #tpu.memory_space<vmem>>, vector<16xf32>,
      %add3A_893 = arith.constant 240 : i32
      %add3A_894 = arith.addi %multiple_of3A, %add3A_893 : i32
      %get3A_895 = arith.index_cast %add3A_894 : i32 to index
      %get3A_896 = tpu.vector_load %arg6[%get3A_895] {strides = array<i32>} : memref<16384xf32, #tpu.memory_space<vmem>>, vector<16xf32>,
      %gt3A_897 = arith.constant 0.000000e+00 : f32
      %gt3A_898 = vector.broadcast %gt3A_897 : f32 to vector<16xf32>
      %gt3A_899 = arith.cmpf ogt, %get3A_868, %gt3A_898 : vector<16xf32>
      %lt3A_900 = arith.constant 5.200000e+00 : f32
      %lt3A_901 = vector.broadcast %lt3A_900 : f32 to vector<16xf32>
      %lt3A_902 = arith.cmpf olt, %get3A_868, %lt3A_901 : vector<16xf32>
      %and3A_903 = arith.andi %gt3A_899, %lt3A_902 : vector<16xi1>
      %gt3A_904 = arith.constant 0.000000e+00 : f32
      %gt3A_905 = vector.broadcast %gt3A_904 : f32 to vector<16xf32>
      %gt3A_906 = arith.cmpf ogt, %get3A_872, %gt3A_905 : vector<16xf32>
      %lt3A_907 = arith.constant 5.200000e+00 : f32
      %lt3A_908 = vector.broadcast %lt3A_907 : f32 to vector<16xf32>
      %lt3A_909 = arith.cmpf olt, %get3A_872, %lt3A_908 : vector<16xf32>
      %and3A_910 = arith.andi %gt3A_906, %lt3A_909 : vector<16xi1>
      %gt3A_911 = arith.constant 0.000000e+00 : f32
      %gt3A_912 = vector.broadcast %gt3A_911 : f32 to vector<16xf32>
      %gt3A_913 = arith.cmpf ogt, %get3A_876, %gt3A_912 : vector<16xf32>
      %lt3A_914 = arith.constant 5.200000e+00 : f32
      %lt3A_915 = vector.broadcast %lt3A_914 : f32 to vector<16xf32>
      %lt3A_916 = arith.cmpf olt, %get3A_876, %lt3A_915 : vector<16xf32>
      %and3A_917 = arith.andi %gt3A_913, %lt3A_916 : vector<16xi1>
      %gt3A_918 = arith.constant 0.000000e+00 : f32
      %gt3A_919 = vector.broadcast %gt3A_918 : f32 to vector<16xf32>
      %gt3A_920 = arith.cmpf ogt, %get3A_880, %gt3A_919 : vector<16xf32>
      %lt3A_921 = arith.constant 5.200000e+00 : f32
      %lt3A_922 = vector.broadcast %lt3A_921 : f32 to vector<16xf32>
      %lt3A_923 = arith.cmpf olt, %get3A_880, %lt3A_922 : vector<16xf32>
      %and3A_924 = arith.andi %gt3A_920, %lt3A_923 : vector<16xi1>
      %gt3A_925 = arith.constant 0.000000e+00 : f32
      %gt3A_926 = vector.broadcast %gt3A_925 : f32 to vector<16xf32>
      %gt3A_927 = arith.cmpf ogt, %get3A_884, %gt3A_926 : vector<16xf32>
      %lt3A_928 = arith.constant 5.200000e+00 : f32
      %lt3A_929 = vector.broadcast %lt3A_928 : f32 to vector<16xf32>
      %lt3A_930 = arith.cmpf olt, %get3A_884, %lt3A_929 : vector<16xf32>
      %and3A_931 = arith.andi %gt3A_927, %lt3A_930 : vector<16xi1>
      %gt3A_932 = arith.constant 0.000000e+00 : f32
      %gt3A_933 = vector.broadcast %gt3A_932 : f32 to vector<16xf32>
      %gt3A_934 = arith.cmpf ogt, %get3A_888, %gt3A_933 : vector<16xf32>
      %lt3A_935 = arith.constant 5.200000e+00 : f32
      %lt3A_936 = vector.broadcast %lt3A_935 : f32 to vector<16xf32>
      %lt3A_937 = arith.cmpf olt, %get3A_888, %lt3A_936 : vector<16xf32>
      %and3A_938 = arith.andi %gt3A_934, %lt3A_937 : vector<16xi1>
      %gt3A_939 = arith.constant 0.000000e+00 : f32
      %gt3A_940 = vector.broadcast %gt3A_939 : f32 to vector<16xf32>
      %gt3A_941 = arith.cmpf ogt, %get3A_892, %gt3A_940 : vector<16xf32>
      %lt3A_942 = arith.constant 5.200000e+00 : f32
      %lt3A_943 = vector.broadcast %lt3A_942 : f32 to vector<16xf32>
      %lt3A_944 = arith.cmpf olt, %get3A_892, %lt3A_943 : vector<16xf32>
      %and3A_945 = arith.andi %gt3A_941, %lt3A_944 : vector<16xi1>
      %gt3A_946 = arith.constant 0.000000e+00 : f32
      %gt3A_947 = vector.broadcast %gt3A_946 : f32 to vector<16xf32>
      %gt3A_948 = arith.cmpf ogt, %get3A_896, %gt3A_947 : vector<16xf32>
      %lt3A_949 = arith.constant 5.200000e+00 : f32
      %lt3A_950 = vector.broadcast %lt3A_949 : f32 to vector<16xf32>
      %lt3A_951 = arith.cmpf olt, %get3A_896, %lt3A_950 : vector<16xf32>
      %and3A_952 = arith.andi %gt3A_948, %lt3A_951 : vector<16xi1>
      %all_reduce_population_count3A_953 = tpu.all_reduce %and3A_903 {dim = 0 : i64, kind = #tpu.reduction_kind<sum>} : vector<16xi1> -> vector<16xi32>
      %all_reduce_population_count3A_954 = tpu.all_reduce %and3A_910 {dim = 0 : i64, kind = #tpu.reduction_kind<sum>} : vector<16xi1> -> vector<16xi32>
      %all_reduce_population_count3A_955 = tpu.all_reduce %and3A_917 {dim = 0 : i64, kind = #tpu.reduction_kind<sum>} : vector<16xi1> -> vector<16xi32>
      %all_reduce_population_count3A_956 = tpu.all_reduce %and3A_924 {dim = 0 : i64, kind = #tpu.reduction_kind<sum>} : vector<16xi1> -> vector<16xi32>
      %all_reduce_population_count3A_957 = tpu.all_reduce %and3A_931 {dim = 0 : i64, kind = #tpu.reduction_kind<sum>} : vector<16xi1> -> vector<16xi32>
      %all_reduce_population_count3A_958 = tpu.all_reduce %and3A_938 {dim = 0 : i64, kind = #tpu.reduction_kind<sum>} : vector<16xi1> -> vector<16xi32>
      %all_reduce_population_count3A_959 = tpu.all_reduce %and3A_945 {dim = 0 : i64, kind = #tpu.reduction_kind<sum>} : vector<16xi1> -> vector<16xi32>
      %all_reduce_population_count3A_960 = tpu.all_reduce %and3A_952 {dim = 0 : i64, kind = #tpu.reduction_kind<sum>} : vector<16xi1> -> vector<16xi32>
      %mul3A_961 = arith.mulf %get3A_868, %get3A_868 : vector<16xf32>
      %mul3A_962 = arith.mulf %get3A_872, %get3A_872 : vector<16xf32>
      %mul3A_963 = arith.mulf %get3A_876, %get3A_876 : vector<16xf32>
      %mul3A_964 = arith.mulf %get3A_880, %get3A_880 : vector<16xf32>
      %mul3A_965 = arith.mulf %get3A_884, %get3A_884 : vector<16xf32>
      %mul3A_966 = arith.mulf %get3A_888, %get3A_888 : vector<16xf32>
      %mul3A_967 = arith.mulf %get3A_892, %get3A_892 : vector<16xf32>
      %mul3A_968 = arith.mulf %get3A_896, %get3A_896 : vector<16xf32>
      %mul3A_969 = arith.constant 1.66674269E-7 : f32
      %mul3A_970 = vector.broadcast %mul3A_969 : f32 to vector<16xf32>
      %mul3A_971 = arith.mulf %mul3A_961, %mul3A_970 : vector<16xf32>
      %add3A_972 = arith.constant -3.25573237E-5 : f32
      %add3A_973 = vector.broadcast %add3A_972 : f32 to vector<16xf32>
      %add3A_974 = arith.addf %mul3A_971, %add3A_973 : vector<16xf32>
      %mul3A_975 = arith.constant 1.66674269E-7 : f32
      %mul3A_976 = vector.broadcast %mul3A_975 : f32 to vector<16xf32>
      %mul3A_977 = arith.mulf %mul3A_962, %mul3A_976 : vector<16xf32>
      %add3A_978 = arith.constant -3.25573237E-5 : f32
      %add3A_979 = vector.broadcast %add3A_978 : f32 to vector<16xf32>
      %add3A_980 = arith.addf %mul3A_977, %add3A_979 : vector<16xf32>
      %mul3A_981 = arith.constant 1.66674269E-7 : f32
      %mul3A_982 = vector.broadcast %mul3A_981 : f32 to vector<16xf32>
      %mul3A_983 = arith.mulf %mul3A_963, %mul3A_982 : vector<16xf32>
      %add3A_984 = arith.constant -3.25573237E-5 : f32
      %add3A_985 = vector.broadcast %add3A_984 : f32 to vector<16xf32>
      %add3A_986 = arith.addf %mul3A_983, %add3A_985 : vector<16xf32>
      %mul3A_987 = arith.constant 1.66674269E-7 : f32
      %mul3A_988 = vector.broadcast %mul3A_987 : f32 to vector<16xf32>
      %mul3A_989 = arith.mulf %mul3A_964, %mul3A_988 : vector<16xf32>
      %add3A_990 = arith.constant -3.25573237E-5 : f32
      %add3A_991 = vector.broadcast %add3A_990 : f32 to vector<16xf32>
      %add3A_992 = arith.addf %mul3A_989, %add3A_991 : vector<16xf32>
      %mul3A_993 = arith.constant 1.66674269E-7 : f32
      %mul3A_994 = vector.broadcast %mul3A_993 : f32 to vector<16xf32>
      %mul3A_995 = arith.mulf %mul3A_965, %mul3A_994 : vector<16xf32>
      %add3A_996 = arith.constant -3.25573237E-5 : f32
      %add3A_997 = vector.broadcast %add3A_996 : f32 to vector<16xf32>
      %add3A_998 = arith.addf %mul3A_995, %add3A_997 : vector<16xf32>
      %mul3A_999 = arith.constant 1.66674269E-7 : f32
      %mul3A_1000 = vector.broadcast %mul3A_999 : f32 to vector<16xf32>
      %mul3A_1001 = arith.mulf %mul3A_966, %mul3A_1000 : vector<16xf32>
      %add3A_1002 = arith.constant -3.25573237E-5 : f32
      %add3A_1003 = vector.broadcast %add3A_1002 : f32 to vector<16xf32>
      %add3A_1004 = arith.addf %mul3A_1001, %add3A_1003 : vector<16xf32>
      %mul3A_1005 = arith.constant 1.66674269E-7 : f32
      %mul3A_1006 = vector.broadcast %mul3A_1005 : f32 to vector<16xf32>
      %mul3A_1007 = arith.mulf %mul3A_967, %mul3A_1006 : vector<16xf32>
      %add3A_1008 = arith.constant -3.25573237E-5 : f32
      %add3A_1009 = vector.broadcast %add3A_1008 : f32 to vector<16xf32>
      %add3A_1010 = arith.addf %mul3A_1007, %add3A_1009 : vector<16xf32>
      %mul3A_1011 = arith.constant 1.66674269E-7 : f32
      %mul3A_1012 = vector.broadcast %mul3A_1011 : f32 to vector<16xf32>
      %mul3A_1013 = arith.mulf %mul3A_968, %mul3A_1012 : vector<16xf32>
      %add3A_1014 = arith.constant -3.25573237E-5 : f32
      %add3A_1015 = vector.broadcast %add3A_1014 : f32 to vector<16xf32>
      %add3A_1016 = arith.addf %mul3A_1013, %add3A_1015 : vector<16xf32>
      %mul3A_1017 = arith.mulf %add3A_974, %mul3A_961 : vector<16xf32>
      %mul3A_1018 = arith.mulf %add3A_980, %mul3A_962 : vector<16xf32>
      %mul3A_1019 = arith.mulf %add3A_986, %mul3A_963 : vector<16xf32>
      %mul3A_1020 = arith.mulf %add3A_992, %mul3A_964 : vector<16xf32>
      %mul3A_1021 = arith.mulf %add3A_998, %mul3A_965 : vector<16xf32>
      %mul3A_1022 = arith.mulf %add3A_1004, %mul3A_966 : vector<16xf32>
      %mul3A_1023 = arith.mulf %add3A_1010, %mul3A_967 : vector<16xf32>
      %mul3A_1024 = arith.mulf %add3A_1016, %mul3A_968 : vector<16xf32>
      %add3A_1025 = arith.constant 0.00276407087 : f32
      %add3A_1026 = vector.broadcast %add3A_1025 : f32 to vector<16xf32>
      %add3A_1027 = arith.addf %mul3A_1017, %add3A_1026 : vector<16xf32>
      %add3A_1028 = arith.constant 0.00276407087 : f32
      %add3A_1029 = vector.broadcast %add3A_1028 : f32 to vector<16xf32>
      %add3A_1030 = arith.addf %mul3A_1018, %add3A_1029 : vector<16xf32>
      %add3A_1031 = arith.constant 0.00276407087 : f32
      %add3A_1032 = vector.broadcast %add3A_1031 : f32 to vector<16xf32>
      %add3A_1033 = arith.addf %mul3A_1019, %add3A_1032 : vector<16xf32>
      %add3A_1034 = arith.constant 0.00276407087 : f32
      %add3A_1035 = vector.broadcast %add3A_1034 : f32 to vector<16xf32>
      %add3A_1036 = arith.addf %mul3A_1020, %add3A_1035 : vector<16xf32>
      %add3A_1037 = arith.constant 0.00276407087 : f32
      %add3A_1038 = vector.broadcast %add3A_1037 : f32 to vector<16xf32>
      %add3A_1039 = arith.addf %mul3A_1021, %add3A_1038 : vector<16xf32>
      %add3A_1040 = arith.constant 0.00276407087 : f32
      %add3A_1041 = vector.broadcast %add3A_1040 : f32 to vector<16xf32>
      %add3A_1042 = arith.addf %mul3A_1022, %add3A_1041 : vector<16xf32>
      %add3A_1043 = arith.constant 0.00276407087 : f32
      %add3A_1044 = vector.broadcast %add3A_1043 : f32 to vector<16xf32>
      %add3A_1045 = arith.addf %mul3A_1023, %add3A_1044 : vector<16xf32>
      %add3A_1046 = arith.constant 0.00276407087 : f32
      %add3A_1047 = vector.broadcast %add3A_1046 : f32 to vector<16xf32>
      %add3A_1048 = arith.addf %mul3A_1024, %add3A_1047 : vector<16xf32>
      %mul3A_1049 = arith.mulf %add3A_1027, %mul3A_961 : vector<16xf32>
      %mul3A_1050 = arith.mulf %add3A_1030, %mul3A_962 : vector<16xf32>
      %mul3A_1051 = arith.mulf %add3A_1033, %mul3A_963 : vector<16xf32>
      %mul3A_1052 = arith.mulf %add3A_1036, %mul3A_964 : vector<16xf32>
      %mul3A_1053 = arith.mulf %add3A_1039, %mul3A_965 : vector<16xf32>
      %mul3A_1054 = arith.mulf %add3A_1042, %mul3A_966 : vector<16xf32>
      %mul3A_1055 = arith.mulf %add3A_1045, %mul3A_967 : vector<16xf32>
      %mul3A_1056 = arith.mulf %add3A_1048, %mul3A_968 : vector<16xf32>
      %add3A_1057 = arith.constant -0.0912118256 : f32
      %add3A_1058 = vector.broadcast %add3A_1057 : f32 to vector<16xf32>
      %add3A_1059 = arith.addf %mul3A_1049, %add3A_1058 : vector<16xf32>
      %add3A_1060 = arith.constant -0.0912118256 : f32
      %add3A_1061 = vector.broadcast %add3A_1060 : f32 to vector<16xf32>
      %add3A_1062 = arith.addf %mul3A_1050, %add3A_1061 : vector<16xf32>
      %add3A_1063 = arith.constant -0.0912118256 : f32
      %add3A_1064 = vector.broadcast %add3A_1063 : f32 to vector<16xf32>
      %add3A_1065 = arith.addf %mul3A_1051, %add3A_1064 : vector<16xf32>
      %add3A_1066 = arith.constant -0.0912118256 : f32
      %add3A_1067 = vector.broadcast %add3A_1066 : f32 to vector<16xf32>
      %add3A_1068 = arith.addf %mul3A_1052, %add3A_1067 : vector<16xf32>
      %add3A_1069 = arith.constant -0.0912118256 : f32
      %add3A_1070 = vector.broadcast %add3A_1069 : f32 to vector<16xf32>
      %add3A_1071 = arith.addf %mul3A_1053, %add3A_1070 : vector<16xf32>
      %add3A_1072 = arith.constant -0.0912118256 : f32
      %add3A_1073 = vector.broadcast %add3A_1072 : f32 to vector<16xf32>
      %add3A_1074 = arith.addf %mul3A_1054, %add3A_1073 : vector<16xf32>
      %add3A_1075 = arith.constant -0.0912118256 : f32
      %add3A_1076 = vector.broadcast %add3A_1075 : f32 to vector<16xf32>
      %add3A_1077 = arith.addf %mul3A_1055, %add3A_1076 : vector<16xf32>
      %add3A_1078 = arith.constant -0.0912118256 : f32
      %add3A_1079 = vector.broadcast %add3A_1078 : f32 to vector<16xf32>
      %add3A_1080 = arith.addf %mul3A_1056, %add3A_1079 : vector<16xf32>
      %mul3A_1081 = arith.mulf %add3A_1059, %mul3A_961 : vector<16xf32>
      %mul3A_1082 = arith.mulf %add3A_1062, %mul3A_962 : vector<16xf32>
      %mul3A_1083 = arith.mulf %add3A_1065, %mul3A_963 : vector<16xf32>
      %mul3A_1084 = arith.mulf %add3A_1068, %mul3A_964 : vector<16xf32>
      %mul3A_1085 = arith.mulf %add3A_1071, %mul3A_965 : vector<16xf32>
      %mul3A_1086 = arith.mulf %add3A_1074, %mul3A_966 : vector<16xf32>
      %mul3A_1087 = arith.mulf %add3A_1077, %mul3A_967 : vector<16xf32>
      %mul3A_1088 = arith.mulf %add3A_1080, %mul3A_968 : vector<16xf32>
      %add3A_1089 = arith.constant 0.999979496 : f32
      %add3A_1090 = vector.broadcast %add3A_1089 : f32 to vector<16xf32>
      %add3A_1091 = arith.addf %mul3A_1081, %add3A_1090 : vector<16xf32>
      %add3A_1092 = arith.constant 0.999979496 : f32
      %add3A_1093 = vector.broadcast %add3A_1092 : f32 to vector<16xf32>
      %add3A_1094 = arith.addf %mul3A_1082, %add3A_1093 : vector<16xf32>
      %add3A_1095 = arith.constant 0.999979496 : f32
      %add3A_1096 = vector.broadcast %add3A_1095 : f32 to vector<16xf32>
      %add3A_1097 = arith.addf %mul3A_1083, %add3A_1096 : vector<16xf32>
      %add3A_1098 = arith.constant 0.999979496 : f32
      %add3A_1099 = vector.broadcast %add3A_1098 : f32 to vector<16xf32>
      %add3A_1100 = arith.addf %mul3A_1084, %add3A_1099 : vector<16xf32>
      %add3A_1101 = arith.constant 0.999979496 : f32
      %add3A_1102 = vector.broadcast %add3A_1101 : f32 to vector<16xf32>
      %add3A_1103 = arith.addf %mul3A_1085, %add3A_1102 : vector<16xf32>
      %add3A_1104 = arith.constant 0.999979496 : f32
      %add3A_1105 = vector.broadcast %add3A_1104 : f32 to vector<16xf32>
      %add3A_1106 = arith.addf %mul3A_1086, %add3A_1105 : vector<16xf32>
      %add3A_1107 = arith.constant 0.999979496 : f32
      %add3A_1108 = vector.broadcast %add3A_1107 : f32 to vector<16xf32>
      %add3A_1109 = arith.addf %mul3A_1087, %add3A_1108 : vector<16xf32>
      %add3A_1110 = arith.constant 0.999979496 : f32
      %add3A_1111 = vector.broadcast %add3A_1110 : f32 to vector<16xf32>
      %add3A_1112 = arith.addf %mul3A_1088, %add3A_1111 : vector<16xf32>
      %get3A_1113 = arith.constant 128 : index
      %get3A_1114 = tpu.vector_load %arg10[%get3A_1113] {strides = array<i32>} : memref<256xi32, #tpu.memory_space<vmem>>, vector<16xi32>,
      %add3A_1115 = vector.broadcast %mul3A_516 : i32 to vector<16xi32>
      %add3A_1116 = arith.addi %get3A_1114, %add3A_1115 : vector<16xi32>
      %get3A_1117 = arith.constant 144 : index
      %get3A_1118 = tpu.vector_load %arg10[%get3A_1117] {strides = array<i32>} : memref<256xi32, #tpu.memory_space<vmem>>, vector<16xi32>,
      %add3A_1119 = vector.broadcast %mul3A_516 : i32 to vector<16xi32>
      %add3A_1120 = arith.addi %get3A_1118, %add3A_1119 : vector<16xi32>
      %get3A_1121 = arith.constant 160 : index
      %get3A_1122 = tpu.vector_load %arg10[%get3A_1121] {strides = array<i32>} : memref<256xi32, #tpu.memory_space<vmem>>, vector<16xi32>,
      %add3A_1123 = vector.broadcast %mul3A_516 : i32 to vector<16xi32>
      %add3A_1124 = arith.addi %get3A_1122, %add3A_1123 : vector<16xi32>
      %get3A_1125 = arith.constant 176 : index
      %get3A_1126 = tpu.vector_load %arg10[%get3A_1125] {strides = array<i32>} : memref<256xi32, #tpu.memory_space<vmem>>, vector<16xi32>,
      %add3A_1127 = vector.broadcast %mul3A_516 : i32 to vector<16xi32>
      %add3A_1128 = arith.addi %get3A_1126, %add3A_1127 : vector<16xi32>
      %get3A_1129 = arith.constant 192 : index
      %get3A_1130 = tpu.vector_load %arg10[%get3A_1129] {strides = array<i32>} : memref<256xi32, #tpu.memory_space<vmem>>, vector<16xi32>,
      %add3A_1131 = vector.broadcast %mul3A_516 : i32 to vector<16xi32>
      %add3A_1132 = arith.addi %get3A_1130, %add3A_1131 : vector<16xi32>
      %get3A_1133 = arith.constant 208 : index
      %get3A_1134 = tpu.vector_load %arg10[%get3A_1133] {strides = array<i32>} : memref<256xi32, #tpu.memory_space<vmem>>, vector<16xi32>,
      %add3A_1135 = vector.broadcast %mul3A_516 : i32 to vector<16xi32>
      %add3A_1136 = arith.addi %get3A_1134, %add3A_1135 : vector<16xi32>
      %get3A_1137 = arith.constant 224 : index
      %get3A_1138 = tpu.vector_load %arg10[%get3A_1137] {strides = array<i32>} : memref<256xi32, #tpu.memory_space<vmem>>, vector<16xi32>,
      %add3A_1139 = vector.broadcast %mul3A_516 : i32 to vector<16xi32>
      %add3A_1140 = arith.addi %get3A_1138, %add3A_1139 : vector<16xi32>
      %get3A_1141 = arith.constant 240 : index
      %get3A_1142 = tpu.vector_load %arg10[%get3A_1141] {strides = array<i32>} : memref<256xi32, #tpu.memory_space<vmem>>, vector<16xi32>,
      %add3A_1143 = vector.broadcast %mul3A_516 : i32 to vector<16xi32>
      %add3A_1144 = arith.addi %get3A_1142, %add3A_1143 : vector<16xi32>
      %convert_element_type3A_1145 = arith.extui %and3A_903 : vector<16xi1> to vector<16xi32>
      %broadcast_in_dim3A_1146 = arith.constant true
      %broadcast_in_dim3A_1147 = vector.broadcast %broadcast_in_dim3A_1146 : i1 to vector<16xi1>
      %masked_cumsum3A_1148 = tpu.scan <sum>, %convert_element_type3A_1145 masked %broadcast_in_dim3A_1147 : vector<16xi32>, vector<16xi1> -> vector<16xi32>
      %convert_element_type3A_1149 = arith.extui %and3A_910 : vector<16xi1> to vector<16xi32>
      %broadcast_in_dim3A_1150 = arith.constant true
      %broadcast_in_dim3A_1151 = vector.broadcast %broadcast_in_dim3A_1150 : i1 to vector<16xi1>
      %masked_cumsum3A_1152 = tpu.scan <sum>, %convert_element_type3A_1149 masked %broadcast_in_dim3A_1151 : vector<16xi32>, vector<16xi1> -> vector<16xi32>
      %convert_element_type3A_1153 = arith.extui %and3A_917 : vector<16xi1> to vector<16xi32>
      %broadcast_in_dim3A_1154 = arith.constant true
      %broadcast_in_dim3A_1155 = vector.broadcast %broadcast_in_dim3A_1154 : i1 to vector<16xi1>
      %masked_cumsum3A_1156 = tpu.scan <sum>, %convert_element_type3A_1153 masked %broadcast_in_dim3A_1155 : vector<16xi32>, vector<16xi1> -> vector<16xi32>
      %convert_element_type3A_1157 = arith.extui %and3A_924 : vector<16xi1> to vector<16xi32>
      %broadcast_in_dim3A_1158 = arith.constant true
      %broadcast_in_dim3A_1159 = vector.broadcast %broadcast_in_dim3A_1158 : i1 to vector<16xi1>
      %masked_cumsum3A_1160 = tpu.scan <sum>, %convert_element_type3A_1157 masked %broadcast_in_dim3A_1159 : vector<16xi32>, vector<16xi1> -> vector<16xi32>
      %convert_element_type3A_1161 = arith.extui %and3A_931 : vector<16xi1> to vector<16xi32>
      %broadcast_in_dim3A_1162 = arith.constant true
      %broadcast_in_dim3A_1163 = vector.broadcast %broadcast_in_dim3A_1162 : i1 to vector<16xi1>
      %masked_cumsum3A_1164 = tpu.scan <sum>, %convert_element_type3A_1161 masked %broadcast_in_dim3A_1163 : vector<16xi32>, vector<16xi1> -> vector<16xi32>
      %convert_element_type3A_1165 = arith.extui %and3A_938 : vector<16xi1> to vector<16xi32>
      %broadcast_in_dim3A_1166 = arith.constant true
      %broadcast_in_dim3A_1167 = vector.broadcast %broadcast_in_dim3A_1166 : i1 to vector<16xi1>
      %masked_cumsum3A_1168 = tpu.scan <sum>, %convert_element_type3A_1165 masked %broadcast_in_dim3A_1167 : vector<16xi32>, vector<16xi1> -> vector<16xi32>
      %convert_element_type3A_1169 = arith.extui %and3A_945 : vector<16xi1> to vector<16xi32>
      %broadcast_in_dim3A_1170 = arith.constant true
      %broadcast_in_dim3A_1171 = vector.broadcast %broadcast_in_dim3A_1170 : i1 to vector<16xi1>
      %masked_cumsum3A_1172 = tpu.scan <sum>, %convert_element_type3A_1169 masked %broadcast_in_dim3A_1171 : vector<16xi32>, vector<16xi1> -> vector<16xi32>
      %convert_element_type3A_1173 = arith.extui %and3A_952 : vector<16xi1> to vector<16xi32>
      %broadcast_in_dim3A_1174 = arith.constant true
      %broadcast_in_dim3A_1175 = vector.broadcast %broadcast_in_dim3A_1174 : i1 to vector<16xi1>
      %masked_cumsum3A_1176 = tpu.scan <sum>, %convert_element_type3A_1173 masked %broadcast_in_dim3A_1175 : vector<16xi32>, vector<16xi1> -> vector<16xi32>
      %add3A_1177 = arith.addi %add3A_864, %masked_cumsum3A_1148 : vector<16xi32>
      %sub3A_1178 = arith.constant 1 : i32
      %sub3A_1179 = vector.broadcast %sub3A_1178 : i32 to vector<16xi32>
      %sub3A_1180 = arith.subi %add3A_1177, %sub3A_1179 : vector<16xi32>
      tpu.vector_store_idx %arg7[%sub3A_1180], %get3A_868 masked %and3A_903 : memref<16416xf32, #tpu.memory_space<vmem>>[vector<16xi32>], vector<16xf32>, vector<16xi1>
      tpu.vector_store_idx %arg8[%sub3A_1180], %add3A_1091 masked %and3A_903 : memref<16416xf32, #tpu.memory_space<vmem>>[vector<16xi32>], vector<16xf32>, vector<16xi1>
      tpu.vector_store_idx %arg9[%sub3A_1180], %add3A_1116 masked %and3A_903 : memref<16416xi32, #tpu.memory_space<vmem>>[vector<16xi32>], vector<16xi32>, vector<16xi1>
      %add3A_1181 = arith.addi %add3A_864, %all_reduce_population_count3A_953 : vector<16xi32>
      %add3A_1182 = arith.addi %add3A_1181, %masked_cumsum3A_1152 : vector<16xi32>
      %sub3A_1183 = arith.constant 1 : i32
      %sub3A_1184 = vector.broadcast %sub3A_1183 : i32 to vector<16xi32>
      %sub3A_1185 = arith.subi %add3A_1182, %sub3A_1184 : vector<16xi32>
      tpu.vector_store_idx %arg7[%sub3A_1185], %get3A_872 masked %and3A_910 : memref<16416xf32, #tpu.memory_space<vmem>>[vector<16xi32>], vector<16xf32>, vector<16xi1>
      tpu.vector_store_idx %arg8[%sub3A_1185], %add3A_1094 masked %and3A_910 : memref<16416xf32, #tpu.memory_space<vmem>>[vector<16xi32>], vector<16xf32>, vector<16xi1>
      tpu.vector_store_idx %arg9[%sub3A_1185], %add3A_1120 masked %and3A_910 : memref<16416xi32, #tpu.memory_space<vmem>>[vector<16xi32>], vector<16xi32>, vector<16xi1>
      %add3A_1186 = arith.addi %add3A_1181, %all_reduce_population_count3A_954 : vector<16xi32>
      %add3A_1187 = arith.addi %add3A_1186, %masked_cumsum3A_1156 : vector<16xi32>
      %sub3A_1188 = arith.constant 1 : i32
      %sub3A_1189 = vector.broadcast %sub3A_1188 : i32 to vector<16xi32>
      %sub3A_1190 = arith.subi %add3A_1187, %sub3A_1189 : vector<16xi32>
      tpu.vector_store_idx %arg7[%sub3A_1190], %get3A_876 masked %and3A_917 : memref<16416xf32, #tpu.memory_space<vmem>>[vector<16xi32>], vector<16xf32>, vector<16xi1>
      tpu.vector_store_idx %arg8[%sub3A_1190], %add3A_1097 masked %and3A_917 : memref<16416xf32, #tpu.memory_space<vmem>>[vector<16xi32>], vector<16xf32>, vector<16xi1>
      tpu.vector_store_idx %arg9[%sub3A_1190], %add3A_1124 masked %and3A_917 : memref<16416xi32, #tpu.memory_space<vmem>>[vector<16xi32>], vector<16xi32>, vector<16xi1>
      %add3A_1191 = arith.addi %add3A_1186, %all_reduce_population_count3A_955 : vector<16xi32>
      %add3A_1192 = arith.addi %add3A_1191, %masked_cumsum3A_1160 : vector<16xi32>
      %sub3A_1193 = arith.constant 1 : i32
      %sub3A_1194 = vector.broadcast %sub3A_1193 : i32 to vector<16xi32>
      %sub3A_1195 = arith.subi %add3A_1192, %sub3A_1194 : vector<16xi32>
      tpu.vector_store_idx %arg7[%sub3A_1195], %get3A_880 masked %and3A_924 : memref<16416xf32, #tpu.memory_space<vmem>>[vector<16xi32>], vector<16xf32>, vector<16xi1>
      tpu.vector_store_idx %arg8[%sub3A_1195], %add3A_1100 masked %and3A_924 : memref<16416xf32, #tpu.memory_space<vmem>>[vector<16xi32>], vector<16xf32>, vector<16xi1>
      tpu.vector_store_idx %arg9[%sub3A_1195], %add3A_1128 masked %and3A_924 : memref<16416xi32, #tpu.memory_space<vmem>>[vector<16xi32>], vector<16xi32>, vector<16xi1>
      %add3A_1196 = arith.addi %add3A_1191, %all_reduce_population_count3A_956 : vector<16xi32>
      %add3A_1197 = arith.addi %add3A_1196, %masked_cumsum3A_1164 : vector<16xi32>
      %sub3A_1198 = arith.constant 1 : i32
      %sub3A_1199 = vector.broadcast %sub3A_1198 : i32 to vector<16xi32>
      %sub3A_1200 = arith.subi %add3A_1197, %sub3A_1199 : vector<16xi32>
      tpu.vector_store_idx %arg7[%sub3A_1200], %get3A_884 masked %and3A_931 : memref<16416xf32, #tpu.memory_space<vmem>>[vector<16xi32>], vector<16xf32>, vector<16xi1>
      tpu.vector_store_idx %arg8[%sub3A_1200], %add3A_1103 masked %and3A_931 : memref<16416xf32, #tpu.memory_space<vmem>>[vector<16xi32>], vector<16xf32>, vector<16xi1>
      tpu.vector_store_idx %arg9[%sub3A_1200], %add3A_1132 masked %and3A_931 : memref<16416xi32, #tpu.memory_space<vmem>>[vector<16xi32>], vector<16xi32>, vector<16xi1>
      %add3A_1201 = arith.addi %add3A_1196, %all_reduce_population_count3A_957 : vector<16xi32>
      %add3A_1202 = arith.addi %add3A_1201, %masked_cumsum3A_1168 : vector<16xi32>
      %sub3A_1203 = arith.constant 1 : i32
      %sub3A_1204 = vector.broadcast %sub3A_1203 : i32 to vector<16xi32>
      %sub3A_1205 = arith.subi %add3A_1202, %sub3A_1204 : vector<16xi32>
      tpu.vector_store_idx %arg7[%sub3A_1205], %get3A_888 masked %and3A_938 : memref<16416xf32, #tpu.memory_space<vmem>>[vector<16xi32>], vector<16xf32>, vector<16xi1>
      tpu.vector_store_idx %arg8[%sub3A_1205], %add3A_1106 masked %and3A_938 : memref<16416xf32, #tpu.memory_space<vmem>>[vector<16xi32>], vector<16xf32>, vector<16xi1>
      tpu.vector_store_idx %arg9[%sub3A_1205], %add3A_1136 masked %and3A_938 : memref<16416xi32, #tpu.memory_space<vmem>>[vector<16xi32>], vector<16xi32>, vector<16xi1>
      %add3A_1206 = arith.addi %add3A_1201, %all_reduce_population_count3A_958 : vector<16xi32>
      %add3A_1207 = arith.addi %add3A_1206, %masked_cumsum3A_1172 : vector<16xi32>
      %sub3A_1208 = arith.constant 1 : i32
      %sub3A_1209 = vector.broadcast %sub3A_1208 : i32 to vector<16xi32>
      %sub3A_1210 = arith.subi %add3A_1207, %sub3A_1209 : vector<16xi32>
      tpu.vector_store_idx %arg7[%sub3A_1210], %get3A_892 masked %and3A_945 : memref<16416xf32, #tpu.memory_space<vmem>>[vector<16xi32>], vector<16xf32>, vector<16xi1>
      tpu.vector_store_idx %arg8[%sub3A_1210], %add3A_1109 masked %and3A_945 : memref<16416xf32, #tpu.memory_space<vmem>>[vector<16xi32>], vector<16xf32>, vector<16xi1>
      tpu.vector_store_idx %arg9[%sub3A_1210], %add3A_1140 masked %and3A_945 : memref<16416xi32, #tpu.memory_space<vmem>>[vector<16xi32>], vector<16xi32>, vector<16xi1>
      %add3A_1211 = arith.addi %add3A_1206, %all_reduce_population_count3A_959 : vector<16xi32>
      %add3A_1212 = arith.addi %add3A_1211, %masked_cumsum3A_1176 : vector<16xi32>
      %sub3A_1213 = arith.constant 1 : i32
      %sub3A_1214 = vector.broadcast %sub3A_1213 : i32 to vector<16xi32>
      %sub3A_1215 = arith.subi %add3A_1212, %sub3A_1214 : vector<16xi32>
      tpu.vector_store_idx %arg7[%sub3A_1215], %get3A_896 masked %and3A_952 : memref<16416xf32, #tpu.memory_space<vmem>>[vector<16xi32>], vector<16xf32>, vector<16xi1>
      tpu.vector_store_idx %arg8[%sub3A_1215], %add3A_1112 masked %and3A_952 : memref<16416xf32, #tpu.memory_space<vmem>>[vector<16xi32>], vector<16xf32>, vector<16xi1>
      tpu.vector_store_idx %arg9[%sub3A_1215], %add3A_1144 masked %and3A_952 : memref<16416xi32, #tpu.memory_space<vmem>>[vector<16xi32>], vector<16xi32>, vector<16xi1>
      %add3A_1216 = arith.addi %add3A_1211, %all_reduce_population_count3A_960 : vector<16xi32>
      scf.yield %add3A_1216 : vector<16xi32>
    }
    %scan3A_460 = arith.constant 64 : i32
    %add3A_461 = arith.constant 0 : i32
    %add3A_462 = vector.broadcast %add3A_461 : i32 to vector<16xi32>
    %add3A_463 = arith.addi %scan3A_459, %add3A_462 : vector<16xi32>
    %add3A_464 = arith.addi %add3A_463, %iota3A : vector<16xi32>
    tpu.vector_store_idx %arg7[%add3A_464], %broadcast_in_dim3A_30 : memref<16416xf32, #tpu.memory_space<vmem>>[vector<16xi32>], vector<16xf32>,
    tpu.vector_store_idx %arg8[%add3A_464], %broadcast_in_dim3A_30 : memref<16416xf32, #tpu.memory_space<vmem>>[vector<16xi32>], vector<16xf32>,
    tpu.vector_store_idx %arg9[%add3A_464], %broadcast_in_dim3A_32 : memref<16416xi32, #tpu.memory_space<vmem>>[vector<16xi32>], vector<16xi32>,
    %add3A_465 = arith.constant 16 : i32
    %add3A_466 = vector.broadcast %add3A_465 : i32 to vector<16xi32>
    %add3A_467 = arith.addi %scan3A_459, %add3A_466 : vector<16xi32>
    %add3A_468 = arith.addi %add3A_467, %iota3A : vector<16xi32>
    tpu.vector_store_idx %arg7[%add3A_468], %broadcast_in_dim3A_30 : memref<16416xf32, #tpu.memory_space<vmem>>[vector<16xi32>], vector<16xf32>,
    tpu.vector_store_idx %arg8[%add3A_468], %broadcast_in_dim3A_30 : memref<16416xf32, #tpu.memory_space<vmem>>[vector<16xi32>], vector<16xf32>,
    tpu.vector_store_idx %arg9[%add3A_468], %broadcast_in_dim3A_32 : memref<16416xi32, #tpu.memory_space<vmem>>[vector<16xi32>], vector<16xi32>,
    %slice3A_469 = vector.extract_strided_slice %scan3A_459 {offsets = [0], sizes = [1], strides = [1]} : vector<16xi32> to vector<1xi32>
    %squeeze3A_470 = vector.extract %slice3A_469[0] : i32 from vector<1xi32>
    %add3A_471 = arith.constant 31 : i32
    %add3A_472 = arith.addi %squeeze3A_470, %add3A_471 : i32
    %jit3A_473 = arith.constant 32 : i32
    %div3A_474 = arith.divsi %add3A_472, %jit3A_473 : i32
    %sign3A_475 = arith.constant 0 : i32
    %sign3A_476 = arith.cmpi sgt, %add3A_472, %sign3A_475 : i32
    %sign3A_477 = arith.extui %sign3A_476 : i1 to i32
    %sign3A_478 = arith.constant 0 : i32
    %sign3A_479 = arith.cmpi slt, %add3A_472, %sign3A_478 : i32
    %sign3A_480 = arith.extui %sign3A_479 : i1 to i32
    %sign3A_481 = arith.subi %sign3A_477, %sign3A_480 : i32
    %sign3A_482 = arith.constant 0 : i32
    %sign3A_483 = arith.cmpi sgt, %jit3A_473, %sign3A_482 : i32
    %sign3A_484 = arith.extui %sign3A_483 : i1 to i32
    %sign3A_485 = arith.constant 0 : i32
    %sign3A_486 = arith.cmpi slt, %jit3A_473, %sign3A_485 : i32
    %sign3A_487 = arith.extui %sign3A_486 : i1 to i32
    %sign3A_488 = arith.subi %sign3A_484, %sign3A_487 : i32
    %ne3A_489 = arith.cmpi ne, %sign3A_481, %sign3A_488 : i32
    %rem3A_490 = arith.remsi %add3A_472, %jit3A_473 : i32
    %ne3A_491 = arith.constant 0 : i32
    %ne3A_492 = arith.cmpi ne, %rem3A_490, %ne3A_491 : i32
    %and3A_493 = arith.andi %ne3A_489, %ne3A_492 : i1
    %sub3A_494 = arith.constant 1 : i32
    %sub3A_495 = arith.subi %div3A_474, %sub3A_494 : i32
    %select_n3A_496 = arith.select %and3A_493, %sub3A_495, %div3A_474 : i32
    %while3A_497 = arith.constant 0 : i32
    %while3A_498 = arith.constant 0 : i32
    %while3A_499 = arith.subi %select_n3A_496, %while3A_498 : i32
    %while3A_500 = arith.addi %while3A_498, %while3A_499 : i32
    %while3A_501 = arith.constant 1 : i32
    %while3A_502 = arith.divsi %while3A_499, %while3A_501 : i32
    %while3A_503 = arith.muli %while3A_502, %while3A_501 : i32
    %while3A_504 = arith.addi %while3A_498, %while3A_503 : i32
    %while3A_505 = arith.constant 1 : i32
    scf.for %while3A_509 = %while3A_498 to %while3A_504 step %while3A_505  : i32 {
      %mul3A_510 = arith.constant 32 : i32
      %mul3A_511 = arith.muli %while3A_509, %mul3A_510 : i32
      %multiple_of3A = tpu.assume_multiple %mul3A_511, 32 : i32
      %add3A_512 = arith.constant 0 : i32
      %add3A_513 = arith.addi %multiple_of3A, %add3A_512 : i32
      %get3A_514 = arith.index_cast %add3A_513 : i32 to index
      %get3A_515 = tpu.vector_load %arg7[%get3A_514] {strides = array<i32>} : memref<16416xf32, #tpu.memory_space<vmem>>, vector<16xf32>,
      %add3A_516 = arith.constant 0 : i32
      %add3A_517 = arith.addi %multiple_of3A, %add3A_516 : i32
      %get3A_518 = arith.index_cast %add3A_517 : i32 to index
      %get3A_519 = tpu.vector_load %arg8[%get3A_518] {strides = array<i32>} : memref<16416xf32, #tpu.memory_space<vmem>>, vector<16xf32>,
      %add3A_520 = arith.constant 0 : i32
      %add3A_521 = arith.addi %multiple_of3A, %add3A_520 : i32
      %get3A_522 = arith.index_cast %add3A_521 : i32 to index
      %get3A_523 = tpu.vector_load %arg9[%get3A_522] {strides = array<i32>} : memref<16416xi32, #tpu.memory_space<vmem>>, vector<16xi32>,
      %sub3A_524 = arith.subf %get3A_515, %add3A_134 : vector<16xf32>
      %mul3A_525 = arith.mulf %sub3A_524, %sub3A_524 : vector<16xf32>
      %mul3A_526 = arith.constant -1.600000e+01 : f32
      %mul3A_527 = vector.broadcast %mul3A_526 : f32 to vector<16xf32>
      %mul3A_528 = arith.mulf %mul3A_525, %mul3A_527 : vector<16xf32>
      %exp3A = math.exp %mul3A_528 : vector<16xf32>
      %mul3A_529 = arith.mulf %exp3A, %get3A_519 : vector<16xf32>
      %add3A_530 = arith.addi %get3A_523, %and3A_38 : vector<16xi32>
      tpu.vector_store_idx %arg11[%add3A_530], %mul3A_529 {add = true} : memref<8192xf32, #tpu.memory_space<vmem>>[vector<16xi32>], vector<16xf32>,
      %sub3A_531 = arith.subf %get3A_515, %add3A_141 : vector<16xf32>
      %mul3A_532 = arith.mulf %sub3A_531, %sub3A_531 : vector<16xf32>
      %mul3A_533 = arith.constant -1.600000e+01 : f32
      %mul3A_534 = vector.broadcast %mul3A_533 : f32 to vector<16xf32>
      %mul3A_535 = arith.mulf %mul3A_532, %mul3A_534 : vector<16xf32>
      %exp3A_536 = math.exp %mul3A_535 : vector<16xf32>
      %mul3A_537 = arith.mulf %exp3A_536, %get3A_519 : vector<16xf32>
      %add3A_538 = arith.addi %get3A_523, %and3A_44 : vector<16xi32>
      tpu.vector_store_idx %arg11[%add3A_538], %mul3A_537 {add = true} : memref<8192xf32, #tpu.memory_space<vmem>>[vector<16xi32>], vector<16xf32>,
      %sub3A_539 = arith.subf %get3A_515, %add3A_148 : vector<16xf32>
      %mul3A_540 = arith.mulf %sub3A_539, %sub3A_539 : vector<16xf32>
      %mul3A_541 = arith.constant -1.600000e+01 : f32
      %mul3A_542 = vector.broadcast %mul3A_541 : f32 to vector<16xf32>
      %mul3A_543 = arith.mulf %mul3A_540, %mul3A_542 : vector<16xf32>
      %exp3A_544 = math.exp %mul3A_543 : vector<16xf32>
      %mul3A_545 = arith.mulf %exp3A_544, %get3A_519 : vector<16xf32>
      %add3A_546 = arith.addi %get3A_523, %and3A_50 : vector<16xi32>
      tpu.vector_store_idx %arg11[%add3A_546], %mul3A_545 {add = true} : memref<8192xf32, #tpu.memory_space<vmem>>[vector<16xi32>], vector<16xf32>,
      %sub3A_547 = arith.subf %get3A_515, %add3A_155 : vector<16xf32>
      %mul3A_548 = arith.mulf %sub3A_547, %sub3A_547 : vector<16xf32>
      %mul3A_549 = arith.constant -1.600000e+01 : f32
      %mul3A_550 = vector.broadcast %mul3A_549 : f32 to vector<16xf32>
      %mul3A_551 = arith.mulf %mul3A_548, %mul3A_550 : vector<16xf32>
      %exp3A_552 = math.exp %mul3A_551 : vector<16xf32>
      %mul3A_553 = arith.mulf %exp3A_552, %get3A_519 : vector<16xf32>
      %add3A_554 = arith.addi %get3A_523, %and3A_56 : vector<16xi32>
      tpu.vector_store_idx %arg11[%add3A_554], %mul3A_553 {add = true} : memref<8192xf32, #tpu.memory_space<vmem>>[vector<16xi32>], vector<16xf32>,
      %sub3A_555 = arith.subf %get3A_515, %add3A_162 : vector<16xf32>
      %mul3A_556 = arith.mulf %sub3A_555, %sub3A_555 : vector<16xf32>
      %mul3A_557 = arith.constant -1.600000e+01 : f32
      %mul3A_558 = vector.broadcast %mul3A_557 : f32 to vector<16xf32>
      %mul3A_559 = arith.mulf %mul3A_556, %mul3A_558 : vector<16xf32>
      %exp3A_560 = math.exp %mul3A_559 : vector<16xf32>
      %mul3A_561 = arith.mulf %exp3A_560, %get3A_519 : vector<16xf32>
      %add3A_562 = arith.addi %get3A_523, %and3A_62 : vector<16xi32>
      tpu.vector_store_idx %arg11[%add3A_562], %mul3A_561 {add = true} : memref<8192xf32, #tpu.memory_space<vmem>>[vector<16xi32>], vector<16xf32>,
      %sub3A_563 = arith.subf %get3A_515, %add3A_169 : vector<16xf32>
      %mul3A_564 = arith.mulf %sub3A_563, %sub3A_563 : vector<16xf32>
      %mul3A_565 = arith.constant -1.600000e+01 : f32
      %mul3A_566 = vector.broadcast %mul3A_565 : f32 to vector<16xf32>
      %mul3A_567 = arith.mulf %mul3A_564, %mul3A_566 : vector<16xf32>
      %exp3A_568 = math.exp %mul3A_567 : vector<16xf32>
      %mul3A_569 = arith.mulf %exp3A_568, %get3A_519 : vector<16xf32>
      %add3A_570 = arith.addi %get3A_523, %and3A_68 : vector<16xi32>
      tpu.vector_store_idx %arg11[%add3A_570], %mul3A_569 {add = true} : memref<8192xf32, #tpu.memory_space<vmem>>[vector<16xi32>], vector<16xf32>,
      %sub3A_571 = arith.subf %get3A_515, %add3A_176 : vector<16xf32>
      %mul3A_572 = arith.mulf %sub3A_571, %sub3A_571 : vector<16xf32>
      %mul3A_573 = arith.constant -1.600000e+01 : f32
      %mul3A_574 = vector.broadcast %mul3A_573 : f32 to vector<16xf32>
      %mul3A_575 = arith.mulf %mul3A_572, %mul3A_574 : vector<16xf32>
      %exp3A_576 = math.exp %mul3A_575 : vector<16xf32>
      %mul3A_577 = arith.mulf %exp3A_576, %get3A_519 : vector<16xf32>
      %add3A_578 = arith.addi %get3A_523, %and3A_74 : vector<16xi32>
      tpu.vector_store_idx %arg11[%add3A_578], %mul3A_577 {add = true} : memref<8192xf32, #tpu.memory_space<vmem>>[vector<16xi32>], vector<16xf32>,
      %sub3A_579 = arith.subf %get3A_515, %add3A_183 : vector<16xf32>
      %mul3A_580 = arith.mulf %sub3A_579, %sub3A_579 : vector<16xf32>
      %mul3A_581 = arith.constant -1.600000e+01 : f32
      %mul3A_582 = vector.broadcast %mul3A_581 : f32 to vector<16xf32>
      %mul3A_583 = arith.mulf %mul3A_580, %mul3A_582 : vector<16xf32>
      %exp3A_584 = math.exp %mul3A_583 : vector<16xf32>
      %mul3A_585 = arith.mulf %exp3A_584, %get3A_519 : vector<16xf32>
      %add3A_586 = arith.addi %get3A_523, %and3A_80 : vector<16xi32>
      tpu.vector_store_idx %arg11[%add3A_586], %mul3A_585 {add = true} : memref<8192xf32, #tpu.memory_space<vmem>>[vector<16xi32>], vector<16xf32>,
      %sub3A_587 = arith.subf %get3A_515, %add3A_190 : vector<16xf32>
      %mul3A_588 = arith.mulf %sub3A_587, %sub3A_587 : vector<16xf32>
      %mul3A_589 = arith.constant -1.600000e+01 : f32
      %mul3A_590 = vector.broadcast %mul3A_589 : f32 to vector<16xf32>
      %mul3A_591 = arith.mulf %mul3A_588, %mul3A_590 : vector<16xf32>
      %exp3A_592 = math.exp %mul3A_591 : vector<16xf32>
      %mul3A_593 = arith.mulf %exp3A_592, %get3A_519 : vector<16xf32>
      %add3A_594 = arith.addi %get3A_523, %and3A_86 : vector<16xi32>
      tpu.vector_store_idx %arg11[%add3A_594], %mul3A_593 {add = true} : memref<8192xf32, #tpu.memory_space<vmem>>[vector<16xi32>], vector<16xf32>,
      %sub3A_595 = arith.subf %get3A_515, %add3A_197 : vector<16xf32>
      %mul3A_596 = arith.mulf %sub3A_595, %sub3A_595 : vector<16xf32>
      %mul3A_597 = arith.constant -1.600000e+01 : f32
      %mul3A_598 = vector.broadcast %mul3A_597 : f32 to vector<16xf32>
      %mul3A_599 = arith.mulf %mul3A_596, %mul3A_598 : vector<16xf32>
      %exp3A_600 = math.exp %mul3A_599 : vector<16xf32>
      %mul3A_601 = arith.mulf %exp3A_600, %get3A_519 : vector<16xf32>
      %add3A_602 = arith.addi %get3A_523, %and3A_92 : vector<16xi32>
      tpu.vector_store_idx %arg11[%add3A_602], %mul3A_601 {add = true} : memref<8192xf32, #tpu.memory_space<vmem>>[vector<16xi32>], vector<16xf32>,
      %sub3A_603 = arith.subf %get3A_515, %add3A_204 : vector<16xf32>
      %mul3A_604 = arith.mulf %sub3A_603, %sub3A_603 : vector<16xf32>
      %mul3A_605 = arith.constant -1.600000e+01 : f32
      %mul3A_606 = vector.broadcast %mul3A_605 : f32 to vector<16xf32>
      %mul3A_607 = arith.mulf %mul3A_604, %mul3A_606 : vector<16xf32>
      %exp3A_608 = math.exp %mul3A_607 : vector<16xf32>
      %mul3A_609 = arith.mulf %exp3A_608, %get3A_519 : vector<16xf32>
      %add3A_610 = arith.addi %get3A_523, %and3A_98 : vector<16xi32>
      tpu.vector_store_idx %arg11[%add3A_610], %mul3A_609 {add = true} : memref<8192xf32, #tpu.memory_space<vmem>>[vector<16xi32>], vector<16xf32>,
      %sub3A_611 = arith.subf %get3A_515, %add3A_211 : vector<16xf32>
      %mul3A_612 = arith.mulf %sub3A_611, %sub3A_611 : vector<16xf32>
      %mul3A_613 = arith.constant -1.600000e+01 : f32
      %mul3A_614 = vector.broadcast %mul3A_613 : f32 to vector<16xf32>
      %mul3A_615 = arith.mulf %mul3A_612, %mul3A_614 : vector<16xf32>
      %exp3A_616 = math.exp %mul3A_615 : vector<16xf32>
      %mul3A_617 = arith.mulf %exp3A_616, %get3A_519 : vector<16xf32>
      %add3A_618 = arith.addi %get3A_523, %and3A_104 : vector<16xi32>
      tpu.vector_store_idx %arg11[%add3A_618], %mul3A_617 {add = true} : memref<8192xf32, #tpu.memory_space<vmem>>[vector<16xi32>], vector<16xf32>,
      %sub3A_619 = arith.subf %get3A_515, %add3A_218 : vector<16xf32>
      %mul3A_620 = arith.mulf %sub3A_619, %sub3A_619 : vector<16xf32>
      %mul3A_621 = arith.constant -1.600000e+01 : f32
      %mul3A_622 = vector.broadcast %mul3A_621 : f32 to vector<16xf32>
      %mul3A_623 = arith.mulf %mul3A_620, %mul3A_622 : vector<16xf32>
      %exp3A_624 = math.exp %mul3A_623 : vector<16xf32>
      %mul3A_625 = arith.mulf %exp3A_624, %get3A_519 : vector<16xf32>
      %add3A_626 = arith.addi %get3A_523, %and3A_110 : vector<16xi32>
      tpu.vector_store_idx %arg11[%add3A_626], %mul3A_625 {add = true} : memref<8192xf32, #tpu.memory_space<vmem>>[vector<16xi32>], vector<16xf32>,
      %sub3A_627 = arith.subf %get3A_515, %add3A_225 : vector<16xf32>
      %mul3A_628 = arith.mulf %sub3A_627, %sub3A_627 : vector<16xf32>
      %mul3A_629 = arith.constant -1.600000e+01 : f32
      %mul3A_630 = vector.broadcast %mul3A_629 : f32 to vector<16xf32>
      %mul3A_631 = arith.mulf %mul3A_628, %mul3A_630 : vector<16xf32>
      %exp3A_632 = math.exp %mul3A_631 : vector<16xf32>
      %mul3A_633 = arith.mulf %exp3A_632, %get3A_519 : vector<16xf32>
      %add3A_634 = arith.addi %get3A_523, %and3A_116 : vector<16xi32>
      tpu.vector_store_idx %arg11[%add3A_634], %mul3A_633 {add = true} : memref<8192xf32, #tpu.memory_space<vmem>>[vector<16xi32>], vector<16xf32>,
      %sub3A_635 = arith.subf %get3A_515, %add3A_232 : vector<16xf32>
      %mul3A_636 = arith.mulf %sub3A_635, %sub3A_635 : vector<16xf32>
      %mul3A_637 = arith.constant -1.600000e+01 : f32
      %mul3A_638 = vector.broadcast %mul3A_637 : f32 to vector<16xf32>
      %mul3A_639 = arith.mulf %mul3A_636, %mul3A_638 : vector<16xf32>
      %exp3A_640 = math.exp %mul3A_639 : vector<16xf32>
      %mul3A_641 = arith.mulf %exp3A_640, %get3A_519 : vector<16xf32>
      %add3A_642 = arith.addi %get3A_523, %and3A_122 : vector<16xi32>
      tpu.vector_store_idx %arg11[%add3A_642], %mul3A_641 {add = true} : memref<8192xf32, #tpu.memory_space<vmem>>[vector<16xi32>], vector<16xf32>,
      %sub3A_643 = arith.subf %get3A_515, %add3A_239 : vector<16xf32>
      %mul3A_644 = arith.mulf %sub3A_643, %sub3A_643 : vector<16xf32>
      %mul3A_645 = arith.constant -1.600000e+01 : f32
      %mul3A_646 = vector.broadcast %mul3A_645 : f32 to vector<16xf32>
      %mul3A_647 = arith.mulf %mul3A_644, %mul3A_646 : vector<16xf32>
      %exp3A_648 = math.exp %mul3A_647 : vector<16xf32>
      %mul3A_649 = arith.mulf %exp3A_648, %get3A_519 : vector<16xf32>
      %add3A_650 = arith.addi %get3A_523, %and3A_128 : vector<16xi32>
      tpu.vector_store_idx %arg11[%add3A_650], %mul3A_649 {add = true} : memref<8192xf32, #tpu.memory_space<vmem>>[vector<16xi32>], vector<16xf32>,
      %add3A_651 = arith.constant 16 : i32
      %add3A_652 = arith.addi %multiple_of3A, %add3A_651 : i32
      %get3A_653 = arith.index_cast %add3A_652 : i32 to index
      %get3A_654 = tpu.vector_load %arg7[%get3A_653] {strides = array<i32>} : memref<16416xf32, #tpu.memory_space<vmem>>, vector<16xf32>,
      %add3A_655 = arith.constant 16 : i32
      %add3A_656 = arith.addi %multiple_of3A, %add3A_655 : i32
      %get3A_657 = arith.index_cast %add3A_656 : i32 to index
      %get3A_658 = tpu.vector_load %arg8[%get3A_657] {strides = array<i32>} : memref<16416xf32, #tpu.memory_space<vmem>>, vector<16xf32>,
      %add3A_659 = arith.constant 16 : i32
      %add3A_660 = arith.addi %multiple_of3A, %add3A_659 : i32
      %get3A_661 = arith.index_cast %add3A_660 : i32 to index
      %get3A_662 = tpu.vector_load %arg9[%get3A_661] {strides = array<i32>} : memref<16416xi32, #tpu.memory_space<vmem>>, vector<16xi32>,
      %sub3A_663 = arith.subf %get3A_654, %add3A_134 : vector<16xf32>
      %mul3A_664 = arith.mulf %sub3A_663, %sub3A_663 : vector<16xf32>
      %mul3A_665 = arith.constant -1.600000e+01 : f32
      %mul3A_666 = vector.broadcast %mul3A_665 : f32 to vector<16xf32>
      %mul3A_667 = arith.mulf %mul3A_664, %mul3A_666 : vector<16xf32>
      %exp3A_668 = math.exp %mul3A_667 : vector<16xf32>
      %mul3A_669 = arith.mulf %exp3A_668, %get3A_658 : vector<16xf32>
      %add3A_670 = arith.addi %get3A_662, %and3A_38 : vector<16xi32>
      tpu.vector_store_idx %arg11[%add3A_670], %mul3A_669 {add = true} : memref<8192xf32, #tpu.memory_space<vmem>>[vector<16xi32>], vector<16xf32>,
      %sub3A_671 = arith.subf %get3A_654, %add3A_141 : vector<16xf32>
      %mul3A_672 = arith.mulf %sub3A_671, %sub3A_671 : vector<16xf32>
      %mul3A_673 = arith.constant -1.600000e+01 : f32
      %mul3A_674 = vector.broadcast %mul3A_673 : f32 to vector<16xf32>
      %mul3A_675 = arith.mulf %mul3A_672, %mul3A_674 : vector<16xf32>
      %exp3A_676 = math.exp %mul3A_675 : vector<16xf32>
      %mul3A_677 = arith.mulf %exp3A_676, %get3A_658 : vector<16xf32>
      %add3A_678 = arith.addi %get3A_662, %and3A_44 : vector<16xi32>
      tpu.vector_store_idx %arg11[%add3A_678], %mul3A_677 {add = true} : memref<8192xf32, #tpu.memory_space<vmem>>[vector<16xi32>], vector<16xf32>,
      %sub3A_679 = arith.subf %get3A_654, %add3A_148 : vector<16xf32>
      %mul3A_680 = arith.mulf %sub3A_679, %sub3A_679 : vector<16xf32>
      %mul3A_681 = arith.constant -1.600000e+01 : f32
      %mul3A_682 = vector.broadcast %mul3A_681 : f32 to vector<16xf32>
      %mul3A_683 = arith.mulf %mul3A_680, %mul3A_682 : vector<16xf32>
      %exp3A_684 = math.exp %mul3A_683 : vector<16xf32>
      %mul3A_685 = arith.mulf %exp3A_684, %get3A_658 : vector<16xf32>
      %add3A_686 = arith.addi %get3A_662, %and3A_50 : vector<16xi32>
      tpu.vector_store_idx %arg11[%add3A_686], %mul3A_685 {add = true} : memref<8192xf32, #tpu.memory_space<vmem>>[vector<16xi32>], vector<16xf32>,
      %sub3A_687 = arith.subf %get3A_654, %add3A_155 : vector<16xf32>
      %mul3A_688 = arith.mulf %sub3A_687, %sub3A_687 : vector<16xf32>
      %mul3A_689 = arith.constant -1.600000e+01 : f32
      %mul3A_690 = vector.broadcast %mul3A_689 : f32 to vector<16xf32>
      %mul3A_691 = arith.mulf %mul3A_688, %mul3A_690 : vector<16xf32>
      %exp3A_692 = math.exp %mul3A_691 : vector<16xf32>
      %mul3A_693 = arith.mulf %exp3A_692, %get3A_658 : vector<16xf32>
      %add3A_694 = arith.addi %get3A_662, %and3A_56 : vector<16xi32>
      tpu.vector_store_idx %arg11[%add3A_694], %mul3A_693 {add = true} : memref<8192xf32, #tpu.memory_space<vmem>>[vector<16xi32>], vector<16xf32>,
      %sub3A_695 = arith.subf %get3A_654, %add3A_162 : vector<16xf32>
      %mul3A_696 = arith.mulf %sub3A_695, %sub3A_695 : vector<16xf32>
      %mul3A_697 = arith.constant -1.600000e+01 : f32
      %mul3A_698 = vector.broadcast %mul3A_697 : f32 to vector<16xf32>
      %mul3A_699 = arith.mulf %mul3A_696, %mul3A_698 : vector<16xf32>
      %exp3A_700 = math.exp %mul3A_699 : vector<16xf32>
      %mul3A_701 = arith.mulf %exp3A_700, %get3A_658 : vector<16xf32>
      %add3A_702 = arith.addi %get3A_662, %and3A_62 : vector<16xi32>
      tpu.vector_store_idx %arg11[%add3A_702], %mul3A_701 {add = true} : memref<8192xf32, #tpu.memory_space<vmem>>[vector<16xi32>], vector<16xf32>,
      %sub3A_703 = arith.subf %get3A_654, %add3A_169 : vector<16xf32>
      %mul3A_704 = arith.mulf %sub3A_703, %sub3A_703 : vector<16xf32>
      %mul3A_705 = arith.constant -1.600000e+01 : f32
      %mul3A_706 = vector.broadcast %mul3A_705 : f32 to vector<16xf32>
      %mul3A_707 = arith.mulf %mul3A_704, %mul3A_706 : vector<16xf32>
      %exp3A_708 = math.exp %mul3A_707 : vector<16xf32>
      %mul3A_709 = arith.mulf %exp3A_708, %get3A_658 : vector<16xf32>
      %add3A_710 = arith.addi %get3A_662, %and3A_68 : vector<16xi32>
      tpu.vector_store_idx %arg11[%add3A_710], %mul3A_709 {add = true} : memref<8192xf32, #tpu.memory_space<vmem>>[vector<16xi32>], vector<16xf32>,
      %sub3A_711 = arith.subf %get3A_654, %add3A_176 : vector<16xf32>
      %mul3A_712 = arith.mulf %sub3A_711, %sub3A_711 : vector<16xf32>
      %mul3A_713 = arith.constant -1.600000e+01 : f32
      %mul3A_714 = vector.broadcast %mul3A_713 : f32 to vector<16xf32>
      %mul3A_715 = arith.mulf %mul3A_712, %mul3A_714 : vector<16xf32>
      %exp3A_716 = math.exp %mul3A_715 : vector<16xf32>
      %mul3A_717 = arith.mulf %exp3A_716, %get3A_658 : vector<16xf32>
      %add3A_718 = arith.addi %get3A_662, %and3A_74 : vector<16xi32>
      tpu.vector_store_idx %arg11[%add3A_718], %mul3A_717 {add = true} : memref<8192xf32, #tpu.memory_space<vmem>>[vector<16xi32>], vector<16xf32>,
      %sub3A_719 = arith.subf %get3A_654, %add3A_183 : vector<16xf32>
      %mul3A_720 = arith.mulf %sub3A_719, %sub3A_719 : vector<16xf32>
      %mul3A_721 = arith.constant -1.600000e+01 : f32
      %mul3A_722 = vector.broadcast %mul3A_721 : f32 to vector<16xf32>
      %mul3A_723 = arith.mulf %mul3A_720, %mul3A_722 : vector<16xf32>
      %exp3A_724 = math.exp %mul3A_723 : vector<16xf32>
      %mul3A_725 = arith.mulf %exp3A_724, %get3A_658 : vector<16xf32>
      %add3A_726 = arith.addi %get3A_662, %and3A_80 : vector<16xi32>
      tpu.vector_store_idx %arg11[%add3A_726], %mul3A_725 {add = true} : memref<8192xf32, #tpu.memory_space<vmem>>[vector<16xi32>], vector<16xf32>,
      %sub3A_727 = arith.subf %get3A_654, %add3A_190 : vector<16xf32>
      %mul3A_728 = arith.mulf %sub3A_727, %sub3A_727 : vector<16xf32>
      %mul3A_729 = arith.constant -1.600000e+01 : f32
      %mul3A_730 = vector.broadcast %mul3A_729 : f32 to vector<16xf32>
      %mul3A_731 = arith.mulf %mul3A_728, %mul3A_730 : vector<16xf32>
      %exp3A_732 = math.exp %mul3A_731 : vector<16xf32>
      %mul3A_733 = arith.mulf %exp3A_732, %get3A_658 : vector<16xf32>
      %add3A_734 = arith.addi %get3A_662, %and3A_86 : vector<16xi32>
      tpu.vector_store_idx %arg11[%add3A_734], %mul3A_733 {add = true} : memref<8192xf32, #tpu.memory_space<vmem>>[vector<16xi32>], vector<16xf32>,
      %sub3A_735 = arith.subf %get3A_654, %add3A_197 : vector<16xf32>
      %mul3A_736 = arith.mulf %sub3A_735, %sub3A_735 : vector<16xf32>
      %mul3A_737 = arith.constant -1.600000e+01 : f32
      %mul3A_738 = vector.broadcast %mul3A_737 : f32 to vector<16xf32>
      %mul3A_739 = arith.mulf %mul3A_736, %mul3A_738 : vector<16xf32>
      %exp3A_740 = math.exp %mul3A_739 : vector<16xf32>
      %mul3A_741 = arith.mulf %exp3A_740, %get3A_658 : vector<16xf32>
      %add3A_742 = arith.addi %get3A_662, %and3A_92 : vector<16xi32>
      tpu.vector_store_idx %arg11[%add3A_742], %mul3A_741 {add = true} : memref<8192xf32, #tpu.memory_space<vmem>>[vector<16xi32>], vector<16xf32>,
      %sub3A_743 = arith.subf %get3A_654, %add3A_204 : vector<16xf32>
      %mul3A_744 = arith.mulf %sub3A_743, %sub3A_743 : vector<16xf32>
      %mul3A_745 = arith.constant -1.600000e+01 : f32
      %mul3A_746 = vector.broadcast %mul3A_745 : f32 to vector<16xf32>
      %mul3A_747 = arith.mulf %mul3A_744, %mul3A_746 : vector<16xf32>
      %exp3A_748 = math.exp %mul3A_747 : vector<16xf32>
      %mul3A_749 = arith.mulf %exp3A_748, %get3A_658 : vector<16xf32>
      %add3A_750 = arith.addi %get3A_662, %and3A_98 : vector<16xi32>
      tpu.vector_store_idx %arg11[%add3A_750], %mul3A_749 {add = true} : memref<8192xf32, #tpu.memory_space<vmem>>[vector<16xi32>], vector<16xf32>,
      %sub3A_751 = arith.subf %get3A_654, %add3A_211 : vector<16xf32>
      %mul3A_752 = arith.mulf %sub3A_751, %sub3A_751 : vector<16xf32>
      %mul3A_753 = arith.constant -1.600000e+01 : f32
      %mul3A_754 = vector.broadcast %mul3A_753 : f32 to vector<16xf32>
      %mul3A_755 = arith.mulf %mul3A_752, %mul3A_754 : vector<16xf32>
      %exp3A_756 = math.exp %mul3A_755 : vector<16xf32>
      %mul3A_757 = arith.mulf %exp3A_756, %get3A_658 : vector<16xf32>
      %add3A_758 = arith.addi %get3A_662, %and3A_104 : vector<16xi32>
      tpu.vector_store_idx %arg11[%add3A_758], %mul3A_757 {add = true} : memref<8192xf32, #tpu.memory_space<vmem>>[vector<16xi32>], vector<16xf32>,
      %sub3A_759 = arith.subf %get3A_654, %add3A_218 : vector<16xf32>
      %mul3A_760 = arith.mulf %sub3A_759, %sub3A_759 : vector<16xf32>
      %mul3A_761 = arith.constant -1.600000e+01 : f32
      %mul3A_762 = vector.broadcast %mul3A_761 : f32 to vector<16xf32>
      %mul3A_763 = arith.mulf %mul3A_760, %mul3A_762 : vector<16xf32>
      %exp3A_764 = math.exp %mul3A_763 : vector<16xf32>
      %mul3A_765 = arith.mulf %exp3A_764, %get3A_658 : vector<16xf32>
      %add3A_766 = arith.addi %get3A_662, %and3A_110 : vector<16xi32>
      tpu.vector_store_idx %arg11[%add3A_766], %mul3A_765 {add = true} : memref<8192xf32, #tpu.memory_space<vmem>>[vector<16xi32>], vector<16xf32>,
      %sub3A_767 = arith.subf %get3A_654, %add3A_225 : vector<16xf32>
      %mul3A_768 = arith.mulf %sub3A_767, %sub3A_767 : vector<16xf32>
      %mul3A_769 = arith.constant -1.600000e+01 : f32
      %mul3A_770 = vector.broadcast %mul3A_769 : f32 to vector<16xf32>
      %mul3A_771 = arith.mulf %mul3A_768, %mul3A_770 : vector<16xf32>
      %exp3A_772 = math.exp %mul3A_771 : vector<16xf32>
      %mul3A_773 = arith.mulf %exp3A_772, %get3A_658 : vector<16xf32>
      %add3A_774 = arith.addi %get3A_662, %and3A_116 : vector<16xi32>
      tpu.vector_store_idx %arg11[%add3A_774], %mul3A_773 {add = true} : memref<8192xf32, #tpu.memory_space<vmem>>[vector<16xi32>], vector<16xf32>,
      %sub3A_775 = arith.subf %get3A_654, %add3A_232 : vector<16xf32>
      %mul3A_776 = arith.mulf %sub3A_775, %sub3A_775 : vector<16xf32>
      %mul3A_777 = arith.constant -1.600000e+01 : f32
      %mul3A_778 = vector.broadcast %mul3A_777 : f32 to vector<16xf32>
      %mul3A_779 = arith.mulf %mul3A_776, %mul3A_778 : vector<16xf32>
      %exp3A_780 = math.exp %mul3A_779 : vector<16xf32>
      %mul3A_781 = arith.mulf %exp3A_780, %get3A_658 : vector<16xf32>
      %add3A_782 = arith.addi %get3A_662, %and3A_122 : vector<16xi32>
      tpu.vector_store_idx %arg11[%add3A_782], %mul3A_781 {add = true} : memref<8192xf32, #tpu.memory_space<vmem>>[vector<16xi32>], vector<16xf32>,
      %sub3A_783 = arith.subf %get3A_654, %add3A_239 : vector<16xf32>
      %mul3A_784 = arith.mulf %sub3A_783, %sub3A_783 : vector<16xf32>
      %mul3A_785 = arith.constant -1.600000e+01 : f32
      %mul3A_786 = vector.broadcast %mul3A_785 : f32 to vector<16xf32>
      %mul3A_787 = arith.mulf %mul3A_784, %mul3A_786 : vector<16xf32>
      %exp3A_788 = math.exp %mul3A_787 : vector<16xf32>
      %mul3A_789 = arith.mulf %exp3A_788, %get3A_658 : vector<16xf32>
      %add3A_790 = arith.addi %get3A_662, %and3A_128 : vector<16xi32>
      tpu.vector_store_idx %arg11[%add3A_790], %mul3A_789 {add = true} : memref<8192xf32, #tpu.memory_space<vmem>>[vector<16xi32>], vector<16xf32>,
    }
    %while3A_506 = arith.constant 1 : i32
    scf.for %while3A_509 = %while3A_504 to %while3A_500 step %while3A_506  : i32 {
      %mul3A_510 = arith.constant 32 : i32
      %mul3A_511 = arith.muli %while3A_509, %mul3A_510 : i32
      %multiple_of3A = tpu.assume_multiple %mul3A_511, 32 : i32
      %add3A_512 = arith.constant 0 : i32
      %add3A_513 = arith.addi %multiple_of3A, %add3A_512 : i32
      %get3A_514 = arith.index_cast %add3A_513 : i32 to index
      %get3A_515 = tpu.vector_load %arg7[%get3A_514] {strides = array<i32>} : memref<16416xf32, #tpu.memory_space<vmem>>, vector<16xf32>,
      %add3A_516 = arith.constant 0 : i32
      %add3A_517 = arith.addi %multiple_of3A, %add3A_516 : i32
      %get3A_518 = arith.index_cast %add3A_517 : i32 to index
      %get3A_519 = tpu.vector_load %arg8[%get3A_518] {strides = array<i32>} : memref<16416xf32, #tpu.memory_space<vmem>>, vector<16xf32>,
      %add3A_520 = arith.constant 0 : i32
      %add3A_521 = arith.addi %multiple_of3A, %add3A_520 : i32
      %get3A_522 = arith.index_cast %add3A_521 : i32 to index
      %get3A_523 = tpu.vector_load %arg9[%get3A_522] {strides = array<i32>} : memref<16416xi32, #tpu.memory_space<vmem>>, vector<16xi32>,
      %sub3A_524 = arith.subf %get3A_515, %add3A_134 : vector<16xf32>
      %mul3A_525 = arith.mulf %sub3A_524, %sub3A_524 : vector<16xf32>
      %mul3A_526 = arith.constant -1.600000e+01 : f32
      %mul3A_527 = vector.broadcast %mul3A_526 : f32 to vector<16xf32>
      %mul3A_528 = arith.mulf %mul3A_525, %mul3A_527 : vector<16xf32>
      %exp3A = math.exp %mul3A_528 : vector<16xf32>
      %mul3A_529 = arith.mulf %exp3A, %get3A_519 : vector<16xf32>
      %add3A_530 = arith.addi %get3A_523, %and3A_38 : vector<16xi32>
      tpu.vector_store_idx %arg11[%add3A_530], %mul3A_529 {add = true} : memref<8192xf32, #tpu.memory_space<vmem>>[vector<16xi32>], vector<16xf32>,
      %sub3A_531 = arith.subf %get3A_515, %add3A_141 : vector<16xf32>
      %mul3A_532 = arith.mulf %sub3A_531, %sub3A_531 : vector<16xf32>
      %mul3A_533 = arith.constant -1.600000e+01 : f32
      %mul3A_534 = vector.broadcast %mul3A_533 : f32 to vector<16xf32>
      %mul3A_535 = arith.mulf %mul3A_532, %mul3A_534 : vector<16xf32>
      %exp3A_536 = math.exp %mul3A_535 : vector<16xf32>
      %mul3A_537 = arith.mulf %exp3A_536, %get3A_519 : vector<16xf32>
      %add3A_538 = arith.addi %get3A_523, %and3A_44 : vector<16xi32>
      tpu.vector_store_idx %arg11[%add3A_538], %mul3A_537 {add = true} : memref<8192xf32, #tpu.memory_space<vmem>>[vector<16xi32>], vector<16xf32>,
      %sub3A_539 = arith.subf %get3A_515, %add3A_148 : vector<16xf32>
      %mul3A_540 = arith.mulf %sub3A_539, %sub3A_539 : vector<16xf32>
      %mul3A_541 = arith.constant -1.600000e+01 : f32
      %mul3A_542 = vector.broadcast %mul3A_541 : f32 to vector<16xf32>
      %mul3A_543 = arith.mulf %mul3A_540, %mul3A_542 : vector<16xf32>
      %exp3A_544 = math.exp %mul3A_543 : vector<16xf32>
      %mul3A_545 = arith.mulf %exp3A_544, %get3A_519 : vector<16xf32>
      %add3A_546 = arith.addi %get3A_523, %and3A_50 : vector<16xi32>
      tpu.vector_store_idx %arg11[%add3A_546], %mul3A_545 {add = true} : memref<8192xf32, #tpu.memory_space<vmem>>[vector<16xi32>], vector<16xf32>,
      %sub3A_547 = arith.subf %get3A_515, %add3A_155 : vector<16xf32>
      %mul3A_548 = arith.mulf %sub3A_547, %sub3A_547 : vector<16xf32>
      %mul3A_549 = arith.constant -1.600000e+01 : f32
      %mul3A_550 = vector.broadcast %mul3A_549 : f32 to vector<16xf32>
      %mul3A_551 = arith.mulf %mul3A_548, %mul3A_550 : vector<16xf32>
      %exp3A_552 = math.exp %mul3A_551 : vector<16xf32>
      %mul3A_553 = arith.mulf %exp3A_552, %get3A_519 : vector<16xf32>
      %add3A_554 = arith.addi %get3A_523, %and3A_56 : vector<16xi32>
      tpu.vector_store_idx %arg11[%add3A_554], %mul3A_553 {add = true} : memref<8192xf32, #tpu.memory_space<vmem>>[vector<16xi32>], vector<16xf32>,
      %sub3A_555 = arith.subf %get3A_515, %add3A_162 : vector<16xf32>
      %mul3A_556 = arith.mulf %sub3A_555, %sub3A_555 : vector<16xf32>
      %mul3A_557 = arith.constant -1.600000e+01 : f32
      %mul3A_558 = vector.broadcast %mul3A_557 : f32 to vector<16xf32>
      %mul3A_559 = arith.mulf %mul3A_556, %mul3A_558 : vector<16xf32>
      %exp3A_560 = math.exp %mul3A_559 : vector<16xf32>
      %mul3A_561 = arith.mulf %exp3A_560, %get3A_519 : vector<16xf32>
      %add3A_562 = arith.addi %get3A_523, %and3A_62 : vector<16xi32>
      tpu.vector_store_idx %arg11[%add3A_562], %mul3A_561 {add = true} : memref<8192xf32, #tpu.memory_space<vmem>>[vector<16xi32>], vector<16xf32>,
      %sub3A_563 = arith.subf %get3A_515, %add3A_169 : vector<16xf32>
      %mul3A_564 = arith.mulf %sub3A_563, %sub3A_563 : vector<16xf32>
      %mul3A_565 = arith.constant -1.600000e+01 : f32
      %mul3A_566 = vector.broadcast %mul3A_565 : f32 to vector<16xf32>
      %mul3A_567 = arith.mulf %mul3A_564, %mul3A_566 : vector<16xf32>
      %exp3A_568 = math.exp %mul3A_567 : vector<16xf32>
      %mul3A_569 = arith.mulf %exp3A_568, %get3A_519 : vector<16xf32>
      %add3A_570 = arith.addi %get3A_523, %and3A_68 : vector<16xi32>
      tpu.vector_store_idx %arg11[%add3A_570], %mul3A_569 {add = true} : memref<8192xf32, #tpu.memory_space<vmem>>[vector<16xi32>], vector<16xf32>,
      %sub3A_571 = arith.subf %get3A_515, %add3A_176 : vector<16xf32>
      %mul3A_572 = arith.mulf %sub3A_571, %sub3A_571 : vector<16xf32>
      %mul3A_573 = arith.constant -1.600000e+01 : f32
      %mul3A_574 = vector.broadcast %mul3A_573 : f32 to vector<16xf32>
      %mul3A_575 = arith.mulf %mul3A_572, %mul3A_574 : vector<16xf32>
      %exp3A_576 = math.exp %mul3A_575 : vector<16xf32>
      %mul3A_577 = arith.mulf %exp3A_576, %get3A_519 : vector<16xf32>
      %add3A_578 = arith.addi %get3A_523, %and3A_74 : vector<16xi32>
      tpu.vector_store_idx %arg11[%add3A_578], %mul3A_577 {add = true} : memref<8192xf32, #tpu.memory_space<vmem>>[vector<16xi32>], vector<16xf32>,
      %sub3A_579 = arith.subf %get3A_515, %add3A_183 : vector<16xf32>
      %mul3A_580 = arith.mulf %sub3A_579, %sub3A_579 : vector<16xf32>
      %mul3A_581 = arith.constant -1.600000e+01 : f32
      %mul3A_582 = vector.broadcast %mul3A_581 : f32 to vector<16xf32>
      %mul3A_583 = arith.mulf %mul3A_580, %mul3A_582 : vector<16xf32>
      %exp3A_584 = math.exp %mul3A_583 : vector<16xf32>
      %mul3A_585 = arith.mulf %exp3A_584, %get3A_519 : vector<16xf32>
      %add3A_586 = arith.addi %get3A_523, %and3A_80 : vector<16xi32>
      tpu.vector_store_idx %arg11[%add3A_586], %mul3A_585 {add = true} : memref<8192xf32, #tpu.memory_space<vmem>>[vector<16xi32>], vector<16xf32>,
      %sub3A_587 = arith.subf %get3A_515, %add3A_190 : vector<16xf32>
      %mul3A_588 = arith.mulf %sub3A_587, %sub3A_587 : vector<16xf32>
      %mul3A_589 = arith.constant -1.600000e+01 : f32
      %mul3A_590 = vector.broadcast %mul3A_589 : f32 to vector<16xf32>
      %mul3A_591 = arith.mulf %mul3A_588, %mul3A_590 : vector<16xf32>
      %exp3A_592 = math.exp %mul3A_591 : vector<16xf32>
      %mul3A_593 = arith.mulf %exp3A_592, %get3A_519 : vector<16xf32>
      %add3A_594 = arith.addi %get3A_523, %and3A_86 : vector<16xi32>
      tpu.vector_store_idx %arg11[%add3A_594], %mul3A_593 {add = true} : memref<8192xf32, #tpu.memory_space<vmem>>[vector<16xi32>], vector<16xf32>,
      %sub3A_595 = arith.subf %get3A_515, %add3A_197 : vector<16xf32>
      %mul3A_596 = arith.mulf %sub3A_595, %sub3A_595 : vector<16xf32>
      %mul3A_597 = arith.constant -1.600000e+01 : f32
      %mul3A_598 = vector.broadcast %mul3A_597 : f32 to vector<16xf32>
      %mul3A_599 = arith.mulf %mul3A_596, %mul3A_598 : vector<16xf32>
      %exp3A_600 = math.exp %mul3A_599 : vector<16xf32>
      %mul3A_601 = arith.mulf %exp3A_600, %get3A_519 : vector<16xf32>
      %add3A_602 = arith.addi %get3A_523, %and3A_92 : vector<16xi32>
      tpu.vector_store_idx %arg11[%add3A_602], %mul3A_601 {add = true} : memref<8192xf32, #tpu.memory_space<vmem>>[vector<16xi32>], vector<16xf32>,
      %sub3A_603 = arith.subf %get3A_515, %add3A_204 : vector<16xf32>
      %mul3A_604 = arith.mulf %sub3A_603, %sub3A_603 : vector<16xf32>
      %mul3A_605 = arith.constant -1.600000e+01 : f32
      %mul3A_606 = vector.broadcast %mul3A_605 : f32 to vector<16xf32>
      %mul3A_607 = arith.mulf %mul3A_604, %mul3A_606 : vector<16xf32>
      %exp3A_608 = math.exp %mul3A_607 : vector<16xf32>
      %mul3A_609 = arith.mulf %exp3A_608, %get3A_519 : vector<16xf32>
      %add3A_610 = arith.addi %get3A_523, %and3A_98 : vector<16xi32>
      tpu.vector_store_idx %arg11[%add3A_610], %mul3A_609 {add = true} : memref<8192xf32, #tpu.memory_space<vmem>>[vector<16xi32>], vector<16xf32>,
      %sub3A_611 = arith.subf %get3A_515, %add3A_211 : vector<16xf32>
      %mul3A_612 = arith.mulf %sub3A_611, %sub3A_611 : vector<16xf32>
      %mul3A_613 = arith.constant -1.600000e+01 : f32
      %mul3A_614 = vector.broadcast %mul3A_613 : f32 to vector<16xf32>
      %mul3A_615 = arith.mulf %mul3A_612, %mul3A_614 : vector<16xf32>
      %exp3A_616 = math.exp %mul3A_615 : vector<16xf32>
      %mul3A_617 = arith.mulf %exp3A_616, %get3A_519 : vector<16xf32>
      %add3A_618 = arith.addi %get3A_523, %and3A_104 : vector<16xi32>
      tpu.vector_store_idx %arg11[%add3A_618], %mul3A_617 {add = true} : memref<8192xf32, #tpu.memory_space<vmem>>[vector<16xi32>], vector<16xf32>,
      %sub3A_619 = arith.subf %get3A_515, %add3A_218 : vector<16xf32>
      %mul3A_620 = arith.mulf %sub3A_619, %sub3A_619 : vector<16xf32>
      %mul3A_621 = arith.constant -1.600000e+01 : f32
      %mul3A_622 = vector.broadcast %mul3A_621 : f32 to vector<16xf32>
      %mul3A_623 = arith.mulf %mul3A_620, %mul3A_622 : vector<16xf32>
      %exp3A_624 = math.exp %mul3A_623 : vector<16xf32>
      %mul3A_625 = arith.mulf %exp3A_624, %get3A_519 : vector<16xf32>
      %add3A_626 = arith.addi %get3A_523, %and3A_110 : vector<16xi32>
      tpu.vector_store_idx %arg11[%add3A_626], %mul3A_625 {add = true} : memref<8192xf32, #tpu.memory_space<vmem>>[vector<16xi32>], vector<16xf32>,
      %sub3A_627 = arith.subf %get3A_515, %add3A_225 : vector<16xf32>
      %mul3A_628 = arith.mulf %sub3A_627, %sub3A_627 : vector<16xf32>
      %mul3A_629 = arith.constant -1.600000e+01 : f32
      %mul3A_630 = vector.broadcast %mul3A_629 : f32 to vector<16xf32>
      %mul3A_631 = arith.mulf %mul3A_628, %mul3A_630 : vector<16xf32>
      %exp3A_632 = math.exp %mul3A_631 : vector<16xf32>
      %mul3A_633 = arith.mulf %exp3A_632, %get3A_519 : vector<16xf32>
      %add3A_634 = arith.addi %get3A_523, %and3A_116 : vector<16xi32>
      tpu.vector_store_idx %arg11[%add3A_634], %mul3A_633 {add = true} : memref<8192xf32, #tpu.memory_space<vmem>>[vector<16xi32>], vector<16xf32>,
      %sub3A_635 = arith.subf %get3A_515, %add3A_232 : vector<16xf32>
      %mul3A_636 = arith.mulf %sub3A_635, %sub3A_635 : vector<16xf32>
      %mul3A_637 = arith.constant -1.600000e+01 : f32
      %mul3A_638 = vector.broadcast %mul3A_637 : f32 to vector<16xf32>
      %mul3A_639 = arith.mulf %mul3A_636, %mul3A_638 : vector<16xf32>
      %exp3A_640 = math.exp %mul3A_639 : vector<16xf32>
      %mul3A_641 = arith.mulf %exp3A_640, %get3A_519 : vector<16xf32>
      %add3A_642 = arith.addi %get3A_523, %and3A_122 : vector<16xi32>
      tpu.vector_store_idx %arg11[%add3A_642], %mul3A_641 {add = true} : memref<8192xf32, #tpu.memory_space<vmem>>[vector<16xi32>], vector<16xf32>,
      %sub3A_643 = arith.subf %get3A_515, %add3A_239 : vector<16xf32>
      %mul3A_644 = arith.mulf %sub3A_643, %sub3A_643 : vector<16xf32>
      %mul3A_645 = arith.constant -1.600000e+01 : f32
      %mul3A_646 = vector.broadcast %mul3A_645 : f32 to vector<16xf32>
      %mul3A_647 = arith.mulf %mul3A_644, %mul3A_646 : vector<16xf32>
      %exp3A_648 = math.exp %mul3A_647 : vector<16xf32>
      %mul3A_649 = arith.mulf %exp3A_648, %get3A_519 : vector<16xf32>
      %add3A_650 = arith.addi %get3A_523, %and3A_128 : vector<16xi32>
      tpu.vector_store_idx %arg11[%add3A_650], %mul3A_649 {add = true} : memref<8192xf32, #tpu.memory_space<vmem>>[vector<16xi32>], vector<16xf32>,
      %add3A_651 = arith.constant 16 : i32
      %add3A_652 = arith.addi %multiple_of3A, %add3A_651 : i32
      %get3A_653 = arith.index_cast %add3A_652 : i32 to index
      %get3A_654 = tpu.vector_load %arg7[%get3A_653] {strides = array<i32>} : memref<16416xf32, #tpu.memory_space<vmem>>, vector<16xf32>,
      %add3A_655 = arith.constant 16 : i32
      %add3A_656 = arith.addi %multiple_of3A, %add3A_655 : i32
      %get3A_657 = arith.index_cast %add3A_656 : i32 to index
      %get3A_658 = tpu.vector_load %arg8[%get3A_657] {strides = array<i32>} : memref<16416xf32, #tpu.memory_space<vmem>>, vector<16xf32>,
      %add3A_659 = arith.constant 16 : i32
      %add3A_660 = arith.addi %multiple_of3A, %add3A_659 : i32
      %get3A_661 = arith.index_cast %add3A_660 : i32 to index
      %get3A_662 = tpu.vector_load %arg9[%get3A_661] {strides = array<i32>} : memref<16416xi32, #tpu.memory_space<vmem>>, vector<16xi32>,
      %sub3A_663 = arith.subf %get3A_654, %add3A_134 : vector<16xf32>
      %mul3A_664 = arith.mulf %sub3A_663, %sub3A_663 : vector<16xf32>
      %mul3A_665 = arith.constant -1.600000e+01 : f32
      %mul3A_666 = vector.broadcast %mul3A_665 : f32 to vector<16xf32>
      %mul3A_667 = arith.mulf %mul3A_664, %mul3A_666 : vector<16xf32>
      %exp3A_668 = math.exp %mul3A_667 : vector<16xf32>
      %mul3A_669 = arith.mulf %exp3A_668, %get3A_658 : vector<16xf32>
      %add3A_670 = arith.addi %get3A_662, %and3A_38 : vector<16xi32>
      tpu.vector_store_idx %arg11[%add3A_670], %mul3A_669 {add = true} : memref<8192xf32, #tpu.memory_space<vmem>>[vector<16xi32>], vector<16xf32>,
      %sub3A_671 = arith.subf %get3A_654, %add3A_141 : vector<16xf32>
      %mul3A_672 = arith.mulf %sub3A_671, %sub3A_671 : vector<16xf32>
      %mul3A_673 = arith.constant -1.600000e+01 : f32
      %mul3A_674 = vector.broadcast %mul3A_673 : f32 to vector<16xf32>
      %mul3A_675 = arith.mulf %mul3A_672, %mul3A_674 : vector<16xf32>
      %exp3A_676 = math.exp %mul3A_675 : vector<16xf32>
      %mul3A_677 = arith.mulf %exp3A_676, %get3A_658 : vector<16xf32>
      %add3A_678 = arith.addi %get3A_662, %and3A_44 : vector<16xi32>
      tpu.vector_store_idx %arg11[%add3A_678], %mul3A_677 {add = true} : memref<8192xf32, #tpu.memory_space<vmem>>[vector<16xi32>], vector<16xf32>,
      %sub3A_679 = arith.subf %get3A_654, %add3A_148 : vector<16xf32>
      %mul3A_680 = arith.mulf %sub3A_679, %sub3A_679 : vector<16xf32>
      %mul3A_681 = arith.constant -1.600000e+01 : f32
      %mul3A_682 = vector.broadcast %mul3A_681 : f32 to vector<16xf32>
      %mul3A_683 = arith.mulf %mul3A_680, %mul3A_682 : vector<16xf32>
      %exp3A_684 = math.exp %mul3A_683 : vector<16xf32>
      %mul3A_685 = arith.mulf %exp3A_684, %get3A_658 : vector<16xf32>
      %add3A_686 = arith.addi %get3A_662, %and3A_50 : vector<16xi32>
      tpu.vector_store_idx %arg11[%add3A_686], %mul3A_685 {add = true} : memref<8192xf32, #tpu.memory_space<vmem>>[vector<16xi32>], vector<16xf32>,
      %sub3A_687 = arith.subf %get3A_654, %add3A_155 : vector<16xf32>
      %mul3A_688 = arith.mulf %sub3A_687, %sub3A_687 : vector<16xf32>
      %mul3A_689 = arith.constant -1.600000e+01 : f32
      %mul3A_690 = vector.broadcast %mul3A_689 : f32 to vector<16xf32>
      %mul3A_691 = arith.mulf %mul3A_688, %mul3A_690 : vector<16xf32>
      %exp3A_692 = math.exp %mul3A_691 : vector<16xf32>
      %mul3A_693 = arith.mulf %exp3A_692, %get3A_658 : vector<16xf32>
      %add3A_694 = arith.addi %get3A_662, %and3A_56 : vector<16xi32>
      tpu.vector_store_idx %arg11[%add3A_694], %mul3A_693 {add = true} : memref<8192xf32, #tpu.memory_space<vmem>>[vector<16xi32>], vector<16xf32>,
      %sub3A_695 = arith.subf %get3A_654, %add3A_162 : vector<16xf32>
      %mul3A_696 = arith.mulf %sub3A_695, %sub3A_695 : vector<16xf32>
      %mul3A_697 = arith.constant -1.600000e+01 : f32
      %mul3A_698 = vector.broadcast %mul3A_697 : f32 to vector<16xf32>
      %mul3A_699 = arith.mulf %mul3A_696, %mul3A_698 : vector<16xf32>
      %exp3A_700 = math.exp %mul3A_699 : vector<16xf32>
      %mul3A_701 = arith.mulf %exp3A_700, %get3A_658 : vector<16xf32>
      %add3A_702 = arith.addi %get3A_662, %and3A_62 : vector<16xi32>
      tpu.vector_store_idx %arg11[%add3A_702], %mul3A_701 {add = true} : memref<8192xf32, #tpu.memory_space<vmem>>[vector<16xi32>], vector<16xf32>,
      %sub3A_703 = arith.subf %get3A_654, %add3A_169 : vector<16xf32>
      %mul3A_704 = arith.mulf %sub3A_703, %sub3A_703 : vector<16xf32>
      %mul3A_705 = arith.constant -1.600000e+01 : f32
      %mul3A_706 = vector.broadcast %mul3A_705 : f32 to vector<16xf32>
      %mul3A_707 = arith.mulf %mul3A_704, %mul3A_706 : vector<16xf32>
      %exp3A_708 = math.exp %mul3A_707 : vector<16xf32>
      %mul3A_709 = arith.mulf %exp3A_708, %get3A_658 : vector<16xf32>
      %add3A_710 = arith.addi %get3A_662, %and3A_68 : vector<16xi32>
      tpu.vector_store_idx %arg11[%add3A_710], %mul3A_709 {add = true} : memref<8192xf32, #tpu.memory_space<vmem>>[vector<16xi32>], vector<16xf32>,
      %sub3A_711 = arith.subf %get3A_654, %add3A_176 : vector<16xf32>
      %mul3A_712 = arith.mulf %sub3A_711, %sub3A_711 : vector<16xf32>
      %mul3A_713 = arith.constant -1.600000e+01 : f32
      %mul3A_714 = vector.broadcast %mul3A_713 : f32 to vector<16xf32>
      %mul3A_715 = arith.mulf %mul3A_712, %mul3A_714 : vector<16xf32>
      %exp3A_716 = math.exp %mul3A_715 : vector<16xf32>
      %mul3A_717 = arith.mulf %exp3A_716, %get3A_658 : vector<16xf32>
      %add3A_718 = arith.addi %get3A_662, %and3A_74 : vector<16xi32>
      tpu.vector_store_idx %arg11[%add3A_718], %mul3A_717 {add = true} : memref<8192xf32, #tpu.memory_space<vmem>>[vector<16xi32>], vector<16xf32>,
      %sub3A_719 = arith.subf %get3A_654, %add3A_183 : vector<16xf32>
      %mul3A_720 = arith.mulf %sub3A_719, %sub3A_719 : vector<16xf32>
      %mul3A_721 = arith.constant -1.600000e+01 : f32
      %mul3A_722 = vector.broadcast %mul3A_721 : f32 to vector<16xf32>
      %mul3A_723 = arith.mulf %mul3A_720, %mul3A_722 : vector<16xf32>
      %exp3A_724 = math.exp %mul3A_723 : vector<16xf32>
      %mul3A_725 = arith.mulf %exp3A_724, %get3A_658 : vector<16xf32>
      %add3A_726 = arith.addi %get3A_662, %and3A_80 : vector<16xi32>
      tpu.vector_store_idx %arg11[%add3A_726], %mul3A_725 {add = true} : memref<8192xf32, #tpu.memory_space<vmem>>[vector<16xi32>], vector<16xf32>,
      %sub3A_727 = arith.subf %get3A_654, %add3A_190 : vector<16xf32>
      %mul3A_728 = arith.mulf %sub3A_727, %sub3A_727 : vector<16xf32>
      %mul3A_729 = arith.constant -1.600000e+01 : f32
      %mul3A_730 = vector.broadcast %mul3A_729 : f32 to vector<16xf32>
      %mul3A_731 = arith.mulf %mul3A_728, %mul3A_730 : vector<16xf32>
      %exp3A_732 = math.exp %mul3A_731 : vector<16xf32>
      %mul3A_733 = arith.mulf %exp3A_732, %get3A_658 : vector<16xf32>
      %add3A_734 = arith.addi %get3A_662, %and3A_86 : vector<16xi32>
      tpu.vector_store_idx %arg11[%add3A_734], %mul3A_733 {add = true} : memref<8192xf32, #tpu.memory_space<vmem>>[vector<16xi32>], vector<16xf32>,
      %sub3A_735 = arith.subf %get3A_654, %add3A_197 : vector<16xf32>
      %mul3A_736 = arith.mulf %sub3A_735, %sub3A_735 : vector<16xf32>
      %mul3A_737 = arith.constant -1.600000e+01 : f32
      %mul3A_738 = vector.broadcast %mul3A_737 : f32 to vector<16xf32>
      %mul3A_739 = arith.mulf %mul3A_736, %mul3A_738 : vector<16xf32>
      %exp3A_740 = math.exp %mul3A_739 : vector<16xf32>
      %mul3A_741 = arith.mulf %exp3A_740, %get3A_658 : vector<16xf32>
      %add3A_742 = arith.addi %get3A_662, %and3A_92 : vector<16xi32>
      tpu.vector_store_idx %arg11[%add3A_742], %mul3A_741 {add = true} : memref<8192xf32, #tpu.memory_space<vmem>>[vector<16xi32>], vector<16xf32>,
      %sub3A_743 = arith.subf %get3A_654, %add3A_204 : vector<16xf32>
      %mul3A_744 = arith.mulf %sub3A_743, %sub3A_743 : vector<16xf32>
      %mul3A_745 = arith.constant -1.600000e+01 : f32
      %mul3A_746 = vector.broadcast %mul3A_745 : f32 to vector<16xf32>
      %mul3A_747 = arith.mulf %mul3A_744, %mul3A_746 : vector<16xf32>
      %exp3A_748 = math.exp %mul3A_747 : vector<16xf32>
      %mul3A_749 = arith.mulf %exp3A_748, %get3A_658 : vector<16xf32>
      %add3A_750 = arith.addi %get3A_662, %and3A_98 : vector<16xi32>
      tpu.vector_store_idx %arg11[%add3A_750], %mul3A_749 {add = true} : memref<8192xf32, #tpu.memory_space<vmem>>[vector<16xi32>], vector<16xf32>,
      %sub3A_751 = arith.subf %get3A_654, %add3A_211 : vector<16xf32>
      %mul3A_752 = arith.mulf %sub3A_751, %sub3A_751 : vector<16xf32>
      %mul3A_753 = arith.constant -1.600000e+01 : f32
      %mul3A_754 = vector.broadcast %mul3A_753 : f32 to vector<16xf32>
      %mul3A_755 = arith.mulf %mul3A_752, %mul3A_754 : vector<16xf32>
      %exp3A_756 = math.exp %mul3A_755 : vector<16xf32>
      %mul3A_757 = arith.mulf %exp3A_756, %get3A_658 : vector<16xf32>
      %add3A_758 = arith.addi %get3A_662, %and3A_104 : vector<16xi32>
      tpu.vector_store_idx %arg11[%add3A_758], %mul3A_757 {add = true} : memref<8192xf32, #tpu.memory_space<vmem>>[vector<16xi32>], vector<16xf32>,
      %sub3A_759 = arith.subf %get3A_654, %add3A_218 : vector<16xf32>
      %mul3A_760 = arith.mulf %sub3A_759, %sub3A_759 : vector<16xf32>
      %mul3A_761 = arith.constant -1.600000e+01 : f32
      %mul3A_762 = vector.broadcast %mul3A_761 : f32 to vector<16xf32>
      %mul3A_763 = arith.mulf %mul3A_760, %mul3A_762 : vector<16xf32>
      %exp3A_764 = math.exp %mul3A_763 : vector<16xf32>
      %mul3A_765 = arith.mulf %exp3A_764, %get3A_658 : vector<16xf32>
      %add3A_766 = arith.addi %get3A_662, %and3A_110 : vector<16xi32>
      tpu.vector_store_idx %arg11[%add3A_766], %mul3A_765 {add = true} : memref<8192xf32, #tpu.memory_space<vmem>>[vector<16xi32>], vector<16xf32>,
      %sub3A_767 = arith.subf %get3A_654, %add3A_225 : vector<16xf32>
      %mul3A_768 = arith.mulf %sub3A_767, %sub3A_767 : vector<16xf32>
      %mul3A_769 = arith.constant -1.600000e+01 : f32
      %mul3A_770 = vector.broadcast %mul3A_769 : f32 to vector<16xf32>
      %mul3A_771 = arith.mulf %mul3A_768, %mul3A_770 : vector<16xf32>
      %exp3A_772 = math.exp %mul3A_771 : vector<16xf32>
      %mul3A_773 = arith.mulf %exp3A_772, %get3A_658 : vector<16xf32>
      %add3A_774 = arith.addi %get3A_662, %and3A_116 : vector<16xi32>
      tpu.vector_store_idx %arg11[%add3A_774], %mul3A_773 {add = true} : memref<8192xf32, #tpu.memory_space<vmem>>[vector<16xi32>], vector<16xf32>,
      %sub3A_775 = arith.subf %get3A_654, %add3A_232 : vector<16xf32>
      %mul3A_776 = arith.mulf %sub3A_775, %sub3A_775 : vector<16xf32>
      %mul3A_777 = arith.constant -1.600000e+01 : f32
      %mul3A_778 = vector.broadcast %mul3A_777 : f32 to vector<16xf32>
      %mul3A_779 = arith.mulf %mul3A_776, %mul3A_778 : vector<16xf32>
      %exp3A_780 = math.exp %mul3A_779 : vector<16xf32>
      %mul3A_781 = arith.mulf %exp3A_780, %get3A_658 : vector<16xf32>
      %add3A_782 = arith.addi %get3A_662, %and3A_122 : vector<16xi32>
      tpu.vector_store_idx %arg11[%add3A_782], %mul3A_781 {add = true} : memref<8192xf32, #tpu.memory_space<vmem>>[vector<16xi32>], vector<16xf32>,
      %sub3A_783 = arith.subf %get3A_654, %add3A_239 : vector<16xf32>
      %mul3A_784 = arith.mulf %sub3A_783, %sub3A_783 : vector<16xf32>
      %mul3A_785 = arith.constant -1.600000e+01 : f32
      %mul3A_786 = vector.broadcast %mul3A_785 : f32 to vector<16xf32>
      %mul3A_787 = arith.mulf %mul3A_784, %mul3A_786 : vector<16xf32>
      %exp3A_788 = math.exp %mul3A_787 : vector<16xf32>
      %mul3A_789 = arith.mulf %exp3A_788, %get3A_658 : vector<16xf32>
      %add3A_790 = arith.addi %get3A_662, %and3A_128 : vector<16xi32>
      tpu.vector_store_idx %arg11[%add3A_790], %mul3A_789 {add = true} : memref<8192xf32, #tpu.memory_space<vmem>>[vector<16xi32>], vector<16xf32>,
    }
    %mul3A_507 = arith.constant 64 : i32
    %mul3A_508 = arith.muli %mul3A_2, %mul3A_507 : i32
    "tpu.region"() ({
      %run_scoped3A = tpu.sem_alloc : memref<!tpu.dma_semaphore, #tpu.memory_space<semaphore_mem>>
      %dma_start3A_509 = tpu.memref_slice %arg4[%mul3A_508] : memref<262144xf32, #tpu.memory_space<hbm>> -> memref<8192xf32, #tpu.memory_space<hbm>>
      %dma_start3A_510 = tpu.memref_slice %arg4[%mul3A_508] : memref<262144xf32, #tpu.memory_space<hbm>> -> memref<8192xf32, #tpu.memory_space<hbm>>
      tpu.enqueue_dma source(%arg11 : memref<8192xf32, #tpu.memory_space<vmem>>) target(%dma_start3A_510 : memref<8192xf32, #tpu.memory_space<hbm>>) target_semaphore(%run_scoped3A : memref<!tpu.dma_semaphore, #tpu.memory_space<semaphore_mem>>)
      %dma_wait3A_511 = tpu.memref_slice %arg4[%mul3A_508] : memref<262144xf32, #tpu.memory_space<hbm>> -> memref<8192xf32, #tpu.memory_space<hbm>>
      %dma_wait3A_512 = tpu.memref_slice %arg4[%mul3A_508] : memref<262144xf32, #tpu.memory_space<hbm>> -> memref<8192xf32, #tpu.memory_space<hbm>>
      tpu.wait_dma2 semaphore(%run_scoped3A : memref<!tpu.dma_semaphore, #tpu.memory_space<semaphore_mem>>) src(%arg11 : memref<8192xf32, #tpu.memory_space<vmem>>) dst(%dma_wait3A_512 : memref<8192xf32, #tpu.memory_space<hbm>>)
      tpu.yield
    }) : () -> ()
    return
  }
}

</mosaic_0001>

<sc_bundles>
// kernel: kernel.3.cloned.1.call-start
scs
__scs_entry_jumppad:
0x0: {  	(pc) =	sbr.rel $0x88, $3  }
0x1: {  	(tag) =	ssettag $0x0;
	lr =	simm.s32 $0x1  }
0x2: {  	[smem:$0x3F9F] =	sst lr;
	_ =	strace $0xD0000000  }
0x3: {  	_ = 	snop  }
0x4: {  	_ = 	snop  }
0x5: {  	_ = 	snop  }
0x6: {  	_ = 	snop  }
0x7: {  	_ = 	snop  }
__scs_overlays_trampoline_lowered:
0x8: {  	[smem:$0x3FAE] =	sst s0  }
0x9: {  	[smem:$0x3FAF] =	sst s1  }
0xa: {  	[smem:$0x3FB0] =	sst s2  }
0xb: {  	[smem:$0x3FB1] =	sst s3  }
0xc: {  	[smem:$0x3FB2] =	sst s4  }
0xd: {  	[smem:$0x3FB3] =	sst s5  }
0xe: {  	[smem:$0x3FB4] =	sst s6  }
0xf: {  	[smem:$0x3FB5] =	sst s7  }
0x10: {  	[smem:$0x3FB6] =	sst s8  }
0x11: {  	[smem:$0x3FB7] =	sst s9;
	s0 =	simm.s32 @!p0 $0x0  }
0x12: {  	s1 =	sld [smem:$0x3F9D];
	s0 =	simm.s32 @p0 $0x1  }
0x13: {  	[smem:$0x3FB8] =	sst s0;
	s0 =	simm.s32 @!p1 $0x0  }
0x14: {  	s2 =	sld [smem:$0x3F9C];
	s0 =	simm.s32 @p1 $0x1  }
0x15: {  	[smem:$0x3FB9] =	sst s0;
	s0 =	simm.s32 @!p2 $0x0  }
0x16: {  	s3 =	sld [smem:$0x3FDB];
	s0 =	simm.s32 @p2 $0x1  }
0x17: {  	s4 =	simm.s32 $0x1BF5;
	[smem:$0x3FBB] =	sst s0  }
0x18: {  	s0 =	sld [smem:$0x3F9E];
	_ =	swait.ge [sflag:s4], $0x0  }
0x19: {  	s7 =	sld [smem:$0x3F9F]  }
0x1a: {  	s8 =	sadd.s32 $0xFFFFE003, lr  }
0x1b: {  	s9 =	sadd.s32 $0xFFFFFEF7, lr;
	s5 =	simm.s32 $0xFFFFFFFF;
	p2 =	slt.u32 s8, $0xFFFFF086  }
0x1c: {  	p1 =	slt.u32 s9, $0xF7A;
	s5 =	simm.s32 @!p2 $0x0  }
0x1d: {  	s5 =	simm.s32 @p1 $0x1;
	p0 =	seq.s32 s7, s2  }
0x1e: {  	s7 =	smul.u32 @!p0 $0xF7A, s2;
	p2 =	seq.s32 @!p0 s5, $0x0  }
0x1f: {  	s9 =	smul.u32 $0xF7A, s1;
	s8 =	simm.s32 @!p0 $0x1BF5;
	p2 =	por !p2, p0  }
0x20: {  	[sflag:s8] =	ssyncset.s32 @!p0 $0xFFFFF086;
	s6 =	sadd.s32 @!p0 s3, s7;
	s7 =	simm.s32 @!p0 $0x108  }
0x21: {  	s3 =	sadd.s32 s3, s9;
	s6 =	sadd.s32 @!p0 $0x88, s6;
	s7 =	simm.s32 @p2 $0x1082  }
0x22: {  	[simem:s7], [sflag:s8] =	dma.local @!p0 [hbm:s6], $0xF7A  }
0x23: {  	s9 =	sor.u32 $0xD0000000, s2;
	s6 =	simm.s32 $0x108;
	_ =	swait.ge @!p0 [sflag:s8], $0x0  }
0x24: {  	s3 =	sadd.s32 $0x88, s3;
	s6 =	simm.s32 @!p1 $0x1082;
	[sflag:s4] =	ssyncset.s32 $0xFFFFF086  }
0x25: {  	[simem:s6], [sflag:s4] =	dma.local [hbm:s3], $0xF7A  }
0x26: {  	[smem:$0x3F9F] =	sst s1;
	(tag) =	ssettag s2;
	_ =	strace s9  }
0x27: {  	s1 =	sld [smem:$0x3FAF]  }
0x28: {  	s2 =	sld [smem:$0x3FB0]  }
0x29: {  	s4 =	sld [smem:$0x3FB2]  }
0x2a: {  	p0 =	seq.s32 s5, $0x0;
	s5 =	sld [smem:$0x3FB3]  }
0x2b: {  	s6 =	sld [smem:$0x3FB4]  }
0x2c: {  	s7 =	sld [smem:$0x3FB5]  }
0x2d: {  	s3 =	simm.s32 $0x108;
	s8 =	sld [smem:$0x3FB6]  }
0x2e: {  	s3 =	simm.s32 @!p0 $0x1082;
	s9 =	sld [smem:$0x3FB7]  }
0x2f: {  	lr =	sadd.s32 s0, s3;
	s0 =	sld [smem:$0x3FAE]  }
0x30: {  	s3 =	sld [smem:$0x3FB1]  }
0x31: {  	[smem:$0x3FBA] =	sst s10  }
0x32: {  	s10 =	sld [smem:$0x3FB8];
	_ =	sdelay $0x3  }
0x33: {  	p0 =	seq.s32 s10, $0x1;
	s10 =	sld [smem:$0x3FBA];
	_ =	sdelay $0x3  }
0x34: {  	[smem:$0x3FBA] =	sst s10  }
0x35: {  	s10 =	sld [smem:$0x3FB9];
	_ =	sdelay $0x3  }
0x36: {  	p1 =	seq.s32 s10, $0x1;
	s10 =	sld [smem:$0x3FBA];
	_ =	sdelay $0x3  }
0x37: {  	[smem:$0x3FBA] =	sst s10  }
0x38: {  	s10 =	sld [smem:$0x3FBB]  }
0x39: {  	_ = 	snop;
	(pc) =	sbr.ind lr, $3  }
0x3a: {  	_ = 	snop  }
0x3b: {  	_ = 	snop  }
0x3c: {  	p2 =	seq.s32 s10, $0x1;
	s10 =	sld [smem:$0x3FBA]  }
0x3d: {  	_ =	shalt  }
0x3e: {  	_ =	shalt  }
0x3f: {  	_ =	shalt  }
0x40: {  	_ =	shalt  }
0x41: {  	_ =	shalt  }
0x42: {  	_ =	shalt  }
0x43: {  	_ =	shalt  }
0x44: {  	_ =	shalt  }
0x45: {  	_ =	shalt  }
0x46: {  	_ =	shalt  }
0x47: {  	_ =	shalt  }
0x48: {  	_ =	shalt  }
0x49: {  	_ =	shalt  }
0x4a: {  	_ =	shalt  }
0x4b: {  	_ =	shalt  }
0x4c: {  	_ =	shalt  }
0x4d: {  	_ =	shalt  }
0x4e: {  	_ =	shalt  }
0x4f: {  	_ =	shalt  }
0x50: {  	_ =	shalt  }
0x51: {  	_ =	shalt  }
0x52: {  	_ =	shalt  }
0x53: {  	_ =	shalt  }
0x54: {  	_ =	shalt  }
0x55: {  	_ =	shalt  }
0x56: {  	_ =	shalt  }
0x57: {  	_ =	shalt  }
0x58: {  	_ =	shalt  }
0x59: {  	_ =	shalt  }
0x5a: {  	_ =	shalt  }
0x5b: {  	_ =	shalt  }
0x5c: {  	_ =	shalt  }
0x5d: {  	_ =	shalt  }
0x5e: {  	_ =	shalt  }
0x5f: {  	_ =	shalt  }
0x60: {  	_ =	shalt  }
0x61: {  	_ =	shalt  }
0x62: {  	_ =	shalt  }
0x63: {  	_ =	shalt  }
0x64: {  	_ =	shalt  }
0x65: {  	_ =	shalt  }
0x66: {  	_ =	shalt  }
0x67: {  	_ =	shalt  }
0x68: {  	_ =	shalt  }
0x69: {  	_ =	shalt  }
0x6a: {  	_ =	shalt  }
0x6b: {  	_ =	shalt  }
0x6c: {  	_ =	shalt  }
0x6d: {  	_ =	shalt  }
0x6e: {  	_ =	shalt  }
0x6f: {  	_ =	shalt  }
0x70: {  	_ =	shalt  }
0x71: {  	_ =	shalt  }
0x72: {  	_ =	shalt  }
0x73: {  	_ =	shalt  }
0x74: {  	_ =	shalt  }
0x75: {  	_ =	shalt  }
0x76: {  	_ =	shalt  }
0x77: {  	_ =	shalt  }
0x78: {  	_ =	shalt  }
0x79: {  	_ =	shalt  }
0x7a: {  	_ =	shalt  }
0x7b: {  	_ =	shalt  }
0x7c: {  	_ =	shalt  }
0x7d: {  	_ =	shalt  }
0x7e: {  	_ =	shalt  }
0x7f: {  	_ =	shalt  }
0x80: {  	_ =	shalt  }
0x81: {  	_ =	shalt  }
0x82: {  	_ =	shalt  }
0x83: {  	_ =	shalt  }
0x84: {  	_ =	shalt  }
0x85: {  	_ =	shalt  }
0x86: {  	_ =	shalt  }
0x87: {  	_ =	shalt  }
.Lfunc_end0:
.L_simem_size_0:
called_computation_lowered:
.L_overlay_start_0:
0x88: {  	s2 =	sld [smem:$0x3FD9]  }
0x89: {  	s3 =	sld [smem:$0x3FFE];
	_ =	sdelay $0x1  }
0x8a: {  	s1 =	srdreg.scid  }
0x8b: {  	s0 =	sand.u32 $0x1, s1  }
0x8c: {  	s17 =	sshll.u32 s0, $0xA;
	s2 =	sadd.s32 s3, s2  }
0x8d: {  	s2 =	sadd.s32 s2, s17  }
0x8e: {  	[smem:$0x3FC6] =	sst s2  }
0x8f: {  	_ = 	snop  }
0x90: {  	s2 =	sld [smem:$0x3FD0];
	(tm) =	ssettm $0x1  }
0x91: {  	s18 =	sld [smem:$0x3FFB];
	_ =	sdelay $0x3  }
0x92: {  	_ =	strace s18  }
0x93: {  	s3 =	sld [smem:$0x3FFC];
	_ =	sdelay $0x3  }
0x94: {  	_ =	strace s3  }
0x95: {  	s3 =	sld [smem:$0x3FFD];
	_ =	sdelay $0x3  }
0x96: {  	_ =	strace s3  }
0x97: {  	_ =	strace $0x8FFFFFFF  }
0x98: {  	s19 =	sld [smem:$0x3FDB];
	_ =	sdelay $0x1  }
0x99: {  	s4 =	simm.s32 $_scs_section_size  }
0x9a: {  	s5 =	simm.s32 $_size__tile_overlayer_lowered;
	s6 =	simm.s32 $_tile_overlayer_lowered  }
0x9b: {  	s22 =	simm.s32 $0x1BFF;
	s21 =	sshll.u32 s6, $0x1;
	s3 =	sadd.s32 s4, s19  }
0x9c: {  	s7 =	simm.s32 $0x0;
	s20 =	sshll.u32 s5, $0x1;
	s5 =	sadd.s32 s21, s3  }
0x9d: {  	[timem:s7], [sflag:s22] =	dma.local [hbm:s5], s20  }
0x9e: {  	_ =	swait.ge [sflag:s22], s20  }
0x9f: {  	s4 =	ssub.s32 $0x0, s20;
	[sflag:s22] =	ssyncset.done $0x0  }
0xa0: {  	[sflag:s22] =	ssyncadd.s32 s4;
	_ =	sdelay $0x1  }
0xa1: {  	s23 =	simm.s32 $0x1B8B  }
0xa2: {  	_ =	swait.ge [sflag:s23], $0x1  }
0xa3: {  	[sflag:s23] =	ssyncset.done $0x0  }
0xa4: {  	s25 =	simm.s32 $0x1B8E;
	s24 =	sld [smem:$0x3FFE];
	[sflag:s23] =	ssyncadd.s32 $0xFFFFFFFF  }
0xa5: {  	s26 =	simm.s32 $execute0_lowered;
	[smem:$0x3FD2] =	sst s25  }
0xa6: {  	s5 =	sshll.u32 s26, $0x1;
	_ =	strace $0x80000046;
	[dreg:$0x1] =	wrdreg $0xFFFFFFFF  }
0xa7: {  	s28 =	simm.s32 $_size_execute0_lowered;
	s3 =	sadd.s32 s3, s5;
	[dreg:$0x0] =	wrdreg $0x0  }
0xa8: {  	s5 =	sshll.u32 s28, $0x1;
	[dreg:$0x2] =	wrdreg s3  }
0xa9: {  	[dreg:$0x3] =	wrdreg s5  }
0xaa: {  	[dreg:$0x4] =	wrdreg $0xC0  }
0xab: {  	_ =	task [dreg:s7], $0x5FFFF  }
0xac: {  	[dreg:$0x1] =	wrdreg $0xFFFFFFFF  }
0xad: {  	[dreg:$0x0] =	wrdreg $0x60  }
0xae: {  	[dreg:$0x2] =	wrdreg s24  }
0xaf: {  	[dreg:$0x3] =	wrdreg s2  }
0xb0: {  	[dreg:$0x4] =	wrdreg $0x9  }
0xb1: {  	_ =	task.clear_ibuf [dreg:s7], $0x5FFFF;
	_ =	strace $0x90000046  }
0xb2: {  	s29 =	simm.s32 $0x9;
	_ =	strace $0x80000048  }
0xb3: {  	_ =	swait.ge [sflag:s29], $0x1  }
0xb4: {  	[sflag:s29] =	ssyncadd.s32 $0xFFFFFFFF  }
0xb5: {  	_ =	strace $0x90000048  }
0xb6: {  	_ =	sfence  }
0xb7: {  	s30 =	sld [smem:$0x0];
	_ =	sdelay $0x2  }
0xb8: {  	s31 =	sshll.u32 s1, $0xD;
	s1 =	sshrl.u32 s1, $0x2  }
0xb9: {  	s3 =	sand.u32 $0x4000, s31;
	s1 =	sadd.s32 s1, s30  }
0xba: {  	s0 =	sor.u32 s3, s0;
	s1 =	sshll.u32 s1, $0x11  }
0xbb: {  	s0 =	sor.u32 s1, s0  }
0xbc: {  	s0 =	sadd.s32 $0x8F2B, s0  }
0xbd: {  	[sflag:s0] =	ssyncadd.remote.s32 $0x1  }
0xbe: {  	_ =	sfence.sel $0xFFFF  }
0xbf: {  	[dreg:$0x0] =	wrdreg $0xFFFFFFFF;
	(pc) =	sbr.abs _section_cstart, $3  }
0xc0: {  	[dreg:$0x1] =	wrdreg $0xFFFFFFFF  }
0xc1: {  	_ =	task.clear_ibuf [dreg:s7], $0x2FFFF;
	_ =	strace $0x9FFFFFFF  }
0xc2: {  	(tm) =	ssettm $0x7FFFFFFF  }
0xc3: {  	_ =	shalt  }
tec
execute0_lowered:
.L_overlay_start_1:
0x0: {  	(tag) =	ssettag $0x1  }
0x1: {  	v0 =	vlaneseq.u32;
	v1 =	vimm.f32 $0.0e+00;
	vm10 =	vcmask $0x300  }
0x2: {  	v6 =	vimm.f32 $-4.931250100e+00;
	vm12 =	vcmask $0x704;
	vm13 =	vcmask $0xB08  }
0x3: {  	vm14 =	vcmask $0xF0C;
	vm11 =	vcmask $0x1310;
	vm5 =	vcmask $0x1714  }
0x4: {  	v10 =	vimm.f32 $-8.999999760e-01;
	vm6 =	vcmask $0x1B18;
	vm7 =	vcmask $0x1F1C  }
0x5: {  	vm8 =	vcmask $0x2320;
	vm2 =	vcmask $0x2724;
	vm0 =	vcmask $0x2B28  }
0x6: {  	vm1 =	vcmask $0x2F2C;
	v12 =	vimm.f32 $-1.168750050e+00;
	vm3 =	vcmask $0x3330  }
0x7: {  	vm4 =	vcmask $0x3734;
	vm9 =	vcmask $0x3B38;
	v14 =	vimm.s32 $0xFEDCBA9  }
0x8: {  	v15 =	vimm.s32 $0x87654321;
	v16 =	vimm.s32 $0x98765432;
	v7 =	vsel vm10, $0xBF666666, v6  }
0x9: {  	v19 =	vor.u32 $0x10, v0;
	v10 =	vsel vm10, $0xBF95999A, v10;
	v8 =	vsel vm12, $0xBF95999A, v7  }
0xa: {  	v3 =	vor.u32 $0x20, v0;
	v10 =	vsel vm12, $0xBFB80000, v10;
	v9 =	vsel vm13, $0xBFB80000, v8  }
0xb: {  	v4 =	vor.u32 $0x30, v0;
	v10 =	vsel vm13, $0xBFDA6666, v10;
	v9 =	vsel vm14, $0xBFDA6666, v9  }
0xc: {  	v5 =	vor.u32 $0x40, v0;
	v10 =	vsel vm14, $0xBFFCCCCD, v10;
	v9 =	vsel vm11, $0xBFFCCCCD, v9  }
0xd: {  	v6 =	vor.u32 $0x50, v0;
	v10 =	vsel vm11, $0xC00F999A, v10;
	v9 =	vsel vm5, $0xC00F999A, v9  }
0xe: {  	v12 =	vsel vm10, $0xBFB80000, v12;
	v10 =	vsel vm5, $0xC020CCCD, v10;
	v9 =	vsel vm6, $0xC020CCCD, v9  }
0xf: {  	v12 =	vsel vm12, $0xBFDA6666, v12;
	v10 =	vsel vm6, $0xC0320000, v10;
	v9 =	vsel vm7, $0xC0320000, v9  }
0x10: {  	v12 =	vsel vm13, $0xBFFCCCCD, v12;
	v10 =	vsel vm7, $0xC0433334, v10;
	v9 =	vsel vm8, $0xC0433334, v9  }
0x11: {  	v12 =	vsel vm14, $0xC00F999A, v12;
	v10 =	vsel vm8, $0xC0546666, v10;
	v11 =	vsel vm2, $0xC0546666, v9  }
0x12: {  	v12 =	vsel vm11, $0xC020CCCD, v12;
	v10 =	vsel vm2, $0xC065999A, v10;
	v11 =	vsel vm0, $0xC065999A, v11  }
0x13: {  	v12 =	vsel vm5, $0xC0320000, v12;
	v10 =	vsel vm0, $0xC076CCCE, v10;
	v11 =	vsel vm1, $0xC076CCCE, v11  }
0x14: {  	v12 =	vsel vm6, $0xC0433334, v12;
	v10 =	vsel vm1, $0xC0840000, v10;
	v11 =	vsel vm3, $0xC0840000, v11  }
0x15: {  	v12 =	vsel vm7, $0xC0546666, v12;
	v13 =	vsel vm3, $0xC08C999A, v10;
	v11 =	vsel vm4, $0xC08C999A, v11  }
0x16: {  	v10 =	vsel vm9, $0xC0953334, v11;
	v11 =	vsel vm4, $0xC0953334, v13;
	v13 =	vimm.f32 $-1.437500000e+00  }
0x17: {  	v14 =	vunpack.c.l.s4.s8 v14;
	v12 =	vsel vm8, $0xC065999A, v12;
	v13 =	vsel vm10, $0xBFDA6666, v13  }
0x18: {  	v15 =	vunpack.c.l.s4.s8 v15;
	v12 =	vsel vm2, $0xC076CCCE, v12;
	v13 =	vsel vm12, $0xBFFCCCCD, v13  }
0x19: {  	v16 =	vunpack.c.l.s4.s8 v16;
	v12 =	vsel vm0, $0xC0840000, v12;
	v13 =	vsel vm13, $0xC00F999A, v13  }
0x1a: {  	v2 =	vunpack.c.0.s8.s32 v14;
	v12 =	vsel vm1, $0xC08C999A, v12;
	v13 =	vsel vm14, $0xC020CCCD, v13  }
0x1b: {  	v7 =	vor.u32 $0x60, v0;
	v12 =	vsel vm3, $0xC0953334, v12;
	v13 =	vsel vm11, $0xC0320000, v13  }
0x1c: {  	[tilespmem:$0x1FEE0] =	vst v2;
	v2 =	vunpack.c.0.s8.s32 v15;
	v12 =	vsel vm4, $0xC09DCCCD, v12;
	v13 =	vsel vm5, $0xC0433334, v13  }
0x1d: {  	v14 =	vsel vm9, $0xBF666666, v12;
	v12 =	vsel vm6, $0xC0546666, v13;
	v13 =	vimm.f32 $-1.706249950e+00  }
0x1e: {  	v15 =	vimm.s32 $0x10FEDCBA;
	v12 =	vsel vm7, $0xC065999A, v12;
	v13 =	vsel vm10, $0xBFFCCCCD, v13  }
0x1f: {  	v15 =	vunpack.c.l.s4.s8 v15;
	v12 =	vsel vm8, $0xC076CCCE, v12;
	v13 =	vsel vm12, $0xC00F999A, v13  }
0x20: {  	v8 =	vor.u32 $0x70, v0;
	v12 =	vsel vm2, $0xC0840000, v12;
	v13 =	vsel vm13, $0xC020CCCD, v13  }
0x21: {  	[tilespmem:$0x1FEF0] =	vst v2;
	v2 =	vunpack.c.0.s8.s32 v15;
	v12 =	vsel vm0, $0xC08C999A, v12;
	v13 =	vsel vm14, $0xC0320000, v13  }
0x22: {  	v15 =	vimm.f32 $-1.975000020e+00;
	v12 =	vsel vm1, $0xC0953334, v12;
	v13 =	vsel vm11, $0xC0433334, v13  }
0x23: {  	[tilespmem:$0x1FF00] =	vst v2;
	v2 =	vunpack.c.0.s8.s32 v16;
	v12 =	vsel vm3, $0xC09DCCCD, v12;
	v13 =	vsel vm5, $0xC0546666, v13  }
0x24: {  	v16 =	vimm.s32 $0xA9876543;
	v12 =	vsel vm4, $0xBF666666, v12;
	v13 =	vsel vm6, $0xC065999A, v13  }
0x25: {  	v17 =	vsel vm9, $0xBF95999A, v12;
	v12 =	vsel vm7, $0xC076CCCE, v13;
	v13 =	vsel vm10, $0xC00F999A, v15  }
0x26: {  	v16 =	vunpack.c.l.s4.s8 v16;
	v15 =	vimm.s32 $0x210FEDCB;
	v13 =	vsel vm12, $0xC020CCCD, v13  }
0x27: {  	v12 =	vsel vm8, $0xC0840000, v12;
	v15 =	vunpack.c.l.s4.s8 v15;
	v13 =	vsel vm13, $0xC0320000, v13  }
0x28: {  	v11 =	vsel vm9, $0xC09DCCCD, v11;
	v12 =	vsel vm2, $0xC08C999A, v12;
	v13 =	vsel vm14, $0xC0433334, v13  }
0x29: {  	[tilespmem:$0x1FF10] =	vst v2;
	v12 =	vsel vm0, $0xC0953334, v12;
	v2 =	vunpack.c.0.s8.s32 v15;
	v13 =	vsel vm11, $0xC0546666, v13  }
0x2a: {  	v15 =	vimm.f32 $-2.243750100e+00;
	v12 =	vsel vm1, $0xC09DCCCD, v12;
	v13 =	vsel vm5, $0xC065999A, v13  }
0x2b: {  	v15 =	vsel vm10, $0xC020CCCD, v15;
	v12 =	vsel vm3, $0xBF666666, v12;
	v13 =	vsel vm6, $0xC076CCCE, v13  }
0x2c: {  	[tilespmem:$0x1FF20] =	vst v2;
	v2 =	vunpack.c.0.s8.s32 v16;
	v12 =	vsel vm4, $0xBF95999A, v12;
	v13 =	vsel vm7, $0xC0840000, v13  }
0x2d: {  	v20 =	vsel vm9, $0xBFB80000, v12;
	v12 =	vimm.s32 $0x3210FEDC;
	v13 =	vsel vm8, $0xC08C999A, v13  }
0x2e: {  	v16 =	vimm.s32 $0xBA987654;
	v12 =	vunpack.c.l.s4.s8 v12;
	v13 =	vsel vm2, $0xC0953334, v13  }
0x2f: {  	v15 =	vsel vm12, $0xC0320000, v15;
	v16 =	vunpack.c.l.s4.s8 v16;
	v13 =	vsel vm0, $0xC09DCCCD, v13  }
0x30: {  	[tilespmem:$0x1FF30] =	vst v2;
	v2 =	vunpack.c.0.s8.s32 v12;
	v12 =	vsel vm1, $0xBF666666, v13;
	v13 =	vsel vm13, $0xC0433334, v15  }
0x31: {  	v15 =	vimm.f32 $-2.512500050e+00;
	v12 =	vsel vm3, $0xBF95999A, v12;
	v13 =	vsel vm14, $0xC0546666, v13  }
0x32: {  	[tilespmem:$0x1FF40] =	vst v2;
	v2 =	vunpack.c.0.s8.s32 v16;
	v12 =	vsel vm4, $0xBFB80000, v12;
	v13 =	vsel vm11, $0xC065999A, v13  }
0x33: {  	v23 =	vsel vm9, $0xBFDA6666, v12;
	v12 =	vsel vm5, $0xC076CCCE, v13;
	v13 =	vsel vm10, $0xC0320000, v15  }
0x34: {  	v16 =	vimm.s32 $0xCBA98765;
	v15 =	vimm.s32 $0x43210FED;
	v13 =	vsel vm12, $0xC0433334, v13  }
0x35: {  	v12 =	vsel vm6, $0xC0840000, v12;
	v15 =	vunpack.c.l.s4.s8 v15;
	v13 =	vsel vm13, $0xC0546666, v13  }
0x36: {  	v16 =	vunpack.c.l.s4.s8 v16;
	v12 =	vsel vm7, $0xC08C999A, v12;
	v13 =	vsel vm14, $0xC065999A, v13  }
0x37: {  	[tilespmem:$0x1FF50] =	vst v2;
	v12 =	vsel vm8, $0xC0953334, v12;
	v2 =	vunpack.c.0.s8.s32 v15;
	v13 =	vsel vm11, $0xC076CCCE, v13  }
0x38: {  	v15 =	vimm.s32 $0x543210FE;
	v12 =	vsel vm2, $0xC09DCCCD, v12;
	v13 =	vsel vm5, $0xC0840000, v13  }
0x39: {  	v15 =	vunpack.c.l.s4.s8 v15;
	v12 =	vsel vm0, $0xBF666666, v12;
	v13 =	vsel vm6, $0xC08C999A, v13  }
0x3a: {  	[tilespmem:$0x1FF60] =	vst v2;
	v2 =	vunpack.c.0.s8.s32 v16;
	v12 =	vsel vm1, $0xBF95999A, v12;
	v13 =	vsel vm7, $0xC0953334, v13  }
0x3b: {  	v16 =	vimm.s32 $0xDCBA9876;
	v12 =	vsel vm3, $0xBFB80000, v12;
	v13 =	vsel vm8, $0xC09DCCCD, v13  }
0x3c: {  	v16 =	vunpack.c.l.s4.s8 v16;
	v12 =	vsel vm4, $0xBFDA6666, v12;
	v13 =	vsel vm2, $0xBF666666, v13  }
0x3d: {  	[tilespmem:$0x1FF70] =	vst v2;
	v2 =	vunpack.c.0.s8.s32 v15;
	v26 =	vsel vm9, $0xBFFCCCCD, v12;
	v12 =	vsel vm0, $0xBF95999A, v13  }
0x3e: {  	v15 =	vimm.f32 $-3.050000190e+00;
	v13 =	vimm.f32 $-2.781250000e+00;
	v12 =	vsel vm1, $0xBFB80000, v12  }
0x3f: {  	v15 =	vsel vm10, $0xC0546666, v15;
	v13 =	vsel vm10, $0xC0433334, v13;
	v12 =	vsel vm3, $0xBFDA6666, v12  }
0x40: {  	[tilespmem:$0x1FF80] =	vst v2;
	v2 =	vunpack.c.0.s8.s32 v16;
	v13 =	vsel vm12, $0xC0546666, v13;
	v12 =	vsel vm4, $0xBFFCCCCD, v12  }
0x41: {  	v16 =	vimm.s32 $0xEDCBA987;
	v29 =	vsel vm9, $0xC00F999A, v12;
	v12 =	vsel vm13, $0xC065999A, v13  }
0x42: {  	v13 =	vsel vm12, $0xC065999A, v15;
	v15 =	vimm.s32 $0x6543210F;
	v12 =	vsel vm14, $0xC076CCCE, v12  }
0x43: {  	v13 =	vsel vm13, $0xC076CCCE, v13;
	v15 =	vunpack.c.l.s4.s8 v15;
	v12 =	vsel vm11, $0xC0840000, v12  }
0x44: {  	v16 =	vunpack.c.l.s4.s8 v16;
	v13 =	vsel vm14, $0xC0840000, v13;
	v12 =	vsel vm5, $0xC08C999A, v12  }
0x45: {  	[tilespmem:$0x1FF90] =	vst v2;
	v13 =	vsel vm11, $0xC08C999A, v13;
	v2 =	vunpack.c.0.s8.s32 v15;
	v15 =	vimm.s32 $0xFEDCBA98  }
0x46: {  	v12 =	vsel vm6, $0xC0953334, v12;
	v13 =	vsel vm5, $0xC0953334, v13;
	v15 =	vunpack.c.l.s4.s8 v15  }
0x47: {  	[tilespmem:$0x1FFA0] =	vst v2;
	v12 =	vsel vm7, $0xC09DCCCD, v12;
	v13 =	vsel vm6, $0xC09DCCCD, v13;
	v2 =	vunpack.c.0.s8.s32 v16  }
0x48: {  	v16 =	vimm.s32 $0x76543210;
	v12 =	vsel vm8, $0xBF666666, v12;
	v13 =	vsel vm7, $0xBF666666, v13  }
0x49: {  	v16 =	vunpack.c.l.s4.s8 v16;
	v12 =	vsel vm2, $0xBF95999A, v12;
	v13 =	vsel vm8, $0xBF95999A, v13  }
0x4a: {  	v15 =	vunpack.c.0.s8.s32 v15;
	v13 =	vsel vm2, $0xBFB80000, v13;
	v12 =	vsel vm0, $0xBFB80000, v12  }
0x4b: {  	v16 =	vunpack.c.0.s8.s32 v16;
	v13 =	vsel vm0, $0xBFDA6666, v13;
	v12 =	vsel vm1, $0xBFDA6666, v12  }
0x4c: {  	v15 =	vand.u32 $0xF, v15;
	v13 =	vsel vm1, $0xBFFCCCCD, v13;
	v12 =	vsel vm3, $0xBFFCCCCD, v12  }
0x4d: {  	v33 =	vcombine.low v15, v16;
	v15 =	vimm.f32 $-3.856250290e+00;
	v13 =	vsel vm3, $0xC00F999A, v13  }
0x4e: {  	v12 =	vsel vm4, $0xC00F999A, v12;
	v15 =	vsel vm10, $0xC0840000, v15;
	v13 =	vsel vm4, $0xC020CCCD, v13  }
0x4f: {  	v32 =	vsel vm9, $0xC020CCCD, v12;
	v12 =	vimm.f32 $-3.318749900e+00;
	v15 =	vsel vm12, $0xC08C999A, v15  }
0x50: {  	v34 =	vsel vm9, $0xC0320000, v13;
	v13 =	vimm.f32 $-3.587500100e+00;
	v12 =	vsel vm10, $0xC065999A, v12  }
0x51: {  	v15 =	vsel vm13, $0xC0953334, v15;
	v13 =	vsel vm10, $0xC076CCCE, v13;
	v12 =	vsel vm12, $0xC076CCCE, v12  }
0x52: {  	v15 =	vsel vm14, $0xC09DCCCD, v15;
	v13 =	vsel vm12, $0xC0840000, v13;
	v12 =	vsel vm13, $0xC0840000, v12  }
0x53: {  	s1 =	srdreg.scid;
	s0 =	stileid.u32;
	v15 =	vsel vm11, $0xBF666666, v15;
	v13 =	vsel vm13, $0xC08C999A, v13;
	v12 =	vsel vm14, $0xC08C999A, v12  }
0x54: {  	s10 =	sand.u32 $0x1, s1;
	s30 =	sshll.u32 s0, $0x1;
	v15 =	vsel vm5, $0xBF95999A, v15;
	v13 =	vsel vm14, $0xC0953334, v13;
	v12 =	vsel vm11, $0xC0953334, v12  }
0x55: {  	s6 =	sor.u32 s10, s30;
	v15 =	vsel vm6, $0xBFB80000, v15;
	v13 =	vsel vm11, $0xC09DCCCD, v13;
	v12 =	vsel vm5, $0xC09DCCCD, v12  }
0x56: {  	s5 =	rddreg [dreg:$0x0];
	p1 =	seq.s32 s10, $0x1;
	p0 =	seq.s32 s6, $0x0;
	v15 =	vsel vm7, $0xBFDA6666, v15;
	v13 =	vsel vm5, $0xBF666666, v13;
	v12 =	vsel vm6, $0xBF666666, v12  }
0x57: {  	s12 =	rddreg [dreg:$0x1];
	s2 =	simm.s32 $0x0;
	p0 =	por !p0, !p1;
	v15 =	vsel vm8, $0xBFFCCCCD, v15;
	v13 =	vsel vm6, $0xBF95999A, v13;
	v12 =	vsel vm7, $0xBF95999A, v12  }
0x58: {  	s3 =	simm.s32 $0x1;
	s8 =	simm.s32 $0x14280;
	p0 =	por !p0, !p0;
	v15 =	vsel vm2, $0xC00F999A, v15;
	v13 =	vsel vm7, $0xBFB80000, v13;
	v12 =	vsel vm8, $0xBFB80000, v12  }
0x59: {  	[smem:$0x7FF] =	sst s2;
	s14 =	ssub.s32 $0x2, s10;
	s3 =	simm.s32 @!p0 $0x0;
	v15 =	vsel vm0, $0xC020CCCD, v15;
	v13 =	vsel vm8, $0xBFDA6666, v13;
	v12 =	vsel vm2, $0xBFDA6666, v12  }
0x5a: {  	s10 =	simm.s32 $0xC080;
	s31 =	sshll.u32 s6, $0xC;
	s3 =	ssub.s32 s0, s3;
	v15 =	vsel vm1, $0xC0320000, v15;
	v13 =	vsel vm2, $0xBFFCCCCD, v13;
	v12 =	vsel vm0, $0xBFFCCCCD, v12  }
0x5b: {  	s13 =	sshll.u32 s6, $0xA;
	s6 =	simm.s32 $0x4000;
	s3 =	sshll.u32 s3, $0x5;
	v15 =	vsel vm3, $0xC0433334, v15;
	v13 =	vsel vm0, $0xC00F999A, v13;
	v12 =	vsel vm1, $0xC00F999A, v12  }
0x5c: {  	s15 =	sshrl.u32 s14, $0x1;
	s4 =	sadd.s32 s31, s5;
	s7 =	sand.u32 $0x1FFFFFE0, s3;
	v15 =	vsel vm4, $0xC0546666, v15;
	v13 =	vsel vm1, $0xC020CCCD, v13;
	v12 =	vsel vm3, $0xC020CCCD, v12  }
0x5d: {  	s14 =	ssub.s32 s14, s15;
	s15 =	simm.s32 $0x10100;
	s3 =	sadd.s32 $0x600, s4;
	[tilespmem:$0x1FFB0] =	vst v2;
	v37 =	vsel vm9, $0xC065999A, v15;
	v13 =	vsel vm3, $0xC0320000, v13;
	v12 =	vsel vm4, $0xC0320000, v12  }
0x5e: {  	s9 =	simm.s32 $0x8000;
	s1 =	rddreg [dreg:$0x2];
	_ =	strace $0x80000047;
	v15 =	vimm.f32 $-4.662500380e+00;
	v13 =	vsel vm4, $0xC0433334, v13;
	v35 =	vsel vm9, $0xC0433334, v12  }
0x5f: {  	s4 =	sadd.s32 $0xE00, s4;
	v12 =	vimm.f32 $-4.125000000e+00;
	v36 =	vsel vm9, $0xC0546666, v13;
	v13 =	vimm.f32 $-4.393750190e+00  }
0x60: {  	v15 =	vsel vm10, $0xC09DCCCD, v15;
	v12 =	vsel vm10, $0xC08C999A, v12;
	v13 =	vsel vm10, $0xC0953334, v13  }
0x61: {  	v15 =	vsel vm12, $0xBF666666, v15;
	v12 =	vsel vm12, $0xC0953334, v12;
	v13 =	vsel vm12, $0xC09DCCCD, v13  }
0x62: {  	v15 =	vsel vm13, $0xBF95999A, v15;
	v12 =	vsel vm13, $0xC09DCCCD, v12;
	v13 =	vsel vm13, $0xBF666666, v13  }
0x63: {  	s5 =	sadd.s32 s7, s5;
	s7 =	simm.s32 $0x14180;
	v15 =	vsel vm14, $0xBFB80000, v15;
	v12 =	vsel vm14, $0xBF666666, v12;
	v13 =	vsel vm14, $0xBF95999A, v13  }
0x64: {  	v15 =	vsel vm11, $0xBFDA6666, v15;
	v12 =	vsel vm11, $0xBF95999A, v12;
	v13 =	vsel vm11, $0xBFB80000, v13  }
0x65: {  	s5 =	sadd.s32 $0x400, s5;
	v15 =	vsel vm5, $0xBFFCCCCD, v15;
	v12 =	vsel vm5, $0xBFB80000, v12;
	v13 =	vsel vm5, $0xBFDA6666, v13  }
0x66: {  	v15 =	vsel vm6, $0xC00F999A, v15;
	v12 =	vsel vm6, $0xBFDA6666, v12;
	v13 =	vsel vm6, $0xBFFCCCCD, v13  }
0x67: {  	v15 =	vsel vm7, $0xC020CCCD, v15;
	v12 =	vsel vm7, $0xBFFCCCCD, v12;
	v13 =	vsel vm7, $0xC00F999A, v13  }
0x68: {  	[tilespmem:$0x1FFC0] =	vst v3;
	v15 =	vsel vm8, $0xC0320000, v15;
	v12 =	vsel vm8, $0xC00F999A, v12;
	v13 =	vsel vm8, $0xC020CCCD, v13  }
0x69: {  	[tilespmem:$0x1FFD0] =	vst v4;
	v15 =	vsel vm2, $0xC0433334, v15;
	v12 =	vsel vm2, $0xC020CCCD, v12;
	v13 =	vsel vm2, $0xC0320000, v13  }
.Ltmp0:
0x6a: {  	v15 =	vsel vm0, $0xC0546666, v15;
	v12 =	vsel vm0, $0xC0320000, v12;
	v13 =	vsel vm0, $0xC0433334, v13;
	(pc) =	sbr.rel .LBB2_1-.Ltmp0, $4  }
0x6b: {  	v15 =	vsel vm1, $0xC065999A, v15;
	v12 =	vsel vm1, $0xC0433334, v12;
	v13 =	vsel vm1, $0xC0546666, v13  }
0x6c: {  	v15 =	vsel vm3, $0xC076CCCE, v15;
	v12 =	vsel vm3, $0xC0546666, v12;
	v13 =	vsel vm3, $0xC065999A, v13  }
0x6d: {  	s11 =	simm.s32 $0x1;
	s16 =	simm.s32 $0x2;
	s17 =	simm.s32 $0x0;
	[tilespmem:$0x1FFE0] =	vst v5;
	v15 =	vsel vm4, $0xC0840000, v15;
	v12 =	vsel vm4, $0xC065999A, v12;
	v13 =	vsel vm4, $0xC076CCCE, v13  }
0x6e: {  	s12 =	sadd.s32 s12, s13;
	s13 =	smax.u32 s14, $0x1;
	s14 =	simm.s32 $0x3;
	[tilespmem:$0x1FFF0] =	vst v19;
	v40 =	vsel vm9, $0xC08C999A, v15;
	v38 =	vsel vm9, $0xC076CCCE, v12;
	v39 =	vsel vm9, $0xC0840000, v13  }
.LBB2_14:
0x6f: {  	v3 =	vmul.f32 v63, v63;
	_ =	sdelay $0x1  }
0x70: {  	(erf) = vpow2.f32 v18;
	v3 =	vmul.f32 $-1.600000000e+01, v3  }
0x71: {  	v4 =	vmul.f32 v60, v60;
	v5 =	vmul.f32 v62, v62  }
0x72: {  	v9 =	vmul.f32 v12, v12;
	v3 =	vmul.f32 $1.442695020e+00, v3  }
0x73: {  	v4 =	vmul.f32 $-1.600000000e+01, v4;
	v5 =	vmul.f32 $-1.600000000e+01, v5  }
0x74: {  	v9 =	vmul.f32 $-1.600000000e+01, v9;
	(erf) = vpow2.f32 v3  }
0x75: {  	v3 =	vmul.f32 $1.442695020e+00, v4;
	(erf) = vpow2.f32 v15  }
0x76: {  	v5 =	vmul.f32 $1.442695020e+00, v5  }
0x77: {  	v9 =	vmul.f32 $1.442695020e+00, v9;
	v4 =	vpop (erf);
	(erf) = vpow2.f32 v3  }
0x78: {  	v12 =	vpop (erf);
	(erf) = vpow2.f32 v5;
	v5 =	vmul.f32 $1.442695020e+00, v61  }
0x79: {  	v19 =	vmul.f32 v57, v57;
	v3 =	vpop (erf);
	(erf) = vpow2.f32 v9  }
0x7a: {  	v9 =	vmul.f32 v59, v59;
	v15 =	vpop (erf);
	(erf) = vpow2.f32 v5  }
0x7b: {  	v22 =	vmul.f32 v58, v58;
	v19 =	vmul.f32 $-1.600000000e+01, v19;
	v5 =	vadd.s32 v45, v56;
	v18 =	vpop (erf)  }
0x7c: {  	v24 =	vadd.s32 v43, v56;
	v9 =	vmul.f32 $-1.600000000e+01, v9;
	v21 =	vpop (erf)  }
0x7d: {  	v27 =	vadd.s32 v50, v56;
	v22 =	vmul.f32 $-1.600000000e+01, v22;
	v19 =	vmul.f32 $1.442695020e+00, v19;
	v25 =	vpop (erf)  }
0x7e: {  	v28 =	vadd.s32 v47, v56;
	[tilespmem:v13+s8+$0x0] =	vst.idx.add.f32.msk $0xffff, v16;
	v18 =	vmul.f32 v18, v55;
	v9 =	vmul.f32 $1.442695020e+00, v9;
	v30 =	vpop (erf)  }
0x7f: {  	v16 =	vadd.s32 v46, v56;
	v21 =	vmul.f32 v21, v55;
	v13 =	vmul.f32 v30, v55  }
0x80: {  	v12 =	vmul.f32 v12, v55;
	[tilespmem:v5+s8+$0x0] =	vst.idx.add.f32.msk $0xffff, v18;
	(erf) = vpow2.f32 v9;
	v9 =	vadd.s32 v44, v56;
	v5 =	vpop (erf)  }
0x81: {  	v18 =	vmul.f32 $1.442695020e+00, v22;
	v22 =	vpop (erf);
	[tilespmem:v24+s8+$0x0] =	vst.idx.add.f32.msk $0xffff, v13;
	v13 =	vadd.s32 v42, v56  }
0x82: {  	v3 =	vmul.f32 v3, v55;
	(erf) = vpow2.f32 v19;
	v19 =	vpop (erf);
	[tilespmem:v27+s8+$0x0] =	vst.idx.add.f32.msk $0xffff, v12;
	v12 =	vadd.s32 v33, v56  }
0x83: {  	v15 =	vmul.f32 v15, v55;
	(erf) = vpow2.f32 v18;
	v18 =	vadd.s32 v41, v56;
	[tilespmem:v28+s8+$0x0] =	vst.idx.add.f32.msk $0xffff, v21;
	v21 =	vpop (erf)  }
0x84: {  	[tilespmem:v16+s8+$0x0] =	vst.idx.add.f32.msk $0xffff, v3;
	v3 =	vmul.f32 v21, v55  }
0x85: {  	v4 =	vmul.f32 v4, v55;
	v16 =	vadd.s32 v48, v56;
	[tilespmem:v9+s8+$0x0] =	vst.idx.add.f32.msk $0xffff, v15  }
0x86: {  	v9 =	vadd.s32 v49, v56;
	v15 =	vmul.f32 v25, v55;
	[tilespmem:v13+s8+$0x0] =	vst.idx.add.f32.msk $0xffff, v3  }
0x87: {  	v3 =	vadd.s32 v51, v56;
	[tilespmem:v12+s8+$0x0] =	vst.idx.add.f32.msk $0xffff, v4  }
0x88: {  	v5 =	vmul.f32 v5, v55;
	v4 =	vadd.s32 v52, v56;
	[tilespmem:v18+s8+$0x0] =	vst.idx.add.f32.msk $0xffff, v15  }
0x89: {  	v13 =	vadd.s32 v53, v56;
	v12 =	vmul.f32 v22, v55;
	v15 =	vmul.f32 v19, v55;
	v19 =	vld [tilespmem:$0x1FFF0]  }
0x8a: {  	v18 =	vpop (erf);
	[tilespmem:v16+s8+$0x0] =	vst.idx.add.f32.msk $0xffff, v5;
	v5 =	vadd.s32 v54, v56  }
0x8b: {  	v16 =	vmul.f32 v18, v55;
	[tilespmem:v9+s8+$0x0] =	vst.idx.add.f32.msk $0xffff, v12;
	v9 =	vpop (erf)  }
0x8c: {  	[tilespmem:v3+s8+$0x0] =	vst.idx.add.f32.msk $0xffff, v15;
	v3 =	vmul.f32 v9, v55;
	v9 =	vpop (erf)  }
0x8d: {  	[tilespmem:v4+s8+$0x0] =	vst.idx.add.f32.msk $0xffff, v16;
	v4 =	vmul.f32 v9, v55  }
0x8e: {  	[tilespmem:v13+s8+$0x0] =	vst.idx.add.f32.msk $0xffff, v3  }
0x8f: {  	[tilespmem:v5+s8+$0x0] =	vst.idx.add.f32.msk $0xffff, v4  }
.LBB2_15:
0x90: {  	[hbm4b:s12+s2] =	stream.linear.scatter [tilespmem:s8], [sflag:$0x3], $0x2000, $0x38;
	[tilespmem:$0x16280] =	vst v63  }
0x91: {  	s17 =	sadd.s32 $0x1, s17  }
0x92: {  	p0 =	sne.s32 s17, s13  }
.Ltmp1:
0x93: {  	_ = 	snop;
	(pc) =	sbr.rel @!p0 .LBB2_16-.Ltmp1, $4  }
0x94: {  	_ =	swait.ge [sflag:s14], $0x2000  }
0x95: {  	v3 =	vld [tilespmem:$0x1FFC0]  }
0x96: {  	[sflag:s14] =	ssyncset.done $0x0;
	v4 =	vld [tilespmem:$0x1FFD0]  }
0x97: {  	v5 =	vld [tilespmem:$0x1FFE0];
	[sflag:s14] =	ssyncadd.s32 $0xFFFFE000  }
.LBB2_1:
0x98: {  	[tilespmem:s2], [sflag:$0x1] =	stream.linear.gather [hbm4b:s3+s2], $0x4000, $0x38;
	[tilespmem:$0x16280] =	vst v63  }
0x99: {  	_ = 	snop  }
0x9a: {  	[tilespmem:s6], [sflag:$0x2] =	stream.linear.gather [hbm4b:s4+s2], $0x4000, $0x38;
	[tilespmem:$0x16280] =	vst v63  }
0x9b: {  	_ = 	snop  }
0x9c: {  	[tilespmem:s7], [sflag:$0x3] =	stream.linear.gather [hbm4b:s5+s2], $0x100, $0x38;
	[tilespmem:$0x16280] =	vst v63  }
0x9d: {  	_ =	swait.ge [sflag:s14], $0x100  }
0x9e: {  	[sflag:s14] =	ssyncset.done $0x0  }
0x9f: {  	[sflag:s14] =	ssyncadd.s32 $0xFFFFFF00  }
0xa0: {  	v12 =	vld [tilespmem:$0x14180]  }
0xa1: {  	v13 =	vld [tilespmem:$0x14190]  }
0xa2: {  	v15 =	vld [tilespmem:$0x141A0]  }
0xa3: {  	v16 =	vld [tilespmem:$0x141B0]  }
0xa4: {  	v18 =	vld [tilespmem:$0x141C0]  }
0xa5: {  	v41 =	vld [tilespmem:$0x141D0];
	v12 =	vshll.u32 v12, $0x4  }
0xa6: {  	v42 =	vld [tilespmem:$0x141E0];
	v13 =	vshll.u32 v13, $0x4;
	v12 =	vadd.s32 $0xFFFFFFF0, v12  }
0xa7: {  	[tilespmem:$0x14180] =	vst v12;
	v12 =	vadd.s32 $0xFFFFFFF0, v13;
	v13 =	vshll.u32 v15, $0x4;
	v15 =	vld [tilespmem:$0x141F0]  }
0xa8: {  	[tilespmem:$0x14190] =	vst v12;
	v12 =	vadd.s32 $0xFFFFFFF0, v13;
	v13 =	vshll.u32 v16, $0x4;
	v16 =	vld [tilespmem:$0x14200]  }
0xa9: {  	[tilespmem:$0x141A0] =	vst v12;
	v12 =	vadd.s32 $0xFFFFFFF0, v13;
	v13 =	vshll.u32 v18, $0x4;
	v18 =	vld [tilespmem:$0x14210]  }
0xaa: {  	v61 =	vld [tilespmem:$0x14220];
	[tilespmem:$0x141B0] =	vst v12;
	v12 =	vadd.s32 $0xFFFFFFF0, v13;
	v13 =	vshll.u32 v41, $0x4  }
0xab: {  	v62 =	vld [tilespmem:$0x14230];
	[tilespmem:$0x141C0] =	vst v12;
	v12 =	vadd.s32 $0xFFFFFFF0, v13;
	v13 =	vshll.u32 v42, $0x4  }
0xac: {  	[tilespmem:$0x141D0] =	vst v12;
	v12 =	vadd.s32 $0xFFFFFFF0, v13;
	v13 =	vshll.u32 v15, $0x4;
	v15 =	vld [tilespmem:$0x14240]  }
0xad: {  	[tilespmem:$0x141E0] =	vst v12;
	v12 =	vadd.s32 $0xFFFFFFF0, v13;
	v13 =	vshll.u32 v16, $0x4;
	v16 =	vld [tilespmem:$0x14250]  }
0xae: {  	[tilespmem:$0x141F0] =	vst v12;
	v12 =	vadd.s32 $0xFFFFFFF0, v13;
	v13 =	vshll.u32 v18, $0x4;
	v18 =	vld [tilespmem:$0x14260]  }
0xaf: {  	v63 =	vld [tilespmem:$0x14270];
	[tilespmem:$0x14200] =	vst v12;
	v12 =	vadd.s32 $0xFFFFFFF0, v13;
	v13 =	vshll.u32 v61, $0x4  }
0xb0: {  	[tilespmem:$0x14210] =	vst v12;
	v12 =	vadd.s32 $0xFFFFFFF0, v13;
	v13 =	vshll.u32 v62, $0x4  }
0xb1: {  	[tilespmem:$0x14220] =	vst v12;
	v12 =	vadd.s32 $0xFFFFFFF0, v13;
	v13 =	vshll.u32 v15, $0x4  }
0xb2: {  	v15 =	vor.u32 s2, v0;
	[tilespmem:$0x14230] =	vst v12;
	v12 =	vadd.s32 $0xFFFFFFF0, v13;
	v13 =	vshll.u32 v16, $0x4  }
0xb3: {  	v16 =	vor.u32 s2, v19;
	[tilespmem:$0x14240] =	vst v12;
	v12 =	vadd.s32 $0xFFFFFFF0, v13;
	v13 =	vshll.u32 v18, $0x4  }
0xb4: {  	v18 =	vor.u32 s2, v3;
	[tilespmem:$0x14250] =	vst v12;
	v12 =	vadd.s32 $0xFFFFFFF0, v13;
	v13 =	vshll.u32 v63, $0x4  }
0xb5: {  	[tilespmem:$0x14260] =	vst v12;
	v12 =	vadd.s32 $0xFFFFFFF0, v13;
	v13 =	vor.u32 s2, v4  }
0xb6: {  	[tilespmem:$0x14270] =	vst v12;
	v12 =	vor.u32 s2, v5  }
0xb7: {  	[tilespmem:v15+s8+$0x0] =	vst.idx.msk $0xffff, v1;
	v15 =	vor.u32 s2, v6  }
0xb8: {  	[tilespmem:v16+s8+$0x0] =	vst.idx.msk $0xffff, v1;
	v16 =	vor.u32 s2, v7  }
0xb9: {  	s18 =	simm.s32 $0x80;
	[tilespmem:v18+s8+$0x0] =	vst.idx.msk $0xffff, v1;
	v18 =	vor.u32 s2, v8  }
.LBB2_2:
0xba: {  	v41 =	vor.u32 s18, v0;
	p0 =	sne.s32 s18, $0x1F80;
	[tilespmem:v13+s8+$0x0] =	vst.idx.msk $0xffff, v1;
	s19 =	smov.u32 s18;
	s18 =	sadd.s32 $0x80, s18  }
0xbb: {  	v42 =	vor.u32 s19, v19;
	[tilespmem:v12+s8+$0x0] =	vst.idx.msk $0xffff, v1  }
0xbc: {  	v43 =	vor.u32 s19, v3;
	[tilespmem:v15+s8+$0x0] =	vst.idx.msk $0xffff, v1  }
.Ltmp2:
0xbd: {  	v13 =	vor.u32 s19, v4;
	[tilespmem:v16+s8+$0x0] =	vst.idx.msk $0xffff, v1;
	(pc) =	sbr.rel @p0 .LBB2_2-.Ltmp2, $4  }
0xbe: {  	v12 =	vor.u32 s19, v5;
	[tilespmem:v18+s8+$0x0] =	vst.idx.msk $0xffff, v1  }
0xbf: {  	v15 =	vor.u32 s19, v6;
	[tilespmem:v41+s8+$0x0] =	vst.idx.msk $0xffff, v1  }
0xc0: {  	v16 =	vor.u32 s19, v7;
	[tilespmem:v42+s8+$0x0] =	vst.idx.msk $0xffff, v1  }
0xc1: {  	v18 =	vor.u32 s19, v8;
	[tilespmem:v43+s8+$0x0] =	vst.idx.msk $0xffff, v1  }
0xc2: {  	_ =	sdelay $0x3  }
0xc3: {  	[tilespmem:v13+s8+$0x0] =	vst.idx.msk $0xffff, v1  }
0xc4: {  	[tilespmem:v12+s8+$0x0] =	vst.idx.msk $0xffff, v1  }
0xc5: {  	[tilespmem:v15+s8+$0x0] =	vst.idx.msk $0xffff, v1  }
0xc6: {  	[tilespmem:v16+s8+$0x0] =	vst.idx.msk $0xffff, v1  }
0xc7: {  	[tilespmem:v18+s8+$0x0] =	vst.idx.msk $0xffff, v1  }
0xc8: {  	_ =	swait.ge [sflag:s11], $0x4000  }
0xc9: {  	[sflag:s11] =	ssyncset.done $0x0  }
0xca: {  	v50 =	vimm.s32 $0x0;
	s18 =	simm.s32 $0x0;
	s19 =	simm.s32 $0x80;
	v2 =	vimm.s32 $0x0;
	[sflag:s11] =	ssyncadd.s32 $0xFFFFC000  }
.LBB2_4:
0xcb: {  	v12 =	vld [tilespmem:s19+$0xFFFFFF80]  }
0xcc: {  	v13 =	vld [tilespmem:s19+$0xFFFFFF90]  }
0xcd: {  	v47 =	vld [tilespmem:s19+$0xFFFFFFA0]  }
0xce: {  	v45 =	vld [tilespmem:s19+$0xFFFFFFB0]  }
0xcf: {  	v44 =	vld [tilespmem:s19+$0xFFFFFFC0];
	_ =	sdelay $0x1  }
0xd0: {  	v41 =	vld [tilespmem:s19+$0xFFFFFFD0]  }
0xd1: {  	v42 =	vld [tilespmem:s19+$0xFFFFFFE0];
	vm0 =	vgt.f32 v12, $0.0e+00;
	vm1 =	vlt.f32 v12, $5.199999810e+00;
	vm15 =	vgt.f32 v13, $0.0e+00  }
0xd2: {  	v43 =	vld [tilespmem:s19+$0xFFFFFFF0];
	vm6 =	vlt.f32 v13, $5.199999810e+00;
	vm2 =	vgt.f32 v47, $0.0e+00;
	vm3 =	vlt.f32 v47, $5.199999810e+00  }
0xd3: {  	vm8 =	vgt.f32 v45, $0.0e+00;
	vm9 =	vlt.f32 v45, $5.199999810e+00;
	vm10 =	vgt.f32 v44, $0.0e+00  }
0xd4: {  	vm5 =	vlt.f32 v44, $5.199999810e+00;
	v53 =	vmul.f32 v12, v12;
	v54 =	vmul.f32 v13, v13  }
0xd5: {  	vm11 =	vgt.f32 v41, $0.0e+00;
	v55 =	vmul.f32 v47, v47;
	v56 =	vmul.f32 v45, v45  }
0xd6: {  	vm12 =	vlt.f32 v41, $5.199999810e+00;
	v57 =	vmul.f32 v44, v44;
	v58 =	vmul.f32 v41, v41  }
0xd7: {  	v48 =	vmul.f32 v42, v42;
	v46 =	vmul.f32 v43, v43;
	vm7 =	vmand vm0, vm1  }
0xd8: {  	vm6 =	vmand vm15, vm6;
	vm4 =	vmand vm2, vm3;
	vm3 =	vmand vm8, vm9  }
0xd9: {  	vm1 =	vmand vm10, vm5;
	v15 =	vmpcnt.ones.xlane vm7;
	v16 =	vmpcnt.ones.xlane vm6  }
0xda: {  	vm0 =	vmand vm11, vm12;
	v18 =	vmpcnt.ones.xlane vm4;
	v51 =	vmpcnt.ones.xlane vm3  }
0xdb: {  	vm13 =	vgt.f32 v42, $0.0e+00;
	v52 =	vmpcnt.ones.xlane vm1;
	v49 =	vmpcnt.ones.xlane vm0  }
0xdc: {  	vm14 =	vlt.f32 v42, $5.199999810e+00;
	v59 =	vmul.f32 $1.666742690e-07, v53;
	v60 =	vmul.f32 $1.666742690e-07, v54  }
0xdd: {  	vm2 =	vmand vm13, vm14;
	v61 =	vmul.f32 $1.666742690e-07, v55;
	v62 =	vmul.f32 $1.666742690e-07, v56  }
0xde: {  	vm15 =	vgt.f32 v43, $0.0e+00;
	v63 =	vmul.f32 $1.666742690e-07, v57;
	v19 =	vmul.f32 $1.666742690e-07, v58  }
0xdf: {  	vm8 =	vlt.f32 v43, $5.199999810e+00;
	v21 =	vmul.f32 $1.666742690e-07, v48;
	v22 =	vmul.f32 $1.666742690e-07, v46  }
0xe0: {  	v24 =	vsel vm7, $0x1, v2;
	v59 =	vadd.f32 $-3.255732370e-05, v59;
	v60 =	vadd.f32 $-3.255732370e-05, v60  }
0xe1: {  	vm5 =	vmand vm15, vm8;
	(xrf0) =	vadd.scan.msk.s32 $0xffff, v24;
	v61 =	vadd.f32 $-3.255732370e-05, v61;
	v62 =	vadd.f32 $-3.255732370e-05, v62  }
0xe2: {  	v63 =	vadd.f32 $-3.255732370e-05, v63;
	v24 =	vmul.f32 v59, v53;
	v59 =	vmul.f32 v60, v54  }
0xe3: {  	v60 =	vmul.f32 v61, v55;
	v61 =	vmul.f32 v62, v56;
	v62 =	vsel vm6, $0x1, v2  }
0xe4: {  	v27 =	vsel vm4, $0x1, v2;
	v9 =	vsel vm3, $0x1, v2;
	v19 =	vadd.f32 $-3.255732370e-05, v19;
	(xrf0) =	vadd.scan.msk.s32 $0xffff, v62  }
0xe5: {  	v21 =	vadd.f32 $-3.255732370e-05, v21;
	v22 =	vadd.f32 $-3.255732370e-05, v22;
	v63 =	vmul.f32 v63, v57  }
0xe6: {  	v19 =	vmul.f32 v19, v58;
	v24 =	vadd.f32 $2.764070870e-03, v24;
	v59 =	vadd.f32 $2.764070870e-03, v59  }
0xe7: {  	v21 =	vmul.f32 v21, v48;
	v60 =	vadd.f32 $2.764070870e-03, v60;
	v61 =	vadd.f32 $2.764070870e-03, v61;
	v30, _, _ =	vpop (xrf0);
	(xrf0) =	vadd.scan.msk.s32 $0xffff, v27  }
0xe8: {  	v28 =	vld [tilespmem:$0x14190];
	v63 =	vadd.f32 $2.764070870e-03, v63;
	v24 =	vmul.f32 v24, v53;
	v27 =	vmul.f32 v59, v54  }
0xe9: {  	v31 =	vld [tilespmem:$0x141B0];
	v19 =	vadd.f32 $2.764070870e-03, v19;
	v30 =	vadd.s32 v30, v50;
	v60 =	vmul.f32 v60, v55  }
0xea: {  	v62 =	vld [tilespmem:$0x14180];
	v30 =	vadd.s32 $0xFFFFFFFF, v30;
	v24 =	vadd.f32 $-9.121182560e-02, v24;
	v27 =	vadd.f32 $-9.121182560e-02, v27;
	v4, _, _ =	vpop (xrf0);
	(xrf0) =	vadd.scan.msk.s32 $0xffff, v9  }
0xeb: {  	v3 =	vld [tilespmem:$0x141C0];
	v9 =	vadd.s32 v50, v15;
	v15 =	vmul.f32 v63, v57;
	v63 =	vsel vm1, $0x1, v2  }
0xec: {  	v59 =	vld [tilespmem:$0x141A0];
	v24 =	vmul.f32 v24, v53;
	v4 =	vadd.s32 v9, v4;
	v27 =	vmul.f32 v27, v54  }
0xed: {  	v50 =	vld [tilespmem:$0x141D0];
	v9 =	vadd.s32 v16, v9;
	v16 =	vadd.f32 $-9.121182560e-02, v60;
	v4 =	vadd.s32 $0xFFFFFFFF, v4;
	v5, _, _ =	vpop (xrf0)  }
0xee: {  	v61 =	vmul.f32 v61, v56;
	v53 =	vld [tilespmem:$0x141E0];
	(xrf0) =	vadd.scan.msk.s32 $0xffff, v63;
	v24 =	vadd.f32 $9.999794960e-01, v24;
	v5 =	vadd.s32 v9, v5  }
0xef: {  	v63 =	vld [tilespmem:$0x141F0];
	[tilespmem:v30+s9+$0x0] =	vst.idx.msk vm7, v12;
	v12 =	vadd.s32 s18, v62;
	v62 =	vsel vm0, $0x1, v2;
	v16 =	vmul.f32 v16, v55  }
0xf0: {  	v5 =	vadd.s32 $0xFFFFFFFF, v5;
	[tilespmem:v30+s10+$0x0] =	vst.idx.msk vm7, v24;
	v24 =	vadd.f32 $9.999794960e-01, v27;
	v27, _, _ =	vpop (xrf0);
	(xrf0) =	vadd.scan.msk.s32 $0xffff, v62  }
0xf1: {  	v19 =	vmul.f32 v19, v58;
	v9 =	vadd.s32 v18, v9;
	[tilespmem:v30+s15+$0x0] =	vst.idx.msk vm7, v12;
	v12 =	vadd.f32 $-9.121182560e-02, v61  }
0xf2: {  	v18 =	vadd.s32 s18, v28;
	v16 =	vadd.f32 $9.999794960e-01, v16;
	[tilespmem:v4+s9+$0x0] =	vst.idx.msk vm6, v13;
	v13 =	vadd.s32 v9, v27  }
0xf3: {  	v27 =	vsel vm2, $0x1, v2;
	[tilespmem:v4+s10+$0x0] =	vst.idx.msk vm6, v24;
	v13 =	vadd.s32 $0xFFFFFFFF, v13;
	v12 =	vmul.f32 v12, v56  }
0xf4: {  	v24, _, _ =	vpop (xrf0);
	(xrf0) =	vadd.scan.msk.s32 $0xffff, v27;
	[tilespmem:v4+s15+$0x0] =	vst.idx.msk vm6, v18;
	v4 =	vadd.s32 v51, v9;
	v9 =	vadd.f32 $-9.121182560e-02, v15  }
0xf5: {  	v18 =	vadd.s32 s18, v59;
	[tilespmem:v5+s9+$0x0] =	vst.idx.msk vm4, v47;
	v15 =	vadd.s32 v4, v24;
	v24 =	vsel vm5, $0x1, v2  }
0xf6: {  	v12 =	vadd.f32 $9.999794960e-01, v12;
	v4 =	vadd.s32 v52, v4;
	[tilespmem:v5+s10+$0x0] =	vst.idx.msk vm4, v16;
	v15 =	vadd.s32 $0xFFFFFFFF, v15;
	v16, _, _ =	vpop (xrf0)  }
0xf7: {  	(xrf0) =	vadd.scan.msk.s32 $0xffff, v24;
	[tilespmem:v5+s15+$0x0] =	vst.idx.msk vm4, v18;
	v18 =	vadd.f32 $-9.121182560e-02, v19;
	v16 =	vadd.s32 v4, v16  }
0xf8: {  	v22 =	vmul.f32 v22, v46;
	v9 =	vmul.f32 v9, v57;
	v5 =	vadd.f32 $2.764070870e-03, v21;
	[tilespmem:v13+s9+$0x0] =	vst.idx.msk vm3, v45  }
0xf9: {  	v19 =	vadd.s32 s18, v31;
	[tilespmem:v13+s10+$0x0] =	vst.idx.msk vm3, v12;
	v12 =	vadd.s32 $0xFFFFFFFF, v16;
	v18 =	vmul.f32 v18, v58  }
0xfa: {  	v9 =	vadd.f32 $9.999794960e-01, v9;
	v4 =	vadd.s32 v49, v4;
	v5 =	vmul.f32 v5, v48;
	[tilespmem:v13+s15+$0x0] =	vst.idx.msk vm3, v19;
	v16, _, _ =	vpop (xrf0)  }
0xfb: {  	v25 =	vmpcnt.ones.xlane vm2;
	v13 =	vadd.f32 $2.764070870e-03, v22;
	[tilespmem:v15+s9+$0x0] =	vst.idx.msk vm1, v44;
	v16 =	vadd.s32 v4, v16  }
0xfc: {  	v3 =	vadd.s32 s18, v3;
	v5 =	vadd.f32 $-9.121182560e-02, v5;
	[tilespmem:v15+s10+$0x0] =	vst.idx.msk vm1, v9;
	v9 =	vadd.s32 $0xFFFFFFFF, v16  }
0xfd: {  	v13 =	vmul.f32 v13, v46;
	v16 =	vadd.f32 $9.999794960e-01, v18;
	v18, _, _ =	vpop (xrf0);
	[tilespmem:v15+s15+$0x0] =	vst.idx.msk vm1, v3;
	v3 =	vadd.s32 v25, v4  }
0xfe: {  	v4 =	vmul.f32 v5, v48;
	[tilespmem:v12+s9+$0x0] =	vst.idx.msk vm0, v41;
	v5 =	vadd.s32 v3, v18  }
0xff: {  	v15 =	vadd.s32 s18, v50;
	v13 =	vadd.f32 $-9.121182560e-02, v13;
	[tilespmem:v12+s10+$0x0] =	vst.idx.msk vm0, v16;
	v5 =	vadd.s32 $0xFFFFFFFF, v5  }
0x100: {  	v4 =	vadd.f32 $9.999794960e-01, v4;
	[tilespmem:v12+s15+$0x0] =	vst.idx.msk vm0, v15  }
0x101: {  	v12 =	vmul.f32 v13, v46;
	[tilespmem:v9+s9+$0x0] =	vst.idx.msk vm2, v42  }
0x102: {  	v13 =	vadd.s32 s18, v53;
	[tilespmem:v9+s10+$0x0] =	vst.idx.msk vm2, v4  }
0x103: {  	v4 =	vadd.f32 $9.999794960e-01, v12;
	[tilespmem:v9+s15+$0x0] =	vst.idx.msk vm2, v13  }
0x104: {  	[tilespmem:v5+s9+$0x0] =	vst.idx.msk vm5, v43  }
0x105: {  	v9 =	vadd.s32 s18, v63;
	[tilespmem:v5+s10+$0x0] =	vst.idx.msk vm5, v4  }
0x106: {  	[tilespmem:v5+s15+$0x0] =	vst.idx.msk vm5, v9  }
0x107: {  	v4 =	vld [tilespmem:s19+$0x0]  }
0x108: {  	v50 =	vld [tilespmem:s19+$0x10]  }
0x109: {  	v46 =	vld [tilespmem:s19+$0x20]  }
0x10a: {  	v45 =	vld [tilespmem:s19+$0x30]  }
0x10b: {  	v5 =	vmpcnt.ones.xlane vm5;
	v44 =	vld [tilespmem:s19+$0x40]  }
0x10c: {  	v41 =	vld [tilespmem:s19+$0x50]  }
0x10d: {  	v42 =	vld [tilespmem:s19+$0x60];
	v3 =	vadd.s32 v5, v3  }
0x10e: {  	v43 =	vld [tilespmem:s19+$0x70];
	vm8 =	vgt.f32 v4, $0.0e+00;
	vm9 =	vlt.f32 v4, $5.199999810e+00;
	vm10 =	vgt.f32 v50, $0.0e+00  }
0x10f: {  	vm11 =	vlt.f32 v50, $5.199999810e+00;
	vm12 =	vgt.f32 v46, $0.0e+00;
	v16 =	vmul.f32 v4, v4  }
0x110: {  	vm13 =	vlt.f32 v46, $5.199999810e+00;
	v18 =	vmul.f32 v50, v50;
	v19 =	vmul.f32 v46, v46  }
0x111: {  	vm14 =	vgt.f32 v45, $0.0e+00;
	v21 =	vmul.f32 v45, v45;
	v22 =	vmul.f32 v44, v44  }
0x112: {  	vm15 =	vlt.f32 v45, $5.199999810e+00;
	v24 =	vmul.f32 v41, v41;
	v48 =	vmul.f32 v42, v42  }
0x113: {  	v47 =	vmul.f32 v43, v43;
	vm7 =	vmand vm8, vm9;
	vm6 =	vmand vm10, vm11  }
0x114: {  	vm4 =	vmand vm12, vm13;
	vm8 =	vgt.f32 v44, $0.0e+00;
	vm9 =	vlt.f32 v44, $5.199999810e+00  }
0x115: {  	vm3 =	vmand vm14, vm15;
	vm10 =	vgt.f32 v41, $0.0e+00;
	vm11 =	vlt.f32 v41, $5.199999810e+00  }
0x116: {  	vm12 =	vgt.f32 v42, $0.0e+00;
	vm13 =	vlt.f32 v42, $5.199999810e+00;
	v9 =	vmpcnt.ones.xlane vm7  }
0x117: {  	vm14 =	vgt.f32 v43, $0.0e+00;
	v12 =	vmpcnt.ones.xlane vm6;
	v13 =	vmpcnt.ones.xlane vm4  }
0x118: {  	vm15 =	vlt.f32 v43, $5.199999810e+00;
	v15 =	vmpcnt.ones.xlane vm3;
	v25 =	vmul.f32 $1.666742690e-07, v16  }
0x119: {  	vm1 =	vmand vm8, vm9;
	v27 =	vmul.f32 $1.666742690e-07, v18;
	v28 =	vmul.f32 $1.666742690e-07, v19  }
0x11a: {  	vm0 =	vmand vm10, vm11;
	v30 =	vmul.f32 $1.666742690e-07, v21;
	v31 =	vmul.f32 $1.666742690e-07, v22  }
0x11b: {  	vm2 =	vmand vm12, vm13;
	v57 =	vmul.f32 $1.666742690e-07, v24;
	v58 =	vmul.f32 $1.666742690e-07, v48  }
0x11c: {  	v59 =	vmul.f32 $1.666742690e-07, v47;
	v60 =	vsel vm7, $0x1, v2;
	v61 =	vsel vm6, $0x1, v2  }
0x11d: {  	vm5 =	vmand vm14, vm15;
	v62 =	vsel vm4, $0x1, v2;
	v25 =	vadd.f32 $-3.255732370e-05, v25  }
0x11e: {  	v5 =	vmpcnt.ones.xlane vm1;
	(xrf0) =	vadd.scan.msk.s32 $0xffff, v60;
	v27 =	vadd.f32 $-3.255732370e-05, v27;
	v28 =	vadd.f32 $-3.255732370e-05, v28  }
0x11f: {  	v49 =	vmpcnt.ones.xlane vm0;
	v30 =	vadd.f32 $-3.255732370e-05, v30;
	v31 =	vadd.f32 $-3.255732370e-05, v31  }
0x120: {  	v51 =	vadd.f32 $-3.255732370e-05, v57;
	(xrf0) =	vadd.scan.msk.s32 $0xffff, v61;
	v25 =	vmul.f32 v25, v16;
	v27 =	vmul.f32 v27, v18  }
0x121: {  	v52 =	vadd.f32 $-3.255732370e-05, v58;
	v28 =	vmul.f32 v28, v19;
	v30 =	vmul.f32 v30, v21  }
0x122: {  	v31 =	vmul.f32 v31, v22;
	v25 =	vadd.f32 $2.764070870e-03, v25;
	v27 =	vadd.f32 $2.764070870e-03, v27  }
0x123: {  	v53 =	vadd.f32 $-3.255732370e-05, v59;
	v51 =	vmul.f32 v51, v24;
	v52 =	vmul.f32 v52, v48  }
0x124: {  	v54 =	vld [tilespmem:$0x14200];
	v60 =	vsel vm3, $0x1, v2;
	v63, _, _ =	vpop (xrf0);
	(xrf0) =	vadd.scan.msk.s32 $0xffff, v62;
	v25 =	vmul.f32 v25, v16;
	v27 =	vmul.f32 v27, v18  }
0x125: {  	v56 =	vld [tilespmem:$0x14220];
	v53 =	vmul.f32 v53, v47;
	v31 =	vadd.f32 $2.764070870e-03, v31;
	v58 =	vadd.s32 v63, v3  }
0x126: {  	v57 =	vld [tilespmem:$0x14210];
	v62, _, _ =	vpop (xrf0);
	(xrf0) =	vadd.scan.msk.s32 $0xffff, v60;
	v58 =	vadd.s32 $0xFFFFFFFF, v58;
	v25 =	vadd.f32 $-9.121182560e-02, v25;
	v27 =	vadd.f32 $-9.121182560e-02, v27  }
0x127: {  	v59 =	vld [tilespmem:$0x14230];
	v28 =	vadd.f32 $2.764070870e-03, v28;
	v3 =	vadd.s32 v3, v9;
	v9 =	vmul.f32 v31, v22  }
0x128: {  	v61 =	vld [tilespmem:$0x14240];
	v31 =	vadd.s32 v3, v62;
	v16 =	vmul.f32 v25, v16;
	v18 =	vmul.f32 v27, v18  }
0x129: {  	v28 =	vmul.f32 v28, v19;
	v60 =	vld [tilespmem:$0x14260];
	v62 =	vsel vm1, $0x1, v2;
	v31 =	vadd.s32 $0xFFFFFFFF, v31  }
0x12a: {  	v30 =	vadd.f32 $2.764070870e-03, v30;
	v3 =	vadd.s32 v12, v3;
	v25 =	vld [tilespmem:$0x14250];
	v63, _, _ =	vpop (xrf0);
	(xrf0) =	vadd.scan.msk.s32 $0xffff, v62;
	v16 =	vadd.f32 $9.999794960e-01, v16  }
0x12b: {  	v12 =	vadd.f32 $-9.121182560e-02, v28;
	v27 =	vadd.s32 s18, v54;
	v62 =	vld [tilespmem:$0x14270];
	[tilespmem:v58+s9+$0x0] =	vst.idx.msk vm7, v4;
	v4 =	vadd.s32 v3, v63  }
0x12c: {  	v3 =	vadd.s32 v13, v3;
	v4 =	vadd.s32 $0xFFFFFFFF, v4;
	[tilespmem:v58+s10+$0x0] =	vst.idx.msk vm7, v16;
	v16 =	vadd.f32 $9.999794960e-01, v18;
	v18, _, _ =	vpop (xrf0)  }
0x12d: {  	v30 =	vmul.f32 v30, v21;
	v28 =	vsel vm0, $0x1, v2;
	[tilespmem:v58+s15+$0x0] =	vst.idx.msk vm7, v27;
	v18 =	vadd.s32 v3, v18  }
0x12e: {  	v51 =	vadd.f32 $2.764070870e-03, v51;
	v12 =	vmul.f32 v12, v19;
	(xrf0) =	vadd.scan.msk.s32 $0xffff, v28;
	[tilespmem:v31+s9+$0x0] =	vst.idx.msk vm6, v50  }
0x12f: {  	v19 =	vadd.s32 s18, v57;
	v13 =	vadd.f32 $-9.121182560e-02, v30;
	[tilespmem:v31+s10+$0x0] =	vst.idx.msk vm6, v16;
	v16 =	vadd.s32 $0xFFFFFFFF, v18  }
0x130: {  	v12 =	vadd.f32 $9.999794960e-01, v12;
	v27 =	vsel vm2, $0x1, v2;
	v3 =	vadd.s32 v15, v3;
	v18, _, _ =	vpop (xrf0);
	[tilespmem:v31+s15+$0x0] =	vst.idx.msk vm6, v19  }
0x131: {  	v13 =	vmul.f32 v13, v21;
	(xrf0) =	vadd.scan.msk.s32 $0xffff, v27;
	[tilespmem:v4+s9+$0x0] =	vst.idx.msk vm4, v46;
	v15 =	vadd.s32 v3, v18  }
0x132: {  	v51 =	vmul.f32 v51, v24;
	v9 =	vadd.f32 $-9.121182560e-02, v9;
	v18 =	vadd.s32 s18, v56;
	[tilespmem:v4+s10+$0x0] =	vst.idx.msk vm4, v12  }
0x133: {  	v13 =	vadd.f32 $9.999794960e-01, v13;
	v19 =	vsel vm5, $0x1, v2;
	v12 =	vadd.s32 $0xFFFFFFFF, v15;
	[tilespmem:v4+s15+$0x0] =	vst.idx.msk vm4, v18  }
0x134: {  	v3 =	vadd.s32 v5, v3;
	v5 =	vmul.f32 v9, v22;
	v15, _, _ =	vpop (xrf0);
	(xrf0) =	vadd.scan.msk.s32 $0xffff, v19;
	[tilespmem:v16+s9+$0x0] =	vst.idx.msk vm3, v45  }
0x135: {  	v4 =	vadd.f32 $2.764070870e-03, v52;
	v18 =	vadd.s32 s18, v59;
	v9 =	vadd.s32 v3, v15;
	[tilespmem:v16+s10+$0x0] =	vst.idx.msk vm3, v13  }
0x136: {  	v15 =	vadd.f32 $-9.121182560e-02, v51;
	v9 =	vadd.s32 $0xFFFFFFFF, v9;
	[tilespmem:v16+s15+$0x0] =	vst.idx.msk vm3, v18;
	v16 =	vadd.f32 $2.764070870e-03, v53  }
0x137: {  	v5 =	vadd.f32 $9.999794960e-01, v5;
	v4 =	vmul.f32 v4, v48;
	v3 =	vadd.s32 v49, v3;
	v13, _, _ =	vpop (xrf0)  }
0x138: {  	v55 =	vmpcnt.ones.xlane vm2;
	v15 =	vmul.f32 v15, v24;
	[tilespmem:v12+s9+$0x0] =	vst.idx.msk vm1, v44;
	v13 =	vadd.s32 v3, v13  }
0x139: {  	v18 =	vadd.s32 s18, v61;
	v4 =	vadd.f32 $-9.121182560e-02, v4;
	[tilespmem:v12+s10+$0x0] =	vst.idx.msk vm1, v5;
	v5 =	vadd.s32 $0xFFFFFFFF, v13  }
0x13a: {  	v3 =	vadd.s32 v55, v3;
	v13 =	vmul.f32 v16, v47;
	v15 =	vadd.f32 $9.999794960e-01, v15;
	[tilespmem:v12+s15+$0x0] =	vst.idx.msk vm1, v18;
	v16, _, _ =	vpop (xrf0)  }
0x13b: {  	v4 =	vmul.f32 v4, v48;
	[tilespmem:v9+s9+$0x0] =	vst.idx.msk vm0, v41;
	v12 =	vadd.s32 v3, v16  }
0x13c: {  	v13 =	vadd.f32 $-9.121182560e-02, v13;
	v16 =	vadd.s32 s18, v25;
	[tilespmem:v9+s10+$0x0] =	vst.idx.msk vm0, v15;
	v12 =	vadd.s32 $0xFFFFFFFF, v12  }
0x13d: {  	v4 =	vadd.f32 $9.999794960e-01, v4;
	[tilespmem:v9+s15+$0x0] =	vst.idx.msk vm0, v16  }
0x13e: {  	p0 =	sne.s32 s18, $0xFC0;
	v9 =	vmul.f32 v13, v47;
	[tilespmem:v5+s9+$0x0] =	vst.idx.msk vm2, v42  }
.Ltmp3:
0x13f: {  	v13 =	vadd.s32 s18, v60;
	[tilespmem:v5+s10+$0x0] =	vst.idx.msk vm2, v4;
	(pc) =	sbr.rel @p0 .LBB2_4-.Ltmp3, $4  }
0x140: {  	v4 =	vadd.f32 $9.999794960e-01, v9;
	[tilespmem:v5+s15+$0x0] =	vst.idx.msk vm2, v13  }
0x141: {  	v5 =	vmpcnt.ones.xlane vm5;
	[tilespmem:v12+s9+$0x0] =	vst.idx.msk vm5, v43  }
0x142: {  	v9 =	vadd.s32 s18, v62;
	[tilespmem:v12+s10+$0x0] =	vst.idx.msk vm5, v4  }
0x143: {  	s19 =	sadd.s32 $0x100, s19;
	s18 =	sadd.s32 $0x40, s18;
	v50 =	vadd.s32 v5, v3;
	[tilespmem:v12+s15+$0x0] =	vst.idx.msk vm5, v9  }
0x144: {  	(v2sf) =	vpush v50, $0x0;
	_ =	sdelay $0xe  }
0x145: {  	s18 =	spop (v2sf)  }
0x146: {  	v4 =	vld [tilespmem:$0x1FFF0];
	s18 =	sadd.s32 $0x1F, s18  }
0x147: {  	s19 =	sand.u32 $0x1F, s18  }
0x148: {  	v3 =	vadd.s32 v0, v50;
	s31 =	sshra.s32 s18, $0x1F;
	p1 =	slt.s32 s18, $0x1;
	p0 =	sne.s32 s19, $0x0  }
0x149: {  	s19 =	sshrl.u32 s31, $0x1B;
	p0 =	por !p1, !p0  }
0x14a: {  	s18 =	sadd.s32 s19, s18;
	s19 =	simm.s32 $0x1;
	p0 =	por !p0, !p0  }
0x14b: {  	v4 =	vadd.s32 v4, v50;
	s18 =	sshra.s32 s18, $0x5;
	s19 =	simm.s32 @!p0 $0x0  }
0x14c: {  	s21 =	ssub.s32 s18, s19  }
0x14d: {  	[tilespmem:v3+s9+$0x0] =	vst.idx.msk $0xffff, v1;
	p0 =	slt.s32 s21, $0x1  }
.Ltmp4:
0x14e: {  	[tilespmem:v3+s10+$0x0] =	vst.idx.msk $0xffff, v1;
	(pc) =	sbr.rel @p0 .LBB2_9-.Ltmp4, $4  }
0x14f: {  	[tilespmem:v3+s15+$0x0] =	vst.idx.msk $0xffff, v2  }
0x150: {  	[tilespmem:v4+s9+$0x0] =	vst.idx.msk $0xffff, v1  }
0x151: {  	[tilespmem:v4+s10+$0x0] =	vst.idx.msk $0xffff, v1  }
0x152: {  	[tilespmem:v4+s15+$0x0] =	vst.idx.msk $0xffff, v2  }
0x153: {  	v16 =	vld [tilespmem:$0x1FF40]  }
0x154: {  	v18 =	vld [tilespmem:$0x1FF50]  }
0x155: {  	v9 =	vld [tilespmem:$0x1FF60]  }
0x156: {  	v12 =	vld [tilespmem:$0x1FF70]  }
0x157: {  	v19 =	vld [tilespmem:$0x1FF00]  }
0x158: {  	v22 =	vld [tilespmem:$0x1FF10]  }
0x159: {  	v13 =	vld [tilespmem:$0x1FF20]  }
0x15a: {  	v15 =	vld [tilespmem:$0x1FF30]  }
0x15b: {  	v58 =	vld [tilespmem:$0x1FFA0]  }
0x15c: {  	v59 =	vld [tilespmem:$0x1FFB0]  }
0x15d: {  	v2 =	vld [tilespmem:$0x1FEE0]  }
0x15e: {  	v21 =	vld [tilespmem:$0x1FEF0]  }
0x15f: {  	v56 =	vld [tilespmem:$0x1FF80]  }
0x160: {  	s18 =	simm.s32 $0x8010;
	v57 =	vld [tilespmem:$0x1FF90]  }
0x161: {  	v3 =	vld [tilespmem:s18+$0xFFFFFFF0];
	v51 =	vcombine.low v16, v18  }
0x162: {  	v52 =	vcombine.low v9, v12;
	v48 =	vcombine.low v19, v22  }
0x163: {  	v49 =	vcombine.low v13, v15;
	v4 =	vcombine.low v59, v58  }
0x164: {  	v5 =	vcombine.low v2, v21;
	v9 =	vcombine.low v12, v9  }
0x165: {  	v12 =	vcombine.low v57, v56;
	v13 =	vcombine.low v15, v13  }
0x166: {  	v15 =	vcombine.low v18, v16;
	v16 =	vadd.f32 v10, v3;
	v18 =	vadd.f32 v11, v3  }
0x167: {  	v19 =	vcombine.low v22, v19;
	v22 =	vadd.f32 v14, v3;
	v24 =	vadd.f32 v17, v3  }
0x168: {  	v21 =	vcombine.low v21, v2;
	v25 =	vadd.f32 v23, v3;
	v27 =	vadd.f32 v26, v3  }
0x169: {  	v28 =	vadd.f32 v29, v3;
	v30 =	vadd.f32 v37, v3;
	v16 =	vmul.f32 v16, v16  }
0x16a: {  	v31 =	vadd.f32 v36, v3;
	v18 =	vmul.f32 v18, v18;
	v22 =	vmul.f32 v22, v22  }
0x16b: {  	v41 =	vadd.f32 v32, v3;
	v24 =	vmul.f32 v24, v24;
	v25 =	vmul.f32 v25, v25  }
0x16c: {  	v42 =	vadd.f32 v34, v3;
	v27 =	vmul.f32 v27, v27;
	v28 =	vmul.f32 v28, v28  }
0x16d: {  	v50 =	vadd.f32 v39, v3;
	v30 =	vmul.f32 v30, v30;
	v31 =	vmul.f32 v31, v31  }
0x16e: {  	v41 =	vmul.f32 v41, v41;
	v16 =	vmul.f32 $-1.600000000e+01, v16  }
0x16f: {  	v47 =	vand.u32 $0xF, v15;
	v42 =	vmul.f32 v42, v42;
	v15 =	vmul.f32 v50, v50  }
0x170: {  	v18 =	vmul.f32 $-1.600000000e+01, v18;
	v16 =	vmul.f32 $1.442695020e+00, v16  }
0x171: {  	v22 =	vmul.f32 $-1.600000000e+01, v22;
	v27 =	vmul.f32 $-1.600000000e+01, v27  }
0x172: {  	v24 =	vmul.f32 $-1.600000000e+01, v24;
	(erf) = vpow2.f32 v16  }
0x173: {  	v25 =	vmul.f32 $-1.600000000e+01, v25;
	v22 =	vmul.f32 $1.442695020e+00, v22  }
0x174: {  	v28 =	vmul.f32 $-1.600000000e+01, v28;
	v41 =	vmul.f32 $-1.600000000e+01, v41  }
0x175: {  	v18 =	vmul.f32 $1.442695020e+00, v18;
	(erf) = vpow2.f32 v22;
	v22 =	vadd.f32 v20, v3  }
0x176: {  	s19 =	simm.s32 $0xC090;
	v44 =	vand.u32 $0xF, v12;
	v42 =	vmul.f32 $-1.600000000e+01, v42;
	v12 =	vmul.f32 $-1.600000000e+01, v30  }
0x177: {  	(erf) = vpow2.f32 v18;
	v18 =	vld [tilespmem:s19+$0xFFFFFFF0];
	v22 =	vmul.f32 v22, v22  }
0x178: {  	v25 =	vmul.f32 $1.442695020e+00, v25;
	v28 =	vmul.f32 $1.442695020e+00, v28;
	v16 =	vadd.f32 v35, v3  }
0x179: {  	s20 =	simm.s32 $0x10110;
	v27 =	vmul.f32 $1.442695020e+00, v27;
	v22 =	vmul.f32 $-1.600000000e+01, v22  }
0x17a: {  	v55 =	vld [tilespmem:s20+$0xFFFFFFF0];
	v24 =	vmul.f32 $1.442695020e+00, v24;
	v16 =	vmul.f32 v16, v16  }
0x17b: {  	v22 =	vmul.f32 $1.442695020e+00, v22;
	v43 =	vpop (erf);
	(erf) = vpow2.f32 v27  }
0x17c: {  	v53 =	vmul.f32 v43, v18;
	(erf) = vpow2.f32 v28  }
0x17d: {  	(erf) = vpow2.f32 v22;
	v22 =	vmul.f32 $1.442695020e+00, v41  }
0x17e: {  	v43 =	vand.u32 $0xF, v19;
	v19 =	vmul.f32 $1.442695020e+00, v42;
	(erf) = vpow2.f32 v25  }
0x17f: {  	v54 =	vadd.s32 v0, v55;
	v16 =	vmul.f32 $-1.600000000e+01, v16;
	(erf) = vpow2.f32 v22  }
0x180: {  	v27 =	vadd.f32 v38, v3;
	v63 =	vpop (erf);
	v22 =	vmul.f32 $-1.600000000e+01, v31;
	(erf) = vpow2.f32 v19  }
0x181: {  	v45 =	vand.u32 $0xF, v21;
	v16 =	vmul.f32 $1.442695020e+00, v16;
	v25 =	vpop (erf);
	(erf) = vpow2.f32 v24  }
0x182: {  	v46 =	vand.u32 $0xF, v9;
	v42 =	vand.u32 $0xF, v4;
	v4 =	vmul.f32 v27, v27  }
0x183: {  	v15 =	vmul.f32 $-1.600000000e+01, v15;
	v12 =	vmul.f32 $1.442695020e+00, v12;
	v3 =	vadd.f32 v40, v3  }
0x184: {  	v41 =	vand.u32 $0xF, v5;
	v4 =	vmul.f32 $-1.600000000e+01, v4;
	v5 =	vmul.f32 $1.442695020e+00, v22;
	v22 =	vpop (erf)  }
0x185: {  	v21 =	vadd.s32 v45, v55;
	v3 =	vmul.f32 v3, v3;
	(erf) = vpow2.f32 v16;
	v16 =	vpop (erf)  }
0x186: {  	v50 =	vand.u32 $0xF, v13;
	v15 =	vmul.f32 $1.442695020e+00, v15;
	v4 =	vmul.f32 $1.442695020e+00, v4;
	v9 =	vpop (erf)  }
0x187: {  	v3 =	vmul.f32 $-1.600000000e+01, v3;
	v19 =	vadd.s32 v43, v55;
	v24 =	vmul.f32 v25, v18;
	v13 =	vpop (erf)  }
0x188: {  	(erf) = vpow2.f32 v5;
	v5 =	vmul.f32 v16, v18;
	v16 =	vadd.s32 v50, v55;
	v25 =	vpop (erf)  }
0x189: {  	v28 =	vmul.f32 v63, v18;
	[tilespmem:v54+s8+$0x0] =	vst.idx.add.f32.msk $0xffff, v53;
	(erf) = vpow2.f32 v12;
	v12 =	vadd.s32 v47, v55;
	v27 =	vpop (erf)  }
0x18a: {  	v30 =	vadd.s32 v46, v55;
	v3 =	vmul.f32 $1.442695020e+00, v3;
	[tilespmem:v21+s8+$0x0] =	vst.idx.add.f32.msk $0xffff, v24;
	(erf) = vpow2.f32 v4;
	v4 =	vpop (erf)  }
0x18b: {  	v21 =	vadd.s32 v44, v55;
	v9 =	vmul.f32 v9, v18;
	v4 =	vmul.f32 v4, v18  }
0x18c: {  	[tilespmem:v19+s8+$0x0] =	vst.idx.add.f32.msk $0xffff, v28;
	v19 =	vadd.s32 v42, v55;
	v13 =	vmul.f32 v13, v18;
	(erf) = vpow2.f32 v15  }
0x18d: {  	v24 =	vadd.s32 v33, v55;
	(erf) = vpow2.f32 v3;
	v3 =	vmul.f32 v22, v18;
	[tilespmem:v16+s8+$0x0] =	vst.idx.add.f32.msk $0xffff, v4  }
0x18e: {  	v48 =	vand.u32 $0xF, v48;
	v15 =	vmul.f32 v25, v18;
	v4 =	vadd.s32 v41, v55;
	[tilespmem:v12+s8+$0x0] =	vst.idx.add.f32.msk $0xffff, v9  }
0x18f: {  	v49 =	vand.u32 $0xF, v49;
	v16 =	vcombine.low v56, v57;
	v12 =	vadd.s32 v48, v55;
	[tilespmem:v30+s8+$0x0] =	vst.idx.add.f32.msk $0xffff, v13  }
0x190: {  	v51 =	vand.u32 $0xF, v51;
	v9 =	vmul.f32 v27, v18;
	v13 =	vadd.s32 v49, v55;
	[tilespmem:v21+s8+$0x0] =	vst.idx.add.f32.msk $0xffff, v3  }
0x191: {  	v52 =	vand.u32 $0xF, v52;
	v3 =	vpop (erf);
	v21 =	vadd.s32 v51, v55;
	[tilespmem:v19+s8+$0x0] =	vst.idx.add.f32.msk $0xffff, v5;
	v5 =	vcombine.low v58, v59  }
0x192: {  	v22 =	vadd.s32 v52, v55;
	v53 =	vand.u32 $0xF, v16;
	v3 =	vmul.f32 v3, v18;
	v19 =	vpop (erf);
	[tilespmem:v24+s8+$0x0] =	vst.idx.add.f32.msk $0xffff, v15  }
0x193: {  	v15 =	vmul.f32 v19, v18;
	v16 =	vpop (erf);
	[tilespmem:v4+s8+$0x0] =	vst.idx.add.f32.msk $0xffff, v9;
	v4 =	vadd.s32 v53, v55;
	v54 =	vand.u32 $0xF, v5  }
0x194: {  	v5 =	vmul.f32 v16, v18;
	v9 =	vpop (erf);
	[tilespmem:v12+s8+$0x0] =	vst.idx.add.f32.msk $0xffff, v3;
	v3 =	vadd.s32 v54, v55  }
0x195: {  	v9 =	vmul.f32 v9, v18;
	v12 =	vpop (erf);
	[tilespmem:v13+s8+$0x0] =	vst.idx.add.f32.msk $0xffff, v15  }
0x196: {  	[tilespmem:v21+s8+$0x0] =	vst.idx.add.f32.msk $0xffff, v5;
	v5 =	vmul.f32 v12, v18;
	v12 =	vpop (erf)  }
0x197: {  	[tilespmem:v22+s8+$0x0] =	vst.idx.add.f32.msk $0xffff, v9;
	v9 =	vmul.f32 v12, v18  }
0x198: {  	[tilespmem:v4+s8+$0x0] =	vst.idx.add.f32.msk $0xffff, v5  }
0x199: {  	[tilespmem:v3+s8+$0x0] =	vst.idx.add.f32.msk $0xffff, v9  }
0x19a: {  	v3 =	vld [tilespmem:s18+$0x0];
	_ =	sdelay $0x4  }
0x19b: {  	v4 =	vadd.f32 v10, v3  }
0x19c: {  	v5 =	vadd.f32 v17, v3;
	v9 =	vadd.f32 v11, v3  }
0x19d: {  	v12 =	vadd.f32 v32, v3;
	v13 =	vadd.f32 v23, v3;
	v4 =	vmul.f32 v4, v4  }
0x19e: {  	v15 =	vadd.f32 v26, v3;
	v9 =	vmul.f32 v9, v9;
	v5 =	vmul.f32 v5, v5  }
0x19f: {  	v12 =	vmul.f32 v12, v12;
	v4 =	vmul.f32 $-1.600000000e+01, v4  }
0x1a0: {  	v13 =	vmul.f32 v13, v13;
	v15 =	vmul.f32 v15, v15  }
0x1a1: {  	v12 =	vmul.f32 $-1.600000000e+01, v12;
	v4 =	vmul.f32 $1.442695020e+00, v4  }
0x1a2: {  	v16 =	vadd.f32 v20, v3;
	v5 =	vmul.f32 $-1.600000000e+01, v5;
	v13 =	vmul.f32 $-1.600000000e+01, v13  }
0x1a3: {  	v18 =	vadd.f32 v29, v3;
	v12 =	vmul.f32 $1.442695020e+00, v12;
	(erf) = vpow2.f32 v4  }
0x1a4: {  	v63 =	vadd.f32 v34, v3;
	v9 =	vmul.f32 $-1.600000000e+01, v9;
	v5 =	vmul.f32 $1.442695020e+00, v5  }
0x1a5: {  	v56 =	vld [tilespmem:s20+$0x0];
	v4 =	vadd.f32 v14, v3;
	(erf) = vpow2.f32 v12;
	v12 =	vmul.f32 $1.442695020e+00, v13  }
0x1a6: {  	v60 =	vadd.f32 v35, v3;
	v13 =	vmul.f32 $-1.600000000e+01, v15;
	v15 =	vmul.f32 v16, v16  }
0x1a7: {  	v62 =	vadd.f32 v36, v3;
	(erf) = vpow2.f32 v5;
	v4 =	vmul.f32 v4, v4  }
0x1a8: {  	p0 =	sne.s32 s21, $0x1;
	v55 =	vld [tilespmem:s19+$0x0];
	v59 =	vadd.f32 v38, v3;
	(erf) = vpow2.f32 v12;
	v13 =	vmul.f32 $1.442695020e+00, v13  }
.Ltmp5:
0x1a9: {  	v57 =	vadd.f32 v39, v3;
	v16 =	vmul.f32 v18, v18;
	v5 =	vmul.f32 $-1.600000000e+01, v15;
	(pc) =	sbr.rel @!p0 .LBB2_8-.Ltmp5, $4  }
0x1aa: {  	v4 =	vmul.f32 $-1.600000000e+01, v4;
	(erf) = vpow2.f32 v13;
	v13 =	vadd.s32 v0, v56  }
0x1ab: {  	v58 =	vadd.f32 v40, v3;
	v9 =	vmul.f32 $1.442695020e+00, v9;
	v61 =	vmul.f32 $-1.600000000e+01, v16  }
0x1ac: {  	v12 =	vadd.f32 v37, v3;
	v18 =	vmul.f32 $1.442695020e+00, v5;
	v15 =	vmul.f32 $1.442695020e+00, v4;
	v3 =	vpop (erf)  }
0x1ad: {  	s21 =	sadd.s32 $0xFFFFFFFF, s21;
	(erf) = vpow2.f32 v9;
	v16 =	vmul.f32 v3, v55  }
.LBB2_7:
0x1ae: {  	v3 =	vmul.f32 v63, v63;
	s20 =	sadd.s32 $0x20, s20;
	s19 =	sadd.s32 $0x20, s19;
	s18 =	sadd.s32 $0x20, s18;
	(erf) = vpow2.f32 v18;
	v4 =	vpop (erf)  }
0x1af: {  	p0 =	sne.s32 s21, $0x1;
	s21 =	sadd.s32 $0xFFFFFFFF, s21;
	v5 =	vmul.f32 v60, v60;
	v9 =	vmul.f32 v62, v62;
	[tilespmem:v13+s8+$0x0] =	vst.idx.add.f32.msk $0xffff, v16  }
0x1b0: {  	v12 =	vmul.f32 v12, v12;
	v3 =	vmul.f32 $-1.600000000e+01, v3;
	v13 =	vpop (erf)  }
0x1b1: {  	v5 =	vmul.f32 $-1.600000000e+01, v5;
	v9 =	vmul.f32 $-1.600000000e+01, v9;
	v16 =	vpop (erf)  }
0x1b2: {  	v12 =	vmul.f32 $-1.600000000e+01, v12;
	v3 =	vmul.f32 $1.442695020e+00, v3  }
0x1b3: {  	v5 =	vmul.f32 $1.442695020e+00, v5;
	v9 =	vmul.f32 $1.442695020e+00, v9  }
0x1b4: {  	v18 =	vadd.s32 v45, v56;
	v12 =	vmul.f32 $1.442695020e+00, v12;
	v19 =	vpop (erf);
	(erf) = vpow2.f32 v3  }
0x1b5: {  	v4 =	vmul.f32 v4, v55;
	v3 =	vmul.f32 v19, v55  }
0x1b6: {  	v19 =	vmul.f32 v59, v59;
	v21 =	vpop (erf);
	(erf) = vpow2.f32 v15  }
0x1b7: {  	v15 =	vmul.f32 v21, v55;
	v21 =	vpop (erf);
	(erf) = vpow2.f32 v5  }
0x1b8: {  	v5 =	vmul.f32 $-1.600000000e+01, v19;
	(erf) = vpow2.f32 v9  }
0x1b9: {  	v9 =	vmul.f32 v13, v55;
	v13 =	vmul.f32 $1.442695020e+00, v61;
	[tilespmem:v18+s8+$0x0] =	vst.idx.add.f32.msk $0xffff, v15  }
0x1ba: {  	v15 =	vmul.f32 v21, v55;
	(erf) = vpow2.f32 v12  }
0x1bb: {  	v5 =	vmul.f32 $1.442695020e+00, v5;
	(erf) = vpow2.f32 v13  }
0x1bc: {  	v12 =	vmul.f32 v57, v57;
	v13 =	vmul.f32 v58, v58  }
0x1bd: {  	v18 =	vadd.s32 v43, v56;
	v19 =	vpop (erf);
	(erf) = vpow2.f32 v5  }
0x1be: {  	v12 =	vmul.f32 $-1.600000000e+01, v12;
	v5 =	vadd.s32 v50, v56;
	v19 =	vmul.f32 v19, v55  }
0x1bf: {  	v21 =	vadd.s32 v47, v56;
	v13 =	vmul.f32 $-1.600000000e+01, v13;
	v22 =	vpop (erf)  }
0x1c0: {  	v24 =	vadd.s32 v46, v56;
	v2 =	vmul.f32 $1.442695020e+00, v12;
	v22 =	vmul.f32 v22, v55;
	v25 =	vpop (erf)  }
0x1c1: {  	v27 =	vadd.s32 v44, v56;
	v13 =	vmul.f32 $1.442695020e+00, v13;
	v25 =	vmul.f32 v25, v55;
	v28 =	vpop (erf)  }
0x1c2: {  	[tilespmem:v18+s8+$0x0] =	vst.idx.add.f32.msk $0xffff, v22;
	v18 =	vadd.s32 v42, v56;
	v22 =	vmul.f32 v28, v55;
	(erf) = vpow2.f32 v2  }
0x1c3: {  	[tilespmem:v5+s8+$0x0] =	vst.idx.add.f32.msk $0xffff, v9;
	v5 =	vmul.f32 v16, v55;
	v9 =	vadd.s32 v33, v56;
	v12 =	vpop (erf);
	(erf) = vpow2.f32 v13  }
0x1c4: {  	v13 =	vadd.s32 v41, v56;
	[tilespmem:v21+s8+$0x0] =	vst.idx.add.f32.msk $0xffff, v15;
	v12 =	vmul.f32 v12, v55;
	v15 =	vpop (erf)  }
0x1c5: {  	[tilespmem:v24+s8+$0x0] =	vst.idx.add.f32.msk $0xffff, v5;
	v5 =	vmul.f32 v15, v55;
	v15 =	vadd.s32 v48, v56  }
0x1c6: {  	[tilespmem:v27+s8+$0x0] =	vst.idx.add.f32.msk $0xffff, v3;
	v3 =	vadd.s32 v49, v56;
	v16 =	vpop (erf)  }
0x1c7: {  	[tilespmem:v18+s8+$0x0] =	vst.idx.add.f32.msk $0xffff, v5;
	v5 =	vadd.s32 v51, v56;
	v16 =	vmul.f32 v16, v55  }
0x1c8: {  	[tilespmem:v9+s8+$0x0] =	vst.idx.add.f32.msk $0xffff, v4;
	v4 =	vadd.s32 v52, v56  }
0x1c9: {  	v9 =	vadd.s32 v53, v56;
	[tilespmem:v13+s8+$0x0] =	vst.idx.add.f32.msk $0xffff, v19  }
0x1ca: {  	v13 =	vadd.s32 v54, v56;
	[tilespmem:v15+s8+$0x0] =	vst.idx.add.f32.msk $0xffff, v25  }
0x1cb: {  	[tilespmem:v3+s8+$0x0] =	vst.idx.add.f32.msk $0xffff, v22;
	v3 =	vpop (erf)  }
0x1cc: {  	[tilespmem:v5+s8+$0x0] =	vst.idx.add.f32.msk $0xffff, v12;
	v3 =	vmul.f32 v3, v55;
	v5 =	vpop (erf)  }
0x1cd: {  	[tilespmem:v4+s8+$0x0] =	vst.idx.add.f32.msk $0xffff, v16;
	v4 =	vmul.f32 v5, v55  }
0x1ce: {  	[tilespmem:v9+s8+$0x0] =	vst.idx.add.f32.msk $0xffff, v3  }
0x1cf: {  	[tilespmem:v13+s8+$0x0] =	vst.idx.add.f32.msk $0xffff, v4  }
0x1d0: {  	v3 =	vld [tilespmem:s18+$0xFFFFFFF0];
	_ =	sdelay $0x4  }
0x1d1: {  	v4 =	vadd.f32 v10, v3;
	v5 =	vadd.f32 v11, v3  }
0x1d2: {  	v9 =	vadd.f32 v14, v3;
	v12 =	vadd.f32 v17, v3  }
0x1d3: {  	v13 =	vadd.f32 v20, v3;
	v4 =	vmul.f32 v4, v4;
	v5 =	vmul.f32 v5, v5  }
0x1d4: {  	v15 =	vadd.f32 v23, v3;
	v9 =	vmul.f32 v9, v9;
	v12 =	vmul.f32 v12, v12  }
0x1d5: {  	v16 =	vadd.f32 v26, v3;
	v4 =	vmul.f32 $-1.600000000e+01, v4;
	v5 =	vmul.f32 $-1.600000000e+01, v5  }
0x1d6: {  	v18 =	vadd.f32 v29, v3;
	v15 =	vmul.f32 v15, v15;
	v9 =	vmul.f32 $-1.600000000e+01, v9  }
0x1d7: {  	v19 =	vadd.f32 v32, v3;
	v16 =	vmul.f32 v16, v16;
	v4 =	vmul.f32 $1.442695020e+00, v4  }
0x1d8: {  	v21 =	vadd.f32 v34, v3;
	v18 =	vmul.f32 v18, v18;
	v9 =	vmul.f32 $1.442695020e+00, v9  }
0x1d9: {  	v22 =	vadd.f32 v35, v3;
	v16 =	vmul.f32 $-1.600000000e+01, v16;
	(erf) = vpow2.f32 v4  }
0x1da: {  	v4 =	vmul.f32 $1.442695020e+00, v5;
	v5 =	vmul.f32 $-1.600000000e+01, v12;
	v12 =	vadd.f32 v36, v3  }
0x1db: {  	v24 =	vadd.f32 v37, v3;
	v15 =	vmul.f32 $-1.600000000e+01, v15;
	v55 =	vld [tilespmem:s20+$0xFFFFFFF0];
	(erf) = vpow2.f32 v9  }
0x1dc: {  	v9 =	vmul.f32 $-1.600000000e+01, v18;
	v18 =	vmul.f32 v22, v22;
	v22 =	vadd.f32 v38, v3  }
0x1dd: {  	v25 =	vadd.f32 v39, v3;
	v24 =	vmul.f32 v24, v24;
	(erf) = vpow2.f32 v4  }
0x1de: {  	v3 =	vadd.f32 v40, v3;
	v4 =	vmul.f32 v13, v13;
	v13 =	vmul.f32 $1.442695020e+00, v15;
	v56 =	vld [tilespmem:s19+$0xFFFFFFF0]  }
0x1df: {  	v12 =	vmul.f32 v12, v12;
	v9 =	vmul.f32 $1.442695020e+00, v9  }
0x1e0: {  	v16 =	vmul.f32 $1.442695020e+00, v16;
	v5 =	vmul.f32 $1.442695020e+00, v5;
	v15 =	vadd.s32 v0, v55  }
0x1e1: {  	v19 =	vmul.f32 v19, v19;
	v4 =	vmul.f32 $-1.600000000e+01, v4  }
0x1e2: {  	v21 =	vmul.f32 v21, v21;
	v27 =	vpop (erf);
	(erf) = vpow2.f32 v16  }
0x1e3: {  	v4 =	vmul.f32 $1.442695020e+00, v4;
	v2 =	vmul.f32 v27, v56;
	v27 =	vadd.s32 v45, v55  }
0x1e4: {  	v19 =	vmul.f32 $-1.600000000e+01, v19;
	v28 =	vadd.s32 v43, v55;
	v30 =	vpop (erf);
	(erf) = vpow2.f32 v9  }
0x1e5: {  	[tilespmem:v15+s8+$0x0] =	vst.idx.add.f32.msk $0xffff, v2;
	v9 =	vmul.f32 v30, v56;
	(erf) = vpow2.f32 v4  }
0x1e6: {  	v4 =	vmul.f32 $1.442695020e+00, v19;
	v15 =	vmul.f32 $-1.600000000e+01, v21;
	v16 =	vpop (erf)  }
0x1e7: {  	v16 =	vmul.f32 v16, v56;
	(erf) = vpow2.f32 v13  }
0x1e8: {  	v13 =	vmul.f32 $1.442695020e+00, v15;
	v15 =	vmul.f32 $-1.600000000e+01, v18  }
0x1e9: {  	v12 =	vmul.f32 $-1.600000000e+01, v12;
	[tilespmem:v27+s8+$0x0] =	vst.idx.add.f32.msk $0xffff, v16;
	(erf) = vpow2.f32 v4  }
0x1ea: {  	v4 =	vmul.f32 $1.442695020e+00, v15;
	[tilespmem:v28+s8+$0x0] =	vst.idx.add.f32.msk $0xffff, v9;
	(erf) = vpow2.f32 v13  }
0x1eb: {  	v9 =	vmul.f32 $1.442695020e+00, v12;
	(erf) = vpow2.f32 v5;
	v5 =	vpop (erf)  }
0x1ec: {  	v12 =	vmul.f32 v22, v22;
	(erf) = vpow2.f32 v4  }
0x1ed: {  	v4 =	vmul.f32 $-1.600000000e+01, v24;
	v13 =	vpop (erf);
	(erf) = vpow2.f32 v9  }
0x1ee: {  	v12 =	vmul.f32 $-1.600000000e+01, v12;
	v9 =	vmul.f32 v13, v56;
	v13 =	vpop (erf)  }
0x1ef: {  	v15 =	vmul.f32 v25, v25;
	v4 =	vmul.f32 $1.442695020e+00, v4  }
0x1f0: {  	v12 =	vmul.f32 $1.442695020e+00, v12;
	v13 =	vmul.f32 v13, v56;
	v16 =	vpop (erf)  }
0x1f1: {  	v18 =	vadd.s32 v50, v55;
	v16 =	vmul.f32 v16, v56;
	(erf) = vpow2.f32 v4  }
0x1f2: {  	v3 =	vmul.f32 v3, v3;
	v15 =	vmul.f32 $-1.600000000e+01, v15;
	v4 =	vadd.s32 v47, v55;
	v19 =	vpop (erf)  }
0x1f3: {  	v21 =	vadd.s32 v46, v55;
	v19 =	vmul.f32 v19, v56;
	v22 =	vpop (erf);
	(erf) = vpow2.f32 v12  }
0x1f4: {  	v3 =	vmul.f32 $-1.600000000e+01, v3;
	v5 =	vmul.f32 v5, v56;
	v12 =	vadd.s32 v44, v55;
	v24 =	vpop (erf)  }
0x1f5: {  	v25 =	vadd.s32 v42, v55;
	v15 =	vmul.f32 $1.442695020e+00, v15;
	v24 =	vmul.f32 v24, v56;
	v27 =	vpop (erf)  }
0x1f6: {  	v3 =	vmul.f32 $1.442695020e+00, v3;
	v28 =	vadd.s32 v33, v55;
	v27 =	vmul.f32 v27, v56;
	v30 =	vpop (erf)  }
0x1f7: {  	v31 =	vadd.s32 v41, v55;
	v30 =	vmul.f32 v30, v56;
	(erf) = vpow2.f32 v15  }
0x1f8: {  	v15 =	vmul.f32 v22, v56;
	[tilespmem:v18+s8+$0x0] =	vst.idx.add.f32.msk $0xffff, v24;
	v18 =	vadd.s32 v48, v55;
	(erf) = vpow2.f32 v3  }
0x1f9: {  	v3 =	vadd.s32 v49, v55;
	[tilespmem:v4+s8+$0x0] =	vst.idx.add.f32.msk $0xffff, v13  }
0x1fa: {  	v4 =	vadd.s32 v51, v55;
	[tilespmem:v21+s8+$0x0] =	vst.idx.add.f32.msk $0xffff, v16;
	v13 =	vpop (erf)  }
0x1fb: {  	[tilespmem:v12+s8+$0x0] =	vst.idx.add.f32.msk $0xffff, v5;
	v5 =	vmul.f32 v13, v56;
	v12 =	vadd.s32 v52, v55  }
0x1fc: {  	[tilespmem:v25+s8+$0x0] =	vst.idx.add.f32.msk $0xffff, v9;
	v9 =	vpop (erf)  }
0x1fd: {  	[tilespmem:v28+s8+$0x0] =	vst.idx.add.f32.msk $0xffff, v19;
	v9 =	vmul.f32 v9, v56  }
0x1fe: {  	v13 =	vadd.s32 v53, v55;
	[tilespmem:v31+s8+$0x0] =	vst.idx.add.f32.msk $0xffff, v15  }
0x1ff: {  	v15 =	vadd.s32 v54, v55;
	[tilespmem:v18+s8+$0x0] =	vst.idx.add.f32.msk $0xffff, v27  }
0x200: {  	[tilespmem:v3+s8+$0x0] =	vst.idx.add.f32.msk $0xffff, v30;
	v3 =	vpop (erf)  }
0x201: {  	[tilespmem:v4+s8+$0x0] =	vst.idx.add.f32.msk $0xffff, v5;
	v3 =	vmul.f32 v3, v56;
	v4 =	vpop (erf)  }
0x202: {  	[tilespmem:v12+s8+$0x0] =	vst.idx.add.f32.msk $0xffff, v9;
	v4 =	vmul.f32 v4, v56  }
0x203: {  	[tilespmem:v13+s8+$0x0] =	vst.idx.add.f32.msk $0xffff, v3  }
0x204: {  	[tilespmem:v15+s8+$0x0] =	vst.idx.add.f32.msk $0xffff, v4  }
0x205: {  	v3 =	vld [tilespmem:s18+$0x0];
	_ =	sdelay $0x4  }
0x206: {  	v4 =	vadd.f32 v10, v3;
	v5 =	vadd.f32 v17, v3  }
0x207: {  	v9 =	vadd.f32 v11, v3;
	v13 =	vadd.f32 v20, v3  }
0x208: {  	v15 =	vadd.f32 v14, v3;
	v12 =	vadd.f32 v32, v3;
	v4 =	vmul.f32 v4, v4  }
0x209: {  	v16 =	vadd.f32 v26, v3;
	v9 =	vmul.f32 v9, v9;
	v5 =	vmul.f32 v5, v5  }
0x20a: {  	v18 =	vadd.f32 v29, v3;
	v12 =	vmul.f32 v12, v12;
	v4 =	vmul.f32 $-1.600000000e+01, v4  }
0x20b: {  	v19 =	vadd.f32 v23, v3;
	v9 =	vmul.f32 $-1.600000000e+01, v9;
	v5 =	vmul.f32 $-1.600000000e+01, v5  }
0x20c: {  	v63 =	vadd.f32 v34, v3;
	v12 =	vmul.f32 $-1.600000000e+01, v12;
	v4 =	vmul.f32 $1.442695020e+00, v4  }
0x20d: {  	v60 =	vadd.f32 v35, v3;
	v19 =	vmul.f32 v19, v19;
	v9 =	vmul.f32 $1.442695020e+00, v9  }
0x20e: {  	v62 =	vadd.f32 v36, v3;
	v21 =	vmul.f32 $1.442695020e+00, v12;
	(erf) = vpow2.f32 v4  }
0x20f: {  	v16 =	vmul.f32 v16, v16;
	v12 =	vadd.f32 v37, v3;
	v4 =	vmul.f32 $-1.600000000e+01, v19  }
0x210: {  	v59 =	vadd.f32 v38, v3;
	v5 =	vmul.f32 $1.442695020e+00, v5;
	v56 =	vld [tilespmem:s20+$0x0];
	(erf) = vpow2.f32 v21  }
0x211: {  	v57 =	vadd.f32 v39, v3;
	v16 =	vmul.f32 $-1.600000000e+01, v16;
	v4 =	vmul.f32 $1.442695020e+00, v4  }
0x212: {  	v58 =	vadd.f32 v40, v3;
	v13 =	vmul.f32 v13, v13;
	(erf) = vpow2.f32 v5  }
0x213: {  	v3 =	vmul.f32 v15, v15;
	v55 =	vld [tilespmem:s19+$0x0];
	(erf) = vpow2.f32 v4  }
.Ltmp6:
0x214: {  	v5 =	vmul.f32 $1.442695020e+00, v16;
	v4 =	vmul.f32 $-1.600000000e+01, v13;
	(pc) =	sbr.rel @p0 .LBB2_7-.Ltmp6, $4  }
0x215: {  	v2 =	vmul.f32 $-1.600000000e+01, v3;
	v16 =	vmul.f32 v18, v18;
	v13 =	vadd.s32 v0, v56  }
0x216: {  	v18 =	vmul.f32 $1.442695020e+00, v4;
	(erf) = vpow2.f32 v5  }
0x217: {  	v15 =	vmul.f32 $1.442695020e+00, v2;
	v61 =	vmul.f32 $-1.600000000e+01, v16;
	v3 =	vpop (erf)  }
0x218: {  	v16 =	vmul.f32 v3, v55;
	(erf) = vpow2.f32 v9  }
.LBB2_8:
0x219: {  	v3 =	vmul.f32 v63, v63;
	_ =	sdelay $0x1  }
0x21a: {  	(erf) = vpow2.f32 v18;
	v3 =	vmul.f32 $-1.600000000e+01, v3  }
0x21b: {  	v4 =	vmul.f32 v60, v60;
	v5 =	vmul.f32 v62, v62  }
0x21c: {  	v9 =	vmul.f32 v12, v12;
	v3 =	vmul.f32 $1.442695020e+00, v3  }
0x21d: {  	v4 =	vmul.f32 $-1.600000000e+01, v4;
	v5 =	vmul.f32 $-1.600000000e+01, v5  }
0x21e: {  	v9 =	vmul.f32 $-1.600000000e+01, v9;
	(erf) = vpow2.f32 v3  }
0x21f: {  	v3 =	vmul.f32 $1.442695020e+00, v4;
	(erf) = vpow2.f32 v15  }
0x220: {  	v19 =	vmul.f32 v57, v57;
	v5 =	vmul.f32 $1.442695020e+00, v5  }
0x221: {  	v9 =	vmul.f32 $1.442695020e+00, v9;
	v4 =	vpop (erf);
	(erf) = vpow2.f32 v3  }
0x222: {  	v12 =	vpop (erf);
	(erf) = vpow2.f32 v5;
	v5 =	vmul.f32 $1.442695020e+00, v61  }
0x223: {  	v22 =	vmul.f32 v58, v58;
	v3 =	vpop (erf);
	(erf) = vpow2.f32 v9  }
0x224: {  	v9 =	vmul.f32 v59, v59;
	v15 =	vpop (erf);
	(erf) = vpow2.f32 v5  }
0x225: {  	v19 =	vmul.f32 $-1.600000000e+01, v19;
	v5 =	vadd.s32 v45, v56;
	v18 =	vpop (erf)  }
0x226: {  	v24 =	vadd.s32 v43, v56;
	v22 =	vmul.f32 $-1.600000000e+01, v22;
	v9 =	vmul.f32 $-1.600000000e+01, v9;
	v21 =	vpop (erf)  }
0x227: {  	v27 =	vadd.s32 v50, v56;
	v19 =	vmul.f32 $1.442695020e+00, v19;
	v12 =	vmul.f32 v12, v55;
	v25 =	vpop (erf)  }
0x228: {  	v28 =	vadd.s32 v47, v56;
	[tilespmem:v13+s8+$0x0] =	vst.idx.add.f32.msk $0xffff, v16;
	v18 =	vmul.f32 v18, v55;
	v9 =	vmul.f32 $1.442695020e+00, v9;
	v30 =	vpop (erf)  }
0x229: {  	v16 =	vadd.s32 v46, v56;
	v21 =	vmul.f32 v21, v55;
	v13 =	vmul.f32 v30, v55  }
0x22a: {  	[tilespmem:v5+s8+$0x0] =	vst.idx.add.f32.msk $0xffff, v18;
	(erf) = vpow2.f32 v9;
	v9 =	vadd.s32 v44, v56;
	v18 =	vmul.f32 $1.442695020e+00, v22;
	v5 =	vpop (erf)  }
0x22b: {  	(erf) = vpow2.f32 v19;
	v22 =	vpop (erf);
	[tilespmem:v24+s8+$0x0] =	vst.idx.add.f32.msk $0xffff, v13;
	v13 =	vadd.s32 v42, v56  }
0x22c: {  	v3 =	vmul.f32 v3, v55;
	(erf) = vpow2.f32 v18;
	v19 =	vpop (erf);
	[tilespmem:v27+s8+$0x0] =	vst.idx.add.f32.msk $0xffff, v12;
	v12 =	vadd.s32 v33, v56  }
0x22d: {  	v15 =	vmul.f32 v15, v55;
	v18 =	vadd.s32 v41, v56;
	[tilespmem:v28+s8+$0x0] =	vst.idx.add.f32.msk $0xffff, v21;
	v21 =	vpop (erf)  }
0x22e: {  	[tilespmem:v16+s8+$0x0] =	vst.idx.add.f32.msk $0xffff, v3;
	v3 =	vmul.f32 v21, v55;
	v16 =	vadd.s32 v48, v56  }
0x22f: {  	v4 =	vmul.f32 v4, v55;
	[tilespmem:v9+s8+$0x0] =	vst.idx.add.f32.msk $0xffff, v15;
	v9 =	vadd.s32 v49, v56  }
0x230: {  	v15 =	vmul.f32 v25, v55;
	[tilespmem:v13+s8+$0x0] =	vst.idx.add.f32.msk $0xffff, v3;
	v3 =	vadd.s32 v51, v56  }
0x231: {  	v5 =	vmul.f32 v5, v55;
	[tilespmem:v12+s8+$0x0] =	vst.idx.add.f32.msk $0xffff, v4;
	v4 =	vadd.s32 v52, v56  }
0x232: {  	v13 =	vadd.s32 v53, v56;
	v12 =	vmul.f32 v22, v55;
	[tilespmem:v18+s8+$0x0] =	vst.idx.add.f32.msk $0xffff, v15  }
0x233: {  	v15 =	vmul.f32 v19, v55;
	v18 =	vpop (erf);
	[tilespmem:v16+s8+$0x0] =	vst.idx.add.f32.msk $0xffff, v5;
	v5 =	vadd.s32 v54, v56  }
0x234: {  	v16 =	vmul.f32 v18, v55;
	[tilespmem:v9+s8+$0x0] =	vst.idx.add.f32.msk $0xffff, v12;
	v9 =	vpop (erf)  }
0x235: {  	[tilespmem:v3+s8+$0x0] =	vst.idx.add.f32.msk $0xffff, v15;
	v3 =	vmul.f32 v9, v55;
	v9 =	vpop (erf)  }
0x236: {  	[tilespmem:v4+s8+$0x0] =	vst.idx.add.f32.msk $0xffff, v16;
	v4 =	vmul.f32 v9, v55  }
0x237: {  	[tilespmem:v13+s8+$0x0] =	vst.idx.add.f32.msk $0xffff, v3  }
0x238: {  	[tilespmem:v5+s8+$0x0] =	vst.idx.add.f32.msk $0xffff, v4  }
.LBB2_9:
0x239: {  	_ =	swait.ge [sflag:s16], $0x4000  }
0x23a: {  	[sflag:s16] =	ssyncset.done $0x0  }
0x23b: {  	v50 =	vimm.s32 $0x0;
	s18 =	simm.s32 $0x1000;
	s19 =	simm.s32 $0x4080;
	v2 =	vimm.s32 $0x0;
	[sflag:s16] =	ssyncadd.s32 $0xFFFFC000  }
.LBB2_10:
0x23c: {  	v3 =	vld [tilespmem:s19+$0xFFFFFF80]  }
0x23d: {  	v4 =	vld [tilespmem:s19+$0xFFFFFF90]  }
0x23e: {  	v47 =	vld [tilespmem:s19+$0xFFFFFFA0]  }
0x23f: {  	v45 =	vld [tilespmem:s19+$0xFFFFFFB0]  }
0x240: {  	v44 =	vld [tilespmem:s19+$0xFFFFFFC0]  }
0x241: {  	v41 =	vld [tilespmem:s19+$0xFFFFFFD0];
	_ =	sdelay $0x1  }
0x242: {  	v42 =	vld [tilespmem:s19+$0xFFFFFFE0];
	vm0 =	vgt.f32 v3, $0.0e+00;
	vm1 =	vlt.f32 v3, $5.199999810e+00  }
0x243: {  	vm15 =	vgt.f32 v4, $0.0e+00;
	vm6 =	vlt.f32 v4, $5.199999810e+00;
	vm2 =	vgt.f32 v47, $0.0e+00  }
0x244: {  	v43 =	vld [tilespmem:s19+$0xFFFFFFF0];
	vm3 =	vlt.f32 v47, $5.199999810e+00;
	vm8 =	vgt.f32 v45, $0.0e+00;
	vm9 =	vlt.f32 v45, $5.199999810e+00  }
0x245: {  	vm10 =	vgt.f32 v44, $0.0e+00;
	vm5 =	vlt.f32 v44, $5.199999810e+00;
	vm11 =	vgt.f32 v41, $0.0e+00  }
0x246: {  	vm12 =	vlt.f32 v41, $5.199999810e+00;
	v16 =	vmul.f32 v3, v3;
	v18 =	vmul.f32 v4, v4  }
0x247: {  	vm13 =	vgt.f32 v42, $0.0e+00;
	v19 =	vmul.f32 v47, v47;
	v21 =	vmul.f32 v45, v45  }
0x248: {  	vm14 =	vlt.f32 v42, $5.199999810e+00;
	v22 =	vmul.f32 v44, v44;
	v24 =	vmul.f32 v41, v41  }
0x249: {  	v48 =	vmul.f32 v42, v42;
	v46 =	vmul.f32 v43, v43;
	vm7 =	vmand vm0, vm1  }
0x24a: {  	vm6 =	vmand vm15, vm6;
	vm4 =	vmand vm2, vm3;
	vm3 =	vmand vm8, vm9  }
0x24b: {  	vm1 =	vmand vm10, vm5;
	v5 =	vmpcnt.ones.xlane vm7;
	v9 =	vmpcnt.ones.xlane vm6  }
0x24c: {  	vm0 =	vmand vm11, vm12;
	v12 =	vmpcnt.ones.xlane vm4;
	v13 =	vmpcnt.ones.xlane vm3  }
0x24d: {  	vm2 =	vmand vm13, vm14;
	v15 =	vmpcnt.ones.xlane vm1;
	v49 =	vmpcnt.ones.xlane vm0  }
0x24e: {  	vm15 =	vgt.f32 v43, $0.0e+00;
	v25 =	vmul.f32 $1.666742690e-07, v16;
	v27 =	vmul.f32 $1.666742690e-07, v18  }
0x24f: {  	vm8 =	vlt.f32 v43, $5.199999810e+00;
	v28 =	vmul.f32 $1.666742690e-07, v19;
	v30 =	vmul.f32 $1.666742690e-07, v21  }
0x250: {  	v31 =	vmul.f32 $1.666742690e-07, v22;
	v51 =	vmul.f32 $1.666742690e-07, v24;
	v54 =	vsel vm7, $0x1, v2  }
0x251: {  	v52 =	vmul.f32 $1.666742690e-07, v48;
	v53 =	vmul.f32 $1.666742690e-07, v46;
	(xrf0) =	vadd.scan.msk.s32 $0xffff, v54;
	v25 =	vadd.f32 $-3.255732370e-05, v25  }
0x252: {  	v63 =	vsel vm6, $0x1, v2;
	vm5 =	vmand vm15, vm8;
	v56 =	vsel vm4, $0x1, v2  }
0x253: {  	v27 =	vadd.f32 $-3.255732370e-05, v27;
	v28 =	vadd.f32 $-3.255732370e-05, v28;
	v25 =	vmul.f32 v25, v16  }
0x254: {  	v60 =	vsel vm3, $0x1, v2;
	v30 =	vadd.f32 $-3.255732370e-05, v30;
	v31 =	vadd.f32 $-3.255732370e-05, v31  }
0x255: {  	v51 =	vadd.f32 $-3.255732370e-05, v51;
	(xrf0) =	vadd.scan.msk.s32 $0xffff, v63;
	v27 =	vmul.f32 v27, v18;
	v25 =	vadd.f32 $2.764070870e-03, v25  }
0x256: {  	v52 =	vadd.f32 $-3.255732370e-05, v52;
	v53 =	vadd.f32 $-3.255732370e-05, v53;
	v5 =	vadd.s32 v50, v5  }
0x257: {  	v57 =	vld [tilespmem:$0x14190];
	v28 =	vmul.f32 v28, v19;
	v27 =	vadd.f32 $2.764070870e-03, v27;
	v58, _, _ =	vpop (xrf0);
	(xrf0) =	vadd.scan.msk.s32 $0xffff, v56;
	v25 =	vmul.f32 v25, v16  }
0x258: {  	v59 =	vld [tilespmem:$0x141B0];
	v30 =	vmul.f32 v30, v21;
	v31 =	vmul.f32 v31, v22;
	v58 =	vadd.s32 v58, v50  }
0x259: {  	v61 =	vld [tilespmem:$0x141C0];
	v27 =	vmul.f32 v27, v18;
	v58 =	vadd.s32 $0xFFFFFFFF, v58;
	v25 =	vadd.f32 $-9.121182560e-02, v25  }
0x25a: {  	v54 =	vld [tilespmem:$0x14180];
	v51 =	vmul.f32 v51, v24;
	v28 =	vadd.f32 $2.764070870e-03, v28;
	v30 =	vadd.f32 $2.764070870e-03, v30  }
0x25b: {  	v31 =	vadd.f32 $2.764070870e-03, v31;
	v56 =	vld [tilespmem:$0x141A0];
	v62, _, _ =	vpop (xrf0);
	(xrf0) =	vadd.scan.msk.s32 $0xffff, v60;
	v27 =	vadd.f32 $-9.121182560e-02, v27;
	v16 =	vmul.f32 v25, v16  }
0x25c: {  	v28 =	vmul.f32 v28, v19;
	v60 =	vld [tilespmem:$0x141E0];
	v50 =	vadd.s32 v5, v62;
	v62 =	vsel vm1, $0x1, v2  }
0x25d: {  	v50 =	vadd.s32 $0xFFFFFFFF, v50;
	v25 =	vld [tilespmem:$0x141D0];
	v18 =	vmul.f32 v27, v18;
	v63, _, _ =	vpop (xrf0);
	(xrf0) =	vadd.scan.msk.s32 $0xffff, v62;
	v16 =	vadd.f32 $9.999794960e-01, v16  }
0x25e: {  	v51 =	vadd.f32 $2.764070870e-03, v51;
	v30 =	vmul.f32 v30, v21;
	v5 =	vadd.s32 v9, v5;
	v62 =	vld [tilespmem:$0x141F0];
	[tilespmem:v58+s9+$0x0] =	vst.idx.msk vm7, v3  }
0x25f: {  	v9 =	vadd.f32 $-9.121182560e-02, v28;
	v3 =	vadd.s32 v5, v63;
	[tilespmem:v58+s10+$0x0] =	vst.idx.msk vm7, v16;
	v16 =	vadd.f32 $9.999794960e-01, v18  }
0x260: {  	v28 =	vsel vm0, $0x1, v2;
	v27 =	vadd.s32 s18, v54;
	v3 =	vadd.s32 $0xFFFFFFFF, v3  }
0x261: {  	v31 =	vmul.f32 v31, v22;
	v9 =	vmul.f32 v9, v19;
	v18, _, _ =	vpop (xrf0);
	(xrf0) =	vadd.scan.msk.s32 $0xffff, v28;
	[tilespmem:v58+s15+$0x0] =	vst.idx.msk vm7, v27  }
0x262: {  	v19 =	vsel vm2, $0x1, v2;
	v5 =	vadd.s32 v12, v5;
	v12 =	vadd.f32 $-9.121182560e-02, v30;
	[tilespmem:v50+s9+$0x0] =	vst.idx.msk vm6, v4  }
0x263: {  	v4 =	vadd.s32 v5, v18;
	v18 =	vadd.s32 s18, v57;
	v5 =	vadd.s32 v13, v5;
	[tilespmem:v50+s10+$0x0] =	vst.idx.msk vm6, v16;
	v16, _, _ =	vpop (xrf0)  }
0x264: {  	v9 =	vadd.f32 $9.999794960e-01, v9;
	v4 =	vadd.s32 $0xFFFFFFFF, v4;
	[tilespmem:v50+s15+$0x0] =	vst.idx.msk vm6, v18;
	v16 =	vadd.s32 v5, v16  }
0x265: {  	v52 =	vmul.f32 v52, v48;
	v51 =	vmul.f32 v51, v24;
	(xrf0) =	vadd.scan.msk.s32 $0xffff, v19;
	[tilespmem:v3+s9+$0x0] =	vst.idx.msk vm4, v47  }
0x266: {  	v12 =	vmul.f32 v12, v21;
	v13 =	vadd.f32 $-9.121182560e-02, v31;
	v18 =	vadd.s32 s18, v56;
	[tilespmem:v3+s10+$0x0] =	vst.idx.msk vm4, v9  }
0x267: {  	v19 =	vsel vm5, $0x1, v2;
	v9 =	vadd.s32 $0xFFFFFFFF, v16;
	[tilespmem:v3+s15+$0x0] =	vst.idx.msk vm4, v18;
	v3 =	vadd.s32 v15, v5;
	v16, _, _ =	vpop (xrf0)  }
0x268: {  	v12 =	vadd.f32 $9.999794960e-01, v12;
	(xrf0) =	vadd.scan.msk.s32 $0xffff, v19;
	v15 =	vadd.s32 v3, v16;
	v16 =	vadd.f32 $-9.121182560e-02, v51  }
0x269: {  	v53 =	vmul.f32 v53, v46;
	v13 =	vmul.f32 v13, v22;
	v5 =	vadd.f32 $2.764070870e-03, v52;
	[tilespmem:v4+s9+$0x0] =	vst.idx.msk vm3, v45  }
0x26a: {  	v18 =	vadd.s32 s18, v59;
	[tilespmem:v4+s10+$0x0] =	vst.idx.msk vm3, v12;
	v12 =	vadd.s32 $0xFFFFFFFF, v15;
	v16 =	vmul.f32 v16, v24  }
0x26b: {  	v13 =	vadd.f32 $9.999794960e-01, v13;
	v5 =	vmul.f32 v5, v48;
	v3 =	vadd.s32 v49, v3;
	[tilespmem:v4+s15+$0x0] =	vst.idx.msk vm3, v18;
	v15, _, _ =	vpop (xrf0)  }
0x26c: {  	v55 =	vmpcnt.ones.xlane vm2;
	v4 =	vadd.f32 $2.764070870e-03, v53;
	[tilespmem:v9+s9+$0x0] =	vst.idx.msk vm1, v44;
	v15 =	vadd.s32 v3, v15  }
0x26d: {  	v18 =	vadd.s32 s18, v61;
	v5 =	vadd.f32 $-9.121182560e-02, v5;
	[tilespmem:v9+s10+$0x0] =	vst.idx.msk vm1, v13;
	v13 =	vadd.s32 $0xFFFFFFFF, v15  }
0x26e: {  	v4 =	vmul.f32 v4, v46;
	[tilespmem:v9+s15+$0x0] =	vst.idx.msk vm1, v18;
	v3 =	vadd.s32 v55, v3;
	v15 =	vadd.f32 $9.999794960e-01, v16;
	v16, _, _ =	vpop (xrf0)  }
0x26f: {  	v5 =	vmul.f32 v5, v48;
	[tilespmem:v12+s9+$0x0] =	vst.idx.msk vm0, v41;
	v9 =	vadd.s32 v3, v16  }
0x270: {  	v4 =	vadd.f32 $-9.121182560e-02, v4;
	v16 =	vadd.s32 s18, v25;
	[tilespmem:v12+s10+$0x0] =	vst.idx.msk vm0, v15;
	v9 =	vadd.s32 $0xFFFFFFFF, v9  }
0x271: {  	v5 =	vadd.f32 $9.999794960e-01, v5;
	[tilespmem:v12+s15+$0x0] =	vst.idx.msk vm0, v16  }
0x272: {  	v4 =	vmul.f32 v4, v46;
	[tilespmem:v13+s9+$0x0] =	vst.idx.msk vm2, v42  }
0x273: {  	v12 =	vadd.s32 s18, v60;
	[tilespmem:v13+s10+$0x0] =	vst.idx.msk vm2, v5  }
0x274: {  	v4 =	vadd.f32 $9.999794960e-01, v4;
	[tilespmem:v13+s15+$0x0] =	vst.idx.msk vm2, v12  }
0x275: {  	[tilespmem:v9+s9+$0x0] =	vst.idx.msk vm5, v43  }
0x276: {  	v5 =	vadd.s32 s18, v62;
	[tilespmem:v9+s10+$0x0] =	vst.idx.msk vm5, v4  }
0x277: {  	[tilespmem:v9+s15+$0x0] =	vst.idx.msk vm5, v5  }
0x278: {  	v4 =	vld [tilespmem:s19+$0x0]  }
0x279: {  	v50 =	vld [tilespmem:s19+$0x10]  }
0x27a: {  	v46 =	vld [tilespmem:s19+$0x20]  }
0x27b: {  	v45 =	vld [tilespmem:s19+$0x30]  }
0x27c: {  	v5 =	vmpcnt.ones.xlane vm5;
	v44 =	vld [tilespmem:s19+$0x40]  }
0x27d: {  	v41 =	vld [tilespmem:s19+$0x50]  }
0x27e: {  	v42 =	vld [tilespmem:s19+$0x60];
	v3 =	vadd.s32 v5, v3  }
0x27f: {  	v43 =	vld [tilespmem:s19+$0x70];
	vm8 =	vgt.f32 v4, $0.0e+00;
	vm9 =	vlt.f32 v4, $5.199999810e+00;
	vm10 =	vgt.f32 v50, $0.0e+00  }
0x280: {  	vm11 =	vlt.f32 v50, $5.199999810e+00;
	vm12 =	vgt.f32 v46, $0.0e+00;
	v16 =	vmul.f32 v4, v4  }
0x281: {  	vm13 =	vlt.f32 v46, $5.199999810e+00;
	v18 =	vmul.f32 v50, v50;
	v19 =	vmul.f32 v46, v46  }
0x282: {  	vm14 =	vgt.f32 v45, $0.0e+00;
	v21 =	vmul.f32 v45, v45;
	v22 =	vmul.f32 v44, v44  }
0x283: {  	vm15 =	vlt.f32 v45, $5.199999810e+00;
	v24 =	vmul.f32 v41, v41;
	v48 =	vmul.f32 v42, v42  }
0x284: {  	v47 =	vmul.f32 v43, v43;
	vm7 =	vmand vm8, vm9;
	vm6 =	vmand vm10, vm11  }
0x285: {  	vm4 =	vmand vm12, vm13;
	vm8 =	vgt.f32 v44, $0.0e+00;
	vm9 =	vlt.f32 v44, $5.199999810e+00  }
0x286: {  	vm3 =	vmand vm14, vm15;
	vm10 =	vgt.f32 v41, $0.0e+00;
	vm11 =	vlt.f32 v41, $5.199999810e+00  }
0x287: {  	vm12 =	vgt.f32 v42, $0.0e+00;
	vm13 =	vlt.f32 v42, $5.199999810e+00;
	v9 =	vmpcnt.ones.xlane vm7  }
0x288: {  	vm14 =	vgt.f32 v43, $0.0e+00;
	v12 =	vmpcnt.ones.xlane vm6;
	v13 =	vmpcnt.ones.xlane vm4  }
0x289: {  	vm15 =	vlt.f32 v43, $5.199999810e+00;
	v15 =	vmpcnt.ones.xlane vm3;
	v25 =	vmul.f32 $1.666742690e-07, v16  }
0x28a: {  	vm1 =	vmand vm8, vm9;
	v27 =	vmul.f32 $1.666742690e-07, v18;
	v28 =	vmul.f32 $1.666742690e-07, v19  }
0x28b: {  	vm0 =	vmand vm10, vm11;
	v30 =	vmul.f32 $1.666742690e-07, v21;
	v31 =	vmul.f32 $1.666742690e-07, v22  }
0x28c: {  	vm2 =	vmand vm12, vm13;
	v57 =	vmul.f32 $1.666742690e-07, v24;
	v58 =	vmul.f32 $1.666742690e-07, v48  }
0x28d: {  	v59 =	vmul.f32 $1.666742690e-07, v47;
	v60 =	vsel vm7, $0x1, v2;
	v61 =	vsel vm6, $0x1, v2  }
0x28e: {  	vm5 =	vmand vm14, vm15;
	v62 =	vsel vm4, $0x1, v2;
	v25 =	vadd.f32 $-3.255732370e-05, v25  }
0x28f: {  	v5 =	vmpcnt.ones.xlane vm1;
	(xrf0) =	vadd.scan.msk.s32 $0xffff, v60;
	v27 =	vadd.f32 $-3.255732370e-05, v27;
	v28 =	vadd.f32 $-3.255732370e-05, v28  }
0x290: {  	v49 =	vmpcnt.ones.xlane vm0;
	v30 =	vadd.f32 $-3.255732370e-05, v30;
	v31 =	vadd.f32 $-3.255732370e-05, v31  }
0x291: {  	v51 =	vadd.f32 $-3.255732370e-05, v57;
	(xrf0) =	vadd.scan.msk.s32 $0xffff, v61;
	v25 =	vmul.f32 v25, v16;
	v27 =	vmul.f32 v27, v18  }
0x292: {  	v52 =	vadd.f32 $-3.255732370e-05, v58;
	v28 =	vmul.f32 v28, v19;
	v30 =	vmul.f32 v30, v21  }
0x293: {  	v31 =	vmul.f32 v31, v22;
	v25 =	vadd.f32 $2.764070870e-03, v25;
	v27 =	vadd.f32 $2.764070870e-03, v27  }
0x294: {  	v53 =	vadd.f32 $-3.255732370e-05, v59;
	v51 =	vmul.f32 v51, v24;
	v52 =	vmul.f32 v52, v48  }
0x295: {  	v54 =	vld [tilespmem:$0x14200];
	v60 =	vsel vm3, $0x1, v2;
	v63, _, _ =	vpop (xrf0);
	(xrf0) =	vadd.scan.msk.s32 $0xffff, v62;
	v25 =	vmul.f32 v25, v16;
	v27 =	vmul.f32 v27, v18  }
0x296: {  	v56 =	vld [tilespmem:$0x14220];
	v53 =	vmul.f32 v53, v47;
	v31 =	vadd.f32 $2.764070870e-03, v31;
	v58 =	vadd.s32 v63, v3  }
0x297: {  	v57 =	vld [tilespmem:$0x14210];
	v62, _, _ =	vpop (xrf0);
	(xrf0) =	vadd.scan.msk.s32 $0xffff, v60;
	v58 =	vadd.s32 $0xFFFFFFFF, v58;
	v25 =	vadd.f32 $-9.121182560e-02, v25;
	v27 =	vadd.f32 $-9.121182560e-02, v27  }
0x298: {  	v59 =	vld [tilespmem:$0x14230];
	v28 =	vadd.f32 $2.764070870e-03, v28;
	v3 =	vadd.s32 v3, v9;
	v9 =	vmul.f32 v31, v22  }
0x299: {  	v61 =	vld [tilespmem:$0x14240];
	v31 =	vadd.s32 v3, v62;
	v16 =	vmul.f32 v25, v16;
	v18 =	vmul.f32 v27, v18  }
0x29a: {  	v28 =	vmul.f32 v28, v19;
	v60 =	vld [tilespmem:$0x14260];
	v62 =	vsel vm1, $0x1, v2;
	v31 =	vadd.s32 $0xFFFFFFFF, v31  }
0x29b: {  	v30 =	vadd.f32 $2.764070870e-03, v30;
	v3 =	vadd.s32 v12, v3;
	v25 =	vld [tilespmem:$0x14250];
	v63, _, _ =	vpop (xrf0);
	(xrf0) =	vadd.scan.msk.s32 $0xffff, v62;
	v16 =	vadd.f32 $9.999794960e-01, v16  }
0x29c: {  	v12 =	vadd.f32 $-9.121182560e-02, v28;
	v27 =	vadd.s32 s18, v54;
	v62 =	vld [tilespmem:$0x14270];
	[tilespmem:v58+s9+$0x0] =	vst.idx.msk vm7, v4;
	v4 =	vadd.s32 v3, v63  }
0x29d: {  	v3 =	vadd.s32 v13, v3;
	v4 =	vadd.s32 $0xFFFFFFFF, v4;
	[tilespmem:v58+s10+$0x0] =	vst.idx.msk vm7, v16;
	v16 =	vadd.f32 $9.999794960e-01, v18;
	v18, _, _ =	vpop (xrf0)  }
0x29e: {  	v30 =	vmul.f32 v30, v21;
	v28 =	vsel vm0, $0x1, v2;
	[tilespmem:v58+s15+$0x0] =	vst.idx.msk vm7, v27;
	v18 =	vadd.s32 v3, v18  }
0x29f: {  	v51 =	vadd.f32 $2.764070870e-03, v51;
	v12 =	vmul.f32 v12, v19;
	(xrf0) =	vadd.scan.msk.s32 $0xffff, v28;
	[tilespmem:v31+s9+$0x0] =	vst.idx.msk vm6, v50  }
0x2a0: {  	v19 =	vadd.s32 s18, v57;
	v13 =	vadd.f32 $-9.121182560e-02, v30;
	[tilespmem:v31+s10+$0x0] =	vst.idx.msk vm6, v16;
	v16 =	vadd.s32 $0xFFFFFFFF, v18  }
0x2a1: {  	v12 =	vadd.f32 $9.999794960e-01, v12;
	v27 =	vsel vm2, $0x1, v2;
	v3 =	vadd.s32 v15, v3;
	v18, _, _ =	vpop (xrf0);
	[tilespmem:v31+s15+$0x0] =	vst.idx.msk vm6, v19  }
0x2a2: {  	v13 =	vmul.f32 v13, v21;
	(xrf0) =	vadd.scan.msk.s32 $0xffff, v27;
	[tilespmem:v4+s9+$0x0] =	vst.idx.msk vm4, v46;
	v15 =	vadd.s32 v3, v18  }
0x2a3: {  	v51 =	vmul.f32 v51, v24;
	v9 =	vadd.f32 $-9.121182560e-02, v9;
	v18 =	vadd.s32 s18, v56;
	[tilespmem:v4+s10+$0x0] =	vst.idx.msk vm4, v12  }
0x2a4: {  	v13 =	vadd.f32 $9.999794960e-01, v13;
	v19 =	vsel vm5, $0x1, v2;
	v12 =	vadd.s32 $0xFFFFFFFF, v15;
	[tilespmem:v4+s15+$0x0] =	vst.idx.msk vm4, v18  }
0x2a5: {  	v3 =	vadd.s32 v5, v3;
	v5 =	vmul.f32 v9, v22;
	v15, _, _ =	vpop (xrf0);
	(xrf0) =	vadd.scan.msk.s32 $0xffff, v19;
	[tilespmem:v16+s9+$0x0] =	vst.idx.msk vm3, v45  }
0x2a6: {  	v4 =	vadd.f32 $2.764070870e-03, v52;
	v18 =	vadd.s32 s18, v59;
	v9 =	vadd.s32 v3, v15;
	[tilespmem:v16+s10+$0x0] =	vst.idx.msk vm3, v13  }
0x2a7: {  	v15 =	vadd.f32 $-9.121182560e-02, v51;
	v9 =	vadd.s32 $0xFFFFFFFF, v9;
	[tilespmem:v16+s15+$0x0] =	vst.idx.msk vm3, v18;
	v16 =	vadd.f32 $2.764070870e-03, v53  }
0x2a8: {  	v5 =	vadd.f32 $9.999794960e-01, v5;
	v4 =	vmul.f32 v4, v48;
	v3 =	vadd.s32 v49, v3;
	v13, _, _ =	vpop (xrf0)  }
0x2a9: {  	v55 =	vmpcnt.ones.xlane vm2;
	v15 =	vmul.f32 v15, v24;
	[tilespmem:v12+s9+$0x0] =	vst.idx.msk vm1, v44;
	v13 =	vadd.s32 v3, v13  }
0x2aa: {  	v18 =	vadd.s32 s18, v61;
	v4 =	vadd.f32 $-9.121182560e-02, v4;
	[tilespmem:v12+s10+$0x0] =	vst.idx.msk vm1, v5;
	v5 =	vadd.s32 $0xFFFFFFFF, v13  }
0x2ab: {  	v3 =	vadd.s32 v55, v3;
	v13 =	vmul.f32 v16, v47;
	v15 =	vadd.f32 $9.999794960e-01, v15;
	[tilespmem:v12+s15+$0x0] =	vst.idx.msk vm1, v18;
	v16, _, _ =	vpop (xrf0)  }
0x2ac: {  	v4 =	vmul.f32 v4, v48;
	[tilespmem:v9+s9+$0x0] =	vst.idx.msk vm0, v41;
	v12 =	vadd.s32 v3, v16  }
0x2ad: {  	v13 =	vadd.f32 $-9.121182560e-02, v13;
	v16 =	vadd.s32 s18, v25;
	[tilespmem:v9+s10+$0x0] =	vst.idx.msk vm0, v15;
	v12 =	vadd.s32 $0xFFFFFFFF, v12  }
0x2ae: {  	v4 =	vadd.f32 $9.999794960e-01, v4;
	[tilespmem:v9+s15+$0x0] =	vst.idx.msk vm0, v16  }
0x2af: {  	p0 =	sne.s32 s18, $0x1FC0;
	v9 =	vmul.f32 v13, v47;
	[tilespmem:v5+s9+$0x0] =	vst.idx.msk vm2, v42  }
.Ltmp7:
0x2b0: {  	v13 =	vadd.s32 s18, v60;
	[tilespmem:v5+s10+$0x0] =	vst.idx.msk vm2, v4;
	(pc) =	sbr.rel @p0 .LBB2_10-.Ltmp7, $4  }
0x2b1: {  	v4 =	vadd.f32 $9.999794960e-01, v9;
	[tilespmem:v5+s15+$0x0] =	vst.idx.msk vm2, v13  }
0x2b2: {  	v5 =	vmpcnt.ones.xlane vm5;
	[tilespmem:v12+s9+$0x0] =	vst.idx.msk vm5, v43  }
0x2b3: {  	v9 =	vadd.s32 s18, v62;
	[tilespmem:v12+s10+$0x0] =	vst.idx.msk vm5, v4  }
0x2b4: {  	s19 =	sadd.s32 $0x100, s19;
	s18 =	sadd.s32 $0x40, s18;
	v50 =	vadd.s32 v5, v3;
	[tilespmem:v12+s15+$0x0] =	vst.idx.msk vm5, v9  }
0x2b5: {  	(v2sf) =	vpush v50, $0x0;
	_ =	sdelay $0xe  }
0x2b6: {  	s18 =	spop (v2sf)  }
0x2b7: {  	v19 =	vld [tilespmem:$0x1FFF0];
	s18 =	sadd.s32 $0x1F, s18  }
0x2b8: {  	s19 =	sand.u32 $0x1F, s18  }
0x2b9: {  	v3 =	vadd.s32 v0, v50;
	s31 =	sshra.s32 s18, $0x1F;
	p1 =	slt.s32 s18, $0x1;
	p0 =	sne.s32 s19, $0x0  }
0x2ba: {  	s19 =	sshrl.u32 s31, $0x1B;
	p0 =	por !p1, !p0  }
0x2bb: {  	s18 =	sadd.s32 s19, s18;
	s19 =	simm.s32 $0x1;
	p0 =	por !p0, !p0  }
0x2bc: {  	v4 =	vadd.s32 v19, v50;
	s18 =	sshra.s32 s18, $0x5;
	s19 =	simm.s32 @!p0 $0x0  }
0x2bd: {  	s21 =	ssub.s32 s18, s19  }
0x2be: {  	[tilespmem:v3+s9+$0x0] =	vst.idx.msk $0xffff, v1;
	p0 =	slt.s32 s21, $0x1  }
.Ltmp8:
0x2bf: {  	[tilespmem:v3+s10+$0x0] =	vst.idx.msk $0xffff, v1;
	(pc) =	sbr.rel @p0 .LBB2_15-.Ltmp8, $4  }
0x2c0: {  	[tilespmem:v3+s15+$0x0] =	vst.idx.msk $0xffff, v2  }
0x2c1: {  	[tilespmem:v4+s9+$0x0] =	vst.idx.msk $0xffff, v1  }
0x2c2: {  	[tilespmem:v4+s10+$0x0] =	vst.idx.msk $0xffff, v1  }
0x2c3: {  	[tilespmem:v4+s15+$0x0] =	vst.idx.msk $0xffff, v2  }
0x2c4: {  	v16 =	vld [tilespmem:$0x1FF40]  }
0x2c5: {  	v18 =	vld [tilespmem:$0x1FF50]  }
0x2c6: {  	v9 =	vld [tilespmem:$0x1FF60]  }
0x2c7: {  	v12 =	vld [tilespmem:$0x1FF70]  }
0x2c8: {  	v19 =	vld [tilespmem:$0x1FF00]  }
0x2c9: {  	v22 =	vld [tilespmem:$0x1FF10]  }
0x2ca: {  	v13 =	vld [tilespmem:$0x1FF20]  }
0x2cb: {  	v15 =	vld [tilespmem:$0x1FF30]  }
0x2cc: {  	v58 =	vld [tilespmem:$0x1FFA0]  }
0x2cd: {  	v59 =	vld [tilespmem:$0x1FFB0]  }
0x2ce: {  	v2 =	vld [tilespmem:$0x1FEE0]  }
0x2cf: {  	v21 =	vld [tilespmem:$0x1FEF0]  }
0x2d0: {  	v56 =	vld [tilespmem:$0x1FF80]  }
0x2d1: {  	s18 =	simm.s32 $0x8010;
	v57 =	vld [tilespmem:$0x1FF90]  }
0x2d2: {  	v3 =	vld [tilespmem:s18+$0xFFFFFFF0];
	v51 =	vcombine.low v16, v18  }
0x2d3: {  	v52 =	vcombine.low v9, v12;
	v48 =	vcombine.low v19, v22  }
0x2d4: {  	v49 =	vcombine.low v13, v15;
	v4 =	vcombine.low v59, v58  }
0x2d5: {  	v5 =	vcombine.low v2, v21;
	v9 =	vcombine.low v12, v9  }
0x2d6: {  	v12 =	vcombine.low v57, v56;
	v13 =	vcombine.low v15, v13  }
0x2d7: {  	v15 =	vcombine.low v18, v16;
	v16 =	vadd.f32 v10, v3;
	v18 =	vadd.f32 v11, v3  }
0x2d8: {  	v19 =	vcombine.low v22, v19;
	v22 =	vadd.f32 v14, v3;
	v24 =	vadd.f32 v17, v3  }
0x2d9: {  	v21 =	vcombine.low v21, v2;
	v25 =	vadd.f32 v23, v3;
	v27 =	vadd.f32 v26, v3  }
0x2da: {  	v28 =	vadd.f32 v29, v3;
	v30 =	vadd.f32 v37, v3;
	v16 =	vmul.f32 v16, v16  }
0x2db: {  	v31 =	vadd.f32 v36, v3;
	v18 =	vmul.f32 v18, v18;
	v22 =	vmul.f32 v22, v22  }
0x2dc: {  	v41 =	vadd.f32 v32, v3;
	v24 =	vmul.f32 v24, v24;
	v25 =	vmul.f32 v25, v25  }
0x2dd: {  	v42 =	vadd.f32 v34, v3;
	v27 =	vmul.f32 v27, v27;
	v28 =	vmul.f32 v28, v28  }
0x2de: {  	v50 =	vadd.f32 v39, v3;
	v30 =	vmul.f32 v30, v30;
	v31 =	vmul.f32 v31, v31  }
0x2df: {  	v41 =	vmul.f32 v41, v41;
	v16 =	vmul.f32 $-1.600000000e+01, v16  }
0x2e0: {  	v47 =	vand.u32 $0xF, v15;
	v42 =	vmul.f32 v42, v42;
	v15 =	vmul.f32 v50, v50  }
0x2e1: {  	v18 =	vmul.f32 $-1.600000000e+01, v18;
	v16 =	vmul.f32 $1.442695020e+00, v16  }
0x2e2: {  	v22 =	vmul.f32 $-1.600000000e+01, v22;
	v27 =	vmul.f32 $-1.600000000e+01, v27  }
0x2e3: {  	v24 =	vmul.f32 $-1.600000000e+01, v24;
	(erf) = vpow2.f32 v16  }
0x2e4: {  	v25 =	vmul.f32 $-1.600000000e+01, v25;
	v22 =	vmul.f32 $1.442695020e+00, v22  }
0x2e5: {  	v28 =	vmul.f32 $-1.600000000e+01, v28;
	v41 =	vmul.f32 $-1.600000000e+01, v41  }
0x2e6: {  	v18 =	vmul.f32 $1.442695020e+00, v18;
	(erf) = vpow2.f32 v22;
	v22 =	vadd.f32 v20, v3  }
0x2e7: {  	s19 =	simm.s32 $0xC090;
	v44 =	vand.u32 $0xF, v12;
	v42 =	vmul.f32 $-1.600000000e+01, v42;
	v12 =	vmul.f32 $-1.600000000e+01, v30  }
0x2e8: {  	(erf) = vpow2.f32 v18;
	v18 =	vld [tilespmem:s19+$0xFFFFFFF0];
	v22 =	vmul.f32 v22, v22  }
0x2e9: {  	v25 =	vmul.f32 $1.442695020e+00, v25;
	v28 =	vmul.f32 $1.442695020e+00, v28;
	v16 =	vadd.f32 v35, v3  }
0x2ea: {  	s20 =	simm.s32 $0x10110;
	v27 =	vmul.f32 $1.442695020e+00, v27;
	v22 =	vmul.f32 $-1.600000000e+01, v22  }
0x2eb: {  	v55 =	vld [tilespmem:s20+$0xFFFFFFF0];
	v24 =	vmul.f32 $1.442695020e+00, v24;
	v16 =	vmul.f32 v16, v16  }
0x2ec: {  	v22 =	vmul.f32 $1.442695020e+00, v22;
	v43 =	vpop (erf);
	(erf) = vpow2.f32 v27  }
0x2ed: {  	v53 =	vmul.f32 v43, v18;
	(erf) = vpow2.f32 v28  }
0x2ee: {  	(erf) = vpow2.f32 v22;
	v22 =	vmul.f32 $1.442695020e+00, v41  }
0x2ef: {  	v43 =	vand.u32 $0xF, v19;
	v19 =	vmul.f32 $1.442695020e+00, v42;
	(erf) = vpow2.f32 v25  }
0x2f0: {  	v54 =	vadd.s32 v0, v55;
	v16 =	vmul.f32 $-1.600000000e+01, v16;
	(erf) = vpow2.f32 v22  }
0x2f1: {  	v27 =	vadd.f32 v38, v3;
	v63 =	vpop (erf);
	v22 =	vmul.f32 $-1.600000000e+01, v31;
	(erf) = vpow2.f32 v19  }
0x2f2: {  	v45 =	vand.u32 $0xF, v21;
	v16 =	vmul.f32 $1.442695020e+00, v16;
	v25 =	vpop (erf);
	(erf) = vpow2.f32 v24  }
0x2f3: {  	v46 =	vand.u32 $0xF, v9;
	v42 =	vand.u32 $0xF, v4;
	v4 =	vmul.f32 v27, v27  }
0x2f4: {  	v15 =	vmul.f32 $-1.600000000e+01, v15;
	v12 =	vmul.f32 $1.442695020e+00, v12;
	v3 =	vadd.f32 v40, v3  }
0x2f5: {  	v41 =	vand.u32 $0xF, v5;
	v4 =	vmul.f32 $-1.600000000e+01, v4;
	v5 =	vmul.f32 $1.442695020e+00, v22;
	v22 =	vpop (erf)  }
0x2f6: {  	v21 =	vadd.s32 v45, v55;
	v3 =	vmul.f32 v3, v3;
	(erf) = vpow2.f32 v16;
	v16 =	vpop (erf)  }
0x2f7: {  	v50 =	vand.u32 $0xF, v13;
	v15 =	vmul.f32 $1.442695020e+00, v15;
	v4 =	vmul.f32 $1.442695020e+00, v4;
	v9 =	vpop (erf)  }
0x2f8: {  	v3 =	vmul.f32 $-1.600000000e+01, v3;
	v19 =	vadd.s32 v43, v55;
	v24 =	vmul.f32 v25, v18;
	v13 =	vpop (erf)  }
0x2f9: {  	(erf) = vpow2.f32 v5;
	v5 =	vmul.f32 v16, v18;
	v16 =	vadd.s32 v50, v55;
	v25 =	vpop (erf)  }
0x2fa: {  	v28 =	vmul.f32 v63, v18;
	[tilespmem:v54+s8+$0x0] =	vst.idx.add.f32.msk $0xffff, v53;
	(erf) = vpow2.f32 v12;
	v12 =	vadd.s32 v47, v55;
	v27 =	vpop (erf)  }
0x2fb: {  	v30 =	vadd.s32 v46, v55;
	v3 =	vmul.f32 $1.442695020e+00, v3;
	[tilespmem:v21+s8+$0x0] =	vst.idx.add.f32.msk $0xffff, v24;
	(erf) = vpow2.f32 v4;
	v4 =	vpop (erf)  }
0x2fc: {  	v21 =	vadd.s32 v44, v55;
	v9 =	vmul.f32 v9, v18;
	v4 =	vmul.f32 v4, v18  }
0x2fd: {  	[tilespmem:v19+s8+$0x0] =	vst.idx.add.f32.msk $0xffff, v28;
	v19 =	vadd.s32 v42, v55;
	v13 =	vmul.f32 v13, v18;
	(erf) = vpow2.f32 v15  }
0x2fe: {  	v24 =	vadd.s32 v33, v55;
	(erf) = vpow2.f32 v3;
	v3 =	vmul.f32 v22, v18;
	[tilespmem:v16+s8+$0x0] =	vst.idx.add.f32.msk $0xffff, v4  }
0x2ff: {  	v48 =	vand.u32 $0xF, v48;
	v15 =	vmul.f32 v25, v18;
	v4 =	vadd.s32 v41, v55;
	[tilespmem:v12+s8+$0x0] =	vst.idx.add.f32.msk $0xffff, v9  }
0x300: {  	v49 =	vand.u32 $0xF, v49;
	v16 =	vcombine.low v56, v57;
	v12 =	vadd.s32 v48, v55;
	[tilespmem:v30+s8+$0x0] =	vst.idx.add.f32.msk $0xffff, v13  }
0x301: {  	v51 =	vand.u32 $0xF, v51;
	v9 =	vmul.f32 v27, v18;
	v13 =	vadd.s32 v49, v55;
	[tilespmem:v21+s8+$0x0] =	vst.idx.add.f32.msk $0xffff, v3  }
0x302: {  	v52 =	vand.u32 $0xF, v52;
	v3 =	vpop (erf);
	v21 =	vadd.s32 v51, v55;
	[tilespmem:v19+s8+$0x0] =	vst.idx.add.f32.msk $0xffff, v5;
	v5 =	vcombine.low v58, v59  }
0x303: {  	v22 =	vadd.s32 v52, v55;
	v53 =	vand.u32 $0xF, v16;
	v3 =	vmul.f32 v3, v18;
	v19 =	vpop (erf);
	[tilespmem:v24+s8+$0x0] =	vst.idx.add.f32.msk $0xffff, v15  }
0x304: {  	v15 =	vmul.f32 v19, v18;
	v16 =	vpop (erf);
	[tilespmem:v4+s8+$0x0] =	vst.idx.add.f32.msk $0xffff, v9;
	v4 =	vadd.s32 v53, v55;
	v54 =	vand.u32 $0xF, v5  }
0x305: {  	v5 =	vmul.f32 v16, v18;
	v9 =	vpop (erf);
	[tilespmem:v12+s8+$0x0] =	vst.idx.add.f32.msk $0xffff, v3;
	v3 =	vadd.s32 v54, v55  }
0x306: {  	v9 =	vmul.f32 v9, v18;
	v12 =	vpop (erf);
	[tilespmem:v13+s8+$0x0] =	vst.idx.add.f32.msk $0xffff, v15  }
0x307: {  	[tilespmem:v21+s8+$0x0] =	vst.idx.add.f32.msk $0xffff, v5;
	v5 =	vmul.f32 v12, v18;
	v12 =	vpop (erf)  }
0x308: {  	[tilespmem:v22+s8+$0x0] =	vst.idx.add.f32.msk $0xffff, v9;
	v9 =	vmul.f32 v12, v18  }
0x309: {  	[tilespmem:v4+s8+$0x0] =	vst.idx.add.f32.msk $0xffff, v5  }
0x30a: {  	[tilespmem:v3+s8+$0x0] =	vst.idx.add.f32.msk $0xffff, v9  }
0x30b: {  	v3 =	vld [tilespmem:s18+$0x0];
	_ =	sdelay $0x4  }
0x30c: {  	v4 =	vadd.f32 v10, v3  }
0x30d: {  	v5 =	vadd.f32 v17, v3;
	v9 =	vadd.f32 v11, v3  }
0x30e: {  	v12 =	vadd.f32 v32, v3;
	v13 =	vadd.f32 v23, v3;
	v4 =	vmul.f32 v4, v4  }
0x30f: {  	v15 =	vadd.f32 v26, v3;
	v9 =	vmul.f32 v9, v9;
	v5 =	vmul.f32 v5, v5  }
0x310: {  	v12 =	vmul.f32 v12, v12;
	v4 =	vmul.f32 $-1.600000000e+01, v4  }
0x311: {  	v13 =	vmul.f32 v13, v13;
	v15 =	vmul.f32 v15, v15  }
0x312: {  	v12 =	vmul.f32 $-1.600000000e+01, v12;
	v4 =	vmul.f32 $1.442695020e+00, v4  }
0x313: {  	v16 =	vadd.f32 v20, v3;
	v5 =	vmul.f32 $-1.600000000e+01, v5;
	v13 =	vmul.f32 $-1.600000000e+01, v13  }
0x314: {  	v18 =	vadd.f32 v29, v3;
	v12 =	vmul.f32 $1.442695020e+00, v12;
	(erf) = vpow2.f32 v4  }
0x315: {  	v63 =	vadd.f32 v34, v3;
	v9 =	vmul.f32 $-1.600000000e+01, v9;
	v5 =	vmul.f32 $1.442695020e+00, v5  }
0x316: {  	v56 =	vld [tilespmem:s20+$0x0];
	v4 =	vadd.f32 v14, v3;
	(erf) = vpow2.f32 v12;
	v12 =	vmul.f32 $1.442695020e+00, v13  }
0x317: {  	v60 =	vadd.f32 v35, v3;
	v13 =	vmul.f32 $-1.600000000e+01, v15;
	v15 =	vmul.f32 v16, v16  }
0x318: {  	v62 =	vadd.f32 v36, v3;
	(erf) = vpow2.f32 v5;
	v4 =	vmul.f32 v4, v4  }
0x319: {  	p0 =	sne.s32 s21, $0x1;
	v55 =	vld [tilespmem:s19+$0x0];
	v59 =	vadd.f32 v38, v3;
	(erf) = vpow2.f32 v12;
	v13 =	vmul.f32 $1.442695020e+00, v13  }
.Ltmp9:
0x31a: {  	v57 =	vadd.f32 v39, v3;
	v16 =	vmul.f32 v18, v18;
	v5 =	vmul.f32 $-1.600000000e+01, v15;
	(pc) =	sbr.rel @!p0 .LBB2_14-.Ltmp9, $4  }
0x31b: {  	v4 =	vmul.f32 $-1.600000000e+01, v4;
	(erf) = vpow2.f32 v13;
	v13 =	vadd.s32 v0, v56  }
0x31c: {  	v58 =	vadd.f32 v40, v3;
	v9 =	vmul.f32 $1.442695020e+00, v9;
	v61 =	vmul.f32 $-1.600000000e+01, v16  }
0x31d: {  	v12 =	vadd.f32 v37, v3;
	v18 =	vmul.f32 $1.442695020e+00, v5;
	v15 =	vmul.f32 $1.442695020e+00, v4;
	v3 =	vpop (erf)  }
0x31e: {  	s21 =	sadd.s32 $0xFFFFFFFF, s21;
	(erf) = vpow2.f32 v9;
	v16 =	vmul.f32 v3, v55  }
.LBB2_13:
0x31f: {  	v3 =	vmul.f32 v63, v63;
	s20 =	sadd.s32 $0x20, s20;
	s19 =	sadd.s32 $0x20, s19;
	s18 =	sadd.s32 $0x20, s18;
	(erf) = vpow2.f32 v18;
	v4 =	vpop (erf)  }
0x320: {  	p0 =	sne.s32 s21, $0x1;
	s21 =	sadd.s32 $0xFFFFFFFF, s21;
	v5 =	vmul.f32 v60, v60;
	v9 =	vmul.f32 v62, v62;
	[tilespmem:v13+s8+$0x0] =	vst.idx.add.f32.msk $0xffff, v16  }
0x321: {  	v12 =	vmul.f32 v12, v12;
	v3 =	vmul.f32 $-1.600000000e+01, v3;
	v13 =	vpop (erf)  }
0x322: {  	v5 =	vmul.f32 $-1.600000000e+01, v5;
	v9 =	vmul.f32 $-1.600000000e+01, v9;
	v16 =	vpop (erf)  }
0x323: {  	v12 =	vmul.f32 $-1.600000000e+01, v12;
	v3 =	vmul.f32 $1.442695020e+00, v3  }
0x324: {  	v5 =	vmul.f32 $1.442695020e+00, v5;
	v9 =	vmul.f32 $1.442695020e+00, v9  }
0x325: {  	v18 =	vadd.s32 v45, v56;
	v12 =	vmul.f32 $1.442695020e+00, v12;
	v19 =	vpop (erf);
	(erf) = vpow2.f32 v3  }
0x326: {  	v4 =	vmul.f32 v4, v55;
	v3 =	vmul.f32 v19, v55  }
0x327: {  	v19 =	vmul.f32 v59, v59;
	v21 =	vpop (erf);
	(erf) = vpow2.f32 v15  }
0x328: {  	v15 =	vmul.f32 v21, v55;
	v21 =	vpop (erf);
	(erf) = vpow2.f32 v5  }
0x329: {  	v5 =	vmul.f32 $-1.600000000e+01, v19;
	(erf) = vpow2.f32 v9  }
0x32a: {  	v9 =	vmul.f32 v13, v55;
	v13 =	vmul.f32 $1.442695020e+00, v61;
	[tilespmem:v18+s8+$0x0] =	vst.idx.add.f32.msk $0xffff, v15  }
0x32b: {  	v15 =	vmul.f32 v21, v55;
	(erf) = vpow2.f32 v12  }
0x32c: {  	v5 =	vmul.f32 $1.442695020e+00, v5;
	(erf) = vpow2.f32 v13  }
0x32d: {  	v12 =	vmul.f32 v57, v57;
	v13 =	vmul.f32 v58, v58  }
0x32e: {  	v18 =	vadd.s32 v43, v56;
	v19 =	vpop (erf);
	(erf) = vpow2.f32 v5  }
0x32f: {  	v12 =	vmul.f32 $-1.600000000e+01, v12;
	v5 =	vadd.s32 v50, v56;
	v19 =	vmul.f32 v19, v55  }
0x330: {  	v21 =	vadd.s32 v47, v56;
	v13 =	vmul.f32 $-1.600000000e+01, v13;
	v22 =	vpop (erf)  }
0x331: {  	v24 =	vadd.s32 v46, v56;
	v2 =	vmul.f32 $1.442695020e+00, v12;
	v22 =	vmul.f32 v22, v55;
	v25 =	vpop (erf)  }
0x332: {  	v27 =	vadd.s32 v44, v56;
	v13 =	vmul.f32 $1.442695020e+00, v13;
	v25 =	vmul.f32 v25, v55;
	v28 =	vpop (erf)  }
0x333: {  	[tilespmem:v18+s8+$0x0] =	vst.idx.add.f32.msk $0xffff, v22;
	v18 =	vadd.s32 v42, v56;
	v22 =	vmul.f32 v28, v55;
	(erf) = vpow2.f32 v2  }
0x334: {  	[tilespmem:v5+s8+$0x0] =	vst.idx.add.f32.msk $0xffff, v9;
	v5 =	vmul.f32 v16, v55;
	v9 =	vadd.s32 v33, v56;
	v12 =	vpop (erf);
	(erf) = vpow2.f32 v13  }
0x335: {  	v13 =	vadd.s32 v41, v56;
	[tilespmem:v21+s8+$0x0] =	vst.idx.add.f32.msk $0xffff, v15;
	v12 =	vmul.f32 v12, v55;
	v15 =	vpop (erf)  }
0x336: {  	[tilespmem:v24+s8+$0x0] =	vst.idx.add.f32.msk $0xffff, v5;
	v5 =	vmul.f32 v15, v55;
	v15 =	vadd.s32 v48, v56  }
0x337: {  	[tilespmem:v27+s8+$0x0] =	vst.idx.add.f32.msk $0xffff, v3;
	v3 =	vadd.s32 v49, v56;
	v16 =	vpop (erf)  }
0x338: {  	[tilespmem:v18+s8+$0x0] =	vst.idx.add.f32.msk $0xffff, v5;
	v5 =	vadd.s32 v51, v56;
	v16 =	vmul.f32 v16, v55  }
0x339: {  	[tilespmem:v9+s8+$0x0] =	vst.idx.add.f32.msk $0xffff, v4;
	v4 =	vadd.s32 v52, v56  }
0x33a: {  	v9 =	vadd.s32 v53, v56;
	[tilespmem:v13+s8+$0x0] =	vst.idx.add.f32.msk $0xffff, v19  }
0x33b: {  	v13 =	vadd.s32 v54, v56;
	[tilespmem:v15+s8+$0x0] =	vst.idx.add.f32.msk $0xffff, v25  }
0x33c: {  	[tilespmem:v3+s8+$0x0] =	vst.idx.add.f32.msk $0xffff, v22;
	v3 =	vpop (erf)  }
0x33d: {  	[tilespmem:v5+s8+$0x0] =	vst.idx.add.f32.msk $0xffff, v12;
	v3 =	vmul.f32 v3, v55;
	v5 =	vpop (erf)  }
0x33e: {  	[tilespmem:v4+s8+$0x0] =	vst.idx.add.f32.msk $0xffff, v16;
	v4 =	vmul.f32 v5, v55  }
0x33f: {  	[tilespmem:v9+s8+$0x0] =	vst.idx.add.f32.msk $0xffff, v3  }
0x340: {  	[tilespmem:v13+s8+$0x0] =	vst.idx.add.f32.msk $0xffff, v4  }
0x341: {  	v3 =	vld [tilespmem:s18+$0xFFFFFFF0];
	_ =	sdelay $0x4  }
0x342: {  	v4 =	vadd.f32 v10, v3;
	v5 =	vadd.f32 v11, v3  }
0x343: {  	v9 =	vadd.f32 v14, v3;
	v12 =	vadd.f32 v17, v3  }
0x344: {  	v13 =	vadd.f32 v20, v3;
	v4 =	vmul.f32 v4, v4;
	v5 =	vmul.f32 v5, v5  }
0x345: {  	v15 =	vadd.f32 v23, v3;
	v9 =	vmul.f32 v9, v9;
	v12 =	vmul.f32 v12, v12  }
0x346: {  	v16 =	vadd.f32 v26, v3;
	v4 =	vmul.f32 $-1.600000000e+01, v4;
	v5 =	vmul.f32 $-1.600000000e+01, v5  }
0x347: {  	v18 =	vadd.f32 v29, v3;
	v15 =	vmul.f32 v15, v15;
	v9 =	vmul.f32 $-1.600000000e+01, v9  }
0x348: {  	v19 =	vadd.f32 v32, v3;
	v16 =	vmul.f32 v16, v16;
	v4 =	vmul.f32 $1.442695020e+00, v4  }
0x349: {  	v21 =	vadd.f32 v34, v3;
	v18 =	vmul.f32 v18, v18;
	v9 =	vmul.f32 $1.442695020e+00, v9  }
0x34a: {  	v22 =	vadd.f32 v35, v3;
	v16 =	vmul.f32 $-1.600000000e+01, v16;
	(erf) = vpow2.f32 v4  }
0x34b: {  	v4 =	vmul.f32 $1.442695020e+00, v5;
	v5 =	vmul.f32 $-1.600000000e+01, v12;
	v12 =	vadd.f32 v36, v3  }
0x34c: {  	v24 =	vadd.f32 v37, v3;
	v15 =	vmul.f32 $-1.600000000e+01, v15;
	v55 =	vld [tilespmem:s20+$0xFFFFFFF0];
	(erf) = vpow2.f32 v9  }
0x34d: {  	v9 =	vmul.f32 $-1.600000000e+01, v18;
	v18 =	vmul.f32 v22, v22;
	v22 =	vadd.f32 v38, v3  }
0x34e: {  	v25 =	vadd.f32 v39, v3;
	v24 =	vmul.f32 v24, v24;
	(erf) = vpow2.f32 v4  }
0x34f: {  	v3 =	vadd.f32 v40, v3;
	v4 =	vmul.f32 v13, v13;
	v13 =	vmul.f32 $1.442695020e+00, v15;
	v56 =	vld [tilespmem:s19+$0xFFFFFFF0]  }
0x350: {  	v12 =	vmul.f32 v12, v12;
	v9 =	vmul.f32 $1.442695020e+00, v9  }
0x351: {  	v16 =	vmul.f32 $1.442695020e+00, v16;
	v5 =	vmul.f32 $1.442695020e+00, v5;
	v15 =	vadd.s32 v0, v55  }
0x352: {  	v19 =	vmul.f32 v19, v19;
	v4 =	vmul.f32 $-1.600000000e+01, v4  }
0x353: {  	v21 =	vmul.f32 v21, v21;
	v27 =	vpop (erf);
	(erf) = vpow2.f32 v16  }
0x354: {  	v4 =	vmul.f32 $1.442695020e+00, v4;
	v2 =	vmul.f32 v27, v56;
	v27 =	vadd.s32 v45, v55  }
0x355: {  	v19 =	vmul.f32 $-1.600000000e+01, v19;
	v28 =	vadd.s32 v43, v55;
	v30 =	vpop (erf);
	(erf) = vpow2.f32 v9  }
0x356: {  	[tilespmem:v15+s8+$0x0] =	vst.idx.add.f32.msk $0xffff, v2;
	v9 =	vmul.f32 v30, v56;
	(erf) = vpow2.f32 v4  }
0x357: {  	v4 =	vmul.f32 $1.442695020e+00, v19;
	v15 =	vmul.f32 $-1.600000000e+01, v21;
	v16 =	vpop (erf)  }
0x358: {  	v16 =	vmul.f32 v16, v56;
	(erf) = vpow2.f32 v13  }
0x359: {  	v13 =	vmul.f32 $1.442695020e+00, v15;
	v15 =	vmul.f32 $-1.600000000e+01, v18  }
0x35a: {  	v12 =	vmul.f32 $-1.600000000e+01, v12;
	[tilespmem:v27+s8+$0x0] =	vst.idx.add.f32.msk $0xffff, v16;
	(erf) = vpow2.f32 v4  }
0x35b: {  	v4 =	vmul.f32 $1.442695020e+00, v15;
	[tilespmem:v28+s8+$0x0] =	vst.idx.add.f32.msk $0xffff, v9;
	(erf) = vpow2.f32 v13  }
0x35c: {  	v9 =	vmul.f32 $1.442695020e+00, v12;
	(erf) = vpow2.f32 v5;
	v5 =	vpop (erf)  }
0x35d: {  	v12 =	vmul.f32 v22, v22;
	(erf) = vpow2.f32 v4  }
0x35e: {  	v4 =	vmul.f32 $-1.600000000e+01, v24;
	v13 =	vpop (erf);
	(erf) = vpow2.f32 v9  }
0x35f: {  	v12 =	vmul.f32 $-1.600000000e+01, v12;
	v9 =	vmul.f32 v13, v56;
	v13 =	vpop (erf)  }
0x360: {  	v15 =	vmul.f32 v25, v25;
	v4 =	vmul.f32 $1.442695020e+00, v4  }
0x361: {  	v12 =	vmul.f32 $1.442695020e+00, v12;
	v13 =	vmul.f32 v13, v56;
	v16 =	vpop (erf)  }
0x362: {  	v18 =	vadd.s32 v50, v55;
	v16 =	vmul.f32 v16, v56;
	(erf) = vpow2.f32 v4  }
0x363: {  	v3 =	vmul.f32 v3, v3;
	v15 =	vmul.f32 $-1.600000000e+01, v15;
	v4 =	vadd.s32 v47, v55;
	v19 =	vpop (erf)  }
0x364: {  	v21 =	vadd.s32 v46, v55;
	v19 =	vmul.f32 v19, v56;
	v22 =	vpop (erf);
	(erf) = vpow2.f32 v12  }
0x365: {  	v3 =	vmul.f32 $-1.600000000e+01, v3;
	v5 =	vmul.f32 v5, v56;
	v12 =	vadd.s32 v44, v55;
	v24 =	vpop (erf)  }
0x366: {  	v25 =	vadd.s32 v42, v55;
	v15 =	vmul.f32 $1.442695020e+00, v15;
	v24 =	vmul.f32 v24, v56;
	v27 =	vpop (erf)  }
0x367: {  	v3 =	vmul.f32 $1.442695020e+00, v3;
	v28 =	vadd.s32 v33, v55;
	v27 =	vmul.f32 v27, v56;
	v30 =	vpop (erf)  }
0x368: {  	v31 =	vadd.s32 v41, v55;
	v30 =	vmul.f32 v30, v56;
	(erf) = vpow2.f32 v15  }
0x369: {  	v15 =	vmul.f32 v22, v56;
	[tilespmem:v18+s8+$0x0] =	vst.idx.add.f32.msk $0xffff, v24;
	v18 =	vadd.s32 v48, v55;
	(erf) = vpow2.f32 v3  }
0x36a: {  	v3 =	vadd.s32 v49, v55;
	[tilespmem:v4+s8+$0x0] =	vst.idx.add.f32.msk $0xffff, v13  }
0x36b: {  	v4 =	vadd.s32 v51, v55;
	[tilespmem:v21+s8+$0x0] =	vst.idx.add.f32.msk $0xffff, v16;
	v13 =	vpop (erf)  }
0x36c: {  	[tilespmem:v12+s8+$0x0] =	vst.idx.add.f32.msk $0xffff, v5;
	v5 =	vmul.f32 v13, v56;
	v12 =	vadd.s32 v52, v55  }
0x36d: {  	[tilespmem:v25+s8+$0x0] =	vst.idx.add.f32.msk $0xffff, v9;
	v9 =	vpop (erf)  }
0x36e: {  	[tilespmem:v28+s8+$0x0] =	vst.idx.add.f32.msk $0xffff, v19;
	v9 =	vmul.f32 v9, v56  }
0x36f: {  	v13 =	vadd.s32 v53, v55;
	[tilespmem:v31+s8+$0x0] =	vst.idx.add.f32.msk $0xffff, v15  }
0x370: {  	v15 =	vadd.s32 v54, v55;
	[tilespmem:v18+s8+$0x0] =	vst.idx.add.f32.msk $0xffff, v27  }
0x371: {  	[tilespmem:v3+s8+$0x0] =	vst.idx.add.f32.msk $0xffff, v30;
	v3 =	vpop (erf)  }
0x372: {  	[tilespmem:v4+s8+$0x0] =	vst.idx.add.f32.msk $0xffff, v5;
	v3 =	vmul.f32 v3, v56;
	v4 =	vpop (erf)  }
0x373: {  	[tilespmem:v12+s8+$0x0] =	vst.idx.add.f32.msk $0xffff, v9;
	v4 =	vmul.f32 v4, v56  }
0x374: {  	[tilespmem:v13+s8+$0x0] =	vst.idx.add.f32.msk $0xffff, v3  }
0x375: {  	[tilespmem:v15+s8+$0x0] =	vst.idx.add.f32.msk $0xffff, v4  }
0x376: {  	v3 =	vld [tilespmem:s18+$0x0];
	_ =	sdelay $0x4  }
0x377: {  	v4 =	vadd.f32 v10, v3;
	v5 =	vadd.f32 v17, v3  }
0x378: {  	v9 =	vadd.f32 v11, v3;
	v13 =	vadd.f32 v20, v3  }
0x379: {  	v15 =	vadd.f32 v14, v3;
	v12 =	vadd.f32 v32, v3;
	v4 =	vmul.f32 v4, v4  }
0x37a: {  	v16 =	vadd.f32 v26, v3;
	v9 =	vmul.f32 v9, v9;
	v5 =	vmul.f32 v5, v5  }
0x37b: {  	v18 =	vadd.f32 v29, v3;
	v12 =	vmul.f32 v12, v12;
	v4 =	vmul.f32 $-1.600000000e+01, v4  }
0x37c: {  	v19 =	vadd.f32 v23, v3;
	v9 =	vmul.f32 $-1.600000000e+01, v9;
	v5 =	vmul.f32 $-1.600000000e+01, v5  }
0x37d: {  	v63 =	vadd.f32 v34, v3;
	v12 =	vmul.f32 $-1.600000000e+01, v12;
	v4 =	vmul.f32 $1.442695020e+00, v4  }
0x37e: {  	v60 =	vadd.f32 v35, v3;
	v19 =	vmul.f32 v19, v19;
	v9 =	vmul.f32 $1.442695020e+00, v9  }
0x37f: {  	v62 =	vadd.f32 v36, v3;
	v21 =	vmul.f32 $1.442695020e+00, v12;
	(erf) = vpow2.f32 v4  }
0x380: {  	v16 =	vmul.f32 v16, v16;
	v12 =	vadd.f32 v37, v3;
	v4 =	vmul.f32 $-1.600000000e+01, v19  }
0x381: {  	v59 =	vadd.f32 v38, v3;
	v5 =	vmul.f32 $1.442695020e+00, v5;
	v56 =	vld [tilespmem:s20+$0x0];
	(erf) = vpow2.f32 v21  }
0x382: {  	v57 =	vadd.f32 v39, v3;
	v16 =	vmul.f32 $-1.600000000e+01, v16;
	v4 =	vmul.f32 $1.442695020e+00, v4  }
0x383: {  	v58 =	vadd.f32 v40, v3;
	v13 =	vmul.f32 v13, v13;
	(erf) = vpow2.f32 v5  }
0x384: {  	v3 =	vmul.f32 v15, v15;
	v55 =	vld [tilespmem:s19+$0x0];
	(erf) = vpow2.f32 v4  }
.Ltmp10:
0x385: {  	v5 =	vmul.f32 $1.442695020e+00, v16;
	v4 =	vmul.f32 $-1.600000000e+01, v13;
	(pc) =	sbr.rel @p0 .LBB2_13-.Ltmp10, $4  }
0x386: {  	v2 =	vmul.f32 $-1.600000000e+01, v3;
	v16 =	vmul.f32 v18, v18;
	v13 =	vadd.s32 v0, v56  }
0x387: {  	v18 =	vmul.f32 $1.442695020e+00, v4;
	(erf) = vpow2.f32 v5  }
0x388: {  	v15 =	vmul.f32 $1.442695020e+00, v2;
	v61 =	vmul.f32 $-1.600000000e+01, v16;
	v3 =	vpop (erf)  }
0x389: {  	v16 =	vmul.f32 v3, v55;
	(erf) = vpow2.f32 v9  }
.Ltmp11:
0x38a: {  	_ = 	snop;
	(pc) =	sbr.rel .LBB2_14-.Ltmp11, $1  }
0x38b: {  	_ =	sdelay $0x3  }
.LBB2_16:
0x38c: {  	_ =	sfence.sel $0x180000  }
0x38d: {  	[bflag:$0x0] =	sbarrier.arrive $0xFFFF  }
0x38e: {  	p0 =	sne.s32 s0, $0x0;
	_ =	strace $0x90000047  }
0x38f: {  	s0 =	sadd.s32 @!p0 $0x100000, s1;
	[bflag:$0x2] =	sbarrier.arrive $0xFFFF  }
0x390: {  	[sflag:s0] =	ssyncadd.tile.s32 @!p0 $0x1;
	_ =	shalt  }
.Lfunc_end2:
_tile_overlayer_lowered:
.L_overlay_start_2:
0x391: {  	(tag) =	ssettag $0x2  }
0x392: {  	s0 =	rddreg [dreg:$0x0];
	s2 =	stileid.u32  }
0x393: {  	s1 =	rddreg [dreg:$0x1];
	p0 =	sne.s32 s2, $0x0  }
0x394: {  	s3 =	rddreg [dreg:$0x2];
	[bflag:$0x3] =	sbarrier.arrive $0xFFFF;
	s2 =	simm.s32 @!p0 $0x1C03  }
0x395: {  	[timem:s3], [sflag:s2] =	dma.local @!p0 [hbm:s0], s1  }
0x396: {  	s0 =	simm.s32 @!p0 $0x3  }
0x397: {  	_ =	swait.ge @!p0 [sflag:s0], s1  }
0x398: {  	s1 =	ssub.s32 @!p0 $0x0, s1;
	[sflag:s0] =	ssyncset.done @!p0 $0x0  }
0x399: {  	[sflag:s0] =	ssyncadd.s32 @!p0 s1  }
0x39a: {  	[bflag:$0x3] =	sbarrier.arrive $0xFFFF  }
0x39b: {  	_ =	shalt  }

</sc_bundles>
